<compile_context>
chip_gen: v7x
topology: tpu7x:2x2x1
jax: 0.10.2.dev20260603
libtpu: 0.0.44.dev20260713+nightly
codegen_flags: <defaults>
</compile_context>

<pallas_src>
import jax
import jax.numpy as jnp
from jax import lax
from jax.experimental import pallas as pl
from jax.experimental.pallas import tpu as pltpu
from jax.experimental.pallas import tpu_sc as plsc

N = 10000
E = 320000
D = 128
NC = 2
NS = 16
NW = NC * NS
EPW = E // NW
C = 40
NCHUNK = EPW // C
NBUF = 5
NROUNDS = NCHUNK // NBUF
RPT = 624
TAIL_BASE = NS * RPT
TAIL = N - TAIL_BASE
NZC = 15

_MESH = plsc.VectorSubcoreMesh(
    core_axis_name="c", subcore_axis_name="s", num_cores=NC, num_subcores=NS)


def _fill2d(ref, nrows, ncols, val):
    nk = ncols // 16

    def body(i, _):
        r = i // nk
        k = i % nk
        ref[r, pl.ds(k * 16, 16)] = jnp.full((16,), val, jnp.float32)
        return 0

    lax.fori_loop(0, nrows * nk, body, 0)


def _fill1d_40(ref, val):
    for off in (0, 16, 24):
        ref[pl.ds(off, 16)] = jnp.full((16,), val, jnp.float32)


def _zero_shared2d(zbuf, shared, base, s):
    for j in range(NZC):
        pltpu.sync_copy(zbuf, shared.at[pl.ds(base + j * C, C), :])
    pltpu.sync_copy(zbuf.at[pl.ds(0, RPT - NZC * C), :],
                    shared.at[pl.ds(base + NZC * C, RPT - NZC * C), :])

    @pl.when(s == NS - 1)
    def _():
        pltpu.sync_copy(zbuf.at[pl.ds(0, TAIL), :],
                        shared.at[pl.ds(TAIL_BASE, TAIL), :])


def _writeback2d(shared, out_hbm, c, base, s):
    pltpu.sync_copy(shared.at[pl.ds(base, RPT), :],
                    out_hbm.at[c, pl.ds(base, RPT), :])

    @pl.when(s == NS - 1)
    def _():
        pltpu.sync_copy(shared.at[pl.ds(TAIL_BASE, TAIL), :],
                        out_hbm.at[c, pl.ds(TAIL_BASE, TAIL), :])


def _sc_agg_deg_body(x_hbm, src_hbm, dst_hbm, agg_hbm, deg_hbm,
                     sidx, didx0, didx1, didx2, didx3, didx4, ones, degbuf,
                     rows0, rows1, rows2, rows3, rows4,
                     acc_sh, deg_sh, gsem, ssem, isem, dsem):
    rows = (rows0, rows1, rows2, rows3, rows4)
    didx = (didx0, didx1, didx2, didx3, didx4)
    c = lax.axis_index("c")
    s = lax.axis_index("s")
    wid = s * NC + c
    base = s * RPT
    ebase = wid * EPW

    _fill2d(rows0, C, D, 0.0)
    _fill1d_40(ones, 0.0)
    _zero_shared2d(rows0, acc_sh, base, s)
    for j in range(NZC):
        pltpu.sync_copy(ones, deg_sh.at[pl.ds(base + j * C, C)])
    pltpu.sync_copy(ones.at[pl.ds(0, RPT - NZC * C)],
                    deg_sh.at[pl.ds(base + NZC * C, RPT - NZC * C)])

    @pl.when(s == NS - 1)
    def _():
        pltpu.sync_copy(ones.at[pl.ds(0, TAIL)],
                        deg_sh.at[pl.ds(TAIL_BASE, TAIL)])

    _fill1d_40(ones, 1.0)
    pltpu.sync_copy(src_hbm.at[pl.ds(ebase, EPW)], sidx)
    plsc.subcore_barrier()

    def round_(j, _):
        for b in range(NBUF):
            i = j * NBUF + b

            @pl.when(j > 0)
            def _():
                pltpu.make_async_copy(
                    rows[b], acc_sh.at[didx[b]], ssem.at[b]).wait()
                pltpu.make_async_copy(
                    ones, deg_sh.at[didx[b]], dsem.at[b]).wait()

            pltpu.async_copy(dst_hbm.at[pl.ds(ebase + i * C, C)],
                             didx[b], isem.at[b])
            pltpu.async_copy(x_hbm.at[sidx.at[pl.ds(i * C, C)]],
                             rows[b], gsem.at[b])
        for b in range(NBUF):
            i = j * NBUF + b
            pltpu.make_async_copy(
                dst_hbm.at[pl.ds(ebase + i * C, C)], didx[b],
                isem.at[b]).wait()
            pltpu.make_async_copy(
                x_hbm.at[sidx.at[pl.ds(i * C, C)]], rows[b],
                gsem.at[b]).wait()
            pltpu.async_copy(rows[b], acc_sh.at[didx[b]], ssem.at[b],
                             add=True)
            pltpu.async_copy(ones, deg_sh.at[didx[b]], dsem.at[b],
                             add=True)
        return 0

    lax.fori_loop(0, NROUNDS, round_, 0)
    for b in range(NBUF):
        pltpu.make_async_copy(rows[b], acc_sh.at[didx[b]],
                              ssem.at[b]).wait()
        pltpu.make_async_copy(ones, deg_sh.at[didx[b]],
                              dsem.at[b]).wait()
    plsc.subcore_barrier()

    _writeback2d(acc_sh, agg_hbm, c, base, s)
    pltpu.sync_copy(deg_sh.at[pl.ds(base, RPT)], degbuf)
    pltpu.sync_copy(degbuf, deg_hbm.at[pl.ds(c * N + base, RPT)])

    @pl.when(s == NS - 1)
    def _():
        pltpu.sync_copy(deg_sh.at[pl.ds(TAIL_BASE, TAIL)],
                        degbuf.at[pl.ds(0, TAIL)])
        pltpu.sync_copy(degbuf.at[pl.ds(0, TAIL)],
                        deg_hbm.at[pl.ds(c * N + TAIL_BASE, TAIL)])


_sc_agg_deg = pl.kernel(
    _sc_agg_deg_body,
    out_type=(jax.ShapeDtypeStruct((NC, N, D), jnp.float32),
              jax.ShapeDtypeStruct((NC * N,), jnp.float32)),
    mesh=_MESH,
    scratch_types=[
        pltpu.VMEM((EPW,), jnp.int32),
        pltpu.VMEM((C,), jnp.int32),
        pltpu.VMEM((C,), jnp.int32),
        pltpu.VMEM((C,), jnp.int32),
        pltpu.VMEM((C,), jnp.int32),
        pltpu.VMEM((C,), jnp.int32),
        pltpu.VMEM((C,), jnp.float32),
        pltpu.VMEM((RPT,), jnp.float32),
        pltpu.VMEM((C, D), jnp.float32),
        pltpu.VMEM((C, D), jnp.float32),
        pltpu.VMEM((C, D), jnp.float32),
        pltpu.VMEM((C, D), jnp.float32),
        pltpu.VMEM((C, D), jnp.float32),
        pltpu.VMEM_SHARED((N, D), jnp.float32),
        pltpu.VMEM_SHARED((N,), jnp.float32),
        pltpu.SemaphoreType.DMA((NBUF,)),
        pltpu.SemaphoreType.DMA((NBUF,)),
        pltpu.SemaphoreType.DMA((NBUF,)),
        pltpu.SemaphoreType.DMA((NBUF,)),
    ],
)


def _sc_agg_body(h_hbm, src_hbm, dst_hbm, agg_hbm,
                 sidx, didx0, didx1, didx2, didx3, didx4,
                 rows0, rows1, rows2, rows3, rows4,
                 acc_sh, gsem, ssem, isem):
    rows = (rows0, rows1, rows2, rows3, rows4)
    didx = (didx0, didx1, didx2, didx3, didx4)
    c = lax.axis_index("c")
    s = lax.axis_index("s")
    wid = s * NC + c
    base = s * RPT
    ebase = wid * EPW

    _fill2d(rows0, C, D, 0.0)
    _zero_shared2d(rows0, acc_sh, base, s)
    pltpu.sync_copy(src_hbm.at[pl.ds(ebase, EPW)], sidx)
    plsc.subcore_barrier()

    def round_(j, _):
        for b in range(NBUF):
            i = j * NBUF + b

            @pl.when(j > 0)
            def _():
                pltpu.make_async_copy(
                    rows[b], acc_sh.at[didx[b]], ssem.at[b]).wait()

            pltpu.async_copy(dst_hbm.at[pl.ds(ebase + i * C, C)],
                             didx[b], isem.at[b])
            pltpu.async_copy(h_hbm.at[sidx.at[pl.ds(i * C, C)]],
                             rows[b], gsem.at[b])
        for b in range(NBUF):
            i = j * NBUF + b
            pltpu.make_async_copy(
                dst_hbm.at[pl.ds(ebase + i * C, C)], didx[b],
                isem.at[b]).wait()
            pltpu.make_async_copy(
                h_hbm.at[sidx.at[pl.ds(i * C, C)]], rows[b],
                gsem.at[b]).wait()
            pltpu.async_copy(rows[b], acc_sh.at[didx[b]], ssem.at[b],
                             add=True)
        return 0

    lax.fori_loop(0, NROUNDS, round_, 0)
    for b in range(NBUF):
        pltpu.make_async_copy(rows[b], acc_sh.at[didx[b]],
                              ssem.at[b]).wait()
    plsc.subcore_barrier()

    _writeback2d(acc_sh, agg_hbm, c, base, s)


_sc_agg = pl.kernel(
    _sc_agg_body,
    out_type=jax.ShapeDtypeStruct((NC, N, D), jnp.float32),
    mesh=_MESH,
    scratch_types=[
        pltpu.VMEM((EPW,), jnp.int32),
        pltpu.VMEM((C,), jnp.int32),
        pltpu.VMEM((C,), jnp.int32),
        pltpu.VMEM((C,), jnp.int32),
        pltpu.VMEM((C,), jnp.int32),
        pltpu.VMEM((C,), jnp.int32),
        pltpu.VMEM((C, D), jnp.float32),
        pltpu.VMEM((C, D), jnp.float32),
        pltpu.VMEM((C, D), jnp.float32),
        pltpu.VMEM((C, D), jnp.float32),
        pltpu.VMEM((C, D), jnp.float32),
        pltpu.VMEM_SHARED((N, D), jnp.float32),
        pltpu.SemaphoreType.DMA((NBUF,)),
        pltpu.SemaphoreType.DMA((NBUF,)),
        pltpu.SemaphoreType.DMA((NBUF,)),
    ],
)

BN = 1000


def _tc1_body(p_ref, x_ref, dp_ref, w_ref, b_ref, o_ref):
    inv = 1.0 / (dp_ref[0, :, 0:1] + dp_ref[1, :, 0:1] + 1.0)
    hn = (p_ref[0] + p_ref[1] + x_ref[...]) * inv
    z = jnp.dot(hn, w_ref[...], preferred_element_type=jnp.float32) + b_ref[...]
    o_ref[...] = jnp.maximum(z, 0.0)


def _tc1(p, x, dp, w1, b1):
    return pl.pallas_call(
        _tc1_body,
        grid=(N // BN,),
        in_specs=[
            pl.BlockSpec((NC, BN, D), lambda i: (0, i, 0)),
            pl.BlockSpec((BN, D), lambda i: (i, 0)),
            pl.BlockSpec((NC, BN, 1), lambda i: (0, i, 0)),
            pl.BlockSpec((D, D), lambda i: (0, 0)),
            pl.BlockSpec((1, D), lambda i: (0, 0)),
        ],
        out_specs=pl.BlockSpec((BN, D), lambda i: (i, 0)),
        out_shape=jax.ShapeDtypeStruct((N, D), jnp.float32),
    )(p, x, dp, w1, b1)


def _tc2_body(q_ref, h1_ref, dp_ref, w2_ref, b2_ref, wd1_ref, bd1_ref,
              wd2_ref, bd2_ref, o_ref):
    inv = 1.0 / (dp_ref[0, :, 0:1] + dp_ref[1, :, 0:1] + 1.0)
    hn = (q_ref[0] + q_ref[1] + h1_ref[...]) * inv
    h2 = jnp.dot(hn, w2_ref[...], preferred_element_type=jnp.float32) + b2_ref[...]
    t = jnp.maximum(
        jnp.dot(h2, wd1_ref[...], preferred_element_type=jnp.float32)
        + bd1_ref[...], 0.0)
    o_ref[...] = (jnp.dot(t, wd2_ref[...], preferred_element_type=jnp.float32)
                  + bd2_ref[...])


def _tc2(q, h1, dp, w2, b2, wd1, bd1, wd2, bd2):
    return pl.pallas_call(
        _tc2_body,
        grid=(N // BN,),
        in_specs=[
            pl.BlockSpec((NC, BN, D), lambda i: (0, i, 0)),
            pl.BlockSpec((BN, D), lambda i: (i, 0)),
            pl.BlockSpec((NC, BN, 1), lambda i: (0, i, 0)),
            pl.BlockSpec((D, D), lambda i: (0, 0)),
            pl.BlockSpec((1, D), lambda i: (0, 0)),
            pl.BlockSpec((D, D), lambda i: (0, 0)),
            pl.BlockSpec((1, D), lambda i: (0, 0)),
            pl.BlockSpec((D, 1), lambda i: (0, 0)),
            pl.BlockSpec((1, 1), lambda i: (0, 0)),
        ],
        out_specs=pl.BlockSpec((BN, 1), lambda i: (i, 0)),
        out_shape=jax.ShapeDtypeStruct((N, 1), jnp.float32),
    )(q, h1, dp, w2, b2, wd1, bd1, wd2, bd2)


def kernel(x, edge_index, W1, b1, W2, b2, Wd1, bd1, Wd2, bd2):
    src = edge_index[0]
    dst = edge_index[1]
    agg_p, deg_flat = _sc_agg_deg(x, src, dst)
    deg_p = deg_flat.reshape(NC, N, 1)
    h1 = _tc1(agg_p, x, deg_p, W1, b1.reshape(1, D))
    agg2_p = _sc_agg(h1, src, dst)
    out = _tc2(agg2_p, h1, deg_p, W2, b2.reshape(1, D),
               Wd1, bd1.reshape(1, D), Wd2, bd2.reshape(1, 1))
    return out

# --- scband reference (transcript-rebuilt; emitter-appended) ---
"""Pipeline reference for scband-predictor-82205674045928 (READ-ONLY COPY).

The authoritative reference and input builder live on the scoring server;
editing this copy changes nothing except your own understanding.
"""

import jax, jax.numpy as jnp
import numpy as np

N = 10000
E = 320000
D = 128
H = 128


def setup_inputs(seed: int = 0) -> dict:
    key = jax.random.key(seed)
    ks = jax.random.split(key, 12)
    x = jax.random.normal(ks[0], (N, D), dtype=jnp.float32)
    edge_index = jax.random.randint(ks[1], (2, E), 0, N, dtype=jnp.int32)
    # Encoder SAGEConv ('gcn' aggregator) weights: only fc_neigh (no fc_self for gcn)
    W1 = jax.random.normal(ks[2], (D, H), dtype=jnp.float32) * 0.05
    b1 = jnp.zeros((H,), dtype=jnp.float32)
    W2 = jax.random.normal(ks[3], (H, H), dtype=jnp.float32) * 0.05
    b2 = jnp.zeros((H,), dtype=jnp.float32)
    # Decoder MLP: Linear(H,H) -> ReLU -> Linear(H,1)
    Wd1 = jax.random.normal(ks[4], (H, H), dtype=jnp.float32) * 0.05
    bd1 = jnp.zeros((H,), dtype=jnp.float32)
    Wd2 = jax.random.normal(ks[5], (H, 1), dtype=jnp.float32) * 0.05
    bd2 = jnp.zeros((1,), dtype=jnp.float32)
    return {"x": x, "edge_index": edge_index, "W1": W1, "b1": b1, "W2": W2, "b2": b2,
            "Wd1": Wd1, "bd1": bd1, "Wd2": Wd2, "bd2": bd2}


def _sage_gcn(h, src, dst, W, b):
    # DGL SAGEConv with aggregator_type='gcn':
    # h_i = fc_neigh( (sum_{j->i} h_j + h_i) / (in_deg_i + 1) )
    msg = jnp.take(h, src, axis=0)
    agg = jax.ops.segment_sum(msg, dst, num_segments=N)
    deg = jax.ops.segment_sum(jnp.ones((src.shape[0],), dtype=h.dtype), dst, num_segments=N)
    hn = (agg + h) / (deg[:, None] + 1.0)
    return hn @ W + b


def reference(x, edge_index, W1, b1, W2, b2, Wd1, bd1, Wd2, bd2):
    src = edge_index[0]
    dst = edge_index[1]
    # Encoder (eval mode: dropout disabled)
    h = _sage_gcn(x, src, dst, W1, b1)
    h = jax.nn.relu(h)
    h = _sage_gcn(h, src, dst, W2, b2)
    # Decoder
    h = jax.nn.relu(h @ Wd1 + bd1)
    out = h @ Wd2 + bd2
    return out

if __name__ == "__main__":
    import jax
    _d = setup_inputs()
    print(jax.jit(kernel)(*tuple(_d.values())))

</pallas_src>

<mosaic_0001>
#map = affine_map<(d0, d1) -> (0, 0)>
#map1 = affine_map<(d0, d1) -> (0)>
#map2 = affine_map<(d0, d1) -> (0, 0, 0)>
module attributes {stable_mosaic.version = 14 : i64} {
  func.func @_sc_agg_deg_body(%arg0: i32, %arg1: i32, %arg2: memref<10000x128xf32, #tpu.memory_space<hbm>>, %arg3: memref<320000xi32, #tpu.memory_space<hbm>>, %arg4: memref<320000xi32, #tpu.memory_space<hbm>>, %arg5: memref<2x10000x128xf32, #tpu.memory_space<hbm>>, %arg6: memref<20000xf32, #tpu.memory_space<hbm>>, %arg7: memref<10000xi32, #tpu.memory_space<vmem>>, %arg8: memref<40xi32, #tpu.memory_space<vmem>>, %arg9: memref<40xi32, #tpu.memory_space<vmem>>, %arg10: memref<40xi32, #tpu.memory_space<vmem>>, %arg11: memref<40xi32, #tpu.memory_space<vmem>>, %arg12: memref<40xi32, #tpu.memory_space<vmem>>, %arg13: memref<40xf32, #tpu.memory_space<vmem>>, %arg14: memref<624xf32, #tpu.memory_space<vmem>>, %arg15: memref<40x128xf32, #tpu.memory_space<vmem>>, %arg16: memref<40x128xf32, #tpu.memory_space<vmem>>, %arg17: memref<40x128xf32, #tpu.memory_space<vmem>>, %arg18: memref<40x128xf32, #tpu.memory_space<vmem>>, %arg19: memref<40x128xf32, #tpu.memory_space<vmem>>, %arg20: memref<10000x128xf32, #tpu.memory_space<vmem_shared>>, %arg21: memref<10000xf32, #tpu.memory_space<vmem_shared>>, %arg22: memref<5x!tpu.dma_semaphore, #tpu.memory_space<semaphore_mem>>, %arg23: memref<5x!tpu.dma_semaphore, #tpu.memory_space<semaphore_mem>>, %arg24: memref<5x!tpu.dma_semaphore, #tpu.memory_space<semaphore_mem>>, %arg25: memref<5x!tpu.dma_semaphore, #tpu.memory_space<semaphore_mem>>) attributes {dimension_semantics = [#tpu.dimension_semantics<core_parallel>, #tpu.dimension_semantics<subcore_parallel>], iteration_bounds = array<i64: 2, 16>, scalar_prefetch = 0 : i64, scratch_operands = 19 : i64, tpu.core_type = #tpu.core_type<sc_vector_subcore>, window_params = [{transform_indices = #map}, {transform_indices = #map1}, {transform_indices = #map1}, {transform_indices = #map2}, {transform_indices = #map1}]} {
    %mul3A = arith.constant 2 : i32
    %mul3A_0 = arith.muli %arg1, %mul3A : i32
    %add3A = arith.addi %mul3A_0, %arg0 : i32
    %mul3A_1 = arith.constant 624 : i32
    %mul3A_2 = arith.muli %arg1, %mul3A_1 : i32
    %mul3A_3 = arith.constant 10000 : i32
    %mul3A_4 = arith.muli %add3A, %mul3A_3 : i32
    %scan3A = arith.constant 0 : i32
    %scan3A_5 = arith.constant 0 : i32
    %scan3A_6 = arith.constant 320 : i32
    %scan3A_7 = arith.addi %scan3A_5, %scan3A_6 : i32
    %scan3A_8 = arith.constant 1 : i32
    %scan3A_9 = scf.for %scan3A_191 = %scan3A_5 to %scan3A_7 step %scan3A_8 iter_args(%scan3A_192 = %scan3A) -> (i32)  : i32 {
      %jit3A = arith.constant 8 : i32
      %div3A = arith.divsi %scan3A_191, %jit3A : i32
      %sign3A = arith.constant 0 : i32
      %sign3A_193 = arith.cmpi sgt, %scan3A_191, %sign3A : i32
      %sign3A_194 = arith.extui %sign3A_193 : i1 to i32
      %sign3A_195 = arith.constant 0 : i32
      %sign3A_196 = arith.cmpi slt, %scan3A_191, %sign3A_195 : i32
      %sign3A_197 = arith.extui %sign3A_196 : i1 to i32
      %sign3A_198 = arith.subi %sign3A_194, %sign3A_197 : i32
      %sign3A_199 = arith.constant 0 : i32
      %sign3A_200 = arith.cmpi sgt, %jit3A, %sign3A_199 : i32
      %sign3A_201 = arith.extui %sign3A_200 : i1 to i32
      %sign3A_202 = arith.constant 0 : i32
      %sign3A_203 = arith.cmpi slt, %jit3A, %sign3A_202 : i32
      %sign3A_204 = arith.extui %sign3A_203 : i1 to i32
      %sign3A_205 = arith.subi %sign3A_201, %sign3A_204 : i32
      %ne3A = arith.cmpi ne, %sign3A_198, %sign3A_205 : i32
      %rem3A = arith.remsi %scan3A_191, %jit3A : i32
      %ne3A_206 = arith.constant 0 : i32
      %ne3A_207 = arith.cmpi ne, %rem3A, %ne3A_206 : i32
      %and3A = arith.andi %ne3A, %ne3A_207 : i1
      %sub3A = arith.constant 1 : i32
      %sub3A_208 = arith.subi %div3A, %sub3A : i32
      %select_n3A = arith.select %and3A, %sub3A_208, %div3A : i32
      %jit3A_209 = arith.constant 8 : i32
      %eq3A_210 = arith.constant 0 : i32
      %eq3A_211 = arith.cmpi eq, %jit3A_209, %eq3A_210 : i32
      %jit3A_212 = arith.constant 1 : i32
      %select_n3A_213 = arith.select %eq3A_211, %jit3A_212, %jit3A_209 : i32
      %rem3A_214 = arith.remsi %scan3A_191, %select_n3A_213 : i32
      %ne3A_215 = arith.constant 0 : i32
      %ne3A_216 = arith.cmpi ne, %rem3A_214, %ne3A_215 : i32
      %lt3A = arith.constant 0 : i32
      %lt3A_217 = arith.cmpi slt, %rem3A_214, %lt3A : i32
      %lt3A_218 = arith.constant 0 : i32
      %lt3A_219 = arith.cmpi slt, %select_n3A_213, %lt3A_218 : i32
      %ne3A_220 = arith.xori %lt3A_217, %lt3A_219 : i1
      %and3A_221 = arith.andi %ne3A_220, %ne3A_216 : i1
      %add3A_222 = arith.addi %rem3A_214, %select_n3A_213 : i32
      %select_n3A_223 = arith.select %and3A_221, %add3A_222, %rem3A_214 : i32
      %broadcast_in_dim3A_224 = arith.constant 0.000000e+00 : f32
      %broadcast_in_dim3A_225 = vector.broadcast %broadcast_in_dim3A_224 : f32 to vector<16xf32>
      %mul3A_226 = arith.constant 16 : i32
      %mul3A_227 = arith.muli %select_n3A_223, %mul3A_226 : i32
      %swap3A_228 = arith.index_cast %select_n3A : i32 to index
      %swap3A_229 = arith.index_cast %mul3A_227 : i32 to index
      %swap3A_230 = tpu.vector_load %arg15[%swap3A_228, %swap3A_229] {strides = array<i32>} : memref<40x128xf32, #tpu.memory_space<vmem>>, vector<1x16xf32>,
      %swap3A_231 = vector.shape_cast %swap3A_230 : vector<1x16xf32> to vector<16xf32>
      %swap3A_232 = vector.shape_cast %broadcast_in_dim3A_225 : vector<16xf32> to vector<1x16xf32>
      tpu.vector_store %arg15[%swap3A_228, %swap3A_229], %swap3A_232 {strides = array<i32>} : memref<40x128xf32, #tpu.memory_space<vmem>>, vector<1x16xf32>,
      %scan3A_233 = arith.constant 0 : i32
      scf.yield %scan3A_233 : i32
    }
    %scan3A_10 = arith.constant 320 : i32
    %broadcast_in_dim3A = arith.constant 0.000000e+00 : f32
    %broadcast_in_dim3A_11 = vector.broadcast %broadcast_in_dim3A : f32 to vector<16xf32>
    %swap3A = arith.constant 0 : index
    %swap3A_12 = tpu.vector_load %arg13[%swap3A] {strides = array<i32>} : memref<40xf32, #tpu.memory_space<vmem>>, vector<16xf32>,
    %swap3A_13 = vector.shape_cast %swap3A_12 : vector<16xf32> to vector<16xf32>
    %swap3A_14 = vector.shape_cast %broadcast_in_dim3A_11 : vector<16xf32> to vector<16xf32>
    tpu.vector_store %arg13[%swap3A], %swap3A_14 {strides = array<i32>} : memref<40xf32, #tpu.memory_space<vmem>>, vector<16xf32>,
    %broadcast_in_dim3A_15 = arith.constant 0.000000e+00 : f32
    %broadcast_in_dim3A_16 = vector.broadcast %broadcast_in_dim3A_15 : f32 to vector<16xf32>
    %swap3A_17 = arith.constant 16 : index
    %swap3A_18 = tpu.vector_load %arg13[%swap3A_17] {strides = array<i32>} : memref<40xf32, #tpu.memory_space<vmem>>, vector<16xf32>,
    %swap3A_19 = vector.shape_cast %swap3A_18 : vector<16xf32> to vector<16xf32>
    %swap3A_20 = vector.shape_cast %broadcast_in_dim3A_16 : vector<16xf32> to vector<16xf32>
    tpu.vector_store %arg13[%swap3A_17], %swap3A_20 {strides = array<i32>} : memref<40xf32, #tpu.memory_space<vmem>>, vector<16xf32>,
    %broadcast_in_dim3A_21 = arith.constant 0.000000e+00 : f32
    %broadcast_in_dim3A_22 = vector.broadcast %broadcast_in_dim3A_21 : f32 to vector<16xf32>
    %swap3A_23 = arith.constant 24 : index
    %swap3A_24 = tpu.vector_load %arg13[%swap3A_23] {strides = array<i32>} : memref<40xf32, #tpu.memory_space<vmem>>, vector<16xf32>,
    %swap3A_25 = vector.shape_cast %swap3A_24 : vector<16xf32> to vector<16xf32>
    %swap3A_26 = vector.shape_cast %broadcast_in_dim3A_22 : vector<16xf32> to vector<16xf32>
    tpu.vector_store %arg13[%swap3A_23], %swap3A_26 {strides = array<i32>} : memref<40xf32, #tpu.memory_space<vmem>>, vector<16xf32>,
    %add3A_27 = arith.constant 0 : i32
    %add3A_28 = arith.addi %mul3A_2, %add3A_27 : i32
    "tpu.region"() ({
      %run_scoped3A = tpu.sem_alloc : memref<!tpu.dma_semaphore, #tpu.memory_space<semaphore_mem>>
      %dma_start3A = arith.constant 0 : i32
      %dma_start3A_191 = tpu.memref_slice %arg20[%add3A_28, %dma_start3A] : memref<10000x128xf32, #tpu.memory_space<vmem_shared>> -> memref<40x128xf32, #tpu.memory_space<vmem_shared>>
      %dma_start3A_192 = arith.constant 0 : i32
      %dma_start3A_193 = tpu.memref_slice %arg20[%add3A_28, %dma_start3A_192] : memref<10000x128xf32, #tpu.memory_space<vmem_shared>> -> memref<40x128xf32, #tpu.memory_space<vmem_shared>>
      tpu.enqueue_dma source(%arg15 : memref<40x128xf32, #tpu.memory_space<vmem>>) target(%dma_start3A_193 : memref<40x128xf32, #tpu.memory_space<vmem_shared>>) target_semaphore(%run_scoped3A : memref<!tpu.dma_semaphore, #tpu.memory_space<semaphore_mem>>)
      %dma_wait3A_194 = arith.constant 0 : i32
      %dma_wait3A_195 = tpu.memref_slice %arg20[%add3A_28, %dma_wait3A_194] : memref<10000x128xf32, #tpu.memory_space<vmem_shared>> -> memref<40x128xf32, #tpu.memory_space<vmem_shared>>
      %dma_wait3A_196 = arith.constant 0 : i32
      %dma_wait3A_197 = tpu.memref_slice %arg20[%add3A_28, %dma_wait3A_196] : memref<10000x128xf32, #tpu.memory_space<vmem_shared>> -> memref<40x128xf32, #tpu.memory_space<vmem_shared>>
      tpu.wait_dma2 semaphore(%run_scoped3A : memref<!tpu.dma_semaphore, #tpu.memory_space<semaphore_mem>>) src(%arg15 : memref<40x128xf32, #tpu.memory_space<vmem>>) dst(%dma_wait3A_197 : memref<40x128xf32, #tpu.memory_space<vmem_shared>>)
      tpu.yield
    }) : () -> ()
    %add3A_29 = arith.constant 40 : i32
    %add3A_30 = arith.addi %mul3A_2, %add3A_29 : i32
    "tpu.region"() ({
      %run_scoped3A = tpu.sem_alloc : memref<!tpu.dma_semaphore, #tpu.memory_space<semaphore_mem>>
      %dma_start3A = arith.constant 0 : i32
      %dma_start3A_191 = tpu.memref_slice %arg20[%add3A_30, %dma_start3A] : memref<10000x128xf32, #tpu.memory_space<vmem_shared>> -> memref<40x128xf32, #tpu.memory_space<vmem_shared>>
      %dma_start3A_192 = arith.constant 0 : i32
      %dma_start3A_193 = tpu.memref_slice %arg20[%add3A_30, %dma_start3A_192] : memref<10000x128xf32, #tpu.memory_space<vmem_shared>> -> memref<40x128xf32, #tpu.memory_space<vmem_shared>>
      tpu.enqueue_dma source(%arg15 : memref<40x128xf32, #tpu.memory_space<vmem>>) target(%dma_start3A_193 : memref<40x128xf32, #tpu.memory_space<vmem_shared>>) target_semaphore(%run_scoped3A : memref<!tpu.dma_semaphore, #tpu.memory_space<semaphore_mem>>)
      %dma_wait3A_194 = arith.constant 0 : i32
      %dma_wait3A_195 = tpu.memref_slice %arg20[%add3A_30, %dma_wait3A_194] : memref<10000x128xf32, #tpu.memory_space<vmem_shared>> -> memref<40x128xf32, #tpu.memory_space<vmem_shared>>
      %dma_wait3A_196 = arith.constant 0 : i32
      %dma_wait3A_197 = tpu.memref_slice %arg20[%add3A_30, %dma_wait3A_196] : memref<10000x128xf32, #tpu.memory_space<vmem_shared>> -> memref<40x128xf32, #tpu.memory_space<vmem_shared>>
      tpu.wait_dma2 semaphore(%run_scoped3A : memref<!tpu.dma_semaphore, #tpu.memory_space<semaphore_mem>>) src(%arg15 : memref<40x128xf32, #tpu.memory_space<vmem>>) dst(%dma_wait3A_197 : memref<40x128xf32, #tpu.memory_space<vmem_shared>>)
      tpu.yield
    }) : () -> ()
    %add3A_31 = arith.constant 80 : i32
    %add3A_32 = arith.addi %mul3A_2, %add3A_31 : i32
    "tpu.region"() ({
      %run_scoped3A = tpu.sem_alloc : memref<!tpu.dma_semaphore, #tpu.memory_space<semaphore_mem>>
      %dma_start3A = arith.constant 0 : i32
      %dma_start3A_191 = tpu.memref_slice %arg20[%add3A_32, %dma_start3A] : memref<10000x128xf32, #tpu.memory_space<vmem_shared>> -> memref<40x128xf32, #tpu.memory_space<vmem_shared>>
      %dma_start3A_192 = arith.constant 0 : i32
      %dma_start3A_193 = tpu.memref_slice %arg20[%add3A_32, %dma_start3A_192] : memref<10000x128xf32, #tpu.memory_space<vmem_shared>> -> memref<40x128xf32, #tpu.memory_space<vmem_shared>>
      tpu.enqueue_dma source(%arg15 : memref<40x128xf32, #tpu.memory_space<vmem>>) target(%dma_start3A_193 : memref<40x128xf32, #tpu.memory_space<vmem_shared>>) target_semaphore(%run_scoped3A : memref<!tpu.dma_semaphore, #tpu.memory_space<semaphore_mem>>)
      %dma_wait3A_194 = arith.constant 0 : i32
      %dma_wait3A_195 = tpu.memref_slice %arg20[%add3A_32, %dma_wait3A_194] : memref<10000x128xf32, #tpu.memory_space<vmem_shared>> -> memref<40x128xf32, #tpu.memory_space<vmem_shared>>
      %dma_wait3A_196 = arith.constant 0 : i32
      %dma_wait3A_197 = tpu.memref_slice %arg20[%add3A_32, %dma_wait3A_196] : memref<10000x128xf32, #tpu.memory_space<vmem_shared>> -> memref<40x128xf32, #tpu.memory_space<vmem_shared>>
      tpu.wait_dma2 semaphore(%run_scoped3A : memref<!tpu.dma_semaphore, #tpu.memory_space<semaphore_mem>>) src(%arg15 : memref<40x128xf32, #tpu.memory_space<vmem>>) dst(%dma_wait3A_197 : memref<40x128xf32, #tpu.memory_space<vmem_shared>>)
      tpu.yield
    }) : () -> ()
    %add3A_33 = arith.constant 120 : i32
    %add3A_34 = arith.addi %mul3A_2, %add3A_33 : i32
    "tpu.region"() ({
      %run_scoped3A = tpu.sem_alloc : memref<!tpu.dma_semaphore, #tpu.memory_space<semaphore_mem>>
      %dma_start3A = arith.constant 0 : i32
      %dma_start3A_191 = tpu.memref_slice %arg20[%add3A_34, %dma_start3A] : memref<10000x128xf32, #tpu.memory_space<vmem_shared>> -> memref<40x128xf32, #tpu.memory_space<vmem_shared>>
      %dma_start3A_192 = arith.constant 0 : i32
      %dma_start3A_193 = tpu.memref_slice %arg20[%add3A_34, %dma_start3A_192] : memref<10000x128xf32, #tpu.memory_space<vmem_shared>> -> memref<40x128xf32, #tpu.memory_space<vmem_shared>>
      tpu.enqueue_dma source(%arg15 : memref<40x128xf32, #tpu.memory_space<vmem>>) target(%dma_start3A_193 : memref<40x128xf32, #tpu.memory_space<vmem_shared>>) target_semaphore(%run_scoped3A : memref<!tpu.dma_semaphore, #tpu.memory_space<semaphore_mem>>)
      %dma_wait3A_194 = arith.constant 0 : i32
      %dma_wait3A_195 = tpu.memref_slice %arg20[%add3A_34, %dma_wait3A_194] : memref<10000x128xf32, #tpu.memory_space<vmem_shared>> -> memref<40x128xf32, #tpu.memory_space<vmem_shared>>
      %dma_wait3A_196 = arith.constant 0 : i32
      %dma_wait3A_197 = tpu.memref_slice %arg20[%add3A_34, %dma_wait3A_196] : memref<10000x128xf32, #tpu.memory_space<vmem_shared>> -> memref<40x128xf32, #tpu.memory_space<vmem_shared>>
      tpu.wait_dma2 semaphore(%run_scoped3A : memref<!tpu.dma_semaphore, #tpu.memory_space<semaphore_mem>>) src(%arg15 : memref<40x128xf32, #tpu.memory_space<vmem>>) dst(%dma_wait3A_197 : memref<40x128xf32, #tpu.memory_space<vmem_shared>>)
      tpu.yield
    }) : () -> ()
    %add3A_35 = arith.constant 160 : i32
    %add3A_36 = arith.addi %mul3A_2, %add3A_35 : i32
    "tpu.region"() ({
      %run_scoped3A = tpu.sem_alloc : memref<!tpu.dma_semaphore, #tpu.memory_space<semaphore_mem>>
      %dma_start3A = arith.constant 0 : i32
      %dma_start3A_191 = tpu.memref_slice %arg20[%add3A_36, %dma_start3A] : memref<10000x128xf32, #tpu.memory_space<vmem_shared>> -> memref<40x128xf32, #tpu.memory_space<vmem_shared>>
      %dma_start3A_192 = arith.constant 0 : i32
      %dma_start3A_193 = tpu.memref_slice %arg20[%add3A_36, %dma_start3A_192] : memref<10000x128xf32, #tpu.memory_space<vmem_shared>> -> memref<40x128xf32, #tpu.memory_space<vmem_shared>>
      tpu.enqueue_dma source(%arg15 : memref<40x128xf32, #tpu.memory_space<vmem>>) target(%dma_start3A_193 : memref<40x128xf32, #tpu.memory_space<vmem_shared>>) target_semaphore(%run_scoped3A : memref<!tpu.dma_semaphore, #tpu.memory_space<semaphore_mem>>)
      %dma_wait3A_194 = arith.constant 0 : i32
      %dma_wait3A_195 = tpu.memref_slice %arg20[%add3A_36, %dma_wait3A_194] : memref<10000x128xf32, #tpu.memory_space<vmem_shared>> -> memref<40x128xf32, #tpu.memory_space<vmem_shared>>
      %dma_wait3A_196 = arith.constant 0 : i32
      %dma_wait3A_197 = tpu.memref_slice %arg20[%add3A_36, %dma_wait3A_196] : memref<10000x128xf32, #tpu.memory_space<vmem_shared>> -> memref<40x128xf32, #tpu.memory_space<vmem_shared>>
      tpu.wait_dma2 semaphore(%run_scoped3A : memref<!tpu.dma_semaphore, #tpu.memory_space<semaphore_mem>>) src(%arg15 : memref<40x128xf32, #tpu.memory_space<vmem>>) dst(%dma_wait3A_197 : memref<40x128xf32, #tpu.memory_space<vmem_shared>>)
      tpu.yield
    }) : () -> ()
    %add3A_37 = arith.constant 200 : i32
    %add3A_38 = arith.addi %mul3A_2, %add3A_37 : i32
    "tpu.region"() ({
      %run_scoped3A = tpu.sem_alloc : memref<!tpu.dma_semaphore, #tpu.memory_space<semaphore_mem>>
      %dma_start3A = arith.constant 0 : i32
      %dma_start3A_191 = tpu.memref_slice %arg20[%add3A_38, %dma_start3A] : memref<10000x128xf32, #tpu.memory_space<vmem_shared>> -> memref<40x128xf32, #tpu.memory_space<vmem_shared>>
      %dma_start3A_192 = arith.constant 0 : i32
      %dma_start3A_193 = tpu.memref_slice %arg20[%add3A_38, %dma_start3A_192] : memref<10000x128xf32, #tpu.memory_space<vmem_shared>> -> memref<40x128xf32, #tpu.memory_space<vmem_shared>>
      tpu.enqueue_dma source(%arg15 : memref<40x128xf32, #tpu.memory_space<vmem>>) target(%dma_start3A_193 : memref<40x128xf32, #tpu.memory_space<vmem_shared>>) target_semaphore(%run_scoped3A : memref<!tpu.dma_semaphore, #tpu.memory_space<semaphore_mem>>)
      %dma_wait3A_194 = arith.constant 0 : i32
      %dma_wait3A_195 = tpu.memref_slice %arg20[%add3A_38, %dma_wait3A_194] : memref<10000x128xf32, #tpu.memory_space<vmem_shared>> -> memref<40x128xf32, #tpu.memory_space<vmem_shared>>
      %dma_wait3A_196 = arith.constant 0 : i32
      %dma_wait3A_197 = tpu.memref_slice %arg20[%add3A_38, %dma_wait3A_196] : memref<10000x128xf32, #tpu.memory_space<vmem_shared>> -> memref<40x128xf32, #tpu.memory_space<vmem_shared>>
      tpu.wait_dma2 semaphore(%run_scoped3A : memref<!tpu.dma_semaphore, #tpu.memory_space<semaphore_mem>>) src(%arg15 : memref<40x128xf32, #tpu.memory_space<vmem>>) dst(%dma_wait3A_197 : memref<40x128xf32, #tpu.memory_space<vmem_shared>>)
      tpu.yield
    }) : () -> ()
    %add3A_39 = arith.constant 240 : i32
    %add3A_40 = arith.addi %mul3A_2, %add3A_39 : i32
    "tpu.region"() ({
      %run_scoped3A = tpu.sem_alloc : memref<!tpu.dma_semaphore, #tpu.memory_space<semaphore_mem>>
      %dma_start3A = arith.constant 0 : i32
      %dma_start3A_191 = tpu.memref_slice %arg20[%add3A_40, %dma_start3A] : memref<10000x128xf32, #tpu.memory_space<vmem_shared>> -> memref<40x128xf32, #tpu.memory_space<vmem_shared>>
      %dma_start3A_192 = arith.constant 0 : i32
      %dma_start3A_193 = tpu.memref_slice %arg20[%add3A_40, %dma_start3A_192] : memref<10000x128xf32, #tpu.memory_space<vmem_shared>> -> memref<40x128xf32, #tpu.memory_space<vmem_shared>>
      tpu.enqueue_dma source(%arg15 : memref<40x128xf32, #tpu.memory_space<vmem>>) target(%dma_start3A_193 : memref<40x128xf32, #tpu.memory_space<vmem_shared>>) target_semaphore(%run_scoped3A : memref<!tpu.dma_semaphore, #tpu.memory_space<semaphore_mem>>)
      %dma_wait3A_194 = arith.constant 0 : i32
      %dma_wait3A_195 = tpu.memref_slice %arg20[%add3A_40, %dma_wait3A_194] : memref<10000x128xf32, #tpu.memory_space<vmem_shared>> -> memref<40x128xf32, #tpu.memory_space<vmem_shared>>
      %dma_wait3A_196 = arith.constant 0 : i32
      %dma_wait3A_197 = tpu.memref_slice %arg20[%add3A_40, %dma_wait3A_196] : memref<10000x128xf32, #tpu.memory_space<vmem_shared>> -> memref<40x128xf32, #tpu.memory_space<vmem_shared>>
      tpu.wait_dma2 semaphore(%run_scoped3A : memref<!tpu.dma_semaphore, #tpu.memory_space<semaphore_mem>>) src(%arg15 : memref<40x128xf32, #tpu.memory_space<vmem>>) dst(%dma_wait3A_197 : memref<40x128xf32, #tpu.memory_space<vmem_shared>>)
      tpu.yield
    }) : () -> ()
    %add3A_41 = arith.constant 280 : i32
    %add3A_42 = arith.addi %mul3A_2, %add3A_41 : i32
    "tpu.region"() ({
      %run_scoped3A = tpu.sem_alloc : memref<!tpu.dma_semaphore, #tpu.memory_space<semaphore_mem>>
      %dma_start3A = arith.constant 0 : i32
      %dma_start3A_191 = tpu.memref_slice %arg20[%add3A_42, %dma_start3A] : memref<10000x128xf32, #tpu.memory_space<vmem_shared>> -> memref<40x128xf32, #tpu.memory_space<vmem_shared>>
      %dma_start3A_192 = arith.constant 0 : i32
      %dma_start3A_193 = tpu.memref_slice %arg20[%add3A_42, %dma_start3A_192] : memref<10000x128xf32, #tpu.memory_space<vmem_shared>> -> memref<40x128xf32, #tpu.memory_space<vmem_shared>>
      tpu.enqueue_dma source(%arg15 : memref<40x128xf32, #tpu.memory_space<vmem>>) target(%dma_start3A_193 : memref<40x128xf32, #tpu.memory_space<vmem_shared>>) target_semaphore(%run_scoped3A : memref<!tpu.dma_semaphore, #tpu.memory_space<semaphore_mem>>)
      %dma_wait3A_194 = arith.constant 0 : i32
      %dma_wait3A_195 = tpu.memref_slice %arg20[%add3A_42, %dma_wait3A_194] : memref<10000x128xf32, #tpu.memory_space<vmem_shared>> -> memref<40x128xf32, #tpu.memory_space<vmem_shared>>
      %dma_wait3A_196 = arith.constant 0 : i32
      %dma_wait3A_197 = tpu.memref_slice %arg20[%add3A_42, %dma_wait3A_196] : memref<10000x128xf32, #tpu.memory_space<vmem_shared>> -> memref<40x128xf32, #tpu.memory_space<vmem_shared>>
      tpu.wait_dma2 semaphore(%run_scoped3A : memref<!tpu.dma_semaphore, #tpu.memory_space<semaphore_mem>>) src(%arg15 : memref<40x128xf32, #tpu.memory_space<vmem>>) dst(%dma_wait3A_197 : memref<40x128xf32, #tpu.memory_space<vmem_shared>>)
      tpu.yield
    }) : () -> ()
    %add3A_43 = arith.constant 320 : i32
    %add3A_44 = arith.addi %mul3A_2, %add3A_43 : i32
    "tpu.region"() ({
      %run_scoped3A = tpu.sem_alloc : memref<!tpu.dma_semaphore, #tpu.memory_space<semaphore_mem>>
      %dma_start3A = arith.constant 0 : i32
      %dma_start3A_191 = tpu.memref_slice %arg20[%add3A_44, %dma_start3A] : memref<10000x128xf32, #tpu.memory_space<vmem_shared>> -> memref<40x128xf32, #tpu.memory_space<vmem_shared>>
      %dma_start3A_192 = arith.constant 0 : i32
      %dma_start3A_193 = tpu.memref_slice %arg20[%add3A_44, %dma_start3A_192] : memref<10000x128xf32, #tpu.memory_space<vmem_shared>> -> memref<40x128xf32, #tpu.memory_space<vmem_shared>>
      tpu.enqueue_dma source(%arg15 : memref<40x128xf32, #tpu.memory_space<vmem>>) target(%dma_start3A_193 : memref<40x128xf32, #tpu.memory_space<vmem_shared>>) target_semaphore(%run_scoped3A : memref<!tpu.dma_semaphore, #tpu.memory_space<semaphore_mem>>)
      %dma_wait3A_194 = arith.constant 0 : i32
      %dma_wait3A_195 = tpu.memref_slice %arg20[%add3A_44, %dma_wait3A_194] : memref<10000x128xf32, #tpu.memory_space<vmem_shared>> -> memref<40x128xf32, #tpu.memory_space<vmem_shared>>
      %dma_wait3A_196 = arith.constant 0 : i32
      %dma_wait3A_197 = tpu.memref_slice %arg20[%add3A_44, %dma_wait3A_196] : memref<10000x128xf32, #tpu.memory_space<vmem_shared>> -> memref<40x128xf32, #tpu.memory_space<vmem_shared>>
      tpu.wait_dma2 semaphore(%run_scoped3A : memref<!tpu.dma_semaphore, #tpu.memory_space<semaphore_mem>>) src(%arg15 : memref<40x128xf32, #tpu.memory_space<vmem>>) dst(%dma_wait3A_197 : memref<40x128xf32, #tpu.memory_space<vmem_shared>>)
      tpu.yield
    }) : () -> ()
    %add3A_45 = arith.constant 360 : i32
    %add3A_46 = arith.addi %mul3A_2, %add3A_45 : i32
    "tpu.region"() ({
      %run_scoped3A = tpu.sem_alloc : memref<!tpu.dma_semaphore, #tpu.memory_space<semaphore_mem>>
      %dma_start3A = arith.constant 0 : i32
      %dma_start3A_191 = tpu.memref_slice %arg20[%add3A_46, %dma_start3A] : memref<10000x128xf32, #tpu.memory_space<vmem_shared>> -> memref<40x128xf32, #tpu.memory_space<vmem_shared>>
      %dma_start3A_192 = arith.constant 0 : i32
      %dma_start3A_193 = tpu.memref_slice %arg20[%add3A_46, %dma_start3A_192] : memref<10000x128xf32, #tpu.memory_space<vmem_shared>> -> memref<40x128xf32, #tpu.memory_space<vmem_shared>>
      tpu.enqueue_dma source(%arg15 : memref<40x128xf32, #tpu.memory_space<vmem>>) target(%dma_start3A_193 : memref<40x128xf32, #tpu.memory_space<vmem_shared>>) target_semaphore(%run_scoped3A : memref<!tpu.dma_semaphore, #tpu.memory_space<semaphore_mem>>)
      %dma_wait3A_194 = arith.constant 0 : i32
      %dma_wait3A_195 = tpu.memref_slice %arg20[%add3A_46, %dma_wait3A_194] : memref<10000x128xf32, #tpu.memory_space<vmem_shared>> -> memref<40x128xf32, #tpu.memory_space<vmem_shared>>
      %dma_wait3A_196 = arith.constant 0 : i32
      %dma_wait3A_197 = tpu.memref_slice %arg20[%add3A_46, %dma_wait3A_196] : memref<10000x128xf32, #tpu.memory_space<vmem_shared>> -> memref<40x128xf32, #tpu.memory_space<vmem_shared>>
      tpu.wait_dma2 semaphore(%run_scoped3A : memref<!tpu.dma_semaphore, #tpu.memory_space<semaphore_mem>>) src(%arg15 : memref<40x128xf32, #tpu.memory_space<vmem>>) dst(%dma_wait3A_197 : memref<40x128xf32, #tpu.memory_space<vmem_shared>>)
      tpu.yield
    }) : () -> ()
    %add3A_47 = arith.constant 400 : i32
    %add3A_48 = arith.addi %mul3A_2, %add3A_47 : i32
    "tpu.region"() ({
      %run_scoped3A = tpu.sem_alloc : memref<!tpu.dma_semaphore, #tpu.memory_space<semaphore_mem>>
      %dma_start3A = arith.constant 0 : i32
      %dma_start3A_191 = tpu.memref_slice %arg20[%add3A_48, %dma_start3A] : memref<10000x128xf32, #tpu.memory_space<vmem_shared>> -> memref<40x128xf32, #tpu.memory_space<vmem_shared>>
      %dma_start3A_192 = arith.constant 0 : i32
      %dma_start3A_193 = tpu.memref_slice %arg20[%add3A_48, %dma_start3A_192] : memref<10000x128xf32, #tpu.memory_space<vmem_shared>> -> memref<40x128xf32, #tpu.memory_space<vmem_shared>>
      tpu.enqueue_dma source(%arg15 : memref<40x128xf32, #tpu.memory_space<vmem>>) target(%dma_start3A_193 : memref<40x128xf32, #tpu.memory_space<vmem_shared>>) target_semaphore(%run_scoped3A : memref<!tpu.dma_semaphore, #tpu.memory_space<semaphore_mem>>)
      %dma_wait3A_194 = arith.constant 0 : i32
      %dma_wait3A_195 = tpu.memref_slice %arg20[%add3A_48, %dma_wait3A_194] : memref<10000x128xf32, #tpu.memory_space<vmem_shared>> -> memref<40x128xf32, #tpu.memory_space<vmem_shared>>
      %dma_wait3A_196 = arith.constant 0 : i32
      %dma_wait3A_197 = tpu.memref_slice %arg20[%add3A_48, %dma_wait3A_196] : memref<10000x128xf32, #tpu.memory_space<vmem_shared>> -> memref<40x128xf32, #tpu.memory_space<vmem_shared>>
      tpu.wait_dma2 semaphore(%run_scoped3A : memref<!tpu.dma_semaphore, #tpu.memory_space<semaphore_mem>>) src(%arg15 : memref<40x128xf32, #tpu.memory_space<vmem>>) dst(%dma_wait3A_197 : memref<40x128xf32, #tpu.memory_space<vmem_shared>>)
      tpu.yield
    }) : () -> ()
    %add3A_49 = arith.constant 440 : i32
    %add3A_50 = arith.addi %mul3A_2, %add3A_49 : i32
    "tpu.region"() ({
      %run_scoped3A = tpu.sem_alloc : memref<!tpu.dma_semaphore, #tpu.memory_space<semaphore_mem>>
      %dma_start3A = arith.constant 0 : i32
      %dma_start3A_191 = tpu.memref_slice %arg20[%add3A_50, %dma_start3A] : memref<10000x128xf32, #tpu.memory_space<vmem_shared>> -> memref<40x128xf32, #tpu.memory_space<vmem_shared>>
      %dma_start3A_192 = arith.constant 0 : i32
      %dma_start3A_193 = tpu.memref_slice %arg20[%add3A_50, %dma_start3A_192] : memref<10000x128xf32, #tpu.memory_space<vmem_shared>> -> memref<40x128xf32, #tpu.memory_space<vmem_shared>>
      tpu.enqueue_dma source(%arg15 : memref<40x128xf32, #tpu.memory_space<vmem>>) target(%dma_start3A_193 : memref<40x128xf32, #tpu.memory_space<vmem_shared>>) target_semaphore(%run_scoped3A : memref<!tpu.dma_semaphore, #tpu.memory_space<semaphore_mem>>)
      %dma_wait3A_194 = arith.constant 0 : i32
      %dma_wait3A_195 = tpu.memref_slice %arg20[%add3A_50, %dma_wait3A_194] : memref<10000x128xf32, #tpu.memory_space<vmem_shared>> -> memref<40x128xf32, #tpu.memory_space<vmem_shared>>
      %dma_wait3A_196 = arith.constant 0 : i32
      %dma_wait3A_197 = tpu.memref_slice %arg20[%add3A_50, %dma_wait3A_196] : memref<10000x128xf32, #tpu.memory_space<vmem_shared>> -> memref<40x128xf32, #tpu.memory_space<vmem_shared>>
      tpu.wait_dma2 semaphore(%run_scoped3A : memref<!tpu.dma_semaphore, #tpu.memory_space<semaphore_mem>>) src(%arg15 : memref<40x128xf32, #tpu.memory_space<vmem>>) dst(%dma_wait3A_197 : memref<40x128xf32, #tpu.memory_space<vmem_shared>>)
      tpu.yield
    }) : () -> ()
    %add3A_51 = arith.constant 480 : i32
    %add3A_52 = arith.addi %mul3A_2, %add3A_51 : i32
    "tpu.region"() ({
      %run_scoped3A = tpu.sem_alloc : memref<!tpu.dma_semaphore, #tpu.memory_space<semaphore_mem>>
      %dma_start3A = arith.constant 0 : i32
      %dma_start3A_191 = tpu.memref_slice %arg20[%add3A_52, %dma_start3A] : memref<10000x128xf32, #tpu.memory_space<vmem_shared>> -> memref<40x128xf32, #tpu.memory_space<vmem_shared>>
      %dma_start3A_192 = arith.constant 0 : i32
      %dma_start3A_193 = tpu.memref_slice %arg20[%add3A_52, %dma_start3A_192] : memref<10000x128xf32, #tpu.memory_space<vmem_shared>> -> memref<40x128xf32, #tpu.memory_space<vmem_shared>>
      tpu.enqueue_dma source(%arg15 : memref<40x128xf32, #tpu.memory_space<vmem>>) target(%dma_start3A_193 : memref<40x128xf32, #tpu.memory_space<vmem_shared>>) target_semaphore(%run_scoped3A : memref<!tpu.dma_semaphore, #tpu.memory_space<semaphore_mem>>)
      %dma_wait3A_194 = arith.constant 0 : i32
      %dma_wait3A_195 = tpu.memref_slice %arg20[%add3A_52, %dma_wait3A_194] : memref<10000x128xf32, #tpu.memory_space<vmem_shared>> -> memref<40x128xf32, #tpu.memory_space<vmem_shared>>
      %dma_wait3A_196 = arith.constant 0 : i32
      %dma_wait3A_197 = tpu.memref_slice %arg20[%add3A_52, %dma_wait3A_196] : memref<10000x128xf32, #tpu.memory_space<vmem_shared>> -> memref<40x128xf32, #tpu.memory_space<vmem_shared>>
      tpu.wait_dma2 semaphore(%run_scoped3A : memref<!tpu.dma_semaphore, #tpu.memory_space<semaphore_mem>>) src(%arg15 : memref<40x128xf32, #tpu.memory_space<vmem>>) dst(%dma_wait3A_197 : memref<40x128xf32, #tpu.memory_space<vmem_shared>>)
      tpu.yield
    }) : () -> ()
    %add3A_53 = arith.constant 520 : i32
    %add3A_54 = arith.addi %mul3A_2, %add3A_53 : i32
    "tpu.region"() ({
      %run_scoped3A = tpu.sem_alloc : memref<!tpu.dma_semaphore, #tpu.memory_space<semaphore_mem>>
      %dma_start3A = arith.constant 0 : i32
      %dma_start3A_191 = tpu.memref_slice %arg20[%add3A_54, %dma_start3A] : memref<10000x128xf32, #tpu.memory_space<vmem_shared>> -> memref<40x128xf32, #tpu.memory_space<vmem_shared>>
      %dma_start3A_192 = arith.constant 0 : i32
      %dma_start3A_193 = tpu.memref_slice %arg20[%add3A_54, %dma_start3A_192] : memref<10000x128xf32, #tpu.memory_space<vmem_shared>> -> memref<40x128xf32, #tpu.memory_space<vmem_shared>>
      tpu.enqueue_dma source(%arg15 : memref<40x128xf32, #tpu.memory_space<vmem>>) target(%dma_start3A_193 : memref<40x128xf32, #tpu.memory_space<vmem_shared>>) target_semaphore(%run_scoped3A : memref<!tpu.dma_semaphore, #tpu.memory_space<semaphore_mem>>)
      %dma_wait3A_194 = arith.constant 0 : i32
      %dma_wait3A_195 = tpu.memref_slice %arg20[%add3A_54, %dma_wait3A_194] : memref<10000x128xf32, #tpu.memory_space<vmem_shared>> -> memref<40x128xf32, #tpu.memory_space<vmem_shared>>
      %dma_wait3A_196 = arith.constant 0 : i32
      %dma_wait3A_197 = tpu.memref_slice %arg20[%add3A_54, %dma_wait3A_196] : memref<10000x128xf32, #tpu.memory_space<vmem_shared>> -> memref<40x128xf32, #tpu.memory_space<vmem_shared>>
      tpu.wait_dma2 semaphore(%run_scoped3A : memref<!tpu.dma_semaphore, #tpu.memory_space<semaphore_mem>>) src(%arg15 : memref<40x128xf32, #tpu.memory_space<vmem>>) dst(%dma_wait3A_197 : memref<40x128xf32, #tpu.memory_space<vmem_shared>>)
      tpu.yield
    }) : () -> ()
    %add3A_55 = arith.constant 560 : i32
    %add3A_56 = arith.addi %mul3A_2, %add3A_55 : i32
    "tpu.region"() ({
      %run_scoped3A = tpu.sem_alloc : memref<!tpu.dma_semaphore, #tpu.memory_space<semaphore_mem>>
      %dma_start3A = arith.constant 0 : i32
      %dma_start3A_191 = tpu.memref_slice %arg20[%add3A_56, %dma_start3A] : memref<10000x128xf32, #tpu.memory_space<vmem_shared>> -> memref<40x128xf32, #tpu.memory_space<vmem_shared>>
      %dma_start3A_192 = arith.constant 0 : i32
      %dma_start3A_193 = tpu.memref_slice %arg20[%add3A_56, %dma_start3A_192] : memref<10000x128xf32, #tpu.memory_space<vmem_shared>> -> memref<40x128xf32, #tpu.memory_space<vmem_shared>>
      tpu.enqueue_dma source(%arg15 : memref<40x128xf32, #tpu.memory_space<vmem>>) target(%dma_start3A_193 : memref<40x128xf32, #tpu.memory_space<vmem_shared>>) target_semaphore(%run_scoped3A : memref<!tpu.dma_semaphore, #tpu.memory_space<semaphore_mem>>)
      %dma_wait3A_194 = arith.constant 0 : i32
      %dma_wait3A_195 = tpu.memref_slice %arg20[%add3A_56, %dma_wait3A_194] : memref<10000x128xf32, #tpu.memory_space<vmem_shared>> -> memref<40x128xf32, #tpu.memory_space<vmem_shared>>
      %dma_wait3A_196 = arith.constant 0 : i32
      %dma_wait3A_197 = tpu.memref_slice %arg20[%add3A_56, %dma_wait3A_196] : memref<10000x128xf32, #tpu.memory_space<vmem_shared>> -> memref<40x128xf32, #tpu.memory_space<vmem_shared>>
      tpu.wait_dma2 semaphore(%run_scoped3A : memref<!tpu.dma_semaphore, #tpu.memory_space<semaphore_mem>>) src(%arg15 : memref<40x128xf32, #tpu.memory_space<vmem>>) dst(%dma_wait3A_197 : memref<40x128xf32, #tpu.memory_space<vmem_shared>>)
      tpu.yield
    }) : () -> ()
    %add3A_57 = arith.constant 600 : i32
    %add3A_58 = arith.addi %mul3A_2, %add3A_57 : i32
    "tpu.region"() ({
      %run_scoped3A = tpu.sem_alloc : memref<!tpu.dma_semaphore, #tpu.memory_space<semaphore_mem>>
      %dma_start3A = arith.constant 0 : i32
      %dma_start3A_191 = arith.constant 0 : i32
      %dma_start3A_192 = tpu.memref_slice %arg15[%dma_start3A, %dma_start3A_191] : memref<40x128xf32, #tpu.memory_space<vmem>> -> memref<24x128xf32, #tpu.memory_space<vmem>>
      %dma_start3A_193 = arith.constant 0 : i32
      %dma_start3A_194 = tpu.memref_slice %arg20[%add3A_58, %dma_start3A_193] : memref<10000x128xf32, #tpu.memory_space<vmem_shared>> -> memref<24x128xf32, #tpu.memory_space<vmem_shared>>
      %dma_start3A_195 = arith.constant 0 : i32
      %dma_start3A_196 = tpu.memref_slice %arg20[%add3A_58, %dma_start3A_195] : memref<10000x128xf32, #tpu.memory_space<vmem_shared>> -> memref<24x128xf32, #tpu.memory_space<vmem_shared>>
      %dma_start3A_197 = arith.constant 0 : i32
      %dma_start3A_198 = arith.constant 0 : i32
      %dma_start3A_199 = tpu.memref_slice %arg15[%dma_start3A_197, %dma_start3A_198] : memref<40x128xf32, #tpu.memory_space<vmem>> -> memref<24x128xf32, #tpu.memory_space<vmem>>
      tpu.enqueue_dma source(%dma_start3A_199 : memref<24x128xf32, #tpu.memory_space<vmem>>) target(%dma_start3A_196 : memref<24x128xf32, #tpu.memory_space<vmem_shared>>) target_semaphore(%run_scoped3A : memref<!tpu.dma_semaphore, #tpu.memory_space<semaphore_mem>>)
      %dma_wait3A_200 = arith.constant 0 : i32
      %dma_wait3A_201 = arith.constant 0 : i32
      %dma_wait3A_202 = tpu.memref_slice %arg15[%dma_wait3A_200, %dma_wait3A_201] : memref<40x128xf32, #tpu.memory_space<vmem>> -> memref<24x128xf32, #tpu.memory_space<vmem>>
      %dma_wait3A_203 = arith.constant 0 : i32
      %dma_wait3A_204 = tpu.memref_slice %arg20[%add3A_58, %dma_wait3A_203] : memref<10000x128xf32, #tpu.memory_space<vmem_shared>> -> memref<24x128xf32, #tpu.memory_space<vmem_shared>>
      %dma_wait3A_205 = arith.constant 0 : i32
      %dma_wait3A_206 = tpu.memref_slice %arg20[%add3A_58, %dma_wait3A_205] : memref<10000x128xf32, #tpu.memory_space<vmem_shared>> -> memref<24x128xf32, #tpu.memory_space<vmem_shared>>
      %dma_wait3A_207 = arith.constant 0 : i32
      %dma_wait3A_208 = arith.constant 0 : i32
      %dma_wait3A_209 = tpu.memref_slice %arg15[%dma_wait3A_207, %dma_wait3A_208] : memref<40x128xf32, #tpu.memory_space<vmem>> -> memref<24x128xf32, #tpu.memory_space<vmem>>
      tpu.wait_dma2 semaphore(%run_scoped3A : memref<!tpu.dma_semaphore, #tpu.memory_space<semaphore_mem>>) src(%dma_wait3A_209 : memref<24x128xf32, #tpu.memory_space<vmem>>) dst(%dma_wait3A_206 : memref<24x128xf32, #tpu.memory_space<vmem_shared>>)
      tpu.yield
    }) : () -> ()
    %eq3A = arith.constant 15 : i32
    %eq3A_59 = arith.cmpi eq, %arg1, %eq3A : i32
    %convert_element_type3A = arith.extui %eq3A_59 : i1 to i32
    %cond3A = arith.constant 0 : i32
    %cond3A_60 = arith.cmpi ne, %convert_element_type3A, %cond3A : i32
    scf.if %cond3A_60 {
      "tpu.region"() ({
        %run_scoped3A = tpu.sem_alloc : memref<!tpu.dma_semaphore, #tpu.memory_space<semaphore_mem>>
        %dma_start3A = arith.constant 0 : i32
        %dma_start3A_191 = arith.constant 0 : i32
        %dma_start3A_192 = tpu.memref_slice %arg15[%dma_start3A, %dma_start3A_191] : memref<40x128xf32, #tpu.memory_space<vmem>> -> memref<16x128xf32, #tpu.memory_space<vmem>>
        %dma_start3A_193 = arith.constant 9984 : i32
        %dma_start3A_194 = arith.constant 0 : i32
        %dma_start3A_195 = tpu.memref_slice %arg20[%dma_start3A_193, %dma_start3A_194] : memref<10000x128xf32, #tpu.memory_space<vmem_shared>> -> memref<16x128xf32, #tpu.memory_space<vmem_shared>>
        %dma_start3A_196 = arith.constant 9984 : i32
        %dma_start3A_197 = arith.constant 0 : i32
        %dma_start3A_198 = tpu.memref_slice %arg20[%dma_start3A_196, %dma_start3A_197] : memref<10000x128xf32, #tpu.memory_space<vmem_shared>> -> memref<16x128xf32, #tpu.memory_space<vmem_shared>>
        %dma_start3A_199 = arith.constant 0 : i32
        %dma_start3A_200 = arith.constant 0 : i32
        %dma_start3A_201 = tpu.memref_slice %arg15[%dma_start3A_199, %dma_start3A_200] : memref<40x128xf32, #tpu.memory_space<vmem>> -> memref<16x128xf32, #tpu.memory_space<vmem>>
        tpu.enqueue_dma source(%dma_start3A_201 : memref<16x128xf32, #tpu.memory_space<vmem>>) target(%dma_start3A_198 : memref<16x128xf32, #tpu.memory_space<vmem_shared>>) target_semaphore(%run_scoped3A : memref<!tpu.dma_semaphore, #tpu.memory_space<semaphore_mem>>)
        %dma_wait3A_202 = arith.constant 0 : i32
        %dma_wait3A_203 = arith.constant 0 : i32
        %dma_wait3A_204 = tpu.memref_slice %arg15[%dma_wait3A_202, %dma_wait3A_203] : memref<40x128xf32, #tpu.memory_space<vmem>> -> memref<16x128xf32, #tpu.memory_space<vmem>>
        %dma_wait3A_205 = arith.constant 9984 : i32
        %dma_wait3A_206 = arith.constant 0 : i32
        %dma_wait3A_207 = tpu.memref_slice %arg20[%dma_wait3A_205, %dma_wait3A_206] : memref<10000x128xf32, #tpu.memory_space<vmem_shared>> -> memref<16x128xf32, #tpu.memory_space<vmem_shared>>
        %dma_wait3A_208 = arith.constant 9984 : i32
        %dma_wait3A_209 = arith.constant 0 : i32
        %dma_wait3A_210 = tpu.memref_slice %arg20[%dma_wait3A_208, %dma_wait3A_209] : memref<10000x128xf32, #tpu.memory_space<vmem_shared>> -> memref<16x128xf32, #tpu.memory_space<vmem_shared>>
        %dma_wait3A_211 = arith.constant 0 : i32
        %dma_wait3A_212 = arith.constant 0 : i32
        %dma_wait3A_213 = tpu.memref_slice %arg15[%dma_wait3A_211, %dma_wait3A_212] : memref<40x128xf32, #tpu.memory_space<vmem>> -> memref<16x128xf32, #tpu.memory_space<vmem>>
        tpu.wait_dma2 semaphore(%run_scoped3A : memref<!tpu.dma_semaphore, #tpu.memory_space<semaphore_mem>>) src(%dma_wait3A_213 : memref<16x128xf32, #tpu.memory_space<vmem>>) dst(%dma_wait3A_210 : memref<16x128xf32, #tpu.memory_space<vmem_shared>>)
        tpu.yield
      }) : () -> ()
    } else {
    }
    %add3A_61 = arith.constant 0 : i32
    %add3A_62 = arith.addi %mul3A_2, %add3A_61 : i32
    "tpu.region"() ({
      %run_scoped3A = tpu.sem_alloc : memref<!tpu.dma_semaphore, #tpu.memory_space<semaphore_mem>>
      %dma_start3A = tpu.memref_slice %arg21[%add3A_62] : memref<10000xf32, #tpu.memory_space<vmem_shared>> -> memref<40xf32, #tpu.memory_space<vmem_shared>>
      %dma_start3A_191 = tpu.memref_slice %arg21[%add3A_62] : memref<10000xf32, #tpu.memory_space<vmem_shared>> -> memref<40xf32, #tpu.memory_space<vmem_shared>>
      tpu.enqueue_dma source(%arg13 : memref<40xf32, #tpu.memory_space<vmem>>) target(%dma_start3A_191 : memref<40xf32, #tpu.memory_space<vmem_shared>>) target_semaphore(%run_scoped3A : memref<!tpu.dma_semaphore, #tpu.memory_space<semaphore_mem>>)
      %dma_wait3A_192 = tpu.memref_slice %arg21[%add3A_62] : memref<10000xf32, #tpu.memory_space<vmem_shared>> -> memref<40xf32, #tpu.memory_space<vmem_shared>>
      %dma_wait3A_193 = tpu.memref_slice %arg21[%add3A_62] : memref<10000xf32, #tpu.memory_space<vmem_shared>> -> memref<40xf32, #tpu.memory_space<vmem_shared>>
      tpu.wait_dma2 semaphore(%run_scoped3A : memref<!tpu.dma_semaphore, #tpu.memory_space<semaphore_mem>>) src(%arg13 : memref<40xf32, #tpu.memory_space<vmem>>) dst(%dma_wait3A_193 : memref<40xf32, #tpu.memory_space<vmem_shared>>)
      tpu.yield
    }) : () -> ()
    %add3A_63 = arith.constant 40 : i32
    %add3A_64 = arith.addi %mul3A_2, %add3A_63 : i32
    "tpu.region"() ({
      %run_scoped3A = tpu.sem_alloc : memref<!tpu.dma_semaphore, #tpu.memory_space<semaphore_mem>>
      %dma_start3A = tpu.memref_slice %arg21[%add3A_64] : memref<10000xf32, #tpu.memory_space<vmem_shared>> -> memref<40xf32, #tpu.memory_space<vmem_shared>>
      %dma_start3A_191 = tpu.memref_slice %arg21[%add3A_64] : memref<10000xf32, #tpu.memory_space<vmem_shared>> -> memref<40xf32, #tpu.memory_space<vmem_shared>>
      tpu.enqueue_dma source(%arg13 : memref<40xf32, #tpu.memory_space<vmem>>) target(%dma_start3A_191 : memref<40xf32, #tpu.memory_space<vmem_shared>>) target_semaphore(%run_scoped3A : memref<!tpu.dma_semaphore, #tpu.memory_space<semaphore_mem>>)
      %dma_wait3A_192 = tpu.memref_slice %arg21[%add3A_64] : memref<10000xf32, #tpu.memory_space<vmem_shared>> -> memref<40xf32, #tpu.memory_space<vmem_shared>>
      %dma_wait3A_193 = tpu.memref_slice %arg21[%add3A_64] : memref<10000xf32, #tpu.memory_space<vmem_shared>> -> memref<40xf32, #tpu.memory_space<vmem_shared>>
      tpu.wait_dma2 semaphore(%run_scoped3A : memref<!tpu.dma_semaphore, #tpu.memory_space<semaphore_mem>>) src(%arg13 : memref<40xf32, #tpu.memory_space<vmem>>) dst(%dma_wait3A_193 : memref<40xf32, #tpu.memory_space<vmem_shared>>)
      tpu.yield
    }) : () -> ()
    %add3A_65 = arith.constant 80 : i32
    %add3A_66 = arith.addi %mul3A_2, %add3A_65 : i32
    "tpu.region"() ({
      %run_scoped3A = tpu.sem_alloc : memref<!tpu.dma_semaphore, #tpu.memory_space<semaphore_mem>>
      %dma_start3A = tpu.memref_slice %arg21[%add3A_66] : memref<10000xf32, #tpu.memory_space<vmem_shared>> -> memref<40xf32, #tpu.memory_space<vmem_shared>>
      %dma_start3A_191 = tpu.memref_slice %arg21[%add3A_66] : memref<10000xf32, #tpu.memory_space<vmem_shared>> -> memref<40xf32, #tpu.memory_space<vmem_shared>>
      tpu.enqueue_dma source(%arg13 : memref<40xf32, #tpu.memory_space<vmem>>) target(%dma_start3A_191 : memref<40xf32, #tpu.memory_space<vmem_shared>>) target_semaphore(%run_scoped3A : memref<!tpu.dma_semaphore, #tpu.memory_space<semaphore_mem>>)
      %dma_wait3A_192 = tpu.memref_slice %arg21[%add3A_66] : memref<10000xf32, #tpu.memory_space<vmem_shared>> -> memref<40xf32, #tpu.memory_space<vmem_shared>>
      %dma_wait3A_193 = tpu.memref_slice %arg21[%add3A_66] : memref<10000xf32, #tpu.memory_space<vmem_shared>> -> memref<40xf32, #tpu.memory_space<vmem_shared>>
      tpu.wait_dma2 semaphore(%run_scoped3A : memref<!tpu.dma_semaphore, #tpu.memory_space<semaphore_mem>>) src(%arg13 : memref<40xf32, #tpu.memory_space<vmem>>) dst(%dma_wait3A_193 : memref<40xf32, #tpu.memory_space<vmem_shared>>)
      tpu.yield
    }) : () -> ()
    %add3A_67 = arith.constant 120 : i32
    %add3A_68 = arith.addi %mul3A_2, %add3A_67 : i32
    "tpu.region"() ({
      %run_scoped3A = tpu.sem_alloc : memref<!tpu.dma_semaphore, #tpu.memory_space<semaphore_mem>>
      %dma_start3A = tpu.memref_slice %arg21[%add3A_68] : memref<10000xf32, #tpu.memory_space<vmem_shared>> -> memref<40xf32, #tpu.memory_space<vmem_shared>>
      %dma_start3A_191 = tpu.memref_slice %arg21[%add3A_68] : memref<10000xf32, #tpu.memory_space<vmem_shared>> -> memref<40xf32, #tpu.memory_space<vmem_shared>>
      tpu.enqueue_dma source(%arg13 : memref<40xf32, #tpu.memory_space<vmem>>) target(%dma_start3A_191 : memref<40xf32, #tpu.memory_space<vmem_shared>>) target_semaphore(%run_scoped3A : memref<!tpu.dma_semaphore, #tpu.memory_space<semaphore_mem>>)
      %dma_wait3A_192 = tpu.memref_slice %arg21[%add3A_68] : memref<10000xf32, #tpu.memory_space<vmem_shared>> -> memref<40xf32, #tpu.memory_space<vmem_shared>>
      %dma_wait3A_193 = tpu.memref_slice %arg21[%add3A_68] : memref<10000xf32, #tpu.memory_space<vmem_shared>> -> memref<40xf32, #tpu.memory_space<vmem_shared>>
      tpu.wait_dma2 semaphore(%run_scoped3A : memref<!tpu.dma_semaphore, #tpu.memory_space<semaphore_mem>>) src(%arg13 : memref<40xf32, #tpu.memory_space<vmem>>) dst(%dma_wait3A_193 : memref<40xf32, #tpu.memory_space<vmem_shared>>)
      tpu.yield
    }) : () -> ()
    %add3A_69 = arith.constant 160 : i32
    %add3A_70 = arith.addi %mul3A_2, %add3A_69 : i32
    "tpu.region"() ({
      %run_scoped3A = tpu.sem_alloc : memref<!tpu.dma_semaphore, #tpu.memory_space<semaphore_mem>>
      %dma_start3A = tpu.memref_slice %arg21[%add3A_70] : memref<10000xf32, #tpu.memory_space<vmem_shared>> -> memref<40xf32, #tpu.memory_space<vmem_shared>>
      %dma_start3A_191 = tpu.memref_slice %arg21[%add3A_70] : memref<10000xf32, #tpu.memory_space<vmem_shared>> -> memref<40xf32, #tpu.memory_space<vmem_shared>>
      tpu.enqueue_dma source(%arg13 : memref<40xf32, #tpu.memory_space<vmem>>) target(%dma_start3A_191 : memref<40xf32, #tpu.memory_space<vmem_shared>>) target_semaphore(%run_scoped3A : memref<!tpu.dma_semaphore, #tpu.memory_space<semaphore_mem>>)
      %dma_wait3A_192 = tpu.memref_slice %arg21[%add3A_70] : memref<10000xf32, #tpu.memory_space<vmem_shared>> -> memref<40xf32, #tpu.memory_space<vmem_shared>>
      %dma_wait3A_193 = tpu.memref_slice %arg21[%add3A_70] : memref<10000xf32, #tpu.memory_space<vmem_shared>> -> memref<40xf32, #tpu.memory_space<vmem_shared>>
      tpu.wait_dma2 semaphore(%run_scoped3A : memref<!tpu.dma_semaphore, #tpu.memory_space<semaphore_mem>>) src(%arg13 : memref<40xf32, #tpu.memory_space<vmem>>) dst(%dma_wait3A_193 : memref<40xf32, #tpu.memory_space<vmem_shared>>)
      tpu.yield
    }) : () -> ()
    %add3A_71 = arith.constant 200 : i32
    %add3A_72 = arith.addi %mul3A_2, %add3A_71 : i32
    "tpu.region"() ({
      %run_scoped3A = tpu.sem_alloc : memref<!tpu.dma_semaphore, #tpu.memory_space<semaphore_mem>>
      %dma_start3A = tpu.memref_slice %arg21[%add3A_72] : memref<10000xf32, #tpu.memory_space<vmem_shared>> -> memref<40xf32, #tpu.memory_space<vmem_shared>>
      %dma_start3A_191 = tpu.memref_slice %arg21[%add3A_72] : memref<10000xf32, #tpu.memory_space<vmem_shared>> -> memref<40xf32, #tpu.memory_space<vmem_shared>>
      tpu.enqueue_dma source(%arg13 : memref<40xf32, #tpu.memory_space<vmem>>) target(%dma_start3A_191 : memref<40xf32, #tpu.memory_space<vmem_shared>>) target_semaphore(%run_scoped3A : memref<!tpu.dma_semaphore, #tpu.memory_space<semaphore_mem>>)
      %dma_wait3A_192 = tpu.memref_slice %arg21[%add3A_72] : memref<10000xf32, #tpu.memory_space<vmem_shared>> -> memref<40xf32, #tpu.memory_space<vmem_shared>>
      %dma_wait3A_193 = tpu.memref_slice %arg21[%add3A_72] : memref<10000xf32, #tpu.memory_space<vmem_shared>> -> memref<40xf32, #tpu.memory_space<vmem_shared>>
      tpu.wait_dma2 semaphore(%run_scoped3A : memref<!tpu.dma_semaphore, #tpu.memory_space<semaphore_mem>>) src(%arg13 : memref<40xf32, #tpu.memory_space<vmem>>) dst(%dma_wait3A_193 : memref<40xf32, #tpu.memory_space<vmem_shared>>)
      tpu.yield
    }) : () -> ()
    %add3A_73 = arith.constant 240 : i32
    %add3A_74 = arith.addi %mul3A_2, %add3A_73 : i32
    "tpu.region"() ({
      %run_scoped3A = tpu.sem_alloc : memref<!tpu.dma_semaphore, #tpu.memory_space<semaphore_mem>>
      %dma_start3A = tpu.memref_slice %arg21[%add3A_74] : memref<10000xf32, #tpu.memory_space<vmem_shared>> -> memref<40xf32, #tpu.memory_space<vmem_shared>>
      %dma_start3A_191 = tpu.memref_slice %arg21[%add3A_74] : memref<10000xf32, #tpu.memory_space<vmem_shared>> -> memref<40xf32, #tpu.memory_space<vmem_shared>>
      tpu.enqueue_dma source(%arg13 : memref<40xf32, #tpu.memory_space<vmem>>) target(%dma_start3A_191 : memref<40xf32, #tpu.memory_space<vmem_shared>>) target_semaphore(%run_scoped3A : memref<!tpu.dma_semaphore, #tpu.memory_space<semaphore_mem>>)
      %dma_wait3A_192 = tpu.memref_slice %arg21[%add3A_74] : memref<10000xf32, #tpu.memory_space<vmem_shared>> -> memref<40xf32, #tpu.memory_space<vmem_shared>>
      %dma_wait3A_193 = tpu.memref_slice %arg21[%add3A_74] : memref<10000xf32, #tpu.memory_space<vmem_shared>> -> memref<40xf32, #tpu.memory_space<vmem_shared>>
      tpu.wait_dma2 semaphore(%run_scoped3A : memref<!tpu.dma_semaphore, #tpu.memory_space<semaphore_mem>>) src(%arg13 : memref<40xf32, #tpu.memory_space<vmem>>) dst(%dma_wait3A_193 : memref<40xf32, #tpu.memory_space<vmem_shared>>)
      tpu.yield
    }) : () -> ()
    %add3A_75 = arith.constant 280 : i32
    %add3A_76 = arith.addi %mul3A_2, %add3A_75 : i32
    "tpu.region"() ({
      %run_scoped3A = tpu.sem_alloc : memref<!tpu.dma_semaphore, #tpu.memory_space<semaphore_mem>>
      %dma_start3A = tpu.memref_slice %arg21[%add3A_76] : memref<10000xf32, #tpu.memory_space<vmem_shared>> -> memref<40xf32, #tpu.memory_space<vmem_shared>>
      %dma_start3A_191 = tpu.memref_slice %arg21[%add3A_76] : memref<10000xf32, #tpu.memory_space<vmem_shared>> -> memref<40xf32, #tpu.memory_space<vmem_shared>>
      tpu.enqueue_dma source(%arg13 : memref<40xf32, #tpu.memory_space<vmem>>) target(%dma_start3A_191 : memref<40xf32, #tpu.memory_space<vmem_shared>>) target_semaphore(%run_scoped3A : memref<!tpu.dma_semaphore, #tpu.memory_space<semaphore_mem>>)
      %dma_wait3A_192 = tpu.memref_slice %arg21[%add3A_76] : memref<10000xf32, #tpu.memory_space<vmem_shared>> -> memref<40xf32, #tpu.memory_space<vmem_shared>>
      %dma_wait3A_193 = tpu.memref_slice %arg21[%add3A_76] : memref<10000xf32, #tpu.memory_space<vmem_shared>> -> memref<40xf32, #tpu.memory_space<vmem_shared>>
      tpu.wait_dma2 semaphore(%run_scoped3A : memref<!tpu.dma_semaphore, #tpu.memory_space<semaphore_mem>>) src(%arg13 : memref<40xf32, #tpu.memory_space<vmem>>) dst(%dma_wait3A_193 : memref<40xf32, #tpu.memory_space<vmem_shared>>)
      tpu.yield
    }) : () -> ()
    %add3A_77 = arith.constant 320 : i32
    %add3A_78 = arith.addi %mul3A_2, %add3A_77 : i32
    "tpu.region"() ({
      %run_scoped3A = tpu.sem_alloc : memref<!tpu.dma_semaphore, #tpu.memory_space<semaphore_mem>>
      %dma_start3A = tpu.memref_slice %arg21[%add3A_78] : memref<10000xf32, #tpu.memory_space<vmem_shared>> -> memref<40xf32, #tpu.memory_space<vmem_shared>>
      %dma_start3A_191 = tpu.memref_slice %arg21[%add3A_78] : memref<10000xf32, #tpu.memory_space<vmem_shared>> -> memref<40xf32, #tpu.memory_space<vmem_shared>>
      tpu.enqueue_dma source(%arg13 : memref<40xf32, #tpu.memory_space<vmem>>) target(%dma_start3A_191 : memref<40xf32, #tpu.memory_space<vmem_shared>>) target_semaphore(%run_scoped3A : memref<!tpu.dma_semaphore, #tpu.memory_space<semaphore_mem>>)
      %dma_wait3A_192 = tpu.memref_slice %arg21[%add3A_78] : memref<10000xf32, #tpu.memory_space<vmem_shared>> -> memref<40xf32, #tpu.memory_space<vmem_shared>>
      %dma_wait3A_193 = tpu.memref_slice %arg21[%add3A_78] : memref<10000xf32, #tpu.memory_space<vmem_shared>> -> memref<40xf32, #tpu.memory_space<vmem_shared>>
      tpu.wait_dma2 semaphore(%run_scoped3A : memref<!tpu.dma_semaphore, #tpu.memory_space<semaphore_mem>>) src(%arg13 : memref<40xf32, #tpu.memory_space<vmem>>) dst(%dma_wait3A_193 : memref<40xf32, #tpu.memory_space<vmem_shared>>)
      tpu.yield
    }) : () -> ()
    %add3A_79 = arith.constant 360 : i32
    %add3A_80 = arith.addi %mul3A_2, %add3A_79 : i32
    "tpu.region"() ({
      %run_scoped3A = tpu.sem_alloc : memref<!tpu.dma_semaphore, #tpu.memory_space<semaphore_mem>>
      %dma_start3A = tpu.memref_slice %arg21[%add3A_80] : memref<10000xf32, #tpu.memory_space<vmem_shared>> -> memref<40xf32, #tpu.memory_space<vmem_shared>>
      %dma_start3A_191 = tpu.memref_slice %arg21[%add3A_80] : memref<10000xf32, #tpu.memory_space<vmem_shared>> -> memref<40xf32, #tpu.memory_space<vmem_shared>>
      tpu.enqueue_dma source(%arg13 : memref<40xf32, #tpu.memory_space<vmem>>) target(%dma_start3A_191 : memref<40xf32, #tpu.memory_space<vmem_shared>>) target_semaphore(%run_scoped3A : memref<!tpu.dma_semaphore, #tpu.memory_space<semaphore_mem>>)
      %dma_wait3A_192 = tpu.memref_slice %arg21[%add3A_80] : memref<10000xf32, #tpu.memory_space<vmem_shared>> -> memref<40xf32, #tpu.memory_space<vmem_shared>>
      %dma_wait3A_193 = tpu.memref_slice %arg21[%add3A_80] : memref<10000xf32, #tpu.memory_space<vmem_shared>> -> memref<40xf32, #tpu.memory_space<vmem_shared>>
      tpu.wait_dma2 semaphore(%run_scoped3A : memref<!tpu.dma_semaphore, #tpu.memory_space<semaphore_mem>>) src(%arg13 : memref<40xf32, #tpu.memory_space<vmem>>) dst(%dma_wait3A_193 : memref<40xf32, #tpu.memory_space<vmem_shared>>)
      tpu.yield
    }) : () -> ()
    %add3A_81 = arith.constant 400 : i32
    %add3A_82 = arith.addi %mul3A_2, %add3A_81 : i32
    "tpu.region"() ({
      %run_scoped3A = tpu.sem_alloc : memref<!tpu.dma_semaphore, #tpu.memory_space<semaphore_mem>>
      %dma_start3A = tpu.memref_slice %arg21[%add3A_82] : memref<10000xf32, #tpu.memory_space<vmem_shared>> -> memref<40xf32, #tpu.memory_space<vmem_shared>>
      %dma_start3A_191 = tpu.memref_slice %arg21[%add3A_82] : memref<10000xf32, #tpu.memory_space<vmem_shared>> -> memref<40xf32, #tpu.memory_space<vmem_shared>>
      tpu.enqueue_dma source(%arg13 : memref<40xf32, #tpu.memory_space<vmem>>) target(%dma_start3A_191 : memref<40xf32, #tpu.memory_space<vmem_shared>>) target_semaphore(%run_scoped3A : memref<!tpu.dma_semaphore, #tpu.memory_space<semaphore_mem>>)
      %dma_wait3A_192 = tpu.memref_slice %arg21[%add3A_82] : memref<10000xf32, #tpu.memory_space<vmem_shared>> -> memref<40xf32, #tpu.memory_space<vmem_shared>>
      %dma_wait3A_193 = tpu.memref_slice %arg21[%add3A_82] : memref<10000xf32, #tpu.memory_space<vmem_shared>> -> memref<40xf32, #tpu.memory_space<vmem_shared>>
      tpu.wait_dma2 semaphore(%run_scoped3A : memref<!tpu.dma_semaphore, #tpu.memory_space<semaphore_mem>>) src(%arg13 : memref<40xf32, #tpu.memory_space<vmem>>) dst(%dma_wait3A_193 : memref<40xf32, #tpu.memory_space<vmem_shared>>)
      tpu.yield
    }) : () -> ()
    %add3A_83 = arith.constant 440 : i32
    %add3A_84 = arith.addi %mul3A_2, %add3A_83 : i32
    "tpu.region"() ({
      %run_scoped3A = tpu.sem_alloc : memref<!tpu.dma_semaphore, #tpu.memory_space<semaphore_mem>>
      %dma_start3A = tpu.memref_slice %arg21[%add3A_84] : memref<10000xf32, #tpu.memory_space<vmem_shared>> -> memref<40xf32, #tpu.memory_space<vmem_shared>>
      %dma_start3A_191 = tpu.memref_slice %arg21[%add3A_84] : memref<10000xf32, #tpu.memory_space<vmem_shared>> -> memref<40xf32, #tpu.memory_space<vmem_shared>>
      tpu.enqueue_dma source(%arg13 : memref<40xf32, #tpu.memory_space<vmem>>) target(%dma_start3A_191 : memref<40xf32, #tpu.memory_space<vmem_shared>>) target_semaphore(%run_scoped3A : memref<!tpu.dma_semaphore, #tpu.memory_space<semaphore_mem>>)
      %dma_wait3A_192 = tpu.memref_slice %arg21[%add3A_84] : memref<10000xf32, #tpu.memory_space<vmem_shared>> -> memref<40xf32, #tpu.memory_space<vmem_shared>>
      %dma_wait3A_193 = tpu.memref_slice %arg21[%add3A_84] : memref<10000xf32, #tpu.memory_space<vmem_shared>> -> memref<40xf32, #tpu.memory_space<vmem_shared>>
      tpu.wait_dma2 semaphore(%run_scoped3A : memref<!tpu.dma_semaphore, #tpu.memory_space<semaphore_mem>>) src(%arg13 : memref<40xf32, #tpu.memory_space<vmem>>) dst(%dma_wait3A_193 : memref<40xf32, #tpu.memory_space<vmem_shared>>)
      tpu.yield
    }) : () -> ()
    %add3A_85 = arith.constant 480 : i32
    %add3A_86 = arith.addi %mul3A_2, %add3A_85 : i32
    "tpu.region"() ({
      %run_scoped3A = tpu.sem_alloc : memref<!tpu.dma_semaphore, #tpu.memory_space<semaphore_mem>>
      %dma_start3A = tpu.memref_slice %arg21[%add3A_86] : memref<10000xf32, #tpu.memory_space<vmem_shared>> -> memref<40xf32, #tpu.memory_space<vmem_shared>>
      %dma_start3A_191 = tpu.memref_slice %arg21[%add3A_86] : memref<10000xf32, #tpu.memory_space<vmem_shared>> -> memref<40xf32, #tpu.memory_space<vmem_shared>>
      tpu.enqueue_dma source(%arg13 : memref<40xf32, #tpu.memory_space<vmem>>) target(%dma_start3A_191 : memref<40xf32, #tpu.memory_space<vmem_shared>>) target_semaphore(%run_scoped3A : memref<!tpu.dma_semaphore, #tpu.memory_space<semaphore_mem>>)
      %dma_wait3A_192 = tpu.memref_slice %arg21[%add3A_86] : memref<10000xf32, #tpu.memory_space<vmem_shared>> -> memref<40xf32, #tpu.memory_space<vmem_shared>>
      %dma_wait3A_193 = tpu.memref_slice %arg21[%add3A_86] : memref<10000xf32, #tpu.memory_space<vmem_shared>> -> memref<40xf32, #tpu.memory_space<vmem_shared>>
      tpu.wait_dma2 semaphore(%run_scoped3A : memref<!tpu.dma_semaphore, #tpu.memory_space<semaphore_mem>>) src(%arg13 : memref<40xf32, #tpu.memory_space<vmem>>) dst(%dma_wait3A_193 : memref<40xf32, #tpu.memory_space<vmem_shared>>)
      tpu.yield
    }) : () -> ()
    %add3A_87 = arith.constant 520 : i32
    %add3A_88 = arith.addi %mul3A_2, %add3A_87 : i32
    "tpu.region"() ({
      %run_scoped3A = tpu.sem_alloc : memref<!tpu.dma_semaphore, #tpu.memory_space<semaphore_mem>>
      %dma_start3A = tpu.memref_slice %arg21[%add3A_88] : memref<10000xf32, #tpu.memory_space<vmem_shared>> -> memref<40xf32, #tpu.memory_space<vmem_shared>>
      %dma_start3A_191 = tpu.memref_slice %arg21[%add3A_88] : memref<10000xf32, #tpu.memory_space<vmem_shared>> -> memref<40xf32, #tpu.memory_space<vmem_shared>>
      tpu.enqueue_dma source(%arg13 : memref<40xf32, #tpu.memory_space<vmem>>) target(%dma_start3A_191 : memref<40xf32, #tpu.memory_space<vmem_shared>>) target_semaphore(%run_scoped3A : memref<!tpu.dma_semaphore, #tpu.memory_space<semaphore_mem>>)
      %dma_wait3A_192 = tpu.memref_slice %arg21[%add3A_88] : memref<10000xf32, #tpu.memory_space<vmem_shared>> -> memref<40xf32, #tpu.memory_space<vmem_shared>>
      %dma_wait3A_193 = tpu.memref_slice %arg21[%add3A_88] : memref<10000xf32, #tpu.memory_space<vmem_shared>> -> memref<40xf32, #tpu.memory_space<vmem_shared>>
      tpu.wait_dma2 semaphore(%run_scoped3A : memref<!tpu.dma_semaphore, #tpu.memory_space<semaphore_mem>>) src(%arg13 : memref<40xf32, #tpu.memory_space<vmem>>) dst(%dma_wait3A_193 : memref<40xf32, #tpu.memory_space<vmem_shared>>)
      tpu.yield
    }) : () -> ()
    %add3A_89 = arith.constant 560 : i32
    %add3A_90 = arith.addi %mul3A_2, %add3A_89 : i32
    "tpu.region"() ({
      %run_scoped3A = tpu.sem_alloc : memref<!tpu.dma_semaphore, #tpu.memory_space<semaphore_mem>>
      %dma_start3A = tpu.memref_slice %arg21[%add3A_90] : memref<10000xf32, #tpu.memory_space<vmem_shared>> -> memref<40xf32, #tpu.memory_space<vmem_shared>>
      %dma_start3A_191 = tpu.memref_slice %arg21[%add3A_90] : memref<10000xf32, #tpu.memory_space<vmem_shared>> -> memref<40xf32, #tpu.memory_space<vmem_shared>>
      tpu.enqueue_dma source(%arg13 : memref<40xf32, #tpu.memory_space<vmem>>) target(%dma_start3A_191 : memref<40xf32, #tpu.memory_space<vmem_shared>>) target_semaphore(%run_scoped3A : memref<!tpu.dma_semaphore, #tpu.memory_space<semaphore_mem>>)
      %dma_wait3A_192 = tpu.memref_slice %arg21[%add3A_90] : memref<10000xf32, #tpu.memory_space<vmem_shared>> -> memref<40xf32, #tpu.memory_space<vmem_shared>>
      %dma_wait3A_193 = tpu.memref_slice %arg21[%add3A_90] : memref<10000xf32, #tpu.memory_space<vmem_shared>> -> memref<40xf32, #tpu.memory_space<vmem_shared>>
      tpu.wait_dma2 semaphore(%run_scoped3A : memref<!tpu.dma_semaphore, #tpu.memory_space<semaphore_mem>>) src(%arg13 : memref<40xf32, #tpu.memory_space<vmem>>) dst(%dma_wait3A_193 : memref<40xf32, #tpu.memory_space<vmem_shared>>)
      tpu.yield
    }) : () -> ()
    %add3A_91 = arith.constant 600 : i32
    %add3A_92 = arith.addi %mul3A_2, %add3A_91 : i32
    "tpu.region"() ({
      %run_scoped3A = tpu.sem_alloc : memref<!tpu.dma_semaphore, #tpu.memory_space<semaphore_mem>>
      %dma_start3A = arith.constant 0 : i32
      %dma_start3A_191 = tpu.memref_slice %arg13[%dma_start3A] : memref<40xf32, #tpu.memory_space<vmem>> -> memref<24xf32, #tpu.memory_space<vmem>>
      %dma_start3A_192 = tpu.memref_slice %arg21[%add3A_92] : memref<10000xf32, #tpu.memory_space<vmem_shared>> -> memref<24xf32, #tpu.memory_space<vmem_shared>>
      %dma_start3A_193 = tpu.memref_slice %arg21[%add3A_92] : memref<10000xf32, #tpu.memory_space<vmem_shared>> -> memref<24xf32, #tpu.memory_space<vmem_shared>>
      %dma_start3A_194 = arith.constant 0 : i32
      %dma_start3A_195 = tpu.memref_slice %arg13[%dma_start3A_194] : memref<40xf32, #tpu.memory_space<vmem>> -> memref<24xf32, #tpu.memory_space<vmem>>
      tpu.enqueue_dma source(%dma_start3A_195 : memref<24xf32, #tpu.memory_space<vmem>>) target(%dma_start3A_193 : memref<24xf32, #tpu.memory_space<vmem_shared>>) target_semaphore(%run_scoped3A : memref<!tpu.dma_semaphore, #tpu.memory_space<semaphore_mem>>)
      %dma_wait3A_196 = arith.constant 0 : i32
      %dma_wait3A_197 = tpu.memref_slice %arg13[%dma_wait3A_196] : memref<40xf32, #tpu.memory_space<vmem>> -> memref<24xf32, #tpu.memory_space<vmem>>
      %dma_wait3A_198 = tpu.memref_slice %arg21[%add3A_92] : memref<10000xf32, #tpu.memory_space<vmem_shared>> -> memref<24xf32, #tpu.memory_space<vmem_shared>>
      %dma_wait3A_199 = tpu.memref_slice %arg21[%add3A_92] : memref<10000xf32, #tpu.memory_space<vmem_shared>> -> memref<24xf32, #tpu.memory_space<vmem_shared>>
      %dma_wait3A_200 = arith.constant 0 : i32
      %dma_wait3A_201 = tpu.memref_slice %arg13[%dma_wait3A_200] : memref<40xf32, #tpu.memory_space<vmem>> -> memref<24xf32, #tpu.memory_space<vmem>>
      tpu.wait_dma2 semaphore(%run_scoped3A : memref<!tpu.dma_semaphore, #tpu.memory_space<semaphore_mem>>) src(%dma_wait3A_201 : memref<24xf32, #tpu.memory_space<vmem>>) dst(%dma_wait3A_199 : memref<24xf32, #tpu.memory_space<vmem_shared>>)
      tpu.yield
    }) : () -> ()
    %eq3A_93 = arith.constant 15 : i32
    %eq3A_94 = arith.cmpi eq, %arg1, %eq3A_93 : i32
    %convert_element_type3A_95 = arith.extui %eq3A_94 : i1 to i32
    %cond3A_96 = arith.constant 0 : i32
    %cond3A_97 = arith.cmpi ne, %convert_element_type3A_95, %cond3A_96 : i32
    scf.if %cond3A_97 {
      "tpu.region"() ({
        %run_scoped3A = tpu.sem_alloc : memref<!tpu.dma_semaphore, #tpu.memory_space<semaphore_mem>>
        %dma_start3A = arith.constant 0 : i32
        %dma_start3A_191 = tpu.memref_slice %arg13[%dma_start3A] : memref<40xf32, #tpu.memory_space<vmem>> -> memref<16xf32, #tpu.memory_space<vmem>>
        %dma_start3A_192 = arith.constant 9984 : i32
        %dma_start3A_193 = tpu.memref_slice %arg21[%dma_start3A_192] : memref<10000xf32, #tpu.memory_space<vmem_shared>> -> memref<16xf32, #tpu.memory_space<vmem_shared>>
        %dma_start3A_194 = arith.constant 9984 : i32
        %dma_start3A_195 = tpu.memref_slice %arg21[%dma_start3A_194] : memref<10000xf32, #tpu.memory_space<vmem_shared>> -> memref<16xf32, #tpu.memory_space<vmem_shared>>
        %dma_start3A_196 = arith.constant 0 : i32
        %dma_start3A_197 = tpu.memref_slice %arg13[%dma_start3A_196] : memref<40xf32, #tpu.memory_space<vmem>> -> memref<16xf32, #tpu.memory_space<vmem>>
        tpu.enqueue_dma source(%dma_start3A_197 : memref<16xf32, #tpu.memory_space<vmem>>) target(%dma_start3A_195 : memref<16xf32, #tpu.memory_space<vmem_shared>>) target_semaphore(%run_scoped3A : memref<!tpu.dma_semaphore, #tpu.memory_space<semaphore_mem>>)
        %dma_wait3A_198 = arith.constant 0 : i32
        %dma_wait3A_199 = tpu.memref_slice %arg13[%dma_wait3A_198] : memref<40xf32, #tpu.memory_space<vmem>> -> memref<16xf32, #tpu.memory_space<vmem>>
        %dma_wait3A_200 = arith.constant 9984 : i32
        %dma_wait3A_201 = tpu.memref_slice %arg21[%dma_wait3A_200] : memref<10000xf32, #tpu.memory_space<vmem_shared>> -> memref<16xf32, #tpu.memory_space<vmem_shared>>
        %dma_wait3A_202 = arith.constant 9984 : i32
        %dma_wait3A_203 = tpu.memref_slice %arg21[%dma_wait3A_202] : memref<10000xf32, #tpu.memory_space<vmem_shared>> -> memref<16xf32, #tpu.memory_space<vmem_shared>>
        %dma_wait3A_204 = arith.constant 0 : i32
        %dma_wait3A_205 = tpu.memref_slice %arg13[%dma_wait3A_204] : memref<40xf32, #tpu.memory_space<vmem>> -> memref<16xf32, #tpu.memory_space<vmem>>
        tpu.wait_dma2 semaphore(%run_scoped3A : memref<!tpu.dma_semaphore, #tpu.memory_space<semaphore_mem>>) src(%dma_wait3A_205 : memref<16xf32, #tpu.memory_space<vmem>>) dst(%dma_wait3A_203 : memref<16xf32, #tpu.memory_space<vmem_shared>>)
        tpu.yield
      }) : () -> ()
    } else {
    }
    %broadcast_in_dim3A_98 = arith.constant 1.000000e+00 : f32
    %broadcast_in_dim3A_99 = vector.broadcast %broadcast_in_dim3A_98 : f32 to vector<16xf32>
    %swap3A_100 = arith.constant 0 : index
    %swap3A_101 = tpu.vector_load %arg13[%swap3A_100] {strides = array<i32>} : memref<40xf32, #tpu.memory_space<vmem>>, vector<16xf32>,
    %swap3A_102 = vector.shape_cast %swap3A_101 : vector<16xf32> to vector<16xf32>
    %swap3A_103 = vector.shape_cast %broadcast_in_dim3A_99 : vector<16xf32> to vector<16xf32>
    tpu.vector_store %arg13[%swap3A_100], %swap3A_103 {strides = array<i32>} : memref<40xf32, #tpu.memory_space<vmem>>, vector<16xf32>,
    %broadcast_in_dim3A_104 = arith.constant 1.000000e+00 : f32
    %broadcast_in_dim3A_105 = vector.broadcast %broadcast_in_dim3A_104 : f32 to vector<16xf32>
    %swap3A_106 = arith.constant 16 : index
    %swap3A_107 = tpu.vector_load %arg13[%swap3A_106] {strides = array<i32>} : memref<40xf32, #tpu.memory_space<vmem>>, vector<16xf32>,
    %swap3A_108 = vector.shape_cast %swap3A_107 : vector<16xf32> to vector<16xf32>
    %swap3A_109 = vector.shape_cast %broadcast_in_dim3A_105 : vector<16xf32> to vector<16xf32>
    tpu.vector_store %arg13[%swap3A_106], %swap3A_109 {strides = array<i32>} : memref<40xf32, #tpu.memory_space<vmem>>, vector<16xf32>,
    %broadcast_in_dim3A_110 = arith.constant 1.000000e+00 : f32
    %broadcast_in_dim3A_111 = vector.broadcast %broadcast_in_dim3A_110 : f32 to vector<16xf32>
    %swap3A_112 = arith.constant 24 : index
    %swap3A_113 = tpu.vector_load %arg13[%swap3A_112] {strides = array<i32>} : memref<40xf32, #tpu.memory_space<vmem>>, vector<16xf32>,
    %swap3A_114 = vector.shape_cast %swap3A_113 : vector<16xf32> to vector<16xf32>
    %swap3A_115 = vector.shape_cast %broadcast_in_dim3A_111 : vector<16xf32> to vector<16xf32>
    tpu.vector_store %arg13[%swap3A_112], %swap3A_115 {strides = array<i32>} : memref<40xf32, #tpu.memory_space<vmem>>, vector<16xf32>,
    "tpu.region"() ({
      %run_scoped3A = tpu.sem_alloc : memref<!tpu.dma_semaphore, #tpu.memory_space<semaphore_mem>>
      %dma_start3A = tpu.memref_slice %arg3[%mul3A_4] : memref<320000xi32, #tpu.memory_space<hbm>> -> memref<10000xi32, #tpu.memory_space<hbm>>
      %dma_start3A_191 = tpu.memref_slice %arg3[%mul3A_4] : memref<320000xi32, #tpu.memory_space<hbm>> -> memref<10000xi32, #tpu.memory_space<hbm>>
      tpu.enqueue_dma source(%dma_start3A_191 : memref<10000xi32, #tpu.memory_space<hbm>>) target(%arg7 : memref<10000xi32, #tpu.memory_space<vmem>>) target_semaphore(%run_scoped3A : memref<!tpu.dma_semaphore, #tpu.memory_space<semaphore_mem>>)
      %dma_wait3A_192 = tpu.memref_slice %arg3[%mul3A_4] : memref<320000xi32, #tpu.memory_space<hbm>> -> memref<10000xi32, #tpu.memory_space<hbm>>
      %dma_wait3A_193 = tpu.memref_slice %arg3[%mul3A_4] : memref<320000xi32, #tpu.memory_space<hbm>> -> memref<10000xi32, #tpu.memory_space<hbm>>
      tpu.wait_dma2 semaphore(%run_scoped3A : memref<!tpu.dma_semaphore, #tpu.memory_space<semaphore_mem>>) src(%dma_wait3A_193 : memref<10000xi32, #tpu.memory_space<hbm>>) dst(%arg7 : memref<10000xi32, #tpu.memory_space<vmem>>)
      tpu.yield
    }) : () -> ()
    %barrier3A = arith.constant 0 : index
    tpu.barrier barrier_id(%barrier3A)
    %scan3A_116 = arith.constant 0 : i32
    %scan3A_117 = arith.constant 0 : i32
    %scan3A_118 = arith.constant 50 : i32
    %scan3A_119 = arith.addi %scan3A_117, %scan3A_118 : i32
    %scan3A_120 = arith.constant 1 : i32
    %scan3A_121 = scf.for %scan3A_191 = %scan3A_117 to %scan3A_119 step %scan3A_120 iter_args(%scan3A_192 = %scan3A_116) -> (i32)  : i32 {
      %mul3A_193 = arith.constant 5 : i32
      %mul3A_194 = arith.muli %scan3A_191, %mul3A_193 : i32
      %add3A_195 = arith.constant 0 : i32
      %add3A_196 = arith.addi %mul3A_194, %add3A_195 : i32
      %gt3A = arith.constant 0 : i32
      %gt3A_197 = arith.cmpi sgt, %scan3A_191, %gt3A : i32
      %convert_element_type3A_198 = arith.extui %gt3A_197 : i1 to i32
      %cond3A_199 = arith.constant 0 : i32
      %cond3A_200 = arith.cmpi ne, %convert_element_type3A_198, %cond3A_199 : i32
      scf.if %cond3A_200 {
        %dma_wait3A_482 = arith.constant 0 : i32
        %dma_wait3A_483 = arith.constant 0 : i32
        %dma_wait3A_484 = arith.constant 0 : i32
        %dma_wait3A_485 = tpu.memref_slice %arg20[%dma_wait3A_483, %dma_wait3A_484] : memref<10000x128xf32, #tpu.memory_space<vmem_shared>> -> memref<10000x128xf32, #tpu.memory_space<vmem_shared>>
        %dma_wait3A_486 = tpu.memref_slice %arg23[%dma_wait3A_482] : memref<5x!tpu.dma_semaphore, #tpu.memory_space<semaphore_mem>> -> memref<1x!tpu.dma_semaphore, #tpu.memory_space<semaphore_mem>>
        %dma_wait3A_487 = tpu.memref_squeeze %dma_wait3A_486 : memref<1x!tpu.dma_semaphore, #tpu.memory_space<semaphore_mem>> -> memref<!tpu.dma_semaphore, #tpu.memory_space<semaphore_mem>>
        tpu.wait_indirect_dma semaphore(%dma_wait3A_487 : memref<!tpu.dma_semaphore, #tpu.memory_space<semaphore_mem>>) src(%arg15 : memref<40x128xf32, #tpu.memory_space<vmem>>) dst(%dma_wait3A_485 : memref<10000x128xf32, #tpu.memory_space<vmem_shared>>)
        %dma_wait3A_488 = arith.constant 0 : i32
        %dma_wait3A_489 = arith.constant 0 : i32
        %dma_wait3A_490 = tpu.memref_slice %arg21[%dma_wait3A_489] : memref<10000xf32, #tpu.memory_space<vmem_shared>> -> memref<10000xf32, #tpu.memory_space<vmem_shared>>
        %dma_wait3A_491 = tpu.memref_slice %arg25[%dma_wait3A_488] : memref<5x!tpu.dma_semaphore, #tpu.memory_space<semaphore_mem>> -> memref<1x!tpu.dma_semaphore, #tpu.memory_space<semaphore_mem>>
        %dma_wait3A_492 = tpu.memref_squeeze %dma_wait3A_491 : memref<1x!tpu.dma_semaphore, #tpu.memory_space<semaphore_mem>> -> memref<!tpu.dma_semaphore, #tpu.memory_space<semaphore_mem>>
        tpu.wait_indirect_dma semaphore(%dma_wait3A_492 : memref<!tpu.dma_semaphore, #tpu.memory_space<semaphore_mem>>) src(%arg13 : memref<40xf32, #tpu.memory_space<vmem>>) dst(%dma_wait3A_490 : memref<10000xf32, #tpu.memory_space<vmem_shared>>)
      } else {
      }
      %mul3A_201 = arith.constant 40 : i32
      %mul3A_202 = arith.muli %add3A_196, %mul3A_201 : i32
      %add3A_203 = arith.addi %mul3A_4, %mul3A_202 : i32
      %dma_start3A = arith.constant 0 : i32
      %dma_start3A_204 = tpu.memref_slice %arg4[%add3A_203] : memref<320000xi32, #tpu.memory_space<hbm>> -> memref<40xi32, #tpu.memory_space<hbm>>
      %dma_start3A_205 = tpu.memref_slice %arg24[%dma_start3A] : memref<5x!tpu.dma_semaphore, #tpu.memory_space<semaphore_mem>> -> memref<1x!tpu.dma_semaphore, #tpu.memory_space<semaphore_mem>>
      %dma_start3A_206 = tpu.memref_squeeze %dma_start3A_205 : memref<1x!tpu.dma_semaphore, #tpu.memory_space<semaphore_mem>> -> memref<!tpu.dma_semaphore, #tpu.memory_space<semaphore_mem>>
      %dma_start3A_207 = tpu.memref_slice %arg4[%add3A_203] : memref<320000xi32, #tpu.memory_space<hbm>> -> memref<40xi32, #tpu.memory_space<hbm>>
      tpu.enqueue_dma source(%dma_start3A_207 : memref<40xi32, #tpu.memory_space<hbm>>) target(%arg8 : memref<40xi32, #tpu.memory_space<vmem>>) target_semaphore(%dma_start3A_206 : memref<!tpu.dma_semaphore, #tpu.memory_space<semaphore_mem>>)
      %mul3A_208 = arith.constant 40 : i32
      %mul3A_209 = arith.muli %add3A_196, %mul3A_208 : i32
      %dma_start3A_210 = arith.constant 0 : i32
      %dma_start3A_211 = tpu.memref_slice %arg7[%mul3A_209] : memref<10000xi32, #tpu.memory_space<vmem>> -> memref<40xi32, #tpu.memory_space<vmem>>
      %dma_start3A_212 = arith.constant 0 : i32
      %dma_start3A_213 = arith.constant 0 : i32
      %dma_start3A_214 = tpu.memref_slice %arg2[%dma_start3A_212, %dma_start3A_213] : memref<10000x128xf32, #tpu.memory_space<hbm>> -> memref<10000x128xf32, #tpu.memory_space<hbm>>
      %dma_start3A_215 = tpu.memref_slice %arg22[%dma_start3A_210] : memref<5x!tpu.dma_semaphore, #tpu.memory_space<semaphore_mem>> -> memref<1x!tpu.dma_semaphore, #tpu.memory_space<semaphore_mem>>
      %dma_start3A_216 = tpu.memref_squeeze %dma_start3A_215 : memref<1x!tpu.dma_semaphore, #tpu.memory_space<semaphore_mem>> -> memref<!tpu.dma_semaphore, #tpu.memory_space<semaphore_mem>>
      tpu.enqueue_indirect_dma source(%dma_start3A_214 : memref<10000x128xf32, #tpu.memory_space<hbm>>) target(%arg15 : memref<40x128xf32, #tpu.memory_space<vmem>>) offsets(%dma_start3A_211 : memref<40xi32, #tpu.memory_space<vmem>>) semaphore(%dma_start3A_216 : memref<!tpu.dma_semaphore, #tpu.memory_space<semaphore_mem>>)
      %mul3A_217 = arith.constant 5 : i32
      %mul3A_218 = arith.muli %scan3A_191, %mul3A_217 : i32
      %add3A_219 = arith.constant 1 : i32
      %add3A_220 = arith.addi %mul3A_218, %add3A_219 : i32
      %gt3A_221 = arith.constant 0 : i32
      %gt3A_222 = arith.cmpi sgt, %scan3A_191, %gt3A_221 : i32
      %convert_element_type3A_223 = arith.extui %gt3A_222 : i1 to i32
      %cond3A_224 = arith.constant 0 : i32
      %cond3A_225 = arith.cmpi ne, %convert_element_type3A_223, %cond3A_224 : i32
      scf.if %cond3A_225 {
        %dma_wait3A_482 = arith.constant 1 : i32
        %dma_wait3A_483 = arith.constant 0 : i32
        %dma_wait3A_484 = arith.constant 0 : i32
        %dma_wait3A_485 = tpu.memref_slice %arg20[%dma_wait3A_483, %dma_wait3A_484] : memref<10000x128xf32, #tpu.memory_space<vmem_shared>> -> memref<10000x128xf32, #tpu.memory_space<vmem_shared>>
        %dma_wait3A_486 = tpu.memref_slice %arg23[%dma_wait3A_482] : memref<5x!tpu.dma_semaphore, #tpu.memory_space<semaphore_mem>> -> memref<1x!tpu.dma_semaphore, #tpu.memory_space<semaphore_mem>>
        %dma_wait3A_487 = tpu.memref_squeeze %dma_wait3A_486 : memref<1x!tpu.dma_semaphore, #tpu.memory_space<semaphore_mem>> -> memref<!tpu.dma_semaphore, #tpu.memory_space<semaphore_mem>>
        tpu.wait_indirect_dma semaphore(%dma_wait3A_487 : memref<!tpu.dma_semaphore, #tpu.memory_space<semaphore_mem>>) src(%arg16 : memref<40x128xf32, #tpu.memory_space<vmem>>) dst(%dma_wait3A_485 : memref<10000x128xf32, #tpu.memory_space<vmem_shared>>)
        %dma_wait3A_488 = arith.constant 1 : i32
        %dma_wait3A_489 = arith.constant 0 : i32
        %dma_wait3A_490 = tpu.memref_slice %arg21[%dma_wait3A_489] : memref<10000xf32, #tpu.memory_space<vmem_shared>> -> memref<10000xf32, #tpu.memory_space<vmem_shared>>
        %dma_wait3A_491 = tpu.memref_slice %arg25[%dma_wait3A_488] : memref<5x!tpu.dma_semaphore, #tpu.memory_space<semaphore_mem>> -> memref<1x!tpu.dma_semaphore, #tpu.memory_space<semaphore_mem>>
        %dma_wait3A_492 = tpu.memref_squeeze %dma_wait3A_491 : memref<1x!tpu.dma_semaphore, #tpu.memory_space<semaphore_mem>> -> memref<!tpu.dma_semaphore, #tpu.memory_space<semaphore_mem>>
        tpu.wait_indirect_dma semaphore(%dma_wait3A_492 : memref<!tpu.dma_semaphore, #tpu.memory_space<semaphore_mem>>) src(%arg13 : memref<40xf32, #tpu.memory_space<vmem>>) dst(%dma_wait3A_490 : memref<10000xf32, #tpu.memory_space<vmem_shared>>)
      } else {
      }
      %mul3A_226 = arith.constant 40 : i32
      %mul3A_227 = arith.muli %add3A_220, %mul3A_226 : i32
      %add3A_228 = arith.addi %mul3A_4, %mul3A_227 : i32
      %dma_start3A_229 = arith.constant 1 : i32
      %dma_start3A_230 = tpu.memref_slice %arg4[%add3A_228] : memref<320000xi32, #tpu.memory_space<hbm>> -> memref<40xi32, #tpu.memory_space<hbm>>
      %dma_start3A_231 = tpu.memref_slice %arg24[%dma_start3A_229] : memref<5x!tpu.dma_semaphore, #tpu.memory_space<semaphore_mem>> -> memref<1x!tpu.dma_semaphore, #tpu.memory_space<semaphore_mem>>
      %dma_start3A_232 = tpu.memref_squeeze %dma_start3A_231 : memref<1x!tpu.dma_semaphore, #tpu.memory_space<semaphore_mem>> -> memref<!tpu.dma_semaphore, #tpu.memory_space<semaphore_mem>>
      %dma_start3A_233 = tpu.memref_slice %arg4[%add3A_228] : memref<320000xi32, #tpu.memory_space<hbm>> -> memref<40xi32, #tpu.memory_space<hbm>>
      tpu.enqueue_dma source(%dma_start3A_233 : memref<40xi32, #tpu.memory_space<hbm>>) target(%arg9 : memref<40xi32, #tpu.memory_space<vmem>>) target_semaphore(%dma_start3A_232 : memref<!tpu.dma_semaphore, #tpu.memory_space<semaphore_mem>>)
      %mul3A_234 = arith.constant 40 : i32
      %mul3A_235 = arith.muli %add3A_220, %mul3A_234 : i32
      %dma_start3A_236 = arith.constant 1 : i32
      %dma_start3A_237 = tpu.memref_slice %arg7[%mul3A_235] : memref<10000xi32, #tpu.memory_space<vmem>> -> memref<40xi32, #tpu.memory_space<vmem>>
      %dma_start3A_238 = arith.constant 0 : i32
      %dma_start3A_239 = arith.constant 0 : i32
      %dma_start3A_240 = tpu.memref_slice %arg2[%dma_start3A_238, %dma_start3A_239] : memref<10000x128xf32, #tpu.memory_space<hbm>> -> memref<10000x128xf32, #tpu.memory_space<hbm>>
      %dma_start3A_241 = tpu.memref_slice %arg22[%dma_start3A_236] : memref<5x!tpu.dma_semaphore, #tpu.memory_space<semaphore_mem>> -> memref<1x!tpu.dma_semaphore, #tpu.memory_space<semaphore_mem>>
      %dma_start3A_242 = tpu.memref_squeeze %dma_start3A_241 : memref<1x!tpu.dma_semaphore, #tpu.memory_space<semaphore_mem>> -> memref<!tpu.dma_semaphore, #tpu.memory_space<semaphore_mem>>
      tpu.enqueue_indirect_dma source(%dma_start3A_240 : memref<10000x128xf32, #tpu.memory_space<hbm>>) target(%arg16 : memref<40x128xf32, #tpu.memory_space<vmem>>) offsets(%dma_start3A_237 : memref<40xi32, #tpu.memory_space<vmem>>) semaphore(%dma_start3A_242 : memref<!tpu.dma_semaphore, #tpu.memory_space<semaphore_mem>>)
      %mul3A_243 = arith.constant 5 : i32
      %mul3A_244 = arith.muli %scan3A_191, %mul3A_243 : i32
      %add3A_245 = arith.constant 2 : i32
      %add3A_246 = arith.addi %mul3A_244, %add3A_245 : i32
      %gt3A_247 = arith.constant 0 : i32
      %gt3A_248 = arith.cmpi sgt, %scan3A_191, %gt3A_247 : i32
      %convert_element_type3A_249 = arith.extui %gt3A_248 : i1 to i32
      %cond3A_250 = arith.constant 0 : i32
      %cond3A_251 = arith.cmpi ne, %convert_element_type3A_249, %cond3A_250 : i32
      scf.if %cond3A_251 {
        %dma_wait3A_482 = arith.constant 2 : i32
        %dma_wait3A_483 = arith.constant 0 : i32
        %dma_wait3A_484 = arith.constant 0 : i32
        %dma_wait3A_485 = tpu.memref_slice %arg20[%dma_wait3A_483, %dma_wait3A_484] : memref<10000x128xf32, #tpu.memory_space<vmem_shared>> -> memref<10000x128xf32, #tpu.memory_space<vmem_shared>>
        %dma_wait3A_486 = tpu.memref_slice %arg23[%dma_wait3A_482] : memref<5x!tpu.dma_semaphore, #tpu.memory_space<semaphore_mem>> -> memref<1x!tpu.dma_semaphore, #tpu.memory_space<semaphore_mem>>
        %dma_wait3A_487 = tpu.memref_squeeze %dma_wait3A_486 : memref<1x!tpu.dma_semaphore, #tpu.memory_space<semaphore_mem>> -> memref<!tpu.dma_semaphore, #tpu.memory_space<semaphore_mem>>
        tpu.wait_indirect_dma semaphore(%dma_wait3A_487 : memref<!tpu.dma_semaphore, #tpu.memory_space<semaphore_mem>>) src(%arg17 : memref<40x128xf32, #tpu.memory_space<vmem>>) dst(%dma_wait3A_485 : memref<10000x128xf32, #tpu.memory_space<vmem_shared>>)
        %dma_wait3A_488 = arith.constant 2 : i32
        %dma_wait3A_489 = arith.constant 0 : i32
        %dma_wait3A_490 = tpu.memref_slice %arg21[%dma_wait3A_489] : memref<10000xf32, #tpu.memory_space<vmem_shared>> -> memref<10000xf32, #tpu.memory_space<vmem_shared>>
        %dma_wait3A_491 = tpu.memref_slice %arg25[%dma_wait3A_488] : memref<5x!tpu.dma_semaphore, #tpu.memory_space<semaphore_mem>> -> memref<1x!tpu.dma_semaphore, #tpu.memory_space<semaphore_mem>>
        %dma_wait3A_492 = tpu.memref_squeeze %dma_wait3A_491 : memref<1x!tpu.dma_semaphore, #tpu.memory_space<semaphore_mem>> -> memref<!tpu.dma_semaphore, #tpu.memory_space<semaphore_mem>>
        tpu.wait_indirect_dma semaphore(%dma_wait3A_492 : memref<!tpu.dma_semaphore, #tpu.memory_space<semaphore_mem>>) src(%arg13 : memref<40xf32, #tpu.memory_space<vmem>>) dst(%dma_wait3A_490 : memref<10000xf32, #tpu.memory_space<vmem_shared>>)
      } else {
      }
      %mul3A_252 = arith.constant 40 : i32
      %mul3A_253 = arith.muli %add3A_246, %mul3A_252 : i32
      %add3A_254 = arith.addi %mul3A_4, %mul3A_253 : i32
      %dma_start3A_255 = arith.constant 2 : i32
      %dma_start3A_256 = tpu.memref_slice %arg4[%add3A_254] : memref<320000xi32, #tpu.memory_space<hbm>> -> memref<40xi32, #tpu.memory_space<hbm>>
      %dma_start3A_257 = tpu.memref_slice %arg24[%dma_start3A_255] : memref<5x!tpu.dma_semaphore, #tpu.memory_space<semaphore_mem>> -> memref<1x!tpu.dma_semaphore, #tpu.memory_space<semaphore_mem>>
      %dma_start3A_258 = tpu.memref_squeeze %dma_start3A_257 : memref<1x!tpu.dma_semaphore, #tpu.memory_space<semaphore_mem>> -> memref<!tpu.dma_semaphore, #tpu.memory_space<semaphore_mem>>
      %dma_start3A_259 = tpu.memref_slice %arg4[%add3A_254] : memref<320000xi32, #tpu.memory_space<hbm>> -> memref<40xi32, #tpu.memory_space<hbm>>
      tpu.enqueue_dma source(%dma_start3A_259 : memref<40xi32, #tpu.memory_space<hbm>>) target(%arg10 : memref<40xi32, #tpu.memory_space<vmem>>) target_semaphore(%dma_start3A_258 : memref<!tpu.dma_semaphore, #tpu.memory_space<semaphore_mem>>)
      %mul3A_260 = arith.constant 40 : i32
      %mul3A_261 = arith.muli %add3A_246, %mul3A_260 : i32
      %dma_start3A_262 = arith.constant 2 : i32
      %dma_start3A_263 = tpu.memref_slice %arg7[%mul3A_261] : memref<10000xi32, #tpu.memory_space<vmem>> -> memref<40xi32, #tpu.memory_space<vmem>>
      %dma_start3A_264 = arith.constant 0 : i32
      %dma_start3A_265 = arith.constant 0 : i32
      %dma_start3A_266 = tpu.memref_slice %arg2[%dma_start3A_264, %dma_start3A_265] : memref<10000x128xf32, #tpu.memory_space<hbm>> -> memref<10000x128xf32, #tpu.memory_space<hbm>>
      %dma_start3A_267 = tpu.memref_slice %arg22[%dma_start3A_262] : memref<5x!tpu.dma_semaphore, #tpu.memory_space<semaphore_mem>> -> memref<1x!tpu.dma_semaphore, #tpu.memory_space<semaphore_mem>>
      %dma_start3A_268 = tpu.memref_squeeze %dma_start3A_267 : memref<1x!tpu.dma_semaphore, #tpu.memory_space<semaphore_mem>> -> memref<!tpu.dma_semaphore, #tpu.memory_space<semaphore_mem>>
      tpu.enqueue_indirect_dma source(%dma_start3A_266 : memref<10000x128xf32, #tpu.memory_space<hbm>>) target(%arg17 : memref<40x128xf32, #tpu.memory_space<vmem>>) offsets(%dma_start3A_263 : memref<40xi32, #tpu.memory_space<vmem>>) semaphore(%dma_start3A_268 : memref<!tpu.dma_semaphore, #tpu.memory_space<semaphore_mem>>)
      %mul3A_269 = arith.constant 5 : i32
      %mul3A_270 = arith.muli %scan3A_191, %mul3A_269 : i32
      %add3A_271 = arith.constant 3 : i32
      %add3A_272 = arith.addi %mul3A_270, %add3A_271 : i32
      %gt3A_273 = arith.constant 0 : i32
      %gt3A_274 = arith.cmpi sgt, %scan3A_191, %gt3A_273 : i32
      %convert_element_type3A_275 = arith.extui %gt3A_274 : i1 to i32
      %cond3A_276 = arith.constant 0 : i32
      %cond3A_277 = arith.cmpi ne, %convert_element_type3A_275, %cond3A_276 : i32
      scf.if %cond3A_277 {
        %dma_wait3A_482 = arith.constant 3 : i32
        %dma_wait3A_483 = arith.constant 0 : i32
        %dma_wait3A_484 = arith.constant 0 : i32
        %dma_wait3A_485 = tpu.memref_slice %arg20[%dma_wait3A_483, %dma_wait3A_484] : memref<10000x128xf32, #tpu.memory_space<vmem_shared>> -> memref<10000x128xf32, #tpu.memory_space<vmem_shared>>
        %dma_wait3A_486 = tpu.memref_slice %arg23[%dma_wait3A_482] : memref<5x!tpu.dma_semaphore, #tpu.memory_space<semaphore_mem>> -> memref<1x!tpu.dma_semaphore, #tpu.memory_space<semaphore_mem>>
        %dma_wait3A_487 = tpu.memref_squeeze %dma_wait3A_486 : memref<1x!tpu.dma_semaphore, #tpu.memory_space<semaphore_mem>> -> memref<!tpu.dma_semaphore, #tpu.memory_space<semaphore_mem>>
        tpu.wait_indirect_dma semaphore(%dma_wait3A_487 : memref<!tpu.dma_semaphore, #tpu.memory_space<semaphore_mem>>) src(%arg18 : memref<40x128xf32, #tpu.memory_space<vmem>>) dst(%dma_wait3A_485 : memref<10000x128xf32, #tpu.memory_space<vmem_shared>>)
        %dma_wait3A_488 = arith.constant 3 : i32
        %dma_wait3A_489 = arith.constant 0 : i32
        %dma_wait3A_490 = tpu.memref_slice %arg21[%dma_wait3A_489] : memref<10000xf32, #tpu.memory_space<vmem_shared>> -> memref<10000xf32, #tpu.memory_space<vmem_shared>>
        %dma_wait3A_491 = tpu.memref_slice %arg25[%dma_wait3A_488] : memref<5x!tpu.dma_semaphore, #tpu.memory_space<semaphore_mem>> -> memref<1x!tpu.dma_semaphore, #tpu.memory_space<semaphore_mem>>
        %dma_wait3A_492 = tpu.memref_squeeze %dma_wait3A_491 : memref<1x!tpu.dma_semaphore, #tpu.memory_space<semaphore_mem>> -> memref<!tpu.dma_semaphore, #tpu.memory_space<semaphore_mem>>
        tpu.wait_indirect_dma semaphore(%dma_wait3A_492 : memref<!tpu.dma_semaphore, #tpu.memory_space<semaphore_mem>>) src(%arg13 : memref<40xf32, #tpu.memory_space<vmem>>) dst(%dma_wait3A_490 : memref<10000xf32, #tpu.memory_space<vmem_shared>>)
      } else {
      }
      %mul3A_278 = arith.constant 40 : i32
      %mul3A_279 = arith.muli %add3A_272, %mul3A_278 : i32
      %add3A_280 = arith.addi %mul3A_4, %mul3A_279 : i32
      %dma_start3A_281 = arith.constant 3 : i32
      %dma_start3A_282 = tpu.memref_slice %arg4[%add3A_280] : memref<320000xi32, #tpu.memory_space<hbm>> -> memref<40xi32, #tpu.memory_space<hbm>>
      %dma_start3A_283 = tpu.memref_slice %arg24[%dma_start3A_281] : memref<5x!tpu.dma_semaphore, #tpu.memory_space<semaphore_mem>> -> memref<1x!tpu.dma_semaphore, #tpu.memory_space<semaphore_mem>>
      %dma_start3A_284 = tpu.memref_squeeze %dma_start3A_283 : memref<1x!tpu.dma_semaphore, #tpu.memory_space<semaphore_mem>> -> memref<!tpu.dma_semaphore, #tpu.memory_space<semaphore_mem>>
      %dma_start3A_285 = tpu.memref_slice %arg4[%add3A_280] : memref<320000xi32, #tpu.memory_space<hbm>> -> memref<40xi32, #tpu.memory_space<hbm>>
      tpu.enqueue_dma source(%dma_start3A_285 : memref<40xi32, #tpu.memory_space<hbm>>) target(%arg11 : memref<40xi32, #tpu.memory_space<vmem>>) target_semaphore(%dma_start3A_284 : memref<!tpu.dma_semaphore, #tpu.memory_space<semaphore_mem>>)
      %mul3A_286 = arith.constant 40 : i32
      %mul3A_287 = arith.muli %add3A_272, %mul3A_286 : i32
      %dma_start3A_288 = arith.constant 3 : i32
      %dma_start3A_289 = tpu.memref_slice %arg7[%mul3A_287] : memref<10000xi32, #tpu.memory_space<vmem>> -> memref<40xi32, #tpu.memory_space<vmem>>
      %dma_start3A_290 = arith.constant 0 : i32
      %dma_start3A_291 = arith.constant 0 : i32
      %dma_start3A_292 = tpu.memref_slice %arg2[%dma_start3A_290, %dma_start3A_291] : memref<10000x128xf32, #tpu.memory_space<hbm>> -> memref<10000x128xf32, #tpu.memory_space<hbm>>
      %dma_start3A_293 = tpu.memref_slice %arg22[%dma_start3A_288] : memref<5x!tpu.dma_semaphore, #tpu.memory_space<semaphore_mem>> -> memref<1x!tpu.dma_semaphore, #tpu.memory_space<semaphore_mem>>
      %dma_start3A_294 = tpu.memref_squeeze %dma_start3A_293 : memref<1x!tpu.dma_semaphore, #tpu.memory_space<semaphore_mem>> -> memref<!tpu.dma_semaphore, #tpu.memory_space<semaphore_mem>>
      tpu.enqueue_indirect_dma source(%dma_start3A_292 : memref<10000x128xf32, #tpu.memory_space<hbm>>) target(%arg18 : memref<40x128xf32, #tpu.memory_space<vmem>>) offsets(%dma_start3A_289 : memref<40xi32, #tpu.memory_space<vmem>>) semaphore(%dma_start3A_294 : memref<!tpu.dma_semaphore, #tpu.memory_space<semaphore_mem>>)
      %mul3A_295 = arith.constant 5 : i32
      %mul3A_296 = arith.muli %scan3A_191, %mul3A_295 : i32
      %add3A_297 = arith.constant 4 : i32
      %add3A_298 = arith.addi %mul3A_296, %add3A_297 : i32
      %gt3A_299 = arith.constant 0 : i32
      %gt3A_300 = arith.cmpi sgt, %scan3A_191, %gt3A_299 : i32
      %convert_element_type3A_301 = arith.extui %gt3A_300 : i1 to i32
      %cond3A_302 = arith.constant 0 : i32
      %cond3A_303 = arith.cmpi ne, %convert_element_type3A_301, %cond3A_302 : i32
      scf.if %cond3A_303 {
        %dma_wait3A_482 = arith.constant 4 : i32
        %dma_wait3A_483 = arith.constant 0 : i32
        %dma_wait3A_484 = arith.constant 0 : i32
        %dma_wait3A_485 = tpu.memref_slice %arg20[%dma_wait3A_483, %dma_wait3A_484] : memref<10000x128xf32, #tpu.memory_space<vmem_shared>> -> memref<10000x128xf32, #tpu.memory_space<vmem_shared>>
        %dma_wait3A_486 = tpu.memref_slice %arg23[%dma_wait3A_482] : memref<5x!tpu.dma_semaphore, #tpu.memory_space<semaphore_mem>> -> memref<1x!tpu.dma_semaphore, #tpu.memory_space<semaphore_mem>>
        %dma_wait3A_487 = tpu.memref_squeeze %dma_wait3A_486 : memref<1x!tpu.dma_semaphore, #tpu.memory_space<semaphore_mem>> -> memref<!tpu.dma_semaphore, #tpu.memory_space<semaphore_mem>>
        tpu.wait_indirect_dma semaphore(%dma_wait3A_487 : memref<!tpu.dma_semaphore, #tpu.memory_space<semaphore_mem>>) src(%arg19 : memref<40x128xf32, #tpu.memory_space<vmem>>) dst(%dma_wait3A_485 : memref<10000x128xf32, #tpu.memory_space<vmem_shared>>)
        %dma_wait3A_488 = arith.constant 4 : i32
        %dma_wait3A_489 = arith.constant 0 : i32
        %dma_wait3A_490 = tpu.memref_slice %arg21[%dma_wait3A_489] : memref<10000xf32, #tpu.memory_space<vmem_shared>> -> memref<10000xf32, #tpu.memory_space<vmem_shared>>
        %dma_wait3A_491 = tpu.memref_slice %arg25[%dma_wait3A_488] : memref<5x!tpu.dma_semaphore, #tpu.memory_space<semaphore_mem>> -> memref<1x!tpu.dma_semaphore, #tpu.memory_space<semaphore_mem>>
        %dma_wait3A_492 = tpu.memref_squeeze %dma_wait3A_491 : memref<1x!tpu.dma_semaphore, #tpu.memory_space<semaphore_mem>> -> memref<!tpu.dma_semaphore, #tpu.memory_space<semaphore_mem>>
        tpu.wait_indirect_dma semaphore(%dma_wait3A_492 : memref<!tpu.dma_semaphore, #tpu.memory_space<semaphore_mem>>) src(%arg13 : memref<40xf32, #tpu.memory_space<vmem>>) dst(%dma_wait3A_490 : memref<10000xf32, #tpu.memory_space<vmem_shared>>)
      } else {
      }
      %mul3A_304 = arith.constant 40 : i32
      %mul3A_305 = arith.muli %add3A_298, %mul3A_304 : i32
      %add3A_306 = arith.addi %mul3A_4, %mul3A_305 : i32
      %dma_start3A_307 = arith.constant 4 : i32
      %dma_start3A_308 = tpu.memref_slice %arg4[%add3A_306] : memref<320000xi32, #tpu.memory_space<hbm>> -> memref<40xi32, #tpu.memory_space<hbm>>
      %dma_start3A_309 = tpu.memref_slice %arg24[%dma_start3A_307] : memref<5x!tpu.dma_semaphore, #tpu.memory_space<semaphore_mem>> -> memref<1x!tpu.dma_semaphore, #tpu.memory_space<semaphore_mem>>
      %dma_start3A_310 = tpu.memref_squeeze %dma_start3A_309 : memref<1x!tpu.dma_semaphore, #tpu.memory_space<semaphore_mem>> -> memref<!tpu.dma_semaphore, #tpu.memory_space<semaphore_mem>>
      %dma_start3A_311 = tpu.memref_slice %arg4[%add3A_306] : memref<320000xi32, #tpu.memory_space<hbm>> -> memref<40xi32, #tpu.memory_space<hbm>>
      tpu.enqueue_dma source(%dma_start3A_311 : memref<40xi32, #tpu.memory_space<hbm>>) target(%arg12 : memref<40xi32, #tpu.memory_space<vmem>>) target_semaphore(%dma_start3A_310 : memref<!tpu.dma_semaphore, #tpu.memory_space<semaphore_mem>>)
      %mul3A_312 = arith.constant 40 : i32
      %mul3A_313 = arith.muli %add3A_298, %mul3A_312 : i32
      %dma_start3A_314 = arith.constant 4 : i32
      %dma_start3A_315 = tpu.memref_slice %arg7[%mul3A_313] : memref<10000xi32, #tpu.memory_space<vmem>> -> memref<40xi32, #tpu.memory_space<vmem>>
      %dma_start3A_316 = arith.constant 0 : i32
      %dma_start3A_317 = arith.constant 0 : i32
      %dma_start3A_318 = tpu.memref_slice %arg2[%dma_start3A_316, %dma_start3A_317] : memref<10000x128xf32, #tpu.memory_space<hbm>> -> memref<10000x128xf32, #tpu.memory_space<hbm>>
      %dma_start3A_319 = tpu.memref_slice %arg22[%dma_start3A_314] : memref<5x!tpu.dma_semaphore, #tpu.memory_space<semaphore_mem>> -> memref<1x!tpu.dma_semaphore, #tpu.memory_space<semaphore_mem>>
      %dma_start3A_320 = tpu.memref_squeeze %dma_start3A_319 : memref<1x!tpu.dma_semaphore, #tpu.memory_space<semaphore_mem>> -> memref<!tpu.dma_semaphore, #tpu.memory_space<semaphore_mem>>
      tpu.enqueue_indirect_dma source(%dma_start3A_318 : memref<10000x128xf32, #tpu.memory_space<hbm>>) target(%arg19 : memref<40x128xf32, #tpu.memory_space<vmem>>) offsets(%dma_start3A_315 : memref<40xi32, #tpu.memory_space<vmem>>) semaphore(%dma_start3A_320 : memref<!tpu.dma_semaphore, #tpu.memory_space<semaphore_mem>>)
      %mul3A_321 = arith.constant 5 : i32
      %mul3A_322 = arith.muli %scan3A_191, %mul3A_321 : i32
      %add3A_323 = arith.constant 0 : i32
      %add3A_324 = arith.addi %mul3A_322, %add3A_323 : i32
      %mul3A_325 = arith.constant 40 : i32
      %mul3A_326 = arith.muli %add3A_324, %mul3A_325 : i32
      %add3A_327 = arith.addi %mul3A_4, %mul3A_326 : i32
      %dma_wait3A_328 = arith.constant 0 : i32
      %dma_wait3A_329 = tpu.memref_slice %arg4[%add3A_327] : memref<320000xi32, #tpu.memory_space<hbm>> -> memref<40xi32, #tpu.memory_space<hbm>>
      %dma_wait3A_330 = tpu.memref_slice %arg24[%dma_wait3A_328] : memref<5x!tpu.dma_semaphore, #tpu.memory_space<semaphore_mem>> -> memref<1x!tpu.dma_semaphore, #tpu.memory_space<semaphore_mem>>
      %dma_wait3A_331 = tpu.memref_squeeze %dma_wait3A_330 : memref<1x!tpu.dma_semaphore, #tpu.memory_space<semaphore_mem>> -> memref<!tpu.dma_semaphore, #tpu.memory_space<semaphore_mem>>
      %dma_wait3A_332 = tpu.memref_slice %arg4[%add3A_327] : memref<320000xi32, #tpu.memory_space<hbm>> -> memref<40xi32, #tpu.memory_space<hbm>>
      tpu.wait_dma2 semaphore(%dma_wait3A_331 : memref<!tpu.dma_semaphore, #tpu.memory_space<semaphore_mem>>) src(%dma_wait3A_332 : memref<40xi32, #tpu.memory_space<hbm>>) dst(%arg8 : memref<40xi32, #tpu.memory_space<vmem>>)
      %mul3A_333 = arith.constant 40 : i32
      %mul3A_334 = arith.muli %add3A_324, %mul3A_333 : i32
      %dma_wait3A_335 = arith.constant 0 : i32
      %dma_wait3A_336 = tpu.memref_slice %arg7[%mul3A_334] : memref<10000xi32, #tpu.memory_space<vmem>> -> memref<40xi32, #tpu.memory_space<vmem>>
      %dma_wait3A_337 = arith.constant 0 : i32
      %dma_wait3A_338 = arith.constant 0 : i32
      %dma_wait3A_339 = tpu.memref_slice %arg2[%dma_wait3A_337, %dma_wait3A_338] : memref<10000x128xf32, #tpu.memory_space<hbm>> -> memref<10000x128xf32, #tpu.memory_space<hbm>>
      %dma_wait3A_340 = tpu.memref_slice %arg22[%dma_wait3A_335] : memref<5x!tpu.dma_semaphore, #tpu.memory_space<semaphore_mem>> -> memref<1x!tpu.dma_semaphore, #tpu.memory_space<semaphore_mem>>
      %dma_wait3A_341 = tpu.memref_squeeze %dma_wait3A_340 : memref<1x!tpu.dma_semaphore, #tpu.memory_space<semaphore_mem>> -> memref<!tpu.dma_semaphore, #tpu.memory_space<semaphore_mem>>
      tpu.wait_indirect_dma semaphore(%dma_wait3A_341 : memref<!tpu.dma_semaphore, #tpu.memory_space<semaphore_mem>>) src(%dma_wait3A_339 : memref<10000x128xf32, #tpu.memory_space<hbm>>) dst(%arg15 : memref<40x128xf32, #tpu.memory_space<vmem>>)
      %dma_start3A_342 = arith.constant 0 : i32
      %dma_start3A_343 = arith.constant 0 : i32
      %dma_start3A_344 = arith.constant 0 : i32
      %dma_start3A_345 = tpu.memref_slice %arg20[%dma_start3A_343, %dma_start3A_344] : memref<10000x128xf32, #tpu.memory_space<vmem_shared>> -> memref<10000x128xf32, #tpu.memory_space<vmem_shared>>
      %dma_start3A_346 = tpu.memref_slice %arg23[%dma_start3A_342] : memref<5x!tpu.dma_semaphore, #tpu.memory_space<semaphore_mem>> -> memref<1x!tpu.dma_semaphore, #tpu.memory_space<semaphore_mem>>
      %dma_start3A_347 = tpu.memref_squeeze %dma_start3A_346 : memref<1x!tpu.dma_semaphore, #tpu.memory_space<semaphore_mem>> -> memref<!tpu.dma_semaphore, #tpu.memory_space<semaphore_mem>>
      tpu.enqueue_indirect_dma source(%arg15 : memref<40x128xf32, #tpu.memory_space<vmem>>) target(%dma_start3A_345 : memref<10000x128xf32, #tpu.memory_space<vmem_shared>>) offsets(%arg8 : memref<40xi32, #tpu.memory_space<vmem>>) semaphore(%dma_start3A_347 : memref<!tpu.dma_semaphore, #tpu.memory_space<semaphore_mem>>) {add = true}
      %dma_start3A_348 = arith.constant 0 : i32
      %dma_start3A_349 = arith.constant 0 : i32
      %dma_start3A_350 = tpu.memref_slice %arg21[%dma_start3A_349] : memref<10000xf32, #tpu.memory_space<vmem_shared>> -> memref<10000xf32, #tpu.memory_space<vmem_shared>>
      %dma_start3A_351 = tpu.memref_slice %arg25[%dma_start3A_348] : memref<5x!tpu.dma_semaphore, #tpu.memory_space<semaphore_mem>> -> memref<1x!tpu.dma_semaphore, #tpu.memory_space<semaphore_mem>>
      %dma_start3A_352 = tpu.memref_squeeze %dma_start3A_351 : memref<1x!tpu.dma_semaphore, #tpu.memory_space<semaphore_mem>> -> memref<!tpu.dma_semaphore, #tpu.memory_space<semaphore_mem>>
      tpu.enqueue_indirect_dma source(%arg13 : memref<40xf32, #tpu.memory_space<vmem>>) target(%dma_start3A_350 : memref<10000xf32, #tpu.memory_space<vmem_shared>>) offsets(%arg8 : memref<40xi32, #tpu.memory_space<vmem>>) semaphore(%dma_start3A_352 : memref<!tpu.dma_semaphore, #tpu.memory_space<semaphore_mem>>) {add = true}
      %mul3A_353 = arith.constant 5 : i32
      %mul3A_354 = arith.muli %scan3A_191, %mul3A_353 : i32
      %add3A_355 = arith.constant 1 : i32
      %add3A_356 = arith.addi %mul3A_354, %add3A_355 : i32
      %mul3A_357 = arith.constant 40 : i32
      %mul3A_358 = arith.muli %add3A_356, %mul3A_357 : i32
      %add3A_359 = arith.addi %mul3A_4, %mul3A_358 : i32
      %dma_wait3A_360 = arith.constant 1 : i32
      %dma_wait3A_361 = tpu.memref_slice %arg4[%add3A_359] : memref<320000xi32, #tpu.memory_space<hbm>> -> memref<40xi32, #tpu.memory_space<hbm>>
      %dma_wait3A_362 = tpu.memref_slice %arg24[%dma_wait3A_360] : memref<5x!tpu.dma_semaphore, #tpu.memory_space<semaphore_mem>> -> memref<1x!tpu.dma_semaphore, #tpu.memory_space<semaphore_mem>>
      %dma_wait3A_363 = tpu.memref_squeeze %dma_wait3A_362 : memref<1x!tpu.dma_semaphore, #tpu.memory_space<semaphore_mem>> -> memref<!tpu.dma_semaphore, #tpu.memory_space<semaphore_mem>>
      %dma_wait3A_364 = tpu.memref_slice %arg4[%add3A_359] : memref<320000xi32, #tpu.memory_space<hbm>> -> memref<40xi32, #tpu.memory_space<hbm>>
      tpu.wait_dma2 semaphore(%dma_wait3A_363 : memref<!tpu.dma_semaphore, #tpu.memory_space<semaphore_mem>>) src(%dma_wait3A_364 : memref<40xi32, #tpu.memory_space<hbm>>) dst(%arg9 : memref<40xi32, #tpu.memory_space<vmem>>)
      %mul3A_365 = arith.constant 40 : i32
      %mul3A_366 = arith.muli %add3A_356, %mul3A_365 : i32
      %dma_wait3A_367 = arith.constant 1 : i32
      %dma_wait3A_368 = tpu.memref_slice %arg7[%mul3A_366] : memref<10000xi32, #tpu.memory_space<vmem>> -> memref<40xi32, #tpu.memory_space<vmem>>
      %dma_wait3A_369 = arith.constant 0 : i32
      %dma_wait3A_370 = arith.constant 0 : i32
      %dma_wait3A_371 = tpu.memref_slice %arg2[%dma_wait3A_369, %dma_wait3A_370] : memref<10000x128xf32, #tpu.memory_space<hbm>> -> memref<10000x128xf32, #tpu.memory_space<hbm>>
      %dma_wait3A_372 = tpu.memref_slice %arg22[%dma_wait3A_367] : memref<5x!tpu.dma_semaphore, #tpu.memory_space<semaphore_mem>> -> memref<1x!tpu.dma_semaphore, #tpu.memory_space<semaphore_mem>>
      %dma_wait3A_373 = tpu.memref_squeeze %dma_wait3A_372 : memref<1x!tpu.dma_semaphore, #tpu.memory_space<semaphore_mem>> -> memref<!tpu.dma_semaphore, #tpu.memory_space<semaphore_mem>>
      tpu.wait_indirect_dma semaphore(%dma_wait3A_373 : memref<!tpu.dma_semaphore, #tpu.memory_space<semaphore_mem>>) src(%dma_wait3A_371 : memref<10000x128xf32, #tpu.memory_space<hbm>>) dst(%arg16 : memref<40x128xf32, #tpu.memory_space<vmem>>)
      %dma_start3A_374 = arith.constant 1 : i32
      %dma_start3A_375 = arith.constant 0 : i32
      %dma_start3A_376 = arith.constant 0 : i32
      %dma_start3A_377 = tpu.memref_slice %arg20[%dma_start3A_375, %dma_start3A_376] : memref<10000x128xf32, #tpu.memory_space<vmem_shared>> -> memref<10000x128xf32, #tpu.memory_space<vmem_shared>>
      %dma_start3A_378 = tpu.memref_slice %arg23[%dma_start3A_374] : memref<5x!tpu.dma_semaphore, #tpu.memory_space<semaphore_mem>> -> memref<1x!tpu.dma_semaphore, #tpu.memory_space<semaphore_mem>>
      %dma_start3A_379 = tpu.memref_squeeze %dma_start3A_378 : memref<1x!tpu.dma_semaphore, #tpu.memory_space<semaphore_mem>> -> memref<!tpu.dma_semaphore, #tpu.memory_space<semaphore_mem>>
      tpu.enqueue_indirect_dma source(%arg16 : memref<40x128xf32, #tpu.memory_space<vmem>>) target(%dma_start3A_377 : memref<10000x128xf32, #tpu.memory_space<vmem_shared>>) offsets(%arg9 : memref<40xi32, #tpu.memory_space<vmem>>) semaphore(%dma_start3A_379 : memref<!tpu.dma_semaphore, #tpu.memory_space<semaphore_mem>>) {add = true}
      %dma_start3A_380 = arith.constant 1 : i32
      %dma_start3A_381 = arith.constant 0 : i32
      %dma_start3A_382 = tpu.memref_slice %arg21[%dma_start3A_381] : memref<10000xf32, #tpu.memory_space<vmem_shared>> -> memref<10000xf32, #tpu.memory_space<vmem_shared>>
      %dma_start3A_383 = tpu.memref_slice %arg25[%dma_start3A_380] : memref<5x!tpu.dma_semaphore, #tpu.memory_space<semaphore_mem>> -> memref<1x!tpu.dma_semaphore, #tpu.memory_space<semaphore_mem>>
      %dma_start3A_384 = tpu.memref_squeeze %dma_start3A_383 : memref<1x!tpu.dma_semaphore, #tpu.memory_space<semaphore_mem>> -> memref<!tpu.dma_semaphore, #tpu.memory_space<semaphore_mem>>
      tpu.enqueue_indirect_dma source(%arg13 : memref<40xf32, #tpu.memory_space<vmem>>) target(%dma_start3A_382 : memref<10000xf32, #tpu.memory_space<vmem_shared>>) offsets(%arg9 : memref<40xi32, #tpu.memory_space<vmem>>) semaphore(%dma_start3A_384 : memref<!tpu.dma_semaphore, #tpu.memory_space<semaphore_mem>>) {add = true}
      %mul3A_385 = arith.constant 5 : i32
      %mul3A_386 = arith.muli %scan3A_191, %mul3A_385 : i32
      %add3A_387 = arith.constant 2 : i32
      %add3A_388 = arith.addi %mul3A_386, %add3A_387 : i32
      %mul3A_389 = arith.constant 40 : i32
      %mul3A_390 = arith.muli %add3A_388, %mul3A_389 : i32
      %add3A_391 = arith.addi %mul3A_4, %mul3A_390 : i32
      %dma_wait3A_392 = arith.constant 2 : i32
      %dma_wait3A_393 = tpu.memref_slice %arg4[%add3A_391] : memref<320000xi32, #tpu.memory_space<hbm>> -> memref<40xi32, #tpu.memory_space<hbm>>
      %dma_wait3A_394 = tpu.memref_slice %arg24[%dma_wait3A_392] : memref<5x!tpu.dma_semaphore, #tpu.memory_space<semaphore_mem>> -> memref<1x!tpu.dma_semaphore, #tpu.memory_space<semaphore_mem>>
      %dma_wait3A_395 = tpu.memref_squeeze %dma_wait3A_394 : memref<1x!tpu.dma_semaphore, #tpu.memory_space<semaphore_mem>> -> memref<!tpu.dma_semaphore, #tpu.memory_space<semaphore_mem>>
      %dma_wait3A_396 = tpu.memref_slice %arg4[%add3A_391] : memref<320000xi32, #tpu.memory_space<hbm>> -> memref<40xi32, #tpu.memory_space<hbm>>
      tpu.wait_dma2 semaphore(%dma_wait3A_395 : memref<!tpu.dma_semaphore, #tpu.memory_space<semaphore_mem>>) src(%dma_wait3A_396 : memref<40xi32, #tpu.memory_space<hbm>>) dst(%arg10 : memref<40xi32, #tpu.memory_space<vmem>>)
      %mul3A_397 = arith.constant 40 : i32
      %mul3A_398 = arith.muli %add3A_388, %mul3A_397 : i32
      %dma_wait3A_399 = arith.constant 2 : i32
      %dma_wait3A_400 = tpu.memref_slice %arg7[%mul3A_398] : memref<10000xi32, #tpu.memory_space<vmem>> -> memref<40xi32, #tpu.memory_space<vmem>>
      %dma_wait3A_401 = arith.constant 0 : i32
      %dma_wait3A_402 = arith.constant 0 : i32
      %dma_wait3A_403 = tpu.memref_slice %arg2[%dma_wait3A_401, %dma_wait3A_402] : memref<10000x128xf32, #tpu.memory_space<hbm>> -> memref<10000x128xf32, #tpu.memory_space<hbm>>
      %dma_wait3A_404 = tpu.memref_slice %arg22[%dma_wait3A_399] : memref<5x!tpu.dma_semaphore, #tpu.memory_space<semaphore_mem>> -> memref<1x!tpu.dma_semaphore, #tpu.memory_space<semaphore_mem>>
      %dma_wait3A_405 = tpu.memref_squeeze %dma_wait3A_404 : memref<1x!tpu.dma_semaphore, #tpu.memory_space<semaphore_mem>> -> memref<!tpu.dma_semaphore, #tpu.memory_space<semaphore_mem>>
      tpu.wait_indirect_dma semaphore(%dma_wait3A_405 : memref<!tpu.dma_semaphore, #tpu.memory_space<semaphore_mem>>) src(%dma_wait3A_403 : memref<10000x128xf32, #tpu.memory_space<hbm>>) dst(%arg17 : memref<40x128xf32, #tpu.memory_space<vmem>>)
      %dma_start3A_406 = arith.constant 2 : i32
      %dma_start3A_407 = arith.constant 0 : i32
      %dma_start3A_408 = arith.constant 0 : i32
      %dma_start3A_409 = tpu.memref_slice %arg20[%dma_start3A_407, %dma_start3A_408] : memref<10000x128xf32, #tpu.memory_space<vmem_shared>> -> memref<10000x128xf32, #tpu.memory_space<vmem_shared>>
      %dma_start3A_410 = tpu.memref_slice %arg23[%dma_start3A_406] : memref<5x!tpu.dma_semaphore, #tpu.memory_space<semaphore_mem>> -> memref<1x!tpu.dma_semaphore, #tpu.memory_space<semaphore_mem>>
      %dma_start3A_411 = tpu.memref_squeeze %dma_start3A_410 : memref<1x!tpu.dma_semaphore, #tpu.memory_space<semaphore_mem>> -> memref<!tpu.dma_semaphore, #tpu.memory_space<semaphore_mem>>
      tpu.enqueue_indirect_dma source(%arg17 : memref<40x128xf32, #tpu.memory_space<vmem>>) target(%dma_start3A_409 : memref<10000x128xf32, #tpu.memory_space<vmem_shared>>) offsets(%arg10 : memref<40xi32, #tpu.memory_space<vmem>>) semaphore(%dma_start3A_411 : memref<!tpu.dma_semaphore, #tpu.memory_space<semaphore_mem>>) {add = true}
      %dma_start3A_412 = arith.constant 2 : i32
      %dma_start3A_413 = arith.constant 0 : i32
      %dma_start3A_414 = tpu.memref_slice %arg21[%dma_start3A_413] : memref<10000xf32, #tpu.memory_space<vmem_shared>> -> memref<10000xf32, #tpu.memory_space<vmem_shared>>
      %dma_start3A_415 = tpu.memref_slice %arg25[%dma_start3A_412] : memref<5x!tpu.dma_semaphore, #tpu.memory_space<semaphore_mem>> -> memref<1x!tpu.dma_semaphore, #tpu.memory_space<semaphore_mem>>
      %dma_start3A_416 = tpu.memref_squeeze %dma_start3A_415 : memref<1x!tpu.dma_semaphore, #tpu.memory_space<semaphore_mem>> -> memref<!tpu.dma_semaphore, #tpu.memory_space<semaphore_mem>>
      tpu.enqueue_indirect_dma source(%arg13 : memref<40xf32, #tpu.memory_space<vmem>>) target(%dma_start3A_414 : memref<10000xf32, #tpu.memory_space<vmem_shared>>) offsets(%arg10 : memref<40xi32, #tpu.memory_space<vmem>>) semaphore(%dma_start3A_416 : memref<!tpu.dma_semaphore, #tpu.memory_space<semaphore_mem>>) {add = true}
      %mul3A_417 = arith.constant 5 : i32
      %mul3A_418 = arith.muli %scan3A_191, %mul3A_417 : i32
      %add3A_419 = arith.constant 3 : i32
      %add3A_420 = arith.addi %mul3A_418, %add3A_419 : i32
      %mul3A_421 = arith.constant 40 : i32
      %mul3A_422 = arith.muli %add3A_420, %mul3A_421 : i32
      %add3A_423 = arith.addi %mul3A_4, %mul3A_422 : i32
      %dma_wait3A_424 = arith.constant 3 : i32
      %dma_wait3A_425 = tpu.memref_slice %arg4[%add3A_423] : memref<320000xi32, #tpu.memory_space<hbm>> -> memref<40xi32, #tpu.memory_space<hbm>>
      %dma_wait3A_426 = tpu.memref_slice %arg24[%dma_wait3A_424] : memref<5x!tpu.dma_semaphore, #tpu.memory_space<semaphore_mem>> -> memref<1x!tpu.dma_semaphore, #tpu.memory_space<semaphore_mem>>
      %dma_wait3A_427 = tpu.memref_squeeze %dma_wait3A_426 : memref<1x!tpu.dma_semaphore, #tpu.memory_space<semaphore_mem>> -> memref<!tpu.dma_semaphore, #tpu.memory_space<semaphore_mem>>
      %dma_wait3A_428 = tpu.memref_slice %arg4[%add3A_423] : memref<320000xi32, #tpu.memory_space<hbm>> -> memref<40xi32, #tpu.memory_space<hbm>>
      tpu.wait_dma2 semaphore(%dma_wait3A_427 : memref<!tpu.dma_semaphore, #tpu.memory_space<semaphore_mem>>) src(%dma_wait3A_428 : memref<40xi32, #tpu.memory_space<hbm>>) dst(%arg11 : memref<40xi32, #tpu.memory_space<vmem>>)
      %mul3A_429 = arith.constant 40 : i32
      %mul3A_430 = arith.muli %add3A_420, %mul3A_429 : i32
      %dma_wait3A_431 = arith.constant 3 : i32
      %dma_wait3A_432 = tpu.memref_slice %arg7[%mul3A_430] : memref<10000xi32, #tpu.memory_space<vmem>> -> memref<40xi32, #tpu.memory_space<vmem>>
      %dma_wait3A_433 = arith.constant 0 : i32
      %dma_wait3A_434 = arith.constant 0 : i32
      %dma_wait3A_435 = tpu.memref_slice %arg2[%dma_wait3A_433, %dma_wait3A_434] : memref<10000x128xf32, #tpu.memory_space<hbm>> -> memref<10000x128xf32, #tpu.memory_space<hbm>>
      %dma_wait3A_436 = tpu.memref_slice %arg22[%dma_wait3A_431] : memref<5x!tpu.dma_semaphore, #tpu.memory_space<semaphore_mem>> -> memref<1x!tpu.dma_semaphore, #tpu.memory_space<semaphore_mem>>
      %dma_wait3A_437 = tpu.memref_squeeze %dma_wait3A_436 : memref<1x!tpu.dma_semaphore, #tpu.memory_space<semaphore_mem>> -> memref<!tpu.dma_semaphore, #tpu.memory_space<semaphore_mem>>
      tpu.wait_indirect_dma semaphore(%dma_wait3A_437 : memref<!tpu.dma_semaphore, #tpu.memory_space<semaphore_mem>>) src(%dma_wait3A_435 : memref<10000x128xf32, #tpu.memory_space<hbm>>) dst(%arg18 : memref<40x128xf32, #tpu.memory_space<vmem>>)
      %dma_start3A_438 = arith.constant 3 : i32
      %dma_start3A_439 = arith.constant 0 : i32
      %dma_start3A_440 = arith.constant 0 : i32
      %dma_start3A_441 = tpu.memref_slice %arg20[%dma_start3A_439, %dma_start3A_440] : memref<10000x128xf32, #tpu.memory_space<vmem_shared>> -> memref<10000x128xf32, #tpu.memory_space<vmem_shared>>
      %dma_start3A_442 = tpu.memref_slice %arg23[%dma_start3A_438] : memref<5x!tpu.dma_semaphore, #tpu.memory_space<semaphore_mem>> -> memref<1x!tpu.dma_semaphore, #tpu.memory_space<semaphore_mem>>
      %dma_start3A_443 = tpu.memref_squeeze %dma_start3A_442 : memref<1x!tpu.dma_semaphore, #tpu.memory_space<semaphore_mem>> -> memref<!tpu.dma_semaphore, #tpu.memory_space<semaphore_mem>>
      tpu.enqueue_indirect_dma source(%arg18 : memref<40x128xf32, #tpu.memory_space<vmem>>) target(%dma_start3A_441 : memref<10000x128xf32, #tpu.memory_space<vmem_shared>>) offsets(%arg11 : memref<40xi32, #tpu.memory_space<vmem>>) semaphore(%dma_start3A_443 : memref<!tpu.dma_semaphore, #tpu.memory_space<semaphore_mem>>) {add = true}
      %dma_start3A_444 = arith.constant 3 : i32
      %dma_start3A_445 = arith.constant 0 : i32
      %dma_start3A_446 = tpu.memref_slice %arg21[%dma_start3A_445] : memref<10000xf32, #tpu.memory_space<vmem_shared>> -> memref<10000xf32, #tpu.memory_space<vmem_shared>>
      %dma_start3A_447 = tpu.memref_slice %arg25[%dma_start3A_444] : memref<5x!tpu.dma_semaphore, #tpu.memory_space<semaphore_mem>> -> memref<1x!tpu.dma_semaphore, #tpu.memory_space<semaphore_mem>>
      %dma_start3A_448 = tpu.memref_squeeze %dma_start3A_447 : memref<1x!tpu.dma_semaphore, #tpu.memory_space<semaphore_mem>> -> memref<!tpu.dma_semaphore, #tpu.memory_space<semaphore_mem>>
      tpu.enqueue_indirect_dma source(%arg13 : memref<40xf32, #tpu.memory_space<vmem>>) target(%dma_start3A_446 : memref<10000xf32, #tpu.memory_space<vmem_shared>>) offsets(%arg11 : memref<40xi32, #tpu.memory_space<vmem>>) semaphore(%dma_start3A_448 : memref<!tpu.dma_semaphore, #tpu.memory_space<semaphore_mem>>) {add = true}
      %mul3A_449 = arith.constant 5 : i32
      %mul3A_450 = arith.muli %scan3A_191, %mul3A_449 : i32
      %add3A_451 = arith.constant 4 : i32
      %add3A_452 = arith.addi %mul3A_450, %add3A_451 : i32
      %mul3A_453 = arith.constant 40 : i32
      %mul3A_454 = arith.muli %add3A_452, %mul3A_453 : i32
      %add3A_455 = arith.addi %mul3A_4, %mul3A_454 : i32
      %dma_wait3A_456 = arith.constant 4 : i32
      %dma_wait3A_457 = tpu.memref_slice %arg4[%add3A_455] : memref<320000xi32, #tpu.memory_space<hbm>> -> memref<40xi32, #tpu.memory_space<hbm>>
      %dma_wait3A_458 = tpu.memref_slice %arg24[%dma_wait3A_456] : memref<5x!tpu.dma_semaphore, #tpu.memory_space<semaphore_mem>> -> memref<1x!tpu.dma_semaphore, #tpu.memory_space<semaphore_mem>>
      %dma_wait3A_459 = tpu.memref_squeeze %dma_wait3A_458 : memref<1x!tpu.dma_semaphore, #tpu.memory_space<semaphore_mem>> -> memref<!tpu.dma_semaphore, #tpu.memory_space<semaphore_mem>>
      %dma_wait3A_460 = tpu.memref_slice %arg4[%add3A_455] : memref<320000xi32, #tpu.memory_space<hbm>> -> memref<40xi32, #tpu.memory_space<hbm>>
      tpu.wait_dma2 semaphore(%dma_wait3A_459 : memref<!tpu.dma_semaphore, #tpu.memory_space<semaphore_mem>>) src(%dma_wait3A_460 : memref<40xi32, #tpu.memory_space<hbm>>) dst(%arg12 : memref<40xi32, #tpu.memory_space<vmem>>)
      %mul3A_461 = arith.constant 40 : i32
      %mul3A_462 = arith.muli %add3A_452, %mul3A_461 : i32
      %dma_wait3A_463 = arith.constant 4 : i32
      %dma_wait3A_464 = tpu.memref_slice %arg7[%mul3A_462] : memref<10000xi32, #tpu.memory_space<vmem>> -> memref<40xi32, #tpu.memory_space<vmem>>
      %dma_wait3A_465 = arith.constant 0 : i32
      %dma_wait3A_466 = arith.constant 0 : i32
      %dma_wait3A_467 = tpu.memref_slice %arg2[%dma_wait3A_465, %dma_wait3A_466] : memref<10000x128xf32, #tpu.memory_space<hbm>> -> memref<10000x128xf32, #tpu.memory_space<hbm>>
      %dma_wait3A_468 = tpu.memref_slice %arg22[%dma_wait3A_463] : memref<5x!tpu.dma_semaphore, #tpu.memory_space<semaphore_mem>> -> memref<1x!tpu.dma_semaphore, #tpu.memory_space<semaphore_mem>>
      %dma_wait3A_469 = tpu.memref_squeeze %dma_wait3A_468 : memref<1x!tpu.dma_semaphore, #tpu.memory_space<semaphore_mem>> -> memref<!tpu.dma_semaphore, #tpu.memory_space<semaphore_mem>>
      tpu.wait_indirect_dma semaphore(%dma_wait3A_469 : memref<!tpu.dma_semaphore, #tpu.memory_space<semaphore_mem>>) src(%dma_wait3A_467 : memref<10000x128xf32, #tpu.memory_space<hbm>>) dst(%arg19 : memref<40x128xf32, #tpu.memory_space<vmem>>)
      %dma_start3A_470 = arith.constant 4 : i32
      %dma_start3A_471 = arith.constant 0 : i32
      %dma_start3A_472 = arith.constant 0 : i32
      %dma_start3A_473 = tpu.memref_slice %arg20[%dma_start3A_471, %dma_start3A_472] : memref<10000x128xf32, #tpu.memory_space<vmem_shared>> -> memref<10000x128xf32, #tpu.memory_space<vmem_shared>>
      %dma_start3A_474 = tpu.memref_slice %arg23[%dma_start3A_470] : memref<5x!tpu.dma_semaphore, #tpu.memory_space<semaphore_mem>> -> memref<1x!tpu.dma_semaphore, #tpu.memory_space<semaphore_mem>>
      %dma_start3A_475 = tpu.memref_squeeze %dma_start3A_474 : memref<1x!tpu.dma_semaphore, #tpu.memory_space<semaphore_mem>> -> memref<!tpu.dma_semaphore, #tpu.memory_space<semaphore_mem>>
      tpu.enqueue_indirect_dma source(%arg19 : memref<40x128xf32, #tpu.memory_space<vmem>>) target(%dma_start3A_473 : memref<10000x128xf32, #tpu.memory_space<vmem_shared>>) offsets(%arg12 : memref<40xi32, #tpu.memory_space<vmem>>) semaphore(%dma_start3A_475 : memref<!tpu.dma_semaphore, #tpu.memory_space<semaphore_mem>>) {add = true}
      %dma_start3A_476 = arith.constant 4 : i32
      %dma_start3A_477 = arith.constant 0 : i32
      %dma_start3A_478 = tpu.memref_slice %arg21[%dma_start3A_477] : memref<10000xf32, #tpu.memory_space<vmem_shared>> -> memref<10000xf32, #tpu.memory_space<vmem_shared>>
      %dma_start3A_479 = tpu.memref_slice %arg25[%dma_start3A_476] : memref<5x!tpu.dma_semaphore, #tpu.memory_space<semaphore_mem>> -> memref<1x!tpu.dma_semaphore, #tpu.memory_space<semaphore_mem>>
      %dma_start3A_480 = tpu.memref_squeeze %dma_start3A_479 : memref<1x!tpu.dma_semaphore, #tpu.memory_space<semaphore_mem>> -> memref<!tpu.dma_semaphore, #tpu.memory_space<semaphore_mem>>
      tpu.enqueue_indirect_dma source(%arg13 : memref<40xf32, #tpu.memory_space<vmem>>) target(%dma_start3A_478 : memref<10000xf32, #tpu.memory_space<vmem_shared>>) offsets(%arg12 : memref<40xi32, #tpu.memory_space<vmem>>) semaphore(%dma_start3A_480 : memref<!tpu.dma_semaphore, #tpu.memory_space<semaphore_mem>>) {add = true}
      %scan3A_481 = arith.constant 0 : i32
      scf.yield %scan3A_481 : i32
    }
    %scan3A_122 = arith.constant 50 : i32
    %dma_wait3A = arith.constant 0 : i32
    %dma_wait3A_123 = arith.constant 0 : i32
    %dma_wait3A_124 = arith.constant 0 : i32
    %dma_wait3A_125 = tpu.memref_slice %arg20[%dma_wait3A_123, %dma_wait3A_124] : memref<10000x128xf32, #tpu.memory_space<vmem_shared>> -> memref<10000x128xf32, #tpu.memory_space<vmem_shared>>
    %dma_wait3A_126 = tpu.memref_slice %arg23[%dma_wait3A] : memref<5x!tpu.dma_semaphore, #tpu.memory_space<semaphore_mem>> -> memref<1x!tpu.dma_semaphore, #tpu.memory_space<semaphore_mem>>
    %dma_wait3A_127 = tpu.memref_squeeze %dma_wait3A_126 : memref<1x!tpu.dma_semaphore, #tpu.memory_space<semaphore_mem>> -> memref<!tpu.dma_semaphore, #tpu.memory_space<semaphore_mem>>
    tpu.wait_indirect_dma semaphore(%dma_wait3A_127 : memref<!tpu.dma_semaphore, #tpu.memory_space<semaphore_mem>>) src(%arg15 : memref<40x128xf32, #tpu.memory_space<vmem>>) dst(%dma_wait3A_125 : memref<10000x128xf32, #tpu.memory_space<vmem_shared>>)
    %dma_wait3A_128 = arith.constant 0 : i32
    %dma_wait3A_129 = arith.constant 0 : i32
    %dma_wait3A_130 = tpu.memref_slice %arg21[%dma_wait3A_129] : memref<10000xf32, #tpu.memory_space<vmem_shared>> -> memref<10000xf32, #tpu.memory_space<vmem_shared>>
    %dma_wait3A_131 = tpu.memref_slice %arg25[%dma_wait3A_128] : memref<5x!tpu.dma_semaphore, #tpu.memory_space<semaphore_mem>> -> memref<1x!tpu.dma_semaphore, #tpu.memory_space<semaphore_mem>>
    %dma_wait3A_132 = tpu.memref_squeeze %dma_wait3A_131 : memref<1x!tpu.dma_semaphore, #tpu.memory_space<semaphore_mem>> -> memref<!tpu.dma_semaphore, #tpu.memory_space<semaphore_mem>>
    tpu.wait_indirect_dma semaphore(%dma_wait3A_132 : memref<!tpu.dma_semaphore, #tpu.memory_space<semaphore_mem>>) src(%arg13 : memref<40xf32, #tpu.memory_space<vmem>>) dst(%dma_wait3A_130 : memref<10000xf32, #tpu.memory_space<vmem_shared>>)
    %dma_wait3A_133 = arith.constant 1 : i32
    %dma_wait3A_134 = arith.constant 0 : i32
    %dma_wait3A_135 = arith.constant 0 : i32
    %dma_wait3A_136 = tpu.memref_slice %arg20[%dma_wait3A_134, %dma_wait3A_135] : memref<10000x128xf32, #tpu.memory_space<vmem_shared>> -> memref<10000x128xf32, #tpu.memory_space<vmem_shared>>
    %dma_wait3A_137 = tpu.memref_slice %arg23[%dma_wait3A_133] : memref<5x!tpu.dma_semaphore, #tpu.memory_space<semaphore_mem>> -> memref<1x!tpu.dma_semaphore, #tpu.memory_space<semaphore_mem>>
    %dma_wait3A_138 = tpu.memref_squeeze %dma_wait3A_137 : memref<1x!tpu.dma_semaphore, #tpu.memory_space<semaphore_mem>> -> memref<!tpu.dma_semaphore, #tpu.memory_space<semaphore_mem>>
    tpu.wait_indirect_dma semaphore(%dma_wait3A_138 : memref<!tpu.dma_semaphore, #tpu.memory_space<semaphore_mem>>) src(%arg16 : memref<40x128xf32, #tpu.memory_space<vmem>>) dst(%dma_wait3A_136 : memref<10000x128xf32, #tpu.memory_space<vmem_shared>>)
    %dma_wait3A_139 = arith.constant 1 : i32
    %dma_wait3A_140 = arith.constant 0 : i32
    %dma_wait3A_141 = tpu.memref_slice %arg21[%dma_wait3A_140] : memref<10000xf32, #tpu.memory_space<vmem_shared>> -> memref<10000xf32, #tpu.memory_space<vmem_shared>>
    %dma_wait3A_142 = tpu.memref_slice %arg25[%dma_wait3A_139] : memref<5x!tpu.dma_semaphore, #tpu.memory_space<semaphore_mem>> -> memref<1x!tpu.dma_semaphore, #tpu.memory_space<semaphore_mem>>
    %dma_wait3A_143 = tpu.memref_squeeze %dma_wait3A_142 : memref<1x!tpu.dma_semaphore, #tpu.memory_space<semaphore_mem>> -> memref<!tpu.dma_semaphore, #tpu.memory_space<semaphore_mem>>
    tpu.wait_indirect_dma semaphore(%dma_wait3A_143 : memref<!tpu.dma_semaphore, #tpu.memory_space<semaphore_mem>>) src(%arg13 : memref<40xf32, #tpu.memory_space<vmem>>) dst(%dma_wait3A_141 : memref<10000xf32, #tpu.memory_space<vmem_shared>>)
    %dma_wait3A_144 = arith.constant 2 : i32
    %dma_wait3A_145 = arith.constant 0 : i32
    %dma_wait3A_146 = arith.constant 0 : i32
    %dma_wait3A_147 = tpu.memref_slice %arg20[%dma_wait3A_145, %dma_wait3A_146] : memref<10000x128xf32, #tpu.memory_space<vmem_shared>> -> memref<10000x128xf32, #tpu.memory_space<vmem_shared>>
    %dma_wait3A_148 = tpu.memref_slice %arg23[%dma_wait3A_144] : memref<5x!tpu.dma_semaphore, #tpu.memory_space<semaphore_mem>> -> memref<1x!tpu.dma_semaphore, #tpu.memory_space<semaphore_mem>>
    %dma_wait3A_149 = tpu.memref_squeeze %dma_wait3A_148 : memref<1x!tpu.dma_semaphore, #tpu.memory_space<semaphore_mem>> -> memref<!tpu.dma_semaphore, #tpu.memory_space<semaphore_mem>>
    tpu.wait_indirect_dma semaphore(%dma_wait3A_149 : memref<!tpu.dma_semaphore, #tpu.memory_space<semaphore_mem>>) src(%arg17 : memref<40x128xf32, #tpu.memory_space<vmem>>) dst(%dma_wait3A_147 : memref<10000x128xf32, #tpu.memory_space<vmem_shared>>)
    %dma_wait3A_150 = arith.constant 2 : i32
    %dma_wait3A_151 = arith.constant 0 : i32
    %dma_wait3A_152 = tpu.memref_slice %arg21[%dma_wait3A_151] : memref<10000xf32, #tpu.memory_space<vmem_shared>> -> memref<10000xf32, #tpu.memory_space<vmem_shared>>
    %dma_wait3A_153 = tpu.memref_slice %arg25[%dma_wait3A_150] : memref<5x!tpu.dma_semaphore, #tpu.memory_space<semaphore_mem>> -> memref<1x!tpu.dma_semaphore, #tpu.memory_space<semaphore_mem>>
    %dma_wait3A_154 = tpu.memref_squeeze %dma_wait3A_153 : memref<1x!tpu.dma_semaphore, #tpu.memory_space<semaphore_mem>> -> memref<!tpu.dma_semaphore, #tpu.memory_space<semaphore_mem>>
    tpu.wait_indirect_dma semaphore(%dma_wait3A_154 : memref<!tpu.dma_semaphore, #tpu.memory_space<semaphore_mem>>) src(%arg13 : memref<40xf32, #tpu.memory_space<vmem>>) dst(%dma_wait3A_152 : memref<10000xf32, #tpu.memory_space<vmem_shared>>)
    %dma_wait3A_155 = arith.constant 3 : i32
    %dma_wait3A_156 = arith.constant 0 : i32
    %dma_wait3A_157 = arith.constant 0 : i32
    %dma_wait3A_158 = tpu.memref_slice %arg20[%dma_wait3A_156, %dma_wait3A_157] : memref<10000x128xf32, #tpu.memory_space<vmem_shared>> -> memref<10000x128xf32, #tpu.memory_space<vmem_shared>>
    %dma_wait3A_159 = tpu.memref_slice %arg23[%dma_wait3A_155] : memref<5x!tpu.dma_semaphore, #tpu.memory_space<semaphore_mem>> -> memref<1x!tpu.dma_semaphore, #tpu.memory_space<semaphore_mem>>
    %dma_wait3A_160 = tpu.memref_squeeze %dma_wait3A_159 : memref<1x!tpu.dma_semaphore, #tpu.memory_space<semaphore_mem>> -> memref<!tpu.dma_semaphore, #tpu.memory_space<semaphore_mem>>
    tpu.wait_indirect_dma semaphore(%dma_wait3A_160 : memref<!tpu.dma_semaphore, #tpu.memory_space<semaphore_mem>>) src(%arg18 : memref<40x128xf32, #tpu.memory_space<vmem>>) dst(%dma_wait3A_158 : memref<10000x128xf32, #tpu.memory_space<vmem_shared>>)
    %dma_wait3A_161 = arith.constant 3 : i32
    %dma_wait3A_162 = arith.constant 0 : i32
    %dma_wait3A_163 = tpu.memref_slice %arg21[%dma_wait3A_162] : memref<10000xf32, #tpu.memory_space<vmem_shared>> -> memref<10000xf32, #tpu.memory_space<vmem_shared>>
    %dma_wait3A_164 = tpu.memref_slice %arg25[%dma_wait3A_161] : memref<5x!tpu.dma_semaphore, #tpu.memory_space<semaphore_mem>> -> memref<1x!tpu.dma_semaphore, #tpu.memory_space<semaphore_mem>>
    %dma_wait3A_165 = tpu.memref_squeeze %dma_wait3A_164 : memref<1x!tpu.dma_semaphore, #tpu.memory_space<semaphore_mem>> -> memref<!tpu.dma_semaphore, #tpu.memory_space<semaphore_mem>>
    tpu.wait_indirect_dma semaphore(%dma_wait3A_165 : memref<!tpu.dma_semaphore, #tpu.memory_space<semaphore_mem>>) src(%arg13 : memref<40xf32, #tpu.memory_space<vmem>>) dst(%dma_wait3A_163 : memref<10000xf32, #tpu.memory_space<vmem_shared>>)
    %dma_wait3A_166 = arith.constant 4 : i32
    %dma_wait3A_167 = arith.constant 0 : i32
    %dma_wait3A_168 = arith.constant 0 : i32
    %dma_wait3A_169 = tpu.memref_slice %arg20[%dma_wait3A_167, %dma_wait3A_168] : memref<10000x128xf32, #tpu.memory_space<vmem_shared>> -> memref<10000x128xf32, #tpu.memory_space<vmem_shared>>
    %dma_wait3A_170 = tpu.memref_slice %arg23[%dma_wait3A_166] : memref<5x!tpu.dma_semaphore, #tpu.memory_space<semaphore_mem>> -> memref<1x!tpu.dma_semaphore, #tpu.memory_space<semaphore_mem>>
    %dma_wait3A_171 = tpu.memref_squeeze %dma_wait3A_170 : memref<1x!tpu.dma_semaphore, #tpu.memory_space<semaphore_mem>> -> memref<!tpu.dma_semaphore, #tpu.memory_space<semaphore_mem>>
    tpu.wait_indirect_dma semaphore(%dma_wait3A_171 : memref<!tpu.dma_semaphore, #tpu.memory_space<semaphore_mem>>) src(%arg19 : memref<40x128xf32, #tpu.memory_space<vmem>>) dst(%dma_wait3A_169 : memref<10000x128xf32, #tpu.memory_space<vmem_shared>>)
    %dma_wait3A_172 = arith.constant 4 : i32
    %dma_wait3A_173 = arith.constant 0 : i32
    %dma_wait3A_174 = tpu.memref_slice %arg21[%dma_wait3A_173] : memref<10000xf32, #tpu.memory_space<vmem_shared>> -> memref<10000xf32, #tpu.memory_space<vmem_shared>>
    %dma_wait3A_175 = tpu.memref_slice %arg25[%dma_wait3A_172] : memref<5x!tpu.dma_semaphore, #tpu.memory_space<semaphore_mem>> -> memref<1x!tpu.dma_semaphore, #tpu.memory_space<semaphore_mem>>
    %dma_wait3A_176 = tpu.memref_squeeze %dma_wait3A_175 : memref<1x!tpu.dma_semaphore, #tpu.memory_space<semaphore_mem>> -> memref<!tpu.dma_semaphore, #tpu.memory_space<semaphore_mem>>
    tpu.wait_indirect_dma semaphore(%dma_wait3A_176 : memref<!tpu.dma_semaphore, #tpu.memory_space<semaphore_mem>>) src(%arg13 : memref<40xf32, #tpu.memory_space<vmem>>) dst(%dma_wait3A_174 : memref<10000xf32, #tpu.memory_space<vmem_shared>>)
    %barrier3A_177 = arith.constant 0 : index
    tpu.barrier barrier_id(%barrier3A_177)
    "tpu.region"() ({
      %run_scoped3A = tpu.sem_alloc : memref<!tpu.dma_semaphore, #tpu.memory_space<semaphore_mem>>
      %dma_start3A = arith.constant 0 : i32
      %dma_start3A_191 = tpu.memref_slice %arg5[%arg0, %mul3A_2, %dma_start3A] : memref<2x10000x128xf32, #tpu.memory_space<hbm>> -> memref<1x624x128xf32, #tpu.memory_space<hbm>>
      %dma_start3A_192 = tpu.memref_squeeze %dma_start3A_191 : memref<1x624x128xf32, #tpu.memory_space<hbm>> -> memref<624x128xf32, #tpu.memory_space<hbm>>
      %dma_start3A_193 = arith.constant 0 : i32
      %dma_start3A_194 = tpu.memref_slice %arg20[%mul3A_2, %dma_start3A_193] : memref<10000x128xf32, #tpu.memory_space<vmem_shared>> -> memref<624x128xf32, #tpu.memory_space<vmem_shared>>
      tpu.enqueue_dma source(%dma_start3A_194 : memref<624x128xf32, #tpu.memory_space<vmem_shared>>) target(%dma_start3A_192 : memref<624x128xf32, #tpu.memory_space<hbm>>) target_semaphore(%run_scoped3A : memref<!tpu.dma_semaphore, #tpu.memory_space<semaphore_mem>>)
      %dma_wait3A_195 = arith.constant 0 : i32
      %dma_wait3A_196 = tpu.memref_slice %arg5[%arg0, %mul3A_2, %dma_wait3A_195] : memref<2x10000x128xf32, #tpu.memory_space<hbm>> -> memref<1x624x128xf32, #tpu.memory_space<hbm>>
      %dma_wait3A_197 = tpu.memref_squeeze %dma_wait3A_196 : memref<1x624x128xf32, #tpu.memory_space<hbm>> -> memref<624x128xf32, #tpu.memory_space<hbm>>
      %dma_wait3A_198 = arith.constant 0 : i32
      %dma_wait3A_199 = tpu.memref_slice %arg20[%mul3A_2, %dma_wait3A_198] : memref<10000x128xf32, #tpu.memory_space<vmem_shared>> -> memref<624x128xf32, #tpu.memory_space<vmem_shared>>
      tpu.wait_dma2 semaphore(%run_scoped3A : memref<!tpu.dma_semaphore, #tpu.memory_space<semaphore_mem>>) src(%dma_wait3A_199 : memref<624x128xf32, #tpu.memory_space<vmem_shared>>) dst(%dma_wait3A_197 : memref<624x128xf32, #tpu.memory_space<hbm>>)
      tpu.yield
    }) : () -> ()
    %eq3A_178 = arith.constant 15 : i32
    %eq3A_179 = arith.cmpi eq, %arg1, %eq3A_178 : i32
    %convert_element_type3A_180 = arith.extui %eq3A_179 : i1 to i32
    %cond3A_181 = arith.constant 0 : i32
    %cond3A_182 = arith.cmpi ne, %convert_element_type3A_180, %cond3A_181 : i32
    scf.if %cond3A_182 {
      "tpu.region"() ({
        %run_scoped3A = tpu.sem_alloc : memref<!tpu.dma_semaphore, #tpu.memory_space<semaphore_mem>>
        %dma_start3A = arith.constant 9984 : i32
        %dma_start3A_191 = arith.constant 0 : i32
        %dma_start3A_192 = tpu.memref_slice %arg5[%arg0, %dma_start3A, %dma_start3A_191] : memref<2x10000x128xf32, #tpu.memory_space<hbm>> -> memref<1x16x128xf32, #tpu.memory_space<hbm>>
        %dma_start3A_193 = tpu.memref_squeeze %dma_start3A_192 : memref<1x16x128xf32, #tpu.memory_space<hbm>> -> memref<16x128xf32, #tpu.memory_space<hbm>>
        %dma_start3A_194 = arith.constant 9984 : i32
        %dma_start3A_195 = arith.constant 0 : i32
        %dma_start3A_196 = tpu.memref_slice %arg20[%dma_start3A_194, %dma_start3A_195] : memref<10000x128xf32, #tpu.memory_space<vmem_shared>> -> memref<16x128xf32, #tpu.memory_space<vmem_shared>>
        tpu.enqueue_dma source(%dma_start3A_196 : memref<16x128xf32, #tpu.memory_space<vmem_shared>>) target(%dma_start3A_193 : memref<16x128xf32, #tpu.memory_space<hbm>>) target_semaphore(%run_scoped3A : memref<!tpu.dma_semaphore, #tpu.memory_space<semaphore_mem>>)
        %dma_wait3A_197 = arith.constant 9984 : i32
        %dma_wait3A_198 = arith.constant 0 : i32
        %dma_wait3A_199 = tpu.memref_slice %arg5[%arg0, %dma_wait3A_197, %dma_wait3A_198] : memref<2x10000x128xf32, #tpu.memory_space<hbm>> -> memref<1x16x128xf32, #tpu.memory_space<hbm>>
        %dma_wait3A_200 = tpu.memref_squeeze %dma_wait3A_199 : memref<1x16x128xf32, #tpu.memory_space<hbm>> -> memref<16x128xf32, #tpu.memory_space<hbm>>
        %dma_wait3A_201 = arith.constant 9984 : i32
        %dma_wait3A_202 = arith.constant 0 : i32
        %dma_wait3A_203 = tpu.memref_slice %arg20[%dma_wait3A_201, %dma_wait3A_202] : memref<10000x128xf32, #tpu.memory_space<vmem_shared>> -> memref<16x128xf32, #tpu.memory_space<vmem_shared>>
        tpu.wait_dma2 semaphore(%run_scoped3A : memref<!tpu.dma_semaphore, #tpu.memory_space<semaphore_mem>>) src(%dma_wait3A_203 : memref<16x128xf32, #tpu.memory_space<vmem_shared>>) dst(%dma_wait3A_200 : memref<16x128xf32, #tpu.memory_space<hbm>>)
        tpu.yield
      }) : () -> ()
    } else {
    }
    "tpu.region"() ({
      %run_scoped3A = tpu.sem_alloc : memref<!tpu.dma_semaphore, #tpu.memory_space<semaphore_mem>>
      %dma_start3A = tpu.memref_slice %arg21[%mul3A_2] : memref<10000xf32, #tpu.memory_space<vmem_shared>> -> memref<624xf32, #tpu.memory_space<vmem_shared>>
      %dma_start3A_191 = tpu.memref_slice %arg21[%mul3A_2] : memref<10000xf32, #tpu.memory_space<vmem_shared>> -> memref<624xf32, #tpu.memory_space<vmem_shared>>
      tpu.enqueue_dma source(%dma_start3A_191 : memref<624xf32, #tpu.memory_space<vmem_shared>>) target(%arg14 : memref<624xf32, #tpu.memory_space<vmem>>) target_semaphore(%run_scoped3A : memref<!tpu.dma_semaphore, #tpu.memory_space<semaphore_mem>>)
      %dma_wait3A_192 = tpu.memref_slice %arg21[%mul3A_2] : memref<10000xf32, #tpu.memory_space<vmem_shared>> -> memref<624xf32, #tpu.memory_space<vmem_shared>>
      %dma_wait3A_193 = tpu.memref_slice %arg21[%mul3A_2] : memref<10000xf32, #tpu.memory_space<vmem_shared>> -> memref<624xf32, #tpu.memory_space<vmem_shared>>
      tpu.wait_dma2 semaphore(%run_scoped3A : memref<!tpu.dma_semaphore, #tpu.memory_space<semaphore_mem>>) src(%dma_wait3A_193 : memref<624xf32, #tpu.memory_space<vmem_shared>>) dst(%arg14 : memref<624xf32, #tpu.memory_space<vmem>>)
      tpu.yield
    }) : () -> ()
    %mul3A_183 = arith.constant 10000 : i32
    %mul3A_184 = arith.muli %arg0, %mul3A_183 : i32
    %add3A_185 = arith.addi %mul3A_184, %mul3A_2 : i32
    "tpu.region"() ({
      %run_scoped3A = tpu.sem_alloc : memref<!tpu.dma_semaphore, #tpu.memory_space<semaphore_mem>>
      %dma_start3A = tpu.memref_slice %arg6[%add3A_185] : memref<20000xf32, #tpu.memory_space<hbm>> -> memref<624xf32, #tpu.memory_space<hbm>>
      %dma_start3A_191 = tpu.memref_slice %arg6[%add3A_185] : memref<20000xf32, #tpu.memory_space<hbm>> -> memref<624xf32, #tpu.memory_space<hbm>>
      tpu.enqueue_dma source(%arg14 : memref<624xf32, #tpu.memory_space<vmem>>) target(%dma_start3A_191 : memref<624xf32, #tpu.memory_space<hbm>>) target_semaphore(%run_scoped3A : memref<!tpu.dma_semaphore, #tpu.memory_space<semaphore_mem>>)
      %dma_wait3A_192 = tpu.memref_slice %arg6[%add3A_185] : memref<20000xf32, #tpu.memory_space<hbm>> -> memref<624xf32, #tpu.memory_space<hbm>>
      %dma_wait3A_193 = tpu.memref_slice %arg6[%add3A_185] : memref<20000xf32, #tpu.memory_space<hbm>> -> memref<624xf32, #tpu.memory_space<hbm>>
      tpu.wait_dma2 semaphore(%run_scoped3A : memref<!tpu.dma_semaphore, #tpu.memory_space<semaphore_mem>>) src(%arg14 : memref<624xf32, #tpu.memory_space<vmem>>) dst(%dma_wait3A_193 : memref<624xf32, #tpu.memory_space<hbm>>)
      tpu.yield
    }) : () -> ()
    %eq3A_186 = arith.constant 15 : i32
    %eq3A_187 = arith.cmpi eq, %arg1, %eq3A_186 : i32
    %convert_element_type3A_188 = arith.extui %eq3A_187 : i1 to i32
    %cond3A_189 = arith.constant 0 : i32
    %cond3A_190 = arith.cmpi ne, %convert_element_type3A_188, %cond3A_189 : i32
    scf.if %cond3A_190 {
      "tpu.region"() ({
        %run_scoped3A = tpu.sem_alloc : memref<!tpu.dma_semaphore, #tpu.memory_space<semaphore_mem>>
        %dma_start3A = arith.constant 0 : i32
        %dma_start3A_195 = tpu.memref_slice %arg14[%dma_start3A] : memref<624xf32, #tpu.memory_space<vmem>> -> memref<16xf32, #tpu.memory_space<vmem>>
        %dma_start3A_196 = arith.constant 9984 : i32
        %dma_start3A_197 = tpu.memref_slice %arg21[%dma_start3A_196] : memref<10000xf32, #tpu.memory_space<vmem_shared>> -> memref<16xf32, #tpu.memory_space<vmem_shared>>
        %dma_start3A_198 = arith.constant 0 : i32
        %dma_start3A_199 = tpu.memref_slice %arg14[%dma_start3A_198] : memref<624xf32, #tpu.memory_space<vmem>> -> memref<16xf32, #tpu.memory_space<vmem>>
        %dma_start3A_200 = arith.constant 9984 : i32
        %dma_start3A_201 = tpu.memref_slice %arg21[%dma_start3A_200] : memref<10000xf32, #tpu.memory_space<vmem_shared>> -> memref<16xf32, #tpu.memory_space<vmem_shared>>
        tpu.enqueue_dma source(%dma_start3A_201 : memref<16xf32, #tpu.memory_space<vmem_shared>>) target(%dma_start3A_199 : memref<16xf32, #tpu.memory_space<vmem>>) target_semaphore(%run_scoped3A : memref<!tpu.dma_semaphore, #tpu.memory_space<semaphore_mem>>)
        %dma_wait3A_202 = arith.constant 0 : i32
        %dma_wait3A_203 = tpu.memref_slice %arg14[%dma_wait3A_202] : memref<624xf32, #tpu.memory_space<vmem>> -> memref<16xf32, #tpu.memory_space<vmem>>
        %dma_wait3A_204 = arith.constant 9984 : i32
        %dma_wait3A_205 = tpu.memref_slice %arg21[%dma_wait3A_204] : memref<10000xf32, #tpu.memory_space<vmem_shared>> -> memref<16xf32, #tpu.memory_space<vmem_shared>>
        %dma_wait3A_206 = arith.constant 0 : i32
        %dma_wait3A_207 = tpu.memref_slice %arg14[%dma_wait3A_206] : memref<624xf32, #tpu.memory_space<vmem>> -> memref<16xf32, #tpu.memory_space<vmem>>
        %dma_wait3A_208 = arith.constant 9984 : i32
        %dma_wait3A_209 = tpu.memref_slice %arg21[%dma_wait3A_208] : memref<10000xf32, #tpu.memory_space<vmem_shared>> -> memref<16xf32, #tpu.memory_space<vmem_shared>>
        tpu.wait_dma2 semaphore(%run_scoped3A : memref<!tpu.dma_semaphore, #tpu.memory_space<semaphore_mem>>) src(%dma_wait3A_209 : memref<16xf32, #tpu.memory_space<vmem_shared>>) dst(%dma_wait3A_207 : memref<16xf32, #tpu.memory_space<vmem>>)
        tpu.yield
      }) : () -> ()
      %mul3A_191 = arith.constant 10000 : i32
      %mul3A_192 = arith.muli %arg0, %mul3A_191 : i32
      %add3A_193 = arith.constant 9984 : i32
      %add3A_194 = arith.addi %mul3A_192, %add3A_193 : i32
      "tpu.region"() ({
        %run_scoped3A = tpu.sem_alloc : memref<!tpu.dma_semaphore, #tpu.memory_space<semaphore_mem>>
        %dma_start3A = arith.constant 0 : i32
        %dma_start3A_195 = tpu.memref_slice %arg14[%dma_start3A] : memref<624xf32, #tpu.memory_space<vmem>> -> memref<16xf32, #tpu.memory_space<vmem>>
        %dma_start3A_196 = tpu.memref_slice %arg6[%add3A_194] : memref<20000xf32, #tpu.memory_space<hbm>> -> memref<16xf32, #tpu.memory_space<hbm>>
        %dma_start3A_197 = tpu.memref_slice %arg6[%add3A_194] : memref<20000xf32, #tpu.memory_space<hbm>> -> memref<16xf32, #tpu.memory_space<hbm>>
        %dma_start3A_198 = arith.constant 0 : i32
        %dma_start3A_199 = tpu.memref_slice %arg14[%dma_start3A_198] : memref<624xf32, #tpu.memory_space<vmem>> -> memref<16xf32, #tpu.memory_space<vmem>>
        tpu.enqueue_dma source(%dma_start3A_199 : memref<16xf32, #tpu.memory_space<vmem>>) target(%dma_start3A_197 : memref<16xf32, #tpu.memory_space<hbm>>) target_semaphore(%run_scoped3A : memref<!tpu.dma_semaphore, #tpu.memory_space<semaphore_mem>>)
        %dma_wait3A_200 = arith.constant 0 : i32
        %dma_wait3A_201 = tpu.memref_slice %arg14[%dma_wait3A_200] : memref<624xf32, #tpu.memory_space<vmem>> -> memref<16xf32, #tpu.memory_space<vmem>>
        %dma_wait3A_202 = tpu.memref_slice %arg6[%add3A_194] : memref<20000xf32, #tpu.memory_space<hbm>> -> memref<16xf32, #tpu.memory_space<hbm>>
        %dma_wait3A_203 = tpu.memref_slice %arg6[%add3A_194] : memref<20000xf32, #tpu.memory_space<hbm>> -> memref<16xf32, #tpu.memory_space<hbm>>
        %dma_wait3A_204 = arith.constant 0 : i32
        %dma_wait3A_205 = tpu.memref_slice %arg14[%dma_wait3A_204] : memref<624xf32, #tpu.memory_space<vmem>> -> memref<16xf32, #tpu.memory_space<vmem>>
        tpu.wait_dma2 semaphore(%run_scoped3A : memref<!tpu.dma_semaphore, #tpu.memory_space<semaphore_mem>>) src(%dma_wait3A_205 : memref<16xf32, #tpu.memory_space<vmem>>) dst(%dma_wait3A_203 : memref<16xf32, #tpu.memory_space<hbm>>)
        tpu.yield
      }) : () -> ()
    } else {
    }
    return
  }
}

#map = affine_map<(d0, d1) -> (0, 0)>
#map1 = affine_map<(d0, d1) -> (0)>
#map2 = affine_map<(d0, d1) -> (0, 0, 0)>
module attributes {stable_mosaic.version = 14 : i64} {
  func.func @_sc_agg_body(%arg0: i32, %arg1: i32, %arg2: memref<10000x128xf32, #tpu.memory_space<hbm>>, %arg3: memref<320000xi32, #tpu.memory_space<hbm>>, %arg4: memref<320000xi32, #tpu.memory_space<hbm>>, %arg5: memref<2x10000x128xf32, #tpu.memory_space<hbm>>, %arg6: memref<10000xi32, #tpu.memory_space<vmem>>, %arg7: memref<40xi32, #tpu.memory_space<vmem>>, %arg8: memref<40xi32, #tpu.memory_space<vmem>>, %arg9: memref<40xi32, #tpu.memory_space<vmem>>, %arg10: memref<40xi32, #tpu.memory_space<vmem>>, %arg11: memref<40xi32, #tpu.memory_space<vmem>>, %arg12: memref<40x128xf32, #tpu.memory_space<vmem>>, %arg13: memref<40x128xf32, #tpu.memory_space<vmem>>, %arg14: memref<40x128xf32, #tpu.memory_space<vmem>>, %arg15: memref<40x128xf32, #tpu.memory_space<vmem>>, %arg16: memref<40x128xf32, #tpu.memory_space<vmem>>, %arg17: memref<10000x128xf32, #tpu.memory_space<vmem_shared>>, %arg18: memref<5x!tpu.dma_semaphore, #tpu.memory_space<semaphore_mem>>, %arg19: memref<5x!tpu.dma_semaphore, #tpu.memory_space<semaphore_mem>>, %arg20: memref<5x!tpu.dma_semaphore, #tpu.memory_space<semaphore_mem>>) attributes {dimension_semantics = [#tpu.dimension_semantics<core_parallel>, #tpu.dimension_semantics<subcore_parallel>], iteration_bounds = array<i64: 2, 16>, scalar_prefetch = 0 : i64, scratch_operands = 15 : i64, tpu.core_type = #tpu.core_type<sc_vector_subcore>, window_params = [{transform_indices = #map}, {transform_indices = #map1}, {transform_indices = #map1}, {transform_indices = #map2}]} {
    %mul3A = arith.constant 2 : i32
    %mul3A_0 = arith.muli %arg1, %mul3A : i32
    %add3A = arith.addi %mul3A_0, %arg0 : i32
    %mul3A_1 = arith.constant 624 : i32
    %mul3A_2 = arith.muli %arg1, %mul3A_1 : i32
    %mul3A_3 = arith.constant 10000 : i32
    %mul3A_4 = arith.muli %add3A, %mul3A_3 : i32
    %scan3A = arith.constant 0 : i32
    %scan3A_5 = arith.constant 0 : i32
    %scan3A_6 = arith.constant 320 : i32
    %scan3A_7 = arith.addi %scan3A_5, %scan3A_6 : i32
    %scan3A_8 = arith.constant 1 : i32
    %scan3A_9 = scf.for %scan3A_87 = %scan3A_5 to %scan3A_7 step %scan3A_8 iter_args(%scan3A_88 = %scan3A) -> (i32)  : i32 {
      %jit3A = arith.constant 8 : i32
      %div3A = arith.divsi %scan3A_87, %jit3A : i32
      %sign3A = arith.constant 0 : i32
      %sign3A_89 = arith.cmpi sgt, %scan3A_87, %sign3A : i32
      %sign3A_90 = arith.extui %sign3A_89 : i1 to i32
      %sign3A_91 = arith.constant 0 : i32
      %sign3A_92 = arith.cmpi slt, %scan3A_87, %sign3A_91 : i32
      %sign3A_93 = arith.extui %sign3A_92 : i1 to i32
      %sign3A_94 = arith.subi %sign3A_90, %sign3A_93 : i32
      %sign3A_95 = arith.constant 0 : i32
      %sign3A_96 = arith.cmpi sgt, %jit3A, %sign3A_95 : i32
      %sign3A_97 = arith.extui %sign3A_96 : i1 to i32
      %sign3A_98 = arith.constant 0 : i32
      %sign3A_99 = arith.cmpi slt, %jit3A, %sign3A_98 : i32
      %sign3A_100 = arith.extui %sign3A_99 : i1 to i32
      %sign3A_101 = arith.subi %sign3A_97, %sign3A_100 : i32
      %ne3A = arith.cmpi ne, %sign3A_94, %sign3A_101 : i32
      %rem3A = arith.remsi %scan3A_87, %jit3A : i32
      %ne3A_102 = arith.constant 0 : i32
      %ne3A_103 = arith.cmpi ne, %rem3A, %ne3A_102 : i32
      %and3A = arith.andi %ne3A, %ne3A_103 : i1
      %sub3A = arith.constant 1 : i32
      %sub3A_104 = arith.subi %div3A, %sub3A : i32
      %select_n3A = arith.select %and3A, %sub3A_104, %div3A : i32
      %jit3A_105 = arith.constant 8 : i32
      %eq3A_106 = arith.constant 0 : i32
      %eq3A_107 = arith.cmpi eq, %jit3A_105, %eq3A_106 : i32
      %jit3A_108 = arith.constant 1 : i32
      %select_n3A_109 = arith.select %eq3A_107, %jit3A_108, %jit3A_105 : i32
      %rem3A_110 = arith.remsi %scan3A_87, %select_n3A_109 : i32
      %ne3A_111 = arith.constant 0 : i32
      %ne3A_112 = arith.cmpi ne, %rem3A_110, %ne3A_111 : i32
      %lt3A = arith.constant 0 : i32
      %lt3A_113 = arith.cmpi slt, %rem3A_110, %lt3A : i32
      %lt3A_114 = arith.constant 0 : i32
      %lt3A_115 = arith.cmpi slt, %select_n3A_109, %lt3A_114 : i32
      %ne3A_116 = arith.xori %lt3A_113, %lt3A_115 : i1
      %and3A_117 = arith.andi %ne3A_116, %ne3A_112 : i1
      %add3A_118 = arith.addi %rem3A_110, %select_n3A_109 : i32
      %select_n3A_119 = arith.select %and3A_117, %add3A_118, %rem3A_110 : i32
      %broadcast_in_dim3A = arith.constant 0.000000e+00 : f32
      %broadcast_in_dim3A_120 = vector.broadcast %broadcast_in_dim3A : f32 to vector<16xf32>
      %mul3A_121 = arith.constant 16 : i32
      %mul3A_122 = arith.muli %select_n3A_119, %mul3A_121 : i32
      %swap3A = arith.index_cast %select_n3A : i32 to index
      %swap3A_123 = arith.index_cast %mul3A_122 : i32 to index
      %swap3A_124 = tpu.vector_load %arg12[%swap3A, %swap3A_123] {strides = array<i32>} : memref<40x128xf32, #tpu.memory_space<vmem>>, vector<1x16xf32>,
      %swap3A_125 = vector.shape_cast %swap3A_124 : vector<1x16xf32> to vector<16xf32>
      %swap3A_126 = vector.shape_cast %broadcast_in_dim3A_120 : vector<16xf32> to vector<1x16xf32>
      tpu.vector_store %arg12[%swap3A, %swap3A_123], %swap3A_126 {strides = array<i32>} : memref<40x128xf32, #tpu.memory_space<vmem>>, vector<1x16xf32>,
      %scan3A_127 = arith.constant 0 : i32
      scf.yield %scan3A_127 : i32
    }
    %scan3A_10 = arith.constant 320 : i32
    %add3A_11 = arith.constant 0 : i32
    %add3A_12 = arith.addi %mul3A_2, %add3A_11 : i32
    "tpu.region"() ({
      %run_scoped3A = tpu.sem_alloc : memref<!tpu.dma_semaphore, #tpu.memory_space<semaphore_mem>>
      %dma_start3A = arith.constant 0 : i32
      %dma_start3A_87 = tpu.memref_slice %arg17[%add3A_12, %dma_start3A] : memref<10000x128xf32, #tpu.memory_space<vmem_shared>> -> memref<40x128xf32, #tpu.memory_space<vmem_shared>>
      %dma_start3A_88 = arith.constant 0 : i32
      %dma_start3A_89 = tpu.memref_slice %arg17[%add3A_12, %dma_start3A_88] : memref<10000x128xf32, #tpu.memory_space<vmem_shared>> -> memref<40x128xf32, #tpu.memory_space<vmem_shared>>
      tpu.enqueue_dma source(%arg12 : memref<40x128xf32, #tpu.memory_space<vmem>>) target(%dma_start3A_89 : memref<40x128xf32, #tpu.memory_space<vmem_shared>>) target_semaphore(%run_scoped3A : memref<!tpu.dma_semaphore, #tpu.memory_space<semaphore_mem>>)
      %dma_wait3A_90 = arith.constant 0 : i32
      %dma_wait3A_91 = tpu.memref_slice %arg17[%add3A_12, %dma_wait3A_90] : memref<10000x128xf32, #tpu.memory_space<vmem_shared>> -> memref<40x128xf32, #tpu.memory_space<vmem_shared>>
      %dma_wait3A_92 = arith.constant 0 : i32
      %dma_wait3A_93 = tpu.memref_slice %arg17[%add3A_12, %dma_wait3A_92] : memref<10000x128xf32, #tpu.memory_space<vmem_shared>> -> memref<40x128xf32, #tpu.memory_space<vmem_shared>>
      tpu.wait_dma2 semaphore(%run_scoped3A : memref<!tpu.dma_semaphore, #tpu.memory_space<semaphore_mem>>) src(%arg12 : memref<40x128xf32, #tpu.memory_space<vmem>>) dst(%dma_wait3A_93 : memref<40x128xf32, #tpu.memory_space<vmem_shared>>)
      tpu.yield
    }) : () -> ()
    %add3A_13 = arith.constant 40 : i32
    %add3A_14 = arith.addi %mul3A_2, %add3A_13 : i32
    "tpu.region"() ({
      %run_scoped3A = tpu.sem_alloc : memref<!tpu.dma_semaphore, #tpu.memory_space<semaphore_mem>>
      %dma_start3A = arith.constant 0 : i32
      %dma_start3A_87 = tpu.memref_slice %arg17[%add3A_14, %dma_start3A] : memref<10000x128xf32, #tpu.memory_space<vmem_shared>> -> memref<40x128xf32, #tpu.memory_space<vmem_shared>>
      %dma_start3A_88 = arith.constant 0 : i32
      %dma_start3A_89 = tpu.memref_slice %arg17[%add3A_14, %dma_start3A_88] : memref<10000x128xf32, #tpu.memory_space<vmem_shared>> -> memref<40x128xf32, #tpu.memory_space<vmem_shared>>
      tpu.enqueue_dma source(%arg12 : memref<40x128xf32, #tpu.memory_space<vmem>>) target(%dma_start3A_89 : memref<40x128xf32, #tpu.memory_space<vmem_shared>>) target_semaphore(%run_scoped3A : memref<!tpu.dma_semaphore, #tpu.memory_space<semaphore_mem>>)
      %dma_wait3A_90 = arith.constant 0 : i32
      %dma_wait3A_91 = tpu.memref_slice %arg17[%add3A_14, %dma_wait3A_90] : memref<10000x128xf32, #tpu.memory_space<vmem_shared>> -> memref<40x128xf32, #tpu.memory_space<vmem_shared>>
      %dma_wait3A_92 = arith.constant 0 : i32
      %dma_wait3A_93 = tpu.memref_slice %arg17[%add3A_14, %dma_wait3A_92] : memref<10000x128xf32, #tpu.memory_space<vmem_shared>> -> memref<40x128xf32, #tpu.memory_space<vmem_shared>>
      tpu.wait_dma2 semaphore(%run_scoped3A : memref<!tpu.dma_semaphore, #tpu.memory_space<semaphore_mem>>) src(%arg12 : memref<40x128xf32, #tpu.memory_space<vmem>>) dst(%dma_wait3A_93 : memref<40x128xf32, #tpu.memory_space<vmem_shared>>)
      tpu.yield
    }) : () -> ()
    %add3A_15 = arith.constant 80 : i32
    %add3A_16 = arith.addi %mul3A_2, %add3A_15 : i32
    "tpu.region"() ({
      %run_scoped3A = tpu.sem_alloc : memref<!tpu.dma_semaphore, #tpu.memory_space<semaphore_mem>>
      %dma_start3A = arith.constant 0 : i32
      %dma_start3A_87 = tpu.memref_slice %arg17[%add3A_16, %dma_start3A] : memref<10000x128xf32, #tpu.memory_space<vmem_shared>> -> memref<40x128xf32, #tpu.memory_space<vmem_shared>>
      %dma_start3A_88 = arith.constant 0 : i32
      %dma_start3A_89 = tpu.memref_slice %arg17[%add3A_16, %dma_start3A_88] : memref<10000x128xf32, #tpu.memory_space<vmem_shared>> -> memref<40x128xf32, #tpu.memory_space<vmem_shared>>
      tpu.enqueue_dma source(%arg12 : memref<40x128xf32, #tpu.memory_space<vmem>>) target(%dma_start3A_89 : memref<40x128xf32, #tpu.memory_space<vmem_shared>>) target_semaphore(%run_scoped3A : memref<!tpu.dma_semaphore, #tpu.memory_space<semaphore_mem>>)
      %dma_wait3A_90 = arith.constant 0 : i32
      %dma_wait3A_91 = tpu.memref_slice %arg17[%add3A_16, %dma_wait3A_90] : memref<10000x128xf32, #tpu.memory_space<vmem_shared>> -> memref<40x128xf32, #tpu.memory_space<vmem_shared>>
      %dma_wait3A_92 = arith.constant 0 : i32
      %dma_wait3A_93 = tpu.memref_slice %arg17[%add3A_16, %dma_wait3A_92] : memref<10000x128xf32, #tpu.memory_space<vmem_shared>> -> memref<40x128xf32, #tpu.memory_space<vmem_shared>>
      tpu.wait_dma2 semaphore(%run_scoped3A : memref<!tpu.dma_semaphore, #tpu.memory_space<semaphore_mem>>) src(%arg12 : memref<40x128xf32, #tpu.memory_space<vmem>>) dst(%dma_wait3A_93 : memref<40x128xf32, #tpu.memory_space<vmem_shared>>)
      tpu.yield
    }) : () -> ()
    %add3A_17 = arith.constant 120 : i32
    %add3A_18 = arith.addi %mul3A_2, %add3A_17 : i32
    "tpu.region"() ({
      %run_scoped3A = tpu.sem_alloc : memref<!tpu.dma_semaphore, #tpu.memory_space<semaphore_mem>>
      %dma_start3A = arith.constant 0 : i32
      %dma_start3A_87 = tpu.memref_slice %arg17[%add3A_18, %dma_start3A] : memref<10000x128xf32, #tpu.memory_space<vmem_shared>> -> memref<40x128xf32, #tpu.memory_space<vmem_shared>>
      %dma_start3A_88 = arith.constant 0 : i32
      %dma_start3A_89 = tpu.memref_slice %arg17[%add3A_18, %dma_start3A_88] : memref<10000x128xf32, #tpu.memory_space<vmem_shared>> -> memref<40x128xf32, #tpu.memory_space<vmem_shared>>
      tpu.enqueue_dma source(%arg12 : memref<40x128xf32, #tpu.memory_space<vmem>>) target(%dma_start3A_89 : memref<40x128xf32, #tpu.memory_space<vmem_shared>>) target_semaphore(%run_scoped3A : memref<!tpu.dma_semaphore, #tpu.memory_space<semaphore_mem>>)
      %dma_wait3A_90 = arith.constant 0 : i32
      %dma_wait3A_91 = tpu.memref_slice %arg17[%add3A_18, %dma_wait3A_90] : memref<10000x128xf32, #tpu.memory_space<vmem_shared>> -> memref<40x128xf32, #tpu.memory_space<vmem_shared>>
      %dma_wait3A_92 = arith.constant 0 : i32
      %dma_wait3A_93 = tpu.memref_slice %arg17[%add3A_18, %dma_wait3A_92] : memref<10000x128xf32, #tpu.memory_space<vmem_shared>> -> memref<40x128xf32, #tpu.memory_space<vmem_shared>>
      tpu.wait_dma2 semaphore(%run_scoped3A : memref<!tpu.dma_semaphore, #tpu.memory_space<semaphore_mem>>) src(%arg12 : memref<40x128xf32, #tpu.memory_space<vmem>>) dst(%dma_wait3A_93 : memref<40x128xf32, #tpu.memory_space<vmem_shared>>)
      tpu.yield
    }) : () -> ()
    %add3A_19 = arith.constant 160 : i32
    %add3A_20 = arith.addi %mul3A_2, %add3A_19 : i32
    "tpu.region"() ({
      %run_scoped3A = tpu.sem_alloc : memref<!tpu.dma_semaphore, #tpu.memory_space<semaphore_mem>>
      %dma_start3A = arith.constant 0 : i32
      %dma_start3A_87 = tpu.memref_slice %arg17[%add3A_20, %dma_start3A] : memref<10000x128xf32, #tpu.memory_space<vmem_shared>> -> memref<40x128xf32, #tpu.memory_space<vmem_shared>>
      %dma_start3A_88 = arith.constant 0 : i32
      %dma_start3A_89 = tpu.memref_slice %arg17[%add3A_20, %dma_start3A_88] : memref<10000x128xf32, #tpu.memory_space<vmem_shared>> -> memref<40x128xf32, #tpu.memory_space<vmem_shared>>
      tpu.enqueue_dma source(%arg12 : memref<40x128xf32, #tpu.memory_space<vmem>>) target(%dma_start3A_89 : memref<40x128xf32, #tpu.memory_space<vmem_shared>>) target_semaphore(%run_scoped3A : memref<!tpu.dma_semaphore, #tpu.memory_space<semaphore_mem>>)
      %dma_wait3A_90 = arith.constant 0 : i32
      %dma_wait3A_91 = tpu.memref_slice %arg17[%add3A_20, %dma_wait3A_90] : memref<10000x128xf32, #tpu.memory_space<vmem_shared>> -> memref<40x128xf32, #tpu.memory_space<vmem_shared>>
      %dma_wait3A_92 = arith.constant 0 : i32
      %dma_wait3A_93 = tpu.memref_slice %arg17[%add3A_20, %dma_wait3A_92] : memref<10000x128xf32, #tpu.memory_space<vmem_shared>> -> memref<40x128xf32, #tpu.memory_space<vmem_shared>>
      tpu.wait_dma2 semaphore(%run_scoped3A : memref<!tpu.dma_semaphore, #tpu.memory_space<semaphore_mem>>) src(%arg12 : memref<40x128xf32, #tpu.memory_space<vmem>>) dst(%dma_wait3A_93 : memref<40x128xf32, #tpu.memory_space<vmem_shared>>)
      tpu.yield
    }) : () -> ()
    %add3A_21 = arith.constant 200 : i32
    %add3A_22 = arith.addi %mul3A_2, %add3A_21 : i32
    "tpu.region"() ({
      %run_scoped3A = tpu.sem_alloc : memref<!tpu.dma_semaphore, #tpu.memory_space<semaphore_mem>>
      %dma_start3A = arith.constant 0 : i32
      %dma_start3A_87 = tpu.memref_slice %arg17[%add3A_22, %dma_start3A] : memref<10000x128xf32, #tpu.memory_space<vmem_shared>> -> memref<40x128xf32, #tpu.memory_space<vmem_shared>>
      %dma_start3A_88 = arith.constant 0 : i32
      %dma_start3A_89 = tpu.memref_slice %arg17[%add3A_22, %dma_start3A_88] : memref<10000x128xf32, #tpu.memory_space<vmem_shared>> -> memref<40x128xf32, #tpu.memory_space<vmem_shared>>
      tpu.enqueue_dma source(%arg12 : memref<40x128xf32, #tpu.memory_space<vmem>>) target(%dma_start3A_89 : memref<40x128xf32, #tpu.memory_space<vmem_shared>>) target_semaphore(%run_scoped3A : memref<!tpu.dma_semaphore, #tpu.memory_space<semaphore_mem>>)
      %dma_wait3A_90 = arith.constant 0 : i32
      %dma_wait3A_91 = tpu.memref_slice %arg17[%add3A_22, %dma_wait3A_90] : memref<10000x128xf32, #tpu.memory_space<vmem_shared>> -> memref<40x128xf32, #tpu.memory_space<vmem_shared>>
      %dma_wait3A_92 = arith.constant 0 : i32
      %dma_wait3A_93 = tpu.memref_slice %arg17[%add3A_22, %dma_wait3A_92] : memref<10000x128xf32, #tpu.memory_space<vmem_shared>> -> memref<40x128xf32, #tpu.memory_space<vmem_shared>>
      tpu.wait_dma2 semaphore(%run_scoped3A : memref<!tpu.dma_semaphore, #tpu.memory_space<semaphore_mem>>) src(%arg12 : memref<40x128xf32, #tpu.memory_space<vmem>>) dst(%dma_wait3A_93 : memref<40x128xf32, #tpu.memory_space<vmem_shared>>)
      tpu.yield
    }) : () -> ()
    %add3A_23 = arith.constant 240 : i32
    %add3A_24 = arith.addi %mul3A_2, %add3A_23 : i32
    "tpu.region"() ({
      %run_scoped3A = tpu.sem_alloc : memref<!tpu.dma_semaphore, #tpu.memory_space<semaphore_mem>>
      %dma_start3A = arith.constant 0 : i32
      %dma_start3A_87 = tpu.memref_slice %arg17[%add3A_24, %dma_start3A] : memref<10000x128xf32, #tpu.memory_space<vmem_shared>> -> memref<40x128xf32, #tpu.memory_space<vmem_shared>>
      %dma_start3A_88 = arith.constant 0 : i32
      %dma_start3A_89 = tpu.memref_slice %arg17[%add3A_24, %dma_start3A_88] : memref<10000x128xf32, #tpu.memory_space<vmem_shared>> -> memref<40x128xf32, #tpu.memory_space<vmem_shared>>
      tpu.enqueue_dma source(%arg12 : memref<40x128xf32, #tpu.memory_space<vmem>>) target(%dma_start3A_89 : memref<40x128xf32, #tpu.memory_space<vmem_shared>>) target_semaphore(%run_scoped3A : memref<!tpu.dma_semaphore, #tpu.memory_space<semaphore_mem>>)
      %dma_wait3A_90 = arith.constant 0 : i32
      %dma_wait3A_91 = tpu.memref_slice %arg17[%add3A_24, %dma_wait3A_90] : memref<10000x128xf32, #tpu.memory_space<vmem_shared>> -> memref<40x128xf32, #tpu.memory_space<vmem_shared>>
      %dma_wait3A_92 = arith.constant 0 : i32
      %dma_wait3A_93 = tpu.memref_slice %arg17[%add3A_24, %dma_wait3A_92] : memref<10000x128xf32, #tpu.memory_space<vmem_shared>> -> memref<40x128xf32, #tpu.memory_space<vmem_shared>>
      tpu.wait_dma2 semaphore(%run_scoped3A : memref<!tpu.dma_semaphore, #tpu.memory_space<semaphore_mem>>) src(%arg12 : memref<40x128xf32, #tpu.memory_space<vmem>>) dst(%dma_wait3A_93 : memref<40x128xf32, #tpu.memory_space<vmem_shared>>)
      tpu.yield
    }) : () -> ()
    %add3A_25 = arith.constant 280 : i32
    %add3A_26 = arith.addi %mul3A_2, %add3A_25 : i32
    "tpu.region"() ({
      %run_scoped3A = tpu.sem_alloc : memref<!tpu.dma_semaphore, #tpu.memory_space<semaphore_mem>>
      %dma_start3A = arith.constant 0 : i32
      %dma_start3A_87 = tpu.memref_slice %arg17[%add3A_26, %dma_start3A] : memref<10000x128xf32, #tpu.memory_space<vmem_shared>> -> memref<40x128xf32, #tpu.memory_space<vmem_shared>>
      %dma_start3A_88 = arith.constant 0 : i32
      %dma_start3A_89 = tpu.memref_slice %arg17[%add3A_26, %dma_start3A_88] : memref<10000x128xf32, #tpu.memory_space<vmem_shared>> -> memref<40x128xf32, #tpu.memory_space<vmem_shared>>
      tpu.enqueue_dma source(%arg12 : memref<40x128xf32, #tpu.memory_space<vmem>>) target(%dma_start3A_89 : memref<40x128xf32, #tpu.memory_space<vmem_shared>>) target_semaphore(%run_scoped3A : memref<!tpu.dma_semaphore, #tpu.memory_space<semaphore_mem>>)
      %dma_wait3A_90 = arith.constant 0 : i32
      %dma_wait3A_91 = tpu.memref_slice %arg17[%add3A_26, %dma_wait3A_90] : memref<10000x128xf32, #tpu.memory_space<vmem_shared>> -> memref<40x128xf32, #tpu.memory_space<vmem_shared>>
      %dma_wait3A_92 = arith.constant 0 : i32
      %dma_wait3A_93 = tpu.memref_slice %arg17[%add3A_26, %dma_wait3A_92] : memref<10000x128xf32, #tpu.memory_space<vmem_shared>> -> memref<40x128xf32, #tpu.memory_space<vmem_shared>>
      tpu.wait_dma2 semaphore(%run_scoped3A : memref<!tpu.dma_semaphore, #tpu.memory_space<semaphore_mem>>) src(%arg12 : memref<40x128xf32, #tpu.memory_space<vmem>>) dst(%dma_wait3A_93 : memref<40x128xf32, #tpu.memory_space<vmem_shared>>)
      tpu.yield
    }) : () -> ()
    %add3A_27 = arith.constant 320 : i32
    %add3A_28 = arith.addi %mul3A_2, %add3A_27 : i32
    "tpu.region"() ({
      %run_scoped3A = tpu.sem_alloc : memref<!tpu.dma_semaphore, #tpu.memory_space<semaphore_mem>>
      %dma_start3A = arith.constant 0 : i32
      %dma_start3A_87 = tpu.memref_slice %arg17[%add3A_28, %dma_start3A] : memref<10000x128xf32, #tpu.memory_space<vmem_shared>> -> memref<40x128xf32, #tpu.memory_space<vmem_shared>>
      %dma_start3A_88 = arith.constant 0 : i32
      %dma_start3A_89 = tpu.memref_slice %arg17[%add3A_28, %dma_start3A_88] : memref<10000x128xf32, #tpu.memory_space<vmem_shared>> -> memref<40x128xf32, #tpu.memory_space<vmem_shared>>
      tpu.enqueue_dma source(%arg12 : memref<40x128xf32, #tpu.memory_space<vmem>>) target(%dma_start3A_89 : memref<40x128xf32, #tpu.memory_space<vmem_shared>>) target_semaphore(%run_scoped3A : memref<!tpu.dma_semaphore, #tpu.memory_space<semaphore_mem>>)
      %dma_wait3A_90 = arith.constant 0 : i32
      %dma_wait3A_91 = tpu.memref_slice %arg17[%add3A_28, %dma_wait3A_90] : memref<10000x128xf32, #tpu.memory_space<vmem_shared>> -> memref<40x128xf32, #tpu.memory_space<vmem_shared>>
      %dma_wait3A_92 = arith.constant 0 : i32
      %dma_wait3A_93 = tpu.memref_slice %arg17[%add3A_28, %dma_wait3A_92] : memref<10000x128xf32, #tpu.memory_space<vmem_shared>> -> memref<40x128xf32, #tpu.memory_space<vmem_shared>>
      tpu.wait_dma2 semaphore(%run_scoped3A : memref<!tpu.dma_semaphore, #tpu.memory_space<semaphore_mem>>) src(%arg12 : memref<40x128xf32, #tpu.memory_space<vmem>>) dst(%dma_wait3A_93 : memref<40x128xf32, #tpu.memory_space<vmem_shared>>)
      tpu.yield
    }) : () -> ()
    %add3A_29 = arith.constant 360 : i32
    %add3A_30 = arith.addi %mul3A_2, %add3A_29 : i32
    "tpu.region"() ({
      %run_scoped3A = tpu.sem_alloc : memref<!tpu.dma_semaphore, #tpu.memory_space<semaphore_mem>>
      %dma_start3A = arith.constant 0 : i32
      %dma_start3A_87 = tpu.memref_slice %arg17[%add3A_30, %dma_start3A] : memref<10000x128xf32, #tpu.memory_space<vmem_shared>> -> memref<40x128xf32, #tpu.memory_space<vmem_shared>>
      %dma_start3A_88 = arith.constant 0 : i32
      %dma_start3A_89 = tpu.memref_slice %arg17[%add3A_30, %dma_start3A_88] : memref<10000x128xf32, #tpu.memory_space<vmem_shared>> -> memref<40x128xf32, #tpu.memory_space<vmem_shared>>
      tpu.enqueue_dma source(%arg12 : memref<40x128xf32, #tpu.memory_space<vmem>>) target(%dma_start3A_89 : memref<40x128xf32, #tpu.memory_space<vmem_shared>>) target_semaphore(%run_scoped3A : memref<!tpu.dma_semaphore, #tpu.memory_space<semaphore_mem>>)
      %dma_wait3A_90 = arith.constant 0 : i32
      %dma_wait3A_91 = tpu.memref_slice %arg17[%add3A_30, %dma_wait3A_90] : memref<10000x128xf32, #tpu.memory_space<vmem_shared>> -> memref<40x128xf32, #tpu.memory_space<vmem_shared>>
      %dma_wait3A_92 = arith.constant 0 : i32
      %dma_wait3A_93 = tpu.memref_slice %arg17[%add3A_30, %dma_wait3A_92] : memref<10000x128xf32, #tpu.memory_space<vmem_shared>> -> memref<40x128xf32, #tpu.memory_space<vmem_shared>>
      tpu.wait_dma2 semaphore(%run_scoped3A : memref<!tpu.dma_semaphore, #tpu.memory_space<semaphore_mem>>) src(%arg12 : memref<40x128xf32, #tpu.memory_space<vmem>>) dst(%dma_wait3A_93 : memref<40x128xf32, #tpu.memory_space<vmem_shared>>)
      tpu.yield
    }) : () -> ()
    %add3A_31 = arith.constant 400 : i32
    %add3A_32 = arith.addi %mul3A_2, %add3A_31 : i32
    "tpu.region"() ({
      %run_scoped3A = tpu.sem_alloc : memref<!tpu.dma_semaphore, #tpu.memory_space<semaphore_mem>>
      %dma_start3A = arith.constant 0 : i32
      %dma_start3A_87 = tpu.memref_slice %arg17[%add3A_32, %dma_start3A] : memref<10000x128xf32, #tpu.memory_space<vmem_shared>> -> memref<40x128xf32, #tpu.memory_space<vmem_shared>>
      %dma_start3A_88 = arith.constant 0 : i32
      %dma_start3A_89 = tpu.memref_slice %arg17[%add3A_32, %dma_start3A_88] : memref<10000x128xf32, #tpu.memory_space<vmem_shared>> -> memref<40x128xf32, #tpu.memory_space<vmem_shared>>
      tpu.enqueue_dma source(%arg12 : memref<40x128xf32, #tpu.memory_space<vmem>>) target(%dma_start3A_89 : memref<40x128xf32, #tpu.memory_space<vmem_shared>>) target_semaphore(%run_scoped3A : memref<!tpu.dma_semaphore, #tpu.memory_space<semaphore_mem>>)
      %dma_wait3A_90 = arith.constant 0 : i32
      %dma_wait3A_91 = tpu.memref_slice %arg17[%add3A_32, %dma_wait3A_90] : memref<10000x128xf32, #tpu.memory_space<vmem_shared>> -> memref<40x128xf32, #tpu.memory_space<vmem_shared>>
      %dma_wait3A_92 = arith.constant 0 : i32
      %dma_wait3A_93 = tpu.memref_slice %arg17[%add3A_32, %dma_wait3A_92] : memref<10000x128xf32, #tpu.memory_space<vmem_shared>> -> memref<40x128xf32, #tpu.memory_space<vmem_shared>>
      tpu.wait_dma2 semaphore(%run_scoped3A : memref<!tpu.dma_semaphore, #tpu.memory_space<semaphore_mem>>) src(%arg12 : memref<40x128xf32, #tpu.memory_space<vmem>>) dst(%dma_wait3A_93 : memref<40x128xf32, #tpu.memory_space<vmem_shared>>)
      tpu.yield
    }) : () -> ()
    %add3A_33 = arith.constant 440 : i32
    %add3A_34 = arith.addi %mul3A_2, %add3A_33 : i32
    "tpu.region"() ({
      %run_scoped3A = tpu.sem_alloc : memref<!tpu.dma_semaphore, #tpu.memory_space<semaphore_mem>>
      %dma_start3A = arith.constant 0 : i32
      %dma_start3A_87 = tpu.memref_slice %arg17[%add3A_34, %dma_start3A] : memref<10000x128xf32, #tpu.memory_space<vmem_shared>> -> memref<40x128xf32, #tpu.memory_space<vmem_shared>>
      %dma_start3A_88 = arith.constant 0 : i32
      %dma_start3A_89 = tpu.memref_slice %arg17[%add3A_34, %dma_start3A_88] : memref<10000x128xf32, #tpu.memory_space<vmem_shared>> -> memref<40x128xf32, #tpu.memory_space<vmem_shared>>
      tpu.enqueue_dma source(%arg12 : memref<40x128xf32, #tpu.memory_space<vmem>>) target(%dma_start3A_89 : memref<40x128xf32, #tpu.memory_space<vmem_shared>>) target_semaphore(%run_scoped3A : memref<!tpu.dma_semaphore, #tpu.memory_space<semaphore_mem>>)
      %dma_wait3A_90 = arith.constant 0 : i32
      %dma_wait3A_91 = tpu.memref_slice %arg17[%add3A_34, %dma_wait3A_90] : memref<10000x128xf32, #tpu.memory_space<vmem_shared>> -> memref<40x128xf32, #tpu.memory_space<vmem_shared>>
      %dma_wait3A_92 = arith.constant 0 : i32
      %dma_wait3A_93 = tpu.memref_slice %arg17[%add3A_34, %dma_wait3A_92] : memref<10000x128xf32, #tpu.memory_space<vmem_shared>> -> memref<40x128xf32, #tpu.memory_space<vmem_shared>>
      tpu.wait_dma2 semaphore(%run_scoped3A : memref<!tpu.dma_semaphore, #tpu.memory_space<semaphore_mem>>) src(%arg12 : memref<40x128xf32, #tpu.memory_space<vmem>>) dst(%dma_wait3A_93 : memref<40x128xf32, #tpu.memory_space<vmem_shared>>)
      tpu.yield
    }) : () -> ()
    %add3A_35 = arith.constant 480 : i32
    %add3A_36 = arith.addi %mul3A_2, %add3A_35 : i32
    "tpu.region"() ({
      %run_scoped3A = tpu.sem_alloc : memref<!tpu.dma_semaphore, #tpu.memory_space<semaphore_mem>>
      %dma_start3A = arith.constant 0 : i32
      %dma_start3A_87 = tpu.memref_slice %arg17[%add3A_36, %dma_start3A] : memref<10000x128xf32, #tpu.memory_space<vmem_shared>> -> memref<40x128xf32, #tpu.memory_space<vmem_shared>>
      %dma_start3A_88 = arith.constant 0 : i32
      %dma_start3A_89 = tpu.memref_slice %arg17[%add3A_36, %dma_start3A_88] : memref<10000x128xf32, #tpu.memory_space<vmem_shared>> -> memref<40x128xf32, #tpu.memory_space<vmem_shared>>
      tpu.enqueue_dma source(%arg12 : memref<40x128xf32, #tpu.memory_space<vmem>>) target(%dma_start3A_89 : memref<40x128xf32, #tpu.memory_space<vmem_shared>>) target_semaphore(%run_scoped3A : memref<!tpu.dma_semaphore, #tpu.memory_space<semaphore_mem>>)
      %dma_wait3A_90 = arith.constant 0 : i32
      %dma_wait3A_91 = tpu.memref_slice %arg17[%add3A_36, %dma_wait3A_90] : memref<10000x128xf32, #tpu.memory_space<vmem_shared>> -> memref<40x128xf32, #tpu.memory_space<vmem_shared>>
      %dma_wait3A_92 = arith.constant 0 : i32
      %dma_wait3A_93 = tpu.memref_slice %arg17[%add3A_36, %dma_wait3A_92] : memref<10000x128xf32, #tpu.memory_space<vmem_shared>> -> memref<40x128xf32, #tpu.memory_space<vmem_shared>>
      tpu.wait_dma2 semaphore(%run_scoped3A : memref<!tpu.dma_semaphore, #tpu.memory_space<semaphore_mem>>) src(%arg12 : memref<40x128xf32, #tpu.memory_space<vmem>>) dst(%dma_wait3A_93 : memref<40x128xf32, #tpu.memory_space<vmem_shared>>)
      tpu.yield
    }) : () -> ()
    %add3A_37 = arith.constant 520 : i32
    %add3A_38 = arith.addi %mul3A_2, %add3A_37 : i32
    "tpu.region"() ({
      %run_scoped3A = tpu.sem_alloc : memref<!tpu.dma_semaphore, #tpu.memory_space<semaphore_mem>>
      %dma_start3A = arith.constant 0 : i32
      %dma_start3A_87 = tpu.memref_slice %arg17[%add3A_38, %dma_start3A] : memref<10000x128xf32, #tpu.memory_space<vmem_shared>> -> memref<40x128xf32, #tpu.memory_space<vmem_shared>>
      %dma_start3A_88 = arith.constant 0 : i32
      %dma_start3A_89 = tpu.memref_slice %arg17[%add3A_38, %dma_start3A_88] : memref<10000x128xf32, #tpu.memory_space<vmem_shared>> -> memref<40x128xf32, #tpu.memory_space<vmem_shared>>
      tpu.enqueue_dma source(%arg12 : memref<40x128xf32, #tpu.memory_space<vmem>>) target(%dma_start3A_89 : memref<40x128xf32, #tpu.memory_space<vmem_shared>>) target_semaphore(%run_scoped3A : memref<!tpu.dma_semaphore, #tpu.memory_space<semaphore_mem>>)
      %dma_wait3A_90 = arith.constant 0 : i32
      %dma_wait3A_91 = tpu.memref_slice %arg17[%add3A_38, %dma_wait3A_90] : memref<10000x128xf32, #tpu.memory_space<vmem_shared>> -> memref<40x128xf32, #tpu.memory_space<vmem_shared>>
      %dma_wait3A_92 = arith.constant 0 : i32
      %dma_wait3A_93 = tpu.memref_slice %arg17[%add3A_38, %dma_wait3A_92] : memref<10000x128xf32, #tpu.memory_space<vmem_shared>> -> memref<40x128xf32, #tpu.memory_space<vmem_shared>>
      tpu.wait_dma2 semaphore(%run_scoped3A : memref<!tpu.dma_semaphore, #tpu.memory_space<semaphore_mem>>) src(%arg12 : memref<40x128xf32, #tpu.memory_space<vmem>>) dst(%dma_wait3A_93 : memref<40x128xf32, #tpu.memory_space<vmem_shared>>)
      tpu.yield
    }) : () -> ()
    %add3A_39 = arith.constant 560 : i32
    %add3A_40 = arith.addi %mul3A_2, %add3A_39 : i32
    "tpu.region"() ({
      %run_scoped3A = tpu.sem_alloc : memref<!tpu.dma_semaphore, #tpu.memory_space<semaphore_mem>>
      %dma_start3A = arith.constant 0 : i32
      %dma_start3A_87 = tpu.memref_slice %arg17[%add3A_40, %dma_start3A] : memref<10000x128xf32, #tpu.memory_space<vmem_shared>> -> memref<40x128xf32, #tpu.memory_space<vmem_shared>>
      %dma_start3A_88 = arith.constant 0 : i32
      %dma_start3A_89 = tpu.memref_slice %arg17[%add3A_40, %dma_start3A_88] : memref<10000x128xf32, #tpu.memory_space<vmem_shared>> -> memref<40x128xf32, #tpu.memory_space<vmem_shared>>
      tpu.enqueue_dma source(%arg12 : memref<40x128xf32, #tpu.memory_space<vmem>>) target(%dma_start3A_89 : memref<40x128xf32, #tpu.memory_space<vmem_shared>>) target_semaphore(%run_scoped3A : memref<!tpu.dma_semaphore, #tpu.memory_space<semaphore_mem>>)
      %dma_wait3A_90 = arith.constant 0 : i32
      %dma_wait3A_91 = tpu.memref_slice %arg17[%add3A_40, %dma_wait3A_90] : memref<10000x128xf32, #tpu.memory_space<vmem_shared>> -> memref<40x128xf32, #tpu.memory_space<vmem_shared>>
      %dma_wait3A_92 = arith.constant 0 : i32
      %dma_wait3A_93 = tpu.memref_slice %arg17[%add3A_40, %dma_wait3A_92] : memref<10000x128xf32, #tpu.memory_space<vmem_shared>> -> memref<40x128xf32, #tpu.memory_space<vmem_shared>>
      tpu.wait_dma2 semaphore(%run_scoped3A : memref<!tpu.dma_semaphore, #tpu.memory_space<semaphore_mem>>) src(%arg12 : memref<40x128xf32, #tpu.memory_space<vmem>>) dst(%dma_wait3A_93 : memref<40x128xf32, #tpu.memory_space<vmem_shared>>)
      tpu.yield
    }) : () -> ()
    %add3A_41 = arith.constant 600 : i32
    %add3A_42 = arith.addi %mul3A_2, %add3A_41 : i32
    "tpu.region"() ({
      %run_scoped3A = tpu.sem_alloc : memref<!tpu.dma_semaphore, #tpu.memory_space<semaphore_mem>>
      %dma_start3A = arith.constant 0 : i32
      %dma_start3A_87 = arith.constant 0 : i32
      %dma_start3A_88 = tpu.memref_slice %arg12[%dma_start3A, %dma_start3A_87] : memref<40x128xf32, #tpu.memory_space<vmem>> -> memref<24x128xf32, #tpu.memory_space<vmem>>
      %dma_start3A_89 = arith.constant 0 : i32
      %dma_start3A_90 = tpu.memref_slice %arg17[%add3A_42, %dma_start3A_89] : memref<10000x128xf32, #tpu.memory_space<vmem_shared>> -> memref<24x128xf32, #tpu.memory_space<vmem_shared>>
      %dma_start3A_91 = arith.constant 0 : i32
      %dma_start3A_92 = tpu.memref_slice %arg17[%add3A_42, %dma_start3A_91] : memref<10000x128xf32, #tpu.memory_space<vmem_shared>> -> memref<24x128xf32, #tpu.memory_space<vmem_shared>>
      %dma_start3A_93 = arith.constant 0 : i32
      %dma_start3A_94 = arith.constant 0 : i32
      %dma_start3A_95 = tpu.memref_slice %arg12[%dma_start3A_93, %dma_start3A_94] : memref<40x128xf32, #tpu.memory_space<vmem>> -> memref<24x128xf32, #tpu.memory_space<vmem>>
      tpu.enqueue_dma source(%dma_start3A_95 : memref<24x128xf32, #tpu.memory_space<vmem>>) target(%dma_start3A_92 : memref<24x128xf32, #tpu.memory_space<vmem_shared>>) target_semaphore(%run_scoped3A : memref<!tpu.dma_semaphore, #tpu.memory_space<semaphore_mem>>)
      %dma_wait3A_96 = arith.constant 0 : i32
      %dma_wait3A_97 = arith.constant 0 : i32
      %dma_wait3A_98 = tpu.memref_slice %arg12[%dma_wait3A_96, %dma_wait3A_97] : memref<40x128xf32, #tpu.memory_space<vmem>> -> memref<24x128xf32, #tpu.memory_space<vmem>>
      %dma_wait3A_99 = arith.constant 0 : i32
      %dma_wait3A_100 = tpu.memref_slice %arg17[%add3A_42, %dma_wait3A_99] : memref<10000x128xf32, #tpu.memory_space<vmem_shared>> -> memref<24x128xf32, #tpu.memory_space<vmem_shared>>
      %dma_wait3A_101 = arith.constant 0 : i32
      %dma_wait3A_102 = tpu.memref_slice %arg17[%add3A_42, %dma_wait3A_101] : memref<10000x128xf32, #tpu.memory_space<vmem_shared>> -> memref<24x128xf32, #tpu.memory_space<vmem_shared>>
      %dma_wait3A_103 = arith.constant 0 : i32
      %dma_wait3A_104 = arith.constant 0 : i32
      %dma_wait3A_105 = tpu.memref_slice %arg12[%dma_wait3A_103, %dma_wait3A_104] : memref<40x128xf32, #tpu.memory_space<vmem>> -> memref<24x128xf32, #tpu.memory_space<vmem>>
      tpu.wait_dma2 semaphore(%run_scoped3A : memref<!tpu.dma_semaphore, #tpu.memory_space<semaphore_mem>>) src(%dma_wait3A_105 : memref<24x128xf32, #tpu.memory_space<vmem>>) dst(%dma_wait3A_102 : memref<24x128xf32, #tpu.memory_space<vmem_shared>>)
      tpu.yield
    }) : () -> ()
    %eq3A = arith.constant 15 : i32
    %eq3A_43 = arith.cmpi eq, %arg1, %eq3A : i32
    %convert_element_type3A = arith.extui %eq3A_43 : i1 to i32
    %cond3A = arith.constant 0 : i32
    %cond3A_44 = arith.cmpi ne, %convert_element_type3A, %cond3A : i32
    scf.if %cond3A_44 {
      "tpu.region"() ({
        %run_scoped3A = tpu.sem_alloc : memref<!tpu.dma_semaphore, #tpu.memory_space<semaphore_mem>>
        %dma_start3A = arith.constant 0 : i32
        %dma_start3A_87 = arith.constant 0 : i32
        %dma_start3A_88 = tpu.memref_slice %arg12[%dma_start3A, %dma_start3A_87] : memref<40x128xf32, #tpu.memory_space<vmem>> -> memref<16x128xf32, #tpu.memory_space<vmem>>
        %dma_start3A_89 = arith.constant 9984 : i32
        %dma_start3A_90 = arith.constant 0 : i32
        %dma_start3A_91 = tpu.memref_slice %arg17[%dma_start3A_89, %dma_start3A_90] : memref<10000x128xf32, #tpu.memory_space<vmem_shared>> -> memref<16x128xf32, #tpu.memory_space<vmem_shared>>
        %dma_start3A_92 = arith.constant 9984 : i32
        %dma_start3A_93 = arith.constant 0 : i32
        %dma_start3A_94 = tpu.memref_slice %arg17[%dma_start3A_92, %dma_start3A_93] : memref<10000x128xf32, #tpu.memory_space<vmem_shared>> -> memref<16x128xf32, #tpu.memory_space<vmem_shared>>
        %dma_start3A_95 = arith.constant 0 : i32
        %dma_start3A_96 = arith.constant 0 : i32
        %dma_start3A_97 = tpu.memref_slice %arg12[%dma_start3A_95, %dma_start3A_96] : memref<40x128xf32, #tpu.memory_space<vmem>> -> memref<16x128xf32, #tpu.memory_space<vmem>>
        tpu.enqueue_dma source(%dma_start3A_97 : memref<16x128xf32, #tpu.memory_space<vmem>>) target(%dma_start3A_94 : memref<16x128xf32, #tpu.memory_space<vmem_shared>>) target_semaphore(%run_scoped3A : memref<!tpu.dma_semaphore, #tpu.memory_space<semaphore_mem>>)
        %dma_wait3A_98 = arith.constant 0 : i32
        %dma_wait3A_99 = arith.constant 0 : i32
        %dma_wait3A_100 = tpu.memref_slice %arg12[%dma_wait3A_98, %dma_wait3A_99] : memref<40x128xf32, #tpu.memory_space<vmem>> -> memref<16x128xf32, #tpu.memory_space<vmem>>
        %dma_wait3A_101 = arith.constant 9984 : i32
        %dma_wait3A_102 = arith.constant 0 : i32
        %dma_wait3A_103 = tpu.memref_slice %arg17[%dma_wait3A_101, %dma_wait3A_102] : memref<10000x128xf32, #tpu.memory_space<vmem_shared>> -> memref<16x128xf32, #tpu.memory_space<vmem_shared>>
        %dma_wait3A_104 = arith.constant 9984 : i32
        %dma_wait3A_105 = arith.constant 0 : i32
        %dma_wait3A_106 = tpu.memref_slice %arg17[%dma_wait3A_104, %dma_wait3A_105] : memref<10000x128xf32, #tpu.memory_space<vmem_shared>> -> memref<16x128xf32, #tpu.memory_space<vmem_shared>>
        %dma_wait3A_107 = arith.constant 0 : i32
        %dma_wait3A_108 = arith.constant 0 : i32
        %dma_wait3A_109 = tpu.memref_slice %arg12[%dma_wait3A_107, %dma_wait3A_108] : memref<40x128xf32, #tpu.memory_space<vmem>> -> memref<16x128xf32, #tpu.memory_space<vmem>>
        tpu.wait_dma2 semaphore(%run_scoped3A : memref<!tpu.dma_semaphore, #tpu.memory_space<semaphore_mem>>) src(%dma_wait3A_109 : memref<16x128xf32, #tpu.memory_space<vmem>>) dst(%dma_wait3A_106 : memref<16x128xf32, #tpu.memory_space<vmem_shared>>)
        tpu.yield
      }) : () -> ()
    } else {
    }
    "tpu.region"() ({
      %run_scoped3A = tpu.sem_alloc : memref<!tpu.dma_semaphore, #tpu.memory_space<semaphore_mem>>
      %dma_start3A = tpu.memref_slice %arg3[%mul3A_4] : memref<320000xi32, #tpu.memory_space<hbm>> -> memref<10000xi32, #tpu.memory_space<hbm>>
      %dma_start3A_87 = tpu.memref_slice %arg3[%mul3A_4] : memref<320000xi32, #tpu.memory_space<hbm>> -> memref<10000xi32, #tpu.memory_space<hbm>>
      tpu.enqueue_dma source(%dma_start3A_87 : memref<10000xi32, #tpu.memory_space<hbm>>) target(%arg6 : memref<10000xi32, #tpu.memory_space<vmem>>) target_semaphore(%run_scoped3A : memref<!tpu.dma_semaphore, #tpu.memory_space<semaphore_mem>>)
      %dma_wait3A_88 = tpu.memref_slice %arg3[%mul3A_4] : memref<320000xi32, #tpu.memory_space<hbm>> -> memref<10000xi32, #tpu.memory_space<hbm>>
      %dma_wait3A_89 = tpu.memref_slice %arg3[%mul3A_4] : memref<320000xi32, #tpu.memory_space<hbm>> -> memref<10000xi32, #tpu.memory_space<hbm>>
      tpu.wait_dma2 semaphore(%run_scoped3A : memref<!tpu.dma_semaphore, #tpu.memory_space<semaphore_mem>>) src(%dma_wait3A_89 : memref<10000xi32, #tpu.memory_space<hbm>>) dst(%arg6 : memref<10000xi32, #tpu.memory_space<vmem>>)
      tpu.yield
    }) : () -> ()
    %barrier3A = arith.constant 0 : index
    tpu.barrier barrier_id(%barrier3A)
    %scan3A_45 = arith.constant 0 : i32
    %scan3A_46 = arith.constant 0 : i32
    %scan3A_47 = arith.constant 50 : i32
    %scan3A_48 = arith.addi %scan3A_46, %scan3A_47 : i32
    %scan3A_49 = arith.constant 1 : i32
    %scan3A_50 = scf.for %scan3A_87 = %scan3A_46 to %scan3A_48 step %scan3A_49 iter_args(%scan3A_88 = %scan3A_45) -> (i32)  : i32 {
      %mul3A_89 = arith.constant 5 : i32
      %mul3A_90 = arith.muli %scan3A_87, %mul3A_89 : i32
      %add3A_91 = arith.constant 0 : i32
      %add3A_92 = arith.addi %mul3A_90, %add3A_91 : i32
      %gt3A = arith.constant 0 : i32
      %gt3A_93 = arith.cmpi sgt, %scan3A_87, %gt3A : i32
      %convert_element_type3A_94 = arith.extui %gt3A_93 : i1 to i32
      %cond3A_95 = arith.constant 0 : i32
      %cond3A_96 = arith.cmpi ne, %convert_element_type3A_94, %cond3A_95 : i32
      scf.if %cond3A_96 {
        %dma_wait3A_353 = arith.constant 0 : i32
        %dma_wait3A_354 = arith.constant 0 : i32
        %dma_wait3A_355 = arith.constant 0 : i32
        %dma_wait3A_356 = tpu.memref_slice %arg17[%dma_wait3A_354, %dma_wait3A_355] : memref<10000x128xf32, #tpu.memory_space<vmem_shared>> -> memref<10000x128xf32, #tpu.memory_space<vmem_shared>>
        %dma_wait3A_357 = tpu.memref_slice %arg19[%dma_wait3A_353] : memref<5x!tpu.dma_semaphore, #tpu.memory_space<semaphore_mem>> -> memref<1x!tpu.dma_semaphore, #tpu.memory_space<semaphore_mem>>
        %dma_wait3A_358 = tpu.memref_squeeze %dma_wait3A_357 : memref<1x!tpu.dma_semaphore, #tpu.memory_space<semaphore_mem>> -> memref<!tpu.dma_semaphore, #tpu.memory_space<semaphore_mem>>
        tpu.wait_indirect_dma semaphore(%dma_wait3A_358 : memref<!tpu.dma_semaphore, #tpu.memory_space<semaphore_mem>>) src(%arg12 : memref<40x128xf32, #tpu.memory_space<vmem>>) dst(%dma_wait3A_356 : memref<10000x128xf32, #tpu.memory_space<vmem_shared>>)
      } else {
      }
      %mul3A_97 = arith.constant 40 : i32
      %mul3A_98 = arith.muli %add3A_92, %mul3A_97 : i32
      %add3A_99 = arith.addi %mul3A_4, %mul3A_98 : i32
      %dma_start3A = arith.constant 0 : i32
      %dma_start3A_100 = tpu.memref_slice %arg4[%add3A_99] : memref<320000xi32, #tpu.memory_space<hbm>> -> memref<40xi32, #tpu.memory_space<hbm>>
      %dma_start3A_101 = tpu.memref_slice %arg20[%dma_start3A] : memref<5x!tpu.dma_semaphore, #tpu.memory_space<semaphore_mem>> -> memref<1x!tpu.dma_semaphore, #tpu.memory_space<semaphore_mem>>
      %dma_start3A_102 = tpu.memref_squeeze %dma_start3A_101 : memref<1x!tpu.dma_semaphore, #tpu.memory_space<semaphore_mem>> -> memref<!tpu.dma_semaphore, #tpu.memory_space<semaphore_mem>>
      %dma_start3A_103 = tpu.memref_slice %arg4[%add3A_99] : memref<320000xi32, #tpu.memory_space<hbm>> -> memref<40xi32, #tpu.memory_space<hbm>>
      tpu.enqueue_dma source(%dma_start3A_103 : memref<40xi32, #tpu.memory_space<hbm>>) target(%arg7 : memref<40xi32, #tpu.memory_space<vmem>>) target_semaphore(%dma_start3A_102 : memref<!tpu.dma_semaphore, #tpu.memory_space<semaphore_mem>>)
      %mul3A_104 = arith.constant 40 : i32
      %mul3A_105 = arith.muli %add3A_92, %mul3A_104 : i32
      %dma_start3A_106 = arith.constant 0 : i32
      %dma_start3A_107 = tpu.memref_slice %arg6[%mul3A_105] : memref<10000xi32, #tpu.memory_space<vmem>> -> memref<40xi32, #tpu.memory_space<vmem>>
      %dma_start3A_108 = arith.constant 0 : i32
      %dma_start3A_109 = arith.constant 0 : i32
      %dma_start3A_110 = tpu.memref_slice %arg2[%dma_start3A_108, %dma_start3A_109] : memref<10000x128xf32, #tpu.memory_space<hbm>> -> memref<10000x128xf32, #tpu.memory_space<hbm>>
      %dma_start3A_111 = tpu.memref_slice %arg18[%dma_start3A_106] : memref<5x!tpu.dma_semaphore, #tpu.memory_space<semaphore_mem>> -> memref<1x!tpu.dma_semaphore, #tpu.memory_space<semaphore_mem>>
      %dma_start3A_112 = tpu.memref_squeeze %dma_start3A_111 : memref<1x!tpu.dma_semaphore, #tpu.memory_space<semaphore_mem>> -> memref<!tpu.dma_semaphore, #tpu.memory_space<semaphore_mem>>
      tpu.enqueue_indirect_dma source(%dma_start3A_110 : memref<10000x128xf32, #tpu.memory_space<hbm>>) target(%arg12 : memref<40x128xf32, #tpu.memory_space<vmem>>) offsets(%dma_start3A_107 : memref<40xi32, #tpu.memory_space<vmem>>) semaphore(%dma_start3A_112 : memref<!tpu.dma_semaphore, #tpu.memory_space<semaphore_mem>>)
      %mul3A_113 = arith.constant 5 : i32
      %mul3A_114 = arith.muli %scan3A_87, %mul3A_113 : i32
      %add3A_115 = arith.constant 1 : i32
      %add3A_116 = arith.addi %mul3A_114, %add3A_115 : i32
      %gt3A_117 = arith.constant 0 : i32
      %gt3A_118 = arith.cmpi sgt, %scan3A_87, %gt3A_117 : i32
      %convert_element_type3A_119 = arith.extui %gt3A_118 : i1 to i32
      %cond3A_120 = arith.constant 0 : i32
      %cond3A_121 = arith.cmpi ne, %convert_element_type3A_119, %cond3A_120 : i32
      scf.if %cond3A_121 {
        %dma_wait3A_353 = arith.constant 1 : i32
        %dma_wait3A_354 = arith.constant 0 : i32
        %dma_wait3A_355 = arith.constant 0 : i32
        %dma_wait3A_356 = tpu.memref_slice %arg17[%dma_wait3A_354, %dma_wait3A_355] : memref<10000x128xf32, #tpu.memory_space<vmem_shared>> -> memref<10000x128xf32, #tpu.memory_space<vmem_shared>>
        %dma_wait3A_357 = tpu.memref_slice %arg19[%dma_wait3A_353] : memref<5x!tpu.dma_semaphore, #tpu.memory_space<semaphore_mem>> -> memref<1x!tpu.dma_semaphore, #tpu.memory_space<semaphore_mem>>
        %dma_wait3A_358 = tpu.memref_squeeze %dma_wait3A_357 : memref<1x!tpu.dma_semaphore, #tpu.memory_space<semaphore_mem>> -> memref<!tpu.dma_semaphore, #tpu.memory_space<semaphore_mem>>
        tpu.wait_indirect_dma semaphore(%dma_wait3A_358 : memref<!tpu.dma_semaphore, #tpu.memory_space<semaphore_mem>>) src(%arg13 : memref<40x128xf32, #tpu.memory_space<vmem>>) dst(%dma_wait3A_356 : memref<10000x128xf32, #tpu.memory_space<vmem_shared>>)
      } else {
      }
      %mul3A_122 = arith.constant 40 : i32
      %mul3A_123 = arith.muli %add3A_116, %mul3A_122 : i32
      %add3A_124 = arith.addi %mul3A_4, %mul3A_123 : i32
      %dma_start3A_125 = arith.constant 1 : i32
      %dma_start3A_126 = tpu.memref_slice %arg4[%add3A_124] : memref<320000xi32, #tpu.memory_space<hbm>> -> memref<40xi32, #tpu.memory_space<hbm>>
      %dma_start3A_127 = tpu.memref_slice %arg20[%dma_start3A_125] : memref<5x!tpu.dma_semaphore, #tpu.memory_space<semaphore_mem>> -> memref<1x!tpu.dma_semaphore, #tpu.memory_space<semaphore_mem>>
      %dma_start3A_128 = tpu.memref_squeeze %dma_start3A_127 : memref<1x!tpu.dma_semaphore, #tpu.memory_space<semaphore_mem>> -> memref<!tpu.dma_semaphore, #tpu.memory_space<semaphore_mem>>
      %dma_start3A_129 = tpu.memref_slice %arg4[%add3A_124] : memref<320000xi32, #tpu.memory_space<hbm>> -> memref<40xi32, #tpu.memory_space<hbm>>
      tpu.enqueue_dma source(%dma_start3A_129 : memref<40xi32, #tpu.memory_space<hbm>>) target(%arg8 : memref<40xi32, #tpu.memory_space<vmem>>) target_semaphore(%dma_start3A_128 : memref<!tpu.dma_semaphore, #tpu.memory_space<semaphore_mem>>)
      %mul3A_130 = arith.constant 40 : i32
      %mul3A_131 = arith.muli %add3A_116, %mul3A_130 : i32
      %dma_start3A_132 = arith.constant 1 : i32
      %dma_start3A_133 = tpu.memref_slice %arg6[%mul3A_131] : memref<10000xi32, #tpu.memory_space<vmem>> -> memref<40xi32, #tpu.memory_space<vmem>>
      %dma_start3A_134 = arith.constant 0 : i32
      %dma_start3A_135 = arith.constant 0 : i32
      %dma_start3A_136 = tpu.memref_slice %arg2[%dma_start3A_134, %dma_start3A_135] : memref<10000x128xf32, #tpu.memory_space<hbm>> -> memref<10000x128xf32, #tpu.memory_space<hbm>>
      %dma_start3A_137 = tpu.memref_slice %arg18[%dma_start3A_132] : memref<5x!tpu.dma_semaphore, #tpu.memory_space<semaphore_mem>> -> memref<1x!tpu.dma_semaphore, #tpu.memory_space<semaphore_mem>>
      %dma_start3A_138 = tpu.memref_squeeze %dma_start3A_137 : memref<1x!tpu.dma_semaphore, #tpu.memory_space<semaphore_mem>> -> memref<!tpu.dma_semaphore, #tpu.memory_space<semaphore_mem>>
      tpu.enqueue_indirect_dma source(%dma_start3A_136 : memref<10000x128xf32, #tpu.memory_space<hbm>>) target(%arg13 : memref<40x128xf32, #tpu.memory_space<vmem>>) offsets(%dma_start3A_133 : memref<40xi32, #tpu.memory_space<vmem>>) semaphore(%dma_start3A_138 : memref<!tpu.dma_semaphore, #tpu.memory_space<semaphore_mem>>)
      %mul3A_139 = arith.constant 5 : i32
      %mul3A_140 = arith.muli %scan3A_87, %mul3A_139 : i32
      %add3A_141 = arith.constant 2 : i32
      %add3A_142 = arith.addi %mul3A_140, %add3A_141 : i32
      %gt3A_143 = arith.constant 0 : i32
      %gt3A_144 = arith.cmpi sgt, %scan3A_87, %gt3A_143 : i32
      %convert_element_type3A_145 = arith.extui %gt3A_144 : i1 to i32
      %cond3A_146 = arith.constant 0 : i32
      %cond3A_147 = arith.cmpi ne, %convert_element_type3A_145, %cond3A_146 : i32
      scf.if %cond3A_147 {
        %dma_wait3A_353 = arith.constant 2 : i32
        %dma_wait3A_354 = arith.constant 0 : i32
        %dma_wait3A_355 = arith.constant 0 : i32
        %dma_wait3A_356 = tpu.memref_slice %arg17[%dma_wait3A_354, %dma_wait3A_355] : memref<10000x128xf32, #tpu.memory_space<vmem_shared>> -> memref<10000x128xf32, #tpu.memory_space<vmem_shared>>
        %dma_wait3A_357 = tpu.memref_slice %arg19[%dma_wait3A_353] : memref<5x!tpu.dma_semaphore, #tpu.memory_space<semaphore_mem>> -> memref<1x!tpu.dma_semaphore, #tpu.memory_space<semaphore_mem>>
        %dma_wait3A_358 = tpu.memref_squeeze %dma_wait3A_357 : memref<1x!tpu.dma_semaphore, #tpu.memory_space<semaphore_mem>> -> memref<!tpu.dma_semaphore, #tpu.memory_space<semaphore_mem>>
        tpu.wait_indirect_dma semaphore(%dma_wait3A_358 : memref<!tpu.dma_semaphore, #tpu.memory_space<semaphore_mem>>) src(%arg14 : memref<40x128xf32, #tpu.memory_space<vmem>>) dst(%dma_wait3A_356 : memref<10000x128xf32, #tpu.memory_space<vmem_shared>>)
      } else {
      }
      %mul3A_148 = arith.constant 40 : i32
      %mul3A_149 = arith.muli %add3A_142, %mul3A_148 : i32
      %add3A_150 = arith.addi %mul3A_4, %mul3A_149 : i32
      %dma_start3A_151 = arith.constant 2 : i32
      %dma_start3A_152 = tpu.memref_slice %arg4[%add3A_150] : memref<320000xi32, #tpu.memory_space<hbm>> -> memref<40xi32, #tpu.memory_space<hbm>>
      %dma_start3A_153 = tpu.memref_slice %arg20[%dma_start3A_151] : memref<5x!tpu.dma_semaphore, #tpu.memory_space<semaphore_mem>> -> memref<1x!tpu.dma_semaphore, #tpu.memory_space<semaphore_mem>>
      %dma_start3A_154 = tpu.memref_squeeze %dma_start3A_153 : memref<1x!tpu.dma_semaphore, #tpu.memory_space<semaphore_mem>> -> memref<!tpu.dma_semaphore, #tpu.memory_space<semaphore_mem>>
      %dma_start3A_155 = tpu.memref_slice %arg4[%add3A_150] : memref<320000xi32, #tpu.memory_space<hbm>> -> memref<40xi32, #tpu.memory_space<hbm>>
      tpu.enqueue_dma source(%dma_start3A_155 : memref<40xi32, #tpu.memory_space<hbm>>) target(%arg9 : memref<40xi32, #tpu.memory_space<vmem>>) target_semaphore(%dma_start3A_154 : memref<!tpu.dma_semaphore, #tpu.memory_space<semaphore_mem>>)
      %mul3A_156 = arith.constant 40 : i32
      %mul3A_157 = arith.muli %add3A_142, %mul3A_156 : i32
      %dma_start3A_158 = arith.constant 2 : i32
      %dma_start3A_159 = tpu.memref_slice %arg6[%mul3A_157] : memref<10000xi32, #tpu.memory_space<vmem>> -> memref<40xi32, #tpu.memory_space<vmem>>
      %dma_start3A_160 = arith.constant 0 : i32
      %dma_start3A_161 = arith.constant 0 : i32
      %dma_start3A_162 = tpu.memref_slice %arg2[%dma_start3A_160, %dma_start3A_161] : memref<10000x128xf32, #tpu.memory_space<hbm>> -> memref<10000x128xf32, #tpu.memory_space<hbm>>
      %dma_start3A_163 = tpu.memref_slice %arg18[%dma_start3A_158] : memref<5x!tpu.dma_semaphore, #tpu.memory_space<semaphore_mem>> -> memref<1x!tpu.dma_semaphore, #tpu.memory_space<semaphore_mem>>
      %dma_start3A_164 = tpu.memref_squeeze %dma_start3A_163 : memref<1x!tpu.dma_semaphore, #tpu.memory_space<semaphore_mem>> -> memref<!tpu.dma_semaphore, #tpu.memory_space<semaphore_mem>>
      tpu.enqueue_indirect_dma source(%dma_start3A_162 : memref<10000x128xf32, #tpu.memory_space<hbm>>) target(%arg14 : memref<40x128xf32, #tpu.memory_space<vmem>>) offsets(%dma_start3A_159 : memref<40xi32, #tpu.memory_space<vmem>>) semaphore(%dma_start3A_164 : memref<!tpu.dma_semaphore, #tpu.memory_space<semaphore_mem>>)
      %mul3A_165 = arith.constant 5 : i32
      %mul3A_166 = arith.muli %scan3A_87, %mul3A_165 : i32
      %add3A_167 = arith.constant 3 : i32
      %add3A_168 = arith.addi %mul3A_166, %add3A_167 : i32
      %gt3A_169 = arith.constant 0 : i32
      %gt3A_170 = arith.cmpi sgt, %scan3A_87, %gt3A_169 : i32
      %convert_element_type3A_171 = arith.extui %gt3A_170 : i1 to i32
      %cond3A_172 = arith.constant 0 : i32
      %cond3A_173 = arith.cmpi ne, %convert_element_type3A_171, %cond3A_172 : i32
      scf.if %cond3A_173 {
        %dma_wait3A_353 = arith.constant 3 : i32
        %dma_wait3A_354 = arith.constant 0 : i32
        %dma_wait3A_355 = arith.constant 0 : i32
        %dma_wait3A_356 = tpu.memref_slice %arg17[%dma_wait3A_354, %dma_wait3A_355] : memref<10000x128xf32, #tpu.memory_space<vmem_shared>> -> memref<10000x128xf32, #tpu.memory_space<vmem_shared>>
        %dma_wait3A_357 = tpu.memref_slice %arg19[%dma_wait3A_353] : memref<5x!tpu.dma_semaphore, #tpu.memory_space<semaphore_mem>> -> memref<1x!tpu.dma_semaphore, #tpu.memory_space<semaphore_mem>>
        %dma_wait3A_358 = tpu.memref_squeeze %dma_wait3A_357 : memref<1x!tpu.dma_semaphore, #tpu.memory_space<semaphore_mem>> -> memref<!tpu.dma_semaphore, #tpu.memory_space<semaphore_mem>>
        tpu.wait_indirect_dma semaphore(%dma_wait3A_358 : memref<!tpu.dma_semaphore, #tpu.memory_space<semaphore_mem>>) src(%arg15 : memref<40x128xf32, #tpu.memory_space<vmem>>) dst(%dma_wait3A_356 : memref<10000x128xf32, #tpu.memory_space<vmem_shared>>)
      } else {
      }
      %mul3A_174 = arith.constant 40 : i32
      %mul3A_175 = arith.muli %add3A_168, %mul3A_174 : i32
      %add3A_176 = arith.addi %mul3A_4, %mul3A_175 : i32
      %dma_start3A_177 = arith.constant 3 : i32
      %dma_start3A_178 = tpu.memref_slice %arg4[%add3A_176] : memref<320000xi32, #tpu.memory_space<hbm>> -> memref<40xi32, #tpu.memory_space<hbm>>
      %dma_start3A_179 = tpu.memref_slice %arg20[%dma_start3A_177] : memref<5x!tpu.dma_semaphore, #tpu.memory_space<semaphore_mem>> -> memref<1x!tpu.dma_semaphore, #tpu.memory_space<semaphore_mem>>
      %dma_start3A_180 = tpu.memref_squeeze %dma_start3A_179 : memref<1x!tpu.dma_semaphore, #tpu.memory_space<semaphore_mem>> -> memref<!tpu.dma_semaphore, #tpu.memory_space<semaphore_mem>>
      %dma_start3A_181 = tpu.memref_slice %arg4[%add3A_176] : memref<320000xi32, #tpu.memory_space<hbm>> -> memref<40xi32, #tpu.memory_space<hbm>>
      tpu.enqueue_dma source(%dma_start3A_181 : memref<40xi32, #tpu.memory_space<hbm>>) target(%arg10 : memref<40xi32, #tpu.memory_space<vmem>>) target_semaphore(%dma_start3A_180 : memref<!tpu.dma_semaphore, #tpu.memory_space<semaphore_mem>>)
      %mul3A_182 = arith.constant 40 : i32
      %mul3A_183 = arith.muli %add3A_168, %mul3A_182 : i32
      %dma_start3A_184 = arith.constant 3 : i32
      %dma_start3A_185 = tpu.memref_slice %arg6[%mul3A_183] : memref<10000xi32, #tpu.memory_space<vmem>> -> memref<40xi32, #tpu.memory_space<vmem>>
      %dma_start3A_186 = arith.constant 0 : i32
      %dma_start3A_187 = arith.constant 0 : i32
      %dma_start3A_188 = tpu.memref_slice %arg2[%dma_start3A_186, %dma_start3A_187] : memref<10000x128xf32, #tpu.memory_space<hbm>> -> memref<10000x128xf32, #tpu.memory_space<hbm>>
      %dma_start3A_189 = tpu.memref_slice %arg18[%dma_start3A_184] : memref<5x!tpu.dma_semaphore, #tpu.memory_space<semaphore_mem>> -> memref<1x!tpu.dma_semaphore, #tpu.memory_space<semaphore_mem>>
      %dma_start3A_190 = tpu.memref_squeeze %dma_start3A_189 : memref<1x!tpu.dma_semaphore, #tpu.memory_space<semaphore_mem>> -> memref<!tpu.dma_semaphore, #tpu.memory_space<semaphore_mem>>
      tpu.enqueue_indirect_dma source(%dma_start3A_188 : memref<10000x128xf32, #tpu.memory_space<hbm>>) target(%arg15 : memref<40x128xf32, #tpu.memory_space<vmem>>) offsets(%dma_start3A_185 : memref<40xi32, #tpu.memory_space<vmem>>) semaphore(%dma_start3A_190 : memref<!tpu.dma_semaphore, #tpu.memory_space<semaphore_mem>>)
      %mul3A_191 = arith.constant 5 : i32
      %mul3A_192 = arith.muli %scan3A_87, %mul3A_191 : i32
      %add3A_193 = arith.constant 4 : i32
      %add3A_194 = arith.addi %mul3A_192, %add3A_193 : i32
      %gt3A_195 = arith.constant 0 : i32
      %gt3A_196 = arith.cmpi sgt, %scan3A_87, %gt3A_195 : i32
      %convert_element_type3A_197 = arith.extui %gt3A_196 : i1 to i32
      %cond3A_198 = arith.constant 0 : i32
      %cond3A_199 = arith.cmpi ne, %convert_element_type3A_197, %cond3A_198 : i32
      scf.if %cond3A_199 {
        %dma_wait3A_353 = arith.constant 4 : i32
        %dma_wait3A_354 = arith.constant 0 : i32
        %dma_wait3A_355 = arith.constant 0 : i32
        %dma_wait3A_356 = tpu.memref_slice %arg17[%dma_wait3A_354, %dma_wait3A_355] : memref<10000x128xf32, #tpu.memory_space<vmem_shared>> -> memref<10000x128xf32, #tpu.memory_space<vmem_shared>>
        %dma_wait3A_357 = tpu.memref_slice %arg19[%dma_wait3A_353] : memref<5x!tpu.dma_semaphore, #tpu.memory_space<semaphore_mem>> -> memref<1x!tpu.dma_semaphore, #tpu.memory_space<semaphore_mem>>
        %dma_wait3A_358 = tpu.memref_squeeze %dma_wait3A_357 : memref<1x!tpu.dma_semaphore, #tpu.memory_space<semaphore_mem>> -> memref<!tpu.dma_semaphore, #tpu.memory_space<semaphore_mem>>
        tpu.wait_indirect_dma semaphore(%dma_wait3A_358 : memref<!tpu.dma_semaphore, #tpu.memory_space<semaphore_mem>>) src(%arg16 : memref<40x128xf32, #tpu.memory_space<vmem>>) dst(%dma_wait3A_356 : memref<10000x128xf32, #tpu.memory_space<vmem_shared>>)
      } else {
      }
      %mul3A_200 = arith.constant 40 : i32
      %mul3A_201 = arith.muli %add3A_194, %mul3A_200 : i32
      %add3A_202 = arith.addi %mul3A_4, %mul3A_201 : i32
      %dma_start3A_203 = arith.constant 4 : i32
      %dma_start3A_204 = tpu.memref_slice %arg4[%add3A_202] : memref<320000xi32, #tpu.memory_space<hbm>> -> memref<40xi32, #tpu.memory_space<hbm>>
      %dma_start3A_205 = tpu.memref_slice %arg20[%dma_start3A_203] : memref<5x!tpu.dma_semaphore, #tpu.memory_space<semaphore_mem>> -> memref<1x!tpu.dma_semaphore, #tpu.memory_space<semaphore_mem>>
      %dma_start3A_206 = tpu.memref_squeeze %dma_start3A_205 : memref<1x!tpu.dma_semaphore, #tpu.memory_space<semaphore_mem>> -> memref<!tpu.dma_semaphore, #tpu.memory_space<semaphore_mem>>
      %dma_start3A_207 = tpu.memref_slice %arg4[%add3A_202] : memref<320000xi32, #tpu.memory_space<hbm>> -> memref<40xi32, #tpu.memory_space<hbm>>
      tpu.enqueue_dma source(%dma_start3A_207 : memref<40xi32, #tpu.memory_space<hbm>>) target(%arg11 : memref<40xi32, #tpu.memory_space<vmem>>) target_semaphore(%dma_start3A_206 : memref<!tpu.dma_semaphore, #tpu.memory_space<semaphore_mem>>)
      %mul3A_208 = arith.constant 40 : i32
      %mul3A_209 = arith.muli %add3A_194, %mul3A_208 : i32
      %dma_start3A_210 = arith.constant 4 : i32
      %dma_start3A_211 = tpu.memref_slice %arg6[%mul3A_209] : memref<10000xi32, #tpu.memory_space<vmem>> -> memref<40xi32, #tpu.memory_space<vmem>>
      %dma_start3A_212 = arith.constant 0 : i32
      %dma_start3A_213 = arith.constant 0 : i32
      %dma_start3A_214 = tpu.memref_slice %arg2[%dma_start3A_212, %dma_start3A_213] : memref<10000x128xf32, #tpu.memory_space<hbm>> -> memref<10000x128xf32, #tpu.memory_space<hbm>>
      %dma_start3A_215 = tpu.memref_slice %arg18[%dma_start3A_210] : memref<5x!tpu.dma_semaphore, #tpu.memory_space<semaphore_mem>> -> memref<1x!tpu.dma_semaphore, #tpu.memory_space<semaphore_mem>>
      %dma_start3A_216 = tpu.memref_squeeze %dma_start3A_215 : memref<1x!tpu.dma_semaphore, #tpu.memory_space<semaphore_mem>> -> memref<!tpu.dma_semaphore, #tpu.memory_space<semaphore_mem>>
      tpu.enqueue_indirect_dma source(%dma_start3A_214 : memref<10000x128xf32, #tpu.memory_space<hbm>>) target(%arg16 : memref<40x128xf32, #tpu.memory_space<vmem>>) offsets(%dma_start3A_211 : memref<40xi32, #tpu.memory_space<vmem>>) semaphore(%dma_start3A_216 : memref<!tpu.dma_semaphore, #tpu.memory_space<semaphore_mem>>)
      %mul3A_217 = arith.constant 5 : i32
      %mul3A_218 = arith.muli %scan3A_87, %mul3A_217 : i32
      %add3A_219 = arith.constant 0 : i32
      %add3A_220 = arith.addi %mul3A_218, %add3A_219 : i32
      %mul3A_221 = arith.constant 40 : i32
      %mul3A_222 = arith.muli %add3A_220, %mul3A_221 : i32
      %add3A_223 = arith.addi %mul3A_4, %mul3A_222 : i32
      %dma_wait3A_224 = arith.constant 0 : i32
      %dma_wait3A_225 = tpu.memref_slice %arg4[%add3A_223] : memref<320000xi32, #tpu.memory_space<hbm>> -> memref<40xi32, #tpu.memory_space<hbm>>
      %dma_wait3A_226 = tpu.memref_slice %arg20[%dma_wait3A_224] : memref<5x!tpu.dma_semaphore, #tpu.memory_space<semaphore_mem>> -> memref<1x!tpu.dma_semaphore, #tpu.memory_space<semaphore_mem>>
      %dma_wait3A_227 = tpu.memref_squeeze %dma_wait3A_226 : memref<1x!tpu.dma_semaphore, #tpu.memory_space<semaphore_mem>> -> memref<!tpu.dma_semaphore, #tpu.memory_space<semaphore_mem>>
      %dma_wait3A_228 = tpu.memref_slice %arg4[%add3A_223] : memref<320000xi32, #tpu.memory_space<hbm>> -> memref<40xi32, #tpu.memory_space<hbm>>
      tpu.wait_dma2 semaphore(%dma_wait3A_227 : memref<!tpu.dma_semaphore, #tpu.memory_space<semaphore_mem>>) src(%dma_wait3A_228 : memref<40xi32, #tpu.memory_space<hbm>>) dst(%arg7 : memref<40xi32, #tpu.memory_space<vmem>>)
      %mul3A_229 = arith.constant 40 : i32
      %mul3A_230 = arith.muli %add3A_220, %mul3A_229 : i32
      %dma_wait3A_231 = arith.constant 0 : i32
      %dma_wait3A_232 = tpu.memref_slice %arg6[%mul3A_230] : memref<10000xi32, #tpu.memory_space<vmem>> -> memref<40xi32, #tpu.memory_space<vmem>>
      %dma_wait3A_233 = arith.constant 0 : i32
      %dma_wait3A_234 = arith.constant 0 : i32
      %dma_wait3A_235 = tpu.memref_slice %arg2[%dma_wait3A_233, %dma_wait3A_234] : memref<10000x128xf32, #tpu.memory_space<hbm>> -> memref<10000x128xf32, #tpu.memory_space<hbm>>
      %dma_wait3A_236 = tpu.memref_slice %arg18[%dma_wait3A_231] : memref<5x!tpu.dma_semaphore, #tpu.memory_space<semaphore_mem>> -> memref<1x!tpu.dma_semaphore, #tpu.memory_space<semaphore_mem>>
      %dma_wait3A_237 = tpu.memref_squeeze %dma_wait3A_236 : memref<1x!tpu.dma_semaphore, #tpu.memory_space<semaphore_mem>> -> memref<!tpu.dma_semaphore, #tpu.memory_space<semaphore_mem>>
      tpu.wait_indirect_dma semaphore(%dma_wait3A_237 : memref<!tpu.dma_semaphore, #tpu.memory_space<semaphore_mem>>) src(%dma_wait3A_235 : memref<10000x128xf32, #tpu.memory_space<hbm>>) dst(%arg12 : memref<40x128xf32, #tpu.memory_space<vmem>>)
      %dma_start3A_238 = arith.constant 0 : i32
      %dma_start3A_239 = arith.constant 0 : i32
      %dma_start3A_240 = arith.constant 0 : i32
      %dma_start3A_241 = tpu.memref_slice %arg17[%dma_start3A_239, %dma_start3A_240] : memref<10000x128xf32, #tpu.memory_space<vmem_shared>> -> memref<10000x128xf32, #tpu.memory_space<vmem_shared>>
      %dma_start3A_242 = tpu.memref_slice %arg19[%dma_start3A_238] : memref<5x!tpu.dma_semaphore, #tpu.memory_space<semaphore_mem>> -> memref<1x!tpu.dma_semaphore, #tpu.memory_space<semaphore_mem>>
      %dma_start3A_243 = tpu.memref_squeeze %dma_start3A_242 : memref<1x!tpu.dma_semaphore, #tpu.memory_space<semaphore_mem>> -> memref<!tpu.dma_semaphore, #tpu.memory_space<semaphore_mem>>
      tpu.enqueue_indirect_dma source(%arg12 : memref<40x128xf32, #tpu.memory_space<vmem>>) target(%dma_start3A_241 : memref<10000x128xf32, #tpu.memory_space<vmem_shared>>) offsets(%arg7 : memref<40xi32, #tpu.memory_space<vmem>>) semaphore(%dma_start3A_243 : memref<!tpu.dma_semaphore, #tpu.memory_space<semaphore_mem>>) {add = true}
      %mul3A_244 = arith.constant 5 : i32
      %mul3A_245 = arith.muli %scan3A_87, %mul3A_244 : i32
      %add3A_246 = arith.constant 1 : i32
      %add3A_247 = arith.addi %mul3A_245, %add3A_246 : i32
      %mul3A_248 = arith.constant 40 : i32
      %mul3A_249 = arith.muli %add3A_247, %mul3A_248 : i32
      %add3A_250 = arith.addi %mul3A_4, %mul3A_249 : i32
      %dma_wait3A_251 = arith.constant 1 : i32
      %dma_wait3A_252 = tpu.memref_slice %arg4[%add3A_250] : memref<320000xi32, #tpu.memory_space<hbm>> -> memref<40xi32, #tpu.memory_space<hbm>>
      %dma_wait3A_253 = tpu.memref_slice %arg20[%dma_wait3A_251] : memref<5x!tpu.dma_semaphore, #tpu.memory_space<semaphore_mem>> -> memref<1x!tpu.dma_semaphore, #tpu.memory_space<semaphore_mem>>
      %dma_wait3A_254 = tpu.memref_squeeze %dma_wait3A_253 : memref<1x!tpu.dma_semaphore, #tpu.memory_space<semaphore_mem>> -> memref<!tpu.dma_semaphore, #tpu.memory_space<semaphore_mem>>
      %dma_wait3A_255 = tpu.memref_slice %arg4[%add3A_250] : memref<320000xi32, #tpu.memory_space<hbm>> -> memref<40xi32, #tpu.memory_space<hbm>>
      tpu.wait_dma2 semaphore(%dma_wait3A_254 : memref<!tpu.dma_semaphore, #tpu.memory_space<semaphore_mem>>) src(%dma_wait3A_255 : memref<40xi32, #tpu.memory_space<hbm>>) dst(%arg8 : memref<40xi32, #tpu.memory_space<vmem>>)
      %mul3A_256 = arith.constant 40 : i32
      %mul3A_257 = arith.muli %add3A_247, %mul3A_256 : i32
      %dma_wait3A_258 = arith.constant 1 : i32
      %dma_wait3A_259 = tpu.memref_slice %arg6[%mul3A_257] : memref<10000xi32, #tpu.memory_space<vmem>> -> memref<40xi32, #tpu.memory_space<vmem>>
      %dma_wait3A_260 = arith.constant 0 : i32
      %dma_wait3A_261 = arith.constant 0 : i32
      %dma_wait3A_262 = tpu.memref_slice %arg2[%dma_wait3A_260, %dma_wait3A_261] : memref<10000x128xf32, #tpu.memory_space<hbm>> -> memref<10000x128xf32, #tpu.memory_space<hbm>>
      %dma_wait3A_263 = tpu.memref_slice %arg18[%dma_wait3A_258] : memref<5x!tpu.dma_semaphore, #tpu.memory_space<semaphore_mem>> -> memref<1x!tpu.dma_semaphore, #tpu.memory_space<semaphore_mem>>
      %dma_wait3A_264 = tpu.memref_squeeze %dma_wait3A_263 : memref<1x!tpu.dma_semaphore, #tpu.memory_space<semaphore_mem>> -> memref<!tpu.dma_semaphore, #tpu.memory_space<semaphore_mem>>
      tpu.wait_indirect_dma semaphore(%dma_wait3A_264 : memref<!tpu.dma_semaphore, #tpu.memory_space<semaphore_mem>>) src(%dma_wait3A_262 : memref<10000x128xf32, #tpu.memory_space<hbm>>) dst(%arg13 : memref<40x128xf32, #tpu.memory_space<vmem>>)
      %dma_start3A_265 = arith.constant 1 : i32
      %dma_start3A_266 = arith.constant 0 : i32
      %dma_start3A_267 = arith.constant 0 : i32
      %dma_start3A_268 = tpu.memref_slice %arg17[%dma_start3A_266, %dma_start3A_267] : memref<10000x128xf32, #tpu.memory_space<vmem_shared>> -> memref<10000x128xf32, #tpu.memory_space<vmem_shared>>
      %dma_start3A_269 = tpu.memref_slice %arg19[%dma_start3A_265] : memref<5x!tpu.dma_semaphore, #tpu.memory_space<semaphore_mem>> -> memref<1x!tpu.dma_semaphore, #tpu.memory_space<semaphore_mem>>
      %dma_start3A_270 = tpu.memref_squeeze %dma_start3A_269 : memref<1x!tpu.dma_semaphore, #tpu.memory_space<semaphore_mem>> -> memref<!tpu.dma_semaphore, #tpu.memory_space<semaphore_mem>>
      tpu.enqueue_indirect_dma source(%arg13 : memref<40x128xf32, #tpu.memory_space<vmem>>) target(%dma_start3A_268 : memref<10000x128xf32, #tpu.memory_space<vmem_shared>>) offsets(%arg8 : memref<40xi32, #tpu.memory_space<vmem>>) semaphore(%dma_start3A_270 : memref<!tpu.dma_semaphore, #tpu.memory_space<semaphore_mem>>) {add = true}
      %mul3A_271 = arith.constant 5 : i32
      %mul3A_272 = arith.muli %scan3A_87, %mul3A_271 : i32
      %add3A_273 = arith.constant 2 : i32
      %add3A_274 = arith.addi %mul3A_272, %add3A_273 : i32
      %mul3A_275 = arith.constant 40 : i32
      %mul3A_276 = arith.muli %add3A_274, %mul3A_275 : i32
      %add3A_277 = arith.addi %mul3A_4, %mul3A_276 : i32
      %dma_wait3A_278 = arith.constant 2 : i32
      %dma_wait3A_279 = tpu.memref_slice %arg4[%add3A_277] : memref<320000xi32, #tpu.memory_space<hbm>> -> memref<40xi32, #tpu.memory_space<hbm>>
      %dma_wait3A_280 = tpu.memref_slice %arg20[%dma_wait3A_278] : memref<5x!tpu.dma_semaphore, #tpu.memory_space<semaphore_mem>> -> memref<1x!tpu.dma_semaphore, #tpu.memory_space<semaphore_mem>>
      %dma_wait3A_281 = tpu.memref_squeeze %dma_wait3A_280 : memref<1x!tpu.dma_semaphore, #tpu.memory_space<semaphore_mem>> -> memref<!tpu.dma_semaphore, #tpu.memory_space<semaphore_mem>>
      %dma_wait3A_282 = tpu.memref_slice %arg4[%add3A_277] : memref<320000xi32, #tpu.memory_space<hbm>> -> memref<40xi32, #tpu.memory_space<hbm>>
      tpu.wait_dma2 semaphore(%dma_wait3A_281 : memref<!tpu.dma_semaphore, #tpu.memory_space<semaphore_mem>>) src(%dma_wait3A_282 : memref<40xi32, #tpu.memory_space<hbm>>) dst(%arg9 : memref<40xi32, #tpu.memory_space<vmem>>)
      %mul3A_283 = arith.constant 40 : i32
      %mul3A_284 = arith.muli %add3A_274, %mul3A_283 : i32
      %dma_wait3A_285 = arith.constant 2 : i32
      %dma_wait3A_286 = tpu.memref_slice %arg6[%mul3A_284] : memref<10000xi32, #tpu.memory_space<vmem>> -> memref<40xi32, #tpu.memory_space<vmem>>
      %dma_wait3A_287 = arith.constant 0 : i32
      %dma_wait3A_288 = arith.constant 0 : i32
      %dma_wait3A_289 = tpu.memref_slice %arg2[%dma_wait3A_287, %dma_wait3A_288] : memref<10000x128xf32, #tpu.memory_space<hbm>> -> memref<10000x128xf32, #tpu.memory_space<hbm>>
      %dma_wait3A_290 = tpu.memref_slice %arg18[%dma_wait3A_285] : memref<5x!tpu.dma_semaphore, #tpu.memory_space<semaphore_mem>> -> memref<1x!tpu.dma_semaphore, #tpu.memory_space<semaphore_mem>>
      %dma_wait3A_291 = tpu.memref_squeeze %dma_wait3A_290 : memref<1x!tpu.dma_semaphore, #tpu.memory_space<semaphore_mem>> -> memref<!tpu.dma_semaphore, #tpu.memory_space<semaphore_mem>>
      tpu.wait_indirect_dma semaphore(%dma_wait3A_291 : memref<!tpu.dma_semaphore, #tpu.memory_space<semaphore_mem>>) src(%dma_wait3A_289 : memref<10000x128xf32, #tpu.memory_space<hbm>>) dst(%arg14 : memref<40x128xf32, #tpu.memory_space<vmem>>)
      %dma_start3A_292 = arith.constant 2 : i32
      %dma_start3A_293 = arith.constant 0 : i32
      %dma_start3A_294 = arith.constant 0 : i32
      %dma_start3A_295 = tpu.memref_slice %arg17[%dma_start3A_293, %dma_start3A_294] : memref<10000x128xf32, #tpu.memory_space<vmem_shared>> -> memref<10000x128xf32, #tpu.memory_space<vmem_shared>>
      %dma_start3A_296 = tpu.memref_slice %arg19[%dma_start3A_292] : memref<5x!tpu.dma_semaphore, #tpu.memory_space<semaphore_mem>> -> memref<1x!tpu.dma_semaphore, #tpu.memory_space<semaphore_mem>>
      %dma_start3A_297 = tpu.memref_squeeze %dma_start3A_296 : memref<1x!tpu.dma_semaphore, #tpu.memory_space<semaphore_mem>> -> memref<!tpu.dma_semaphore, #tpu.memory_space<semaphore_mem>>
      tpu.enqueue_indirect_dma source(%arg14 : memref<40x128xf32, #tpu.memory_space<vmem>>) target(%dma_start3A_295 : memref<10000x128xf32, #tpu.memory_space<vmem_shared>>) offsets(%arg9 : memref<40xi32, #tpu.memory_space<vmem>>) semaphore(%dma_start3A_297 : memref<!tpu.dma_semaphore, #tpu.memory_space<semaphore_mem>>) {add = true}
      %mul3A_298 = arith.constant 5 : i32
      %mul3A_299 = arith.muli %scan3A_87, %mul3A_298 : i32
      %add3A_300 = arith.constant 3 : i32
      %add3A_301 = arith.addi %mul3A_299, %add3A_300 : i32
      %mul3A_302 = arith.constant 40 : i32
      %mul3A_303 = arith.muli %add3A_301, %mul3A_302 : i32
      %add3A_304 = arith.addi %mul3A_4, %mul3A_303 : i32
      %dma_wait3A_305 = arith.constant 3 : i32
      %dma_wait3A_306 = tpu.memref_slice %arg4[%add3A_304] : memref<320000xi32, #tpu.memory_space<hbm>> -> memref<40xi32, #tpu.memory_space<hbm>>
      %dma_wait3A_307 = tpu.memref_slice %arg20[%dma_wait3A_305] : memref<5x!tpu.dma_semaphore, #tpu.memory_space<semaphore_mem>> -> memref<1x!tpu.dma_semaphore, #tpu.memory_space<semaphore_mem>>
      %dma_wait3A_308 = tpu.memref_squeeze %dma_wait3A_307 : memref<1x!tpu.dma_semaphore, #tpu.memory_space<semaphore_mem>> -> memref<!tpu.dma_semaphore, #tpu.memory_space<semaphore_mem>>
      %dma_wait3A_309 = tpu.memref_slice %arg4[%add3A_304] : memref<320000xi32, #tpu.memory_space<hbm>> -> memref<40xi32, #tpu.memory_space<hbm>>
      tpu.wait_dma2 semaphore(%dma_wait3A_308 : memref<!tpu.dma_semaphore, #tpu.memory_space<semaphore_mem>>) src(%dma_wait3A_309 : memref<40xi32, #tpu.memory_space<hbm>>) dst(%arg10 : memref<40xi32, #tpu.memory_space<vmem>>)
      %mul3A_310 = arith.constant 40 : i32
      %mul3A_311 = arith.muli %add3A_301, %mul3A_310 : i32
      %dma_wait3A_312 = arith.constant 3 : i32
      %dma_wait3A_313 = tpu.memref_slice %arg6[%mul3A_311] : memref<10000xi32, #tpu.memory_space<vmem>> -> memref<40xi32, #tpu.memory_space<vmem>>
      %dma_wait3A_314 = arith.constant 0 : i32
      %dma_wait3A_315 = arith.constant 0 : i32
      %dma_wait3A_316 = tpu.memref_slice %arg2[%dma_wait3A_314, %dma_wait3A_315] : memref<10000x128xf32, #tpu.memory_space<hbm>> -> memref<10000x128xf32, #tpu.memory_space<hbm>>
      %dma_wait3A_317 = tpu.memref_slice %arg18[%dma_wait3A_312] : memref<5x!tpu.dma_semaphore, #tpu.memory_space<semaphore_mem>> -> memref<1x!tpu.dma_semaphore, #tpu.memory_space<semaphore_mem>>
      %dma_wait3A_318 = tpu.memref_squeeze %dma_wait3A_317 : memref<1x!tpu.dma_semaphore, #tpu.memory_space<semaphore_mem>> -> memref<!tpu.dma_semaphore, #tpu.memory_space<semaphore_mem>>
      tpu.wait_indirect_dma semaphore(%dma_wait3A_318 : memref<!tpu.dma_semaphore, #tpu.memory_space<semaphore_mem>>) src(%dma_wait3A_316 : memref<10000x128xf32, #tpu.memory_space<hbm>>) dst(%arg15 : memref<40x128xf32, #tpu.memory_space<vmem>>)
      %dma_start3A_319 = arith.constant 3 : i32
      %dma_start3A_320 = arith.constant 0 : i32
      %dma_start3A_321 = arith.constant 0 : i32
      %dma_start3A_322 = tpu.memref_slice %arg17[%dma_start3A_320, %dma_start3A_321] : memref<10000x128xf32, #tpu.memory_space<vmem_shared>> -> memref<10000x128xf32, #tpu.memory_space<vmem_shared>>
      %dma_start3A_323 = tpu.memref_slice %arg19[%dma_start3A_319] : memref<5x!tpu.dma_semaphore, #tpu.memory_space<semaphore_mem>> -> memref<1x!tpu.dma_semaphore, #tpu.memory_space<semaphore_mem>>
      %dma_start3A_324 = tpu.memref_squeeze %dma_start3A_323 : memref<1x!tpu.dma_semaphore, #tpu.memory_space<semaphore_mem>> -> memref<!tpu.dma_semaphore, #tpu.memory_space<semaphore_mem>>
      tpu.enqueue_indirect_dma source(%arg15 : memref<40x128xf32, #tpu.memory_space<vmem>>) target(%dma_start3A_322 : memref<10000x128xf32, #tpu.memory_space<vmem_shared>>) offsets(%arg10 : memref<40xi32, #tpu.memory_space<vmem>>) semaphore(%dma_start3A_324 : memref<!tpu.dma_semaphore, #tpu.memory_space<semaphore_mem>>) {add = true}
      %mul3A_325 = arith.constant 5 : i32
      %mul3A_326 = arith.muli %scan3A_87, %mul3A_325 : i32
      %add3A_327 = arith.constant 4 : i32
      %add3A_328 = arith.addi %mul3A_326, %add3A_327 : i32
      %mul3A_329 = arith.constant 40 : i32
      %mul3A_330 = arith.muli %add3A_328, %mul3A_329 : i32
      %add3A_331 = arith.addi %mul3A_4, %mul3A_330 : i32
      %dma_wait3A_332 = arith.constant 4 : i32
      %dma_wait3A_333 = tpu.memref_slice %arg4[%add3A_331] : memref<320000xi32, #tpu.memory_space<hbm>> -> memref<40xi32, #tpu.memory_space<hbm>>
      %dma_wait3A_334 = tpu.memref_slice %arg20[%dma_wait3A_332] : memref<5x!tpu.dma_semaphore, #tpu.memory_space<semaphore_mem>> -> memref<1x!tpu.dma_semaphore, #tpu.memory_space<semaphore_mem>>
      %dma_wait3A_335 = tpu.memref_squeeze %dma_wait3A_334 : memref<1x!tpu.dma_semaphore, #tpu.memory_space<semaphore_mem>> -> memref<!tpu.dma_semaphore, #tpu.memory_space<semaphore_mem>>
      %dma_wait3A_336 = tpu.memref_slice %arg4[%add3A_331] : memref<320000xi32, #tpu.memory_space<hbm>> -> memref<40xi32, #tpu.memory_space<hbm>>
      tpu.wait_dma2 semaphore(%dma_wait3A_335 : memref<!tpu.dma_semaphore, #tpu.memory_space<semaphore_mem>>) src(%dma_wait3A_336 : memref<40xi32, #tpu.memory_space<hbm>>) dst(%arg11 : memref<40xi32, #tpu.memory_space<vmem>>)
      %mul3A_337 = arith.constant 40 : i32
      %mul3A_338 = arith.muli %add3A_328, %mul3A_337 : i32
      %dma_wait3A_339 = arith.constant 4 : i32
      %dma_wait3A_340 = tpu.memref_slice %arg6[%mul3A_338] : memref<10000xi32, #tpu.memory_space<vmem>> -> memref<40xi32, #tpu.memory_space<vmem>>
      %dma_wait3A_341 = arith.constant 0 : i32
      %dma_wait3A_342 = arith.constant 0 : i32
      %dma_wait3A_343 = tpu.memref_slice %arg2[%dma_wait3A_341, %dma_wait3A_342] : memref<10000x128xf32, #tpu.memory_space<hbm>> -> memref<10000x128xf32, #tpu.memory_space<hbm>>
      %dma_wait3A_344 = tpu.memref_slice %arg18[%dma_wait3A_339] : memref<5x!tpu.dma_semaphore, #tpu.memory_space<semaphore_mem>> -> memref<1x!tpu.dma_semaphore, #tpu.memory_space<semaphore_mem>>
      %dma_wait3A_345 = tpu.memref_squeeze %dma_wait3A_344 : memref<1x!tpu.dma_semaphore, #tpu.memory_space<semaphore_mem>> -> memref<!tpu.dma_semaphore, #tpu.memory_space<semaphore_mem>>
      tpu.wait_indirect_dma semaphore(%dma_wait3A_345 : memref<!tpu.dma_semaphore, #tpu.memory_space<semaphore_mem>>) src(%dma_wait3A_343 : memref<10000x128xf32, #tpu.memory_space<hbm>>) dst(%arg16 : memref<40x128xf32, #tpu.memory_space<vmem>>)
      %dma_start3A_346 = arith.constant 4 : i32
      %dma_start3A_347 = arith.constant 0 : i32
      %dma_start3A_348 = arith.constant 0 : i32
      %dma_start3A_349 = tpu.memref_slice %arg17[%dma_start3A_347, %dma_start3A_348] : memref<10000x128xf32, #tpu.memory_space<vmem_shared>> -> memref<10000x128xf32, #tpu.memory_space<vmem_shared>>
      %dma_start3A_350 = tpu.memref_slice %arg19[%dma_start3A_346] : memref<5x!tpu.dma_semaphore, #tpu.memory_space<semaphore_mem>> -> memref<1x!tpu.dma_semaphore, #tpu.memory_space<semaphore_mem>>
      %dma_start3A_351 = tpu.memref_squeeze %dma_start3A_350 : memref<1x!tpu.dma_semaphore, #tpu.memory_space<semaphore_mem>> -> memref<!tpu.dma_semaphore, #tpu.memory_space<semaphore_mem>>
      tpu.enqueue_indirect_dma source(%arg16 : memref<40x128xf32, #tpu.memory_space<vmem>>) target(%dma_start3A_349 : memref<10000x128xf32, #tpu.memory_space<vmem_shared>>) offsets(%arg11 : memref<40xi32, #tpu.memory_space<vmem>>) semaphore(%dma_start3A_351 : memref<!tpu.dma_semaphore, #tpu.memory_space<semaphore_mem>>) {add = true}
      %scan3A_352 = arith.constant 0 : i32
      scf.yield %scan3A_352 : i32
    }
    %scan3A_51 = arith.constant 50 : i32
    %dma_wait3A = arith.constant 0 : i32
    %dma_wait3A_52 = arith.constant 0 : i32
    %dma_wait3A_53 = arith.constant 0 : i32
    %dma_wait3A_54 = tpu.memref_slice %arg17[%dma_wait3A_52, %dma_wait3A_53] : memref<10000x128xf32, #tpu.memory_space<vmem_shared>> -> memref<10000x128xf32, #tpu.memory_space<vmem_shared>>
    %dma_wait3A_55 = tpu.memref_slice %arg19[%dma_wait3A] : memref<5x!tpu.dma_semaphore, #tpu.memory_space<semaphore_mem>> -> memref<1x!tpu.dma_semaphore, #tpu.memory_space<semaphore_mem>>
    %dma_wait3A_56 = tpu.memref_squeeze %dma_wait3A_55 : memref<1x!tpu.dma_semaphore, #tpu.memory_space<semaphore_mem>> -> memref<!tpu.dma_semaphore, #tpu.memory_space<semaphore_mem>>
    tpu.wait_indirect_dma semaphore(%dma_wait3A_56 : memref<!tpu.dma_semaphore, #tpu.memory_space<semaphore_mem>>) src(%arg12 : memref<40x128xf32, #tpu.memory_space<vmem>>) dst(%dma_wait3A_54 : memref<10000x128xf32, #tpu.memory_space<vmem_shared>>)
    %dma_wait3A_57 = arith.constant 1 : i32
    %dma_wait3A_58 = arith.constant 0 : i32
    %dma_wait3A_59 = arith.constant 0 : i32
    %dma_wait3A_60 = tpu.memref_slice %arg17[%dma_wait3A_58, %dma_wait3A_59] : memref<10000x128xf32, #tpu.memory_space<vmem_shared>> -> memref<10000x128xf32, #tpu.memory_space<vmem_shared>>
    %dma_wait3A_61 = tpu.memref_slice %arg19[%dma_wait3A_57] : memref<5x!tpu.dma_semaphore, #tpu.memory_space<semaphore_mem>> -> memref<1x!tpu.dma_semaphore, #tpu.memory_space<semaphore_mem>>
    %dma_wait3A_62 = tpu.memref_squeeze %dma_wait3A_61 : memref<1x!tpu.dma_semaphore, #tpu.memory_space<semaphore_mem>> -> memref<!tpu.dma_semaphore, #tpu.memory_space<semaphore_mem>>
    tpu.wait_indirect_dma semaphore(%dma_wait3A_62 : memref<!tpu.dma_semaphore, #tpu.memory_space<semaphore_mem>>) src(%arg13 : memref<40x128xf32, #tpu.memory_space<vmem>>) dst(%dma_wait3A_60 : memref<10000x128xf32, #tpu.memory_space<vmem_shared>>)
    %dma_wait3A_63 = arith.constant 2 : i32
    %dma_wait3A_64 = arith.constant 0 : i32
    %dma_wait3A_65 = arith.constant 0 : i32
    %dma_wait3A_66 = tpu.memref_slice %arg17[%dma_wait3A_64, %dma_wait3A_65] : memref<10000x128xf32, #tpu.memory_space<vmem_shared>> -> memref<10000x128xf32, #tpu.memory_space<vmem_shared>>
    %dma_wait3A_67 = tpu.memref_slice %arg19[%dma_wait3A_63] : memref<5x!tpu.dma_semaphore, #tpu.memory_space<semaphore_mem>> -> memref<1x!tpu.dma_semaphore, #tpu.memory_space<semaphore_mem>>
    %dma_wait3A_68 = tpu.memref_squeeze %dma_wait3A_67 : memref<1x!tpu.dma_semaphore, #tpu.memory_space<semaphore_mem>> -> memref<!tpu.dma_semaphore, #tpu.memory_space<semaphore_mem>>
    tpu.wait_indirect_dma semaphore(%dma_wait3A_68 : memref<!tpu.dma_semaphore, #tpu.memory_space<semaphore_mem>>) src(%arg14 : memref<40x128xf32, #tpu.memory_space<vmem>>) dst(%dma_wait3A_66 : memref<10000x128xf32, #tpu.memory_space<vmem_shared>>)
    %dma_wait3A_69 = arith.constant 3 : i32
    %dma_wait3A_70 = arith.constant 0 : i32
    %dma_wait3A_71 = arith.constant 0 : i32
    %dma_wait3A_72 = tpu.memref_slice %arg17[%dma_wait3A_70, %dma_wait3A_71] : memref<10000x128xf32, #tpu.memory_space<vmem_shared>> -> memref<10000x128xf32, #tpu.memory_space<vmem_shared>>
    %dma_wait3A_73 = tpu.memref_slice %arg19[%dma_wait3A_69] : memref<5x!tpu.dma_semaphore, #tpu.memory_space<semaphore_mem>> -> memref<1x!tpu.dma_semaphore, #tpu.memory_space<semaphore_mem>>
    %dma_wait3A_74 = tpu.memref_squeeze %dma_wait3A_73 : memref<1x!tpu.dma_semaphore, #tpu.memory_space<semaphore_mem>> -> memref<!tpu.dma_semaphore, #tpu.memory_space<semaphore_mem>>
    tpu.wait_indirect_dma semaphore(%dma_wait3A_74 : memref<!tpu.dma_semaphore, #tpu.memory_space<semaphore_mem>>) src(%arg15 : memref<40x128xf32, #tpu.memory_space<vmem>>) dst(%dma_wait3A_72 : memref<10000x128xf32, #tpu.memory_space<vmem_shared>>)
    %dma_wait3A_75 = arith.constant 4 : i32
    %dma_wait3A_76 = arith.constant 0 : i32
    %dma_wait3A_77 = arith.constant 0 : i32
    %dma_wait3A_78 = tpu.memref_slice %arg17[%dma_wait3A_76, %dma_wait3A_77] : memref<10000x128xf32, #tpu.memory_space<vmem_shared>> -> memref<10000x128xf32, #tpu.memory_space<vmem_shared>>
    %dma_wait3A_79 = tpu.memref_slice %arg19[%dma_wait3A_75] : memref<5x!tpu.dma_semaphore, #tpu.memory_space<semaphore_mem>> -> memref<1x!tpu.dma_semaphore, #tpu.memory_space<semaphore_mem>>
    %dma_wait3A_80 = tpu.memref_squeeze %dma_wait3A_79 : memref<1x!tpu.dma_semaphore, #tpu.memory_space<semaphore_mem>> -> memref<!tpu.dma_semaphore, #tpu.memory_space<semaphore_mem>>
    tpu.wait_indirect_dma semaphore(%dma_wait3A_80 : memref<!tpu.dma_semaphore, #tpu.memory_space<semaphore_mem>>) src(%arg16 : memref<40x128xf32, #tpu.memory_space<vmem>>) dst(%dma_wait3A_78 : memref<10000x128xf32, #tpu.memory_space<vmem_shared>>)
    %barrier3A_81 = arith.constant 0 : index
    tpu.barrier barrier_id(%barrier3A_81)
    "tpu.region"() ({
      %run_scoped3A = tpu.sem_alloc : memref<!tpu.dma_semaphore, #tpu.memory_space<semaphore_mem>>
      %dma_start3A = arith.constant 0 : i32
      %dma_start3A_87 = tpu.memref_slice %arg5[%arg0, %mul3A_2, %dma_start3A] : memref<2x10000x128xf32, #tpu.memory_space<hbm>> -> memref<1x624x128xf32, #tpu.memory_space<hbm>>
      %dma_start3A_88 = tpu.memref_squeeze %dma_start3A_87 : memref<1x624x128xf32, #tpu.memory_space<hbm>> -> memref<624x128xf32, #tpu.memory_space<hbm>>
      %dma_start3A_89 = arith.constant 0 : i32
      %dma_start3A_90 = tpu.memref_slice %arg17[%mul3A_2, %dma_start3A_89] : memref<10000x128xf32, #tpu.memory_space<vmem_shared>> -> memref<624x128xf32, #tpu.memory_space<vmem_shared>>
      tpu.enqueue_dma source(%dma_start3A_90 : memref<624x128xf32, #tpu.memory_space<vmem_shared>>) target(%dma_start3A_88 : memref<624x128xf32, #tpu.memory_space<hbm>>) target_semaphore(%run_scoped3A : memref<!tpu.dma_semaphore, #tpu.memory_space<semaphore_mem>>)
      %dma_wait3A_91 = arith.constant 0 : i32
      %dma_wait3A_92 = tpu.memref_slice %arg5[%arg0, %mul3A_2, %dma_wait3A_91] : memref<2x10000x128xf32, #tpu.memory_space<hbm>> -> memref<1x624x128xf32, #tpu.memory_space<hbm>>
      %dma_wait3A_93 = tpu.memref_squeeze %dma_wait3A_92 : memref<1x624x128xf32, #tpu.memory_space<hbm>> -> memref<624x128xf32, #tpu.memory_space<hbm>>
      %dma_wait3A_94 = arith.constant 0 : i32
      %dma_wait3A_95 = tpu.memref_slice %arg17[%mul3A_2, %dma_wait3A_94] : memref<10000x128xf32, #tpu.memory_space<vmem_shared>> -> memref<624x128xf32, #tpu.memory_space<vmem_shared>>
      tpu.wait_dma2 semaphore(%run_scoped3A : memref<!tpu.dma_semaphore, #tpu.memory_space<semaphore_mem>>) src(%dma_wait3A_95 : memref<624x128xf32, #tpu.memory_space<vmem_shared>>) dst(%dma_wait3A_93 : memref<624x128xf32, #tpu.memory_space<hbm>>)
      tpu.yield
    }) : () -> ()
    %eq3A_82 = arith.constant 15 : i32
    %eq3A_83 = arith.cmpi eq, %arg1, %eq3A_82 : i32
    %convert_element_type3A_84 = arith.extui %eq3A_83 : i1 to i32
    %cond3A_85 = arith.constant 0 : i32
    %cond3A_86 = arith.cmpi ne, %convert_element_type3A_84, %cond3A_85 : i32
    scf.if %cond3A_86 {
      "tpu.region"() ({
        %run_scoped3A = tpu.sem_alloc : memref<!tpu.dma_semaphore, #tpu.memory_space<semaphore_mem>>
        %dma_start3A = arith.constant 9984 : i32
        %dma_start3A_87 = arith.constant 0 : i32
        %dma_start3A_88 = tpu.memref_slice %arg5[%arg0, %dma_start3A, %dma_start3A_87] : memref<2x10000x128xf32, #tpu.memory_space<hbm>> -> memref<1x16x128xf32, #tpu.memory_space<hbm>>
        %dma_start3A_89 = tpu.memref_squeeze %dma_start3A_88 : memref<1x16x128xf32, #tpu.memory_space<hbm>> -> memref<16x128xf32, #tpu.memory_space<hbm>>
        %dma_start3A_90 = arith.constant 9984 : i32
        %dma_start3A_91 = arith.constant 0 : i32
        %dma_start3A_92 = tpu.memref_slice %arg17[%dma_start3A_90, %dma_start3A_91] : memref<10000x128xf32, #tpu.memory_space<vmem_shared>> -> memref<16x128xf32, #tpu.memory_space<vmem_shared>>
        tpu.enqueue_dma source(%dma_start3A_92 : memref<16x128xf32, #tpu.memory_space<vmem_shared>>) target(%dma_start3A_89 : memref<16x128xf32, #tpu.memory_space<hbm>>) target_semaphore(%run_scoped3A : memref<!tpu.dma_semaphore, #tpu.memory_space<semaphore_mem>>)
        %dma_wait3A_93 = arith.constant 9984 : i32
        %dma_wait3A_94 = arith.constant 0 : i32
        %dma_wait3A_95 = tpu.memref_slice %arg5[%arg0, %dma_wait3A_93, %dma_wait3A_94] : memref<2x10000x128xf32, #tpu.memory_space<hbm>> -> memref<1x16x128xf32, #tpu.memory_space<hbm>>
        %dma_wait3A_96 = tpu.memref_squeeze %dma_wait3A_95 : memref<1x16x128xf32, #tpu.memory_space<hbm>> -> memref<16x128xf32, #tpu.memory_space<hbm>>
        %dma_wait3A_97 = arith.constant 9984 : i32
        %dma_wait3A_98 = arith.constant 0 : i32
        %dma_wait3A_99 = tpu.memref_slice %arg17[%dma_wait3A_97, %dma_wait3A_98] : memref<10000x128xf32, #tpu.memory_space<vmem_shared>> -> memref<16x128xf32, #tpu.memory_space<vmem_shared>>
        tpu.wait_dma2 semaphore(%run_scoped3A : memref<!tpu.dma_semaphore, #tpu.memory_space<semaphore_mem>>) src(%dma_wait3A_99 : memref<16x128xf32, #tpu.memory_space<vmem_shared>>) dst(%dma_wait3A_96 : memref<16x128xf32, #tpu.memory_space<hbm>>)
        tpu.yield
      }) : () -> ()
    } else {
    }
    return
  }
}

module attributes {stable_mosaic.version = 14 : i64} {
  func.func @_tc1_body(%arg0: i32, %arg1: memref<2x1000x128xf32, #tpu.memory_space<vmem>>, %arg2: memref<1000x128xf32, #tpu.memory_space<vmem>>, %arg3: memref<2x1000x1xf32, #tpu.memory_space<vmem>>, %arg4: memref<128x128xf32, #tpu.memory_space<vmem>>, %arg5: memref<1x128xf32, #tpu.memory_space<vmem>>, %arg6: memref<1000x128xf32, #tpu.memory_space<vmem>>) attributes {dimension_semantics = [#tpu.dimension_semantics<arbitrary>], iteration_bounds = array<i64: 10>, scalar_prefetch = 0 : i64, scratch_operands = 0 : i64, tpu.core_type = #tpu.core_type<tc>, window_params = [{transform_indices = @transform_0, window_bounds = array<i64: 2, 1000, 128>}, {transform_indices = @transform_1, window_bounds = array<i64: 1000, 128>}, {transform_indices = @transform_2, window_bounds = array<i64: 2, 1000, 1>}, {pipeline_mode = #tpu.pipeline_mode<synchronous>, transform_indices = @transform_3, window_bounds = array<i64: 128, 128>}, {pipeline_mode = #tpu.pipeline_mode<synchronous>, transform_indices = @transform_4, window_bounds = array<i64: 1, 128>}, {transform_indices = @transform_5, window_bounds = array<i64: 1000, 128>}]} {
    %get3A = arith.constant 0 : index
    %get3A_0 = arith.constant 0 : index
    %get3A_1 = arith.constant 0 : index
    %get3A_2 = vector.load %arg3[%get3A, %get3A_0, %get3A_1] : memref<2x1000x1xf32, #tpu.memory_space<vmem>>, vector<1x1000x1xf32>
    %get3A_3 = vector.shape_cast %get3A_2 : vector<1x1000x1xf32> to vector<1000x1xf32>
    %get3A_4 = arith.constant 1 : index
    %get3A_5 = arith.constant 0 : index
    %get3A_6 = arith.constant 0 : index
    %get3A_7 = vector.load %arg3[%get3A_4, %get3A_5, %get3A_6] : memref<2x1000x1xf32, #tpu.memory_space<vmem>>, vector<1x1000x1xf32>
    %get3A_8 = vector.shape_cast %get3A_7 : vector<1x1000x1xf32> to vector<1000x1xf32>
    %add3A = arith.addf %get3A_3, %get3A_8 : vector<1000x1xf32>
    %add3A_9 = arith.constant 1.000000e+00 : f32
    %add3A_10 = vector.broadcast %add3A_9 : f32 to vector<1000x1xf32>
    %add3A_11 = arith.addf %add3A, %add3A_10 : vector<1000x1xf32>
    %div3A = arith.constant 1.000000e+00 : f32
    %div3A_12 = vector.broadcast %div3A : f32 to vector<1000x1xf32>
    %div3A_13 = arith.divf %div3A_12, %add3A_11 : vector<1000x1xf32>
    %get3A_14 = arith.constant 0 : index
    %get3A_15 = arith.constant 0 : index
    %get3A_16 = arith.constant 0 : index
    %get3A_17 = vector.load %arg1[%get3A_14, %get3A_15, %get3A_16] : memref<2x1000x128xf32, #tpu.memory_space<vmem>>, vector<1x1000x128xf32>
    %get3A_18 = vector.shape_cast %get3A_17 : vector<1x1000x128xf32> to vector<1000x128xf32>
    %get3A_19 = arith.constant 1 : index
    %get3A_20 = arith.constant 0 : index
    %get3A_21 = arith.constant 0 : index
    %get3A_22 = vector.load %arg1[%get3A_19, %get3A_20, %get3A_21] : memref<2x1000x128xf32, #tpu.memory_space<vmem>>, vector<1x1000x128xf32>
    %get3A_23 = vector.shape_cast %get3A_22 : vector<1x1000x128xf32> to vector<1000x128xf32>
    %add3A_24 = arith.addf %get3A_18, %get3A_23 : vector<1000x128xf32>
    %get3A_25 = arith.constant 0 : index
    %get3A_26 = arith.constant 0 : index
    %get3A_27 = vector.load %arg2[%get3A_25, %get3A_26] : memref<1000x128xf32, #tpu.memory_space<vmem>>, vector<1000x128xf32>
    %add3A_28 = arith.addf %add3A_24, %get3A_27 : vector<1000x128xf32>
    %mul3A = vector.broadcast %div3A_13 : vector<1000x1xf32> to vector<1000x128xf32>
    %mul3A_29 = arith.mulf %add3A_28, %mul3A : vector<1000x128xf32>
    %get3A_30 = arith.constant 0 : index
    %get3A_31 = arith.constant 0 : index
    %get3A_32 = vector.load %arg4[%get3A_30, %get3A_31] : memref<128x128xf32, #tpu.memory_space<vmem>>, vector<128x128xf32>
    %dot_general3A = arith.constant dense<0.000000e+00> : vector<1000x128xf32>
    %dot_general3A_33 = tpu.matmul %mul3A_29, %get3A_32, %dot_general3A {dimension_numbers = #tpu.dot_dimension_numbers<[1], [0], [0], [1], [0, 0, 1, 1], [], []>, transpose_lhs_hint = false} : vector<1000x128xf32>, vector<128x128xf32>, vector<1000x128xf32> -> vector<1000x128xf32>
    %get3A_34 = arith.constant 0 : index
    %get3A_35 = arith.constant 0 : index
    %get3A_36 = vector.load %arg5[%get3A_34, %get3A_35] : memref<1x128xf32, #tpu.memory_space<vmem>>, vector<1x128xf32>
    %add3A_37 = vector.broadcast %get3A_36 : vector<1x128xf32> to vector<1000x128xf32>
    %add3A_38 = arith.addf %dot_general3A_33, %add3A_37 : vector<1000x128xf32>
    %max3A = arith.constant 0.000000e+00 : f32
    %max3A_39 = vector.broadcast %max3A : f32 to vector<1000x128xf32>
    %max3A_40 = arith.maximumf %add3A_38, %max3A_39 : vector<1000x128xf32>
    %swap3A = arith.constant 0 : index
    %swap3A_41 = arith.constant 0 : index
    %swap3A_42 = vector.load %arg6[%swap3A, %swap3A_41] : memref<1000x128xf32, #tpu.memory_space<vmem>>, vector<1000x128xf32>
    tpu.vector_store %arg6[%swap3A, %swap3A_41], %max3A_40 {strides = array<i32>} : memref<1000x128xf32, #tpu.memory_space<vmem>>, vector<1000x128xf32>,
    return
  }
  func.func @transform_0(%arg0: i32) -> (i32, i32, i32) {
    %c0_i32 = arith.constant 0 : i32
    %c0_i32_0 = arith.constant 0 : i32
    %c0_i32_1 = arith.constant 0 : i32
    return %c0_i32, %arg0, %c0_i32_0 : i32, i32, i32
  }
  func.func @transform_1(%arg0: i32) -> (i32, i32) {
    %c0_i32 = arith.constant 0 : i32
    %c0_i32_0 = arith.constant 0 : i32
    return %arg0, %c0_i32 : i32, i32
  }
  func.func @transform_2(%arg0: i32) -> (i32, i32, i32) {
    %c0_i32 = arith.constant 0 : i32
    %c0_i32_0 = arith.constant 0 : i32
    %c0_i32_1 = arith.constant 0 : i32
    return %c0_i32, %arg0, %c0_i32_0 : i32, i32, i32
  }
  func.func @transform_3(%arg0: i32) -> (i32, i32) {
    %c0_i32 = arith.constant 0 : i32
    %c0_i32_0 = arith.constant 0 : i32
    %c0_i32_1 = arith.constant 0 : i32
    return %c0_i32, %c0_i32_0 : i32, i32
  }
  func.func @transform_4(%arg0: i32) -> (i32, i32) {
    %c0_i32 = arith.constant 0 : i32
    %c0_i32_0 = arith.constant 0 : i32
    %c0_i32_1 = arith.constant 0 : i32
    return %c0_i32, %c0_i32_0 : i32, i32
  }
  func.func @transform_5(%arg0: i32) -> (i32, i32) {
    %c0_i32 = arith.constant 0 : i32
    %c0_i32_0 = arith.constant 0 : i32
    return %arg0, %c0_i32 : i32, i32
  }
}

module attributes {stable_mosaic.version = 14 : i64} {
  func.func @_tc2_body(%arg0: i32, %arg1: memref<2x1000x128xf32, #tpu.memory_space<vmem>>, %arg2: memref<1000x128xf32, #tpu.memory_space<vmem>>, %arg3: memref<2x1000x1xf32, #tpu.memory_space<vmem>>, %arg4: memref<128x128xf32, #tpu.memory_space<vmem>>, %arg5: memref<1x128xf32, #tpu.memory_space<vmem>>, %arg6: memref<128x128xf32, #tpu.memory_space<vmem>>, %arg7: memref<1x128xf32, #tpu.memory_space<vmem>>, %arg8: memref<128x1xf32, #tpu.memory_space<vmem>>, %arg9: memref<1x1xf32, #tpu.memory_space<vmem>>, %arg10: memref<1000x1xf32, #tpu.memory_space<vmem>>) attributes {dimension_semantics = [#tpu.dimension_semantics<arbitrary>], iteration_bounds = array<i64: 10>, scalar_prefetch = 0 : i64, scratch_operands = 0 : i64, tpu.core_type = #tpu.core_type<tc>, window_params = [{transform_indices = @transform_0, window_bounds = array<i64: 2, 1000, 128>}, {transform_indices = @transform_1, window_bounds = array<i64: 1000, 128>}, {transform_indices = @transform_2, window_bounds = array<i64: 2, 1000, 1>}, {pipeline_mode = #tpu.pipeline_mode<synchronous>, transform_indices = @transform_3, window_bounds = array<i64: 128, 128>}, {pipeline_mode = #tpu.pipeline_mode<synchronous>, transform_indices = @transform_4, window_bounds = array<i64: 1, 128>}, {pipeline_mode = #tpu.pipeline_mode<synchronous>, transform_indices = @transform_5, window_bounds = array<i64: 128, 128>}, {pipeline_mode = #tpu.pipeline_mode<synchronous>, transform_indices = @transform_6, window_bounds = array<i64: 1, 128>}, {pipeline_mode = #tpu.pipeline_mode<synchronous>, transform_indices = @transform_7, window_bounds = array<i64: 128, 1>}, {pipeline_mode = #tpu.pipeline_mode<synchronous>, transform_indices = @transform_8, window_bounds = array<i64: 1, 1>}, {transform_indices = @transform_9, window_bounds = array<i64: 1000, 1>}]} {
    %get3A = arith.constant 0 : index
    %get3A_0 = arith.constant 0 : index
    %get3A_1 = arith.constant 0 : index
    %get3A_2 = vector.load %arg3[%get3A, %get3A_0, %get3A_1] : memref<2x1000x1xf32, #tpu.memory_space<vmem>>, vector<1x1000x1xf32>
    %get3A_3 = vector.shape_cast %get3A_2 : vector<1x1000x1xf32> to vector<1000x1xf32>
    %get3A_4 = arith.constant 1 : index
    %get3A_5 = arith.constant 0 : index
    %get3A_6 = arith.constant 0 : index
    %get3A_7 = vector.load %arg3[%get3A_4, %get3A_5, %get3A_6] : memref<2x1000x1xf32, #tpu.memory_space<vmem>>, vector<1x1000x1xf32>
    %get3A_8 = vector.shape_cast %get3A_7 : vector<1x1000x1xf32> to vector<1000x1xf32>
    %add3A = arith.addf %get3A_3, %get3A_8 : vector<1000x1xf32>
    %add3A_9 = arith.constant 1.000000e+00 : f32
    %add3A_10 = vector.broadcast %add3A_9 : f32 to vector<1000x1xf32>
    %add3A_11 = arith.addf %add3A, %add3A_10 : vector<1000x1xf32>
    %div3A = arith.constant 1.000000e+00 : f32
    %div3A_12 = vector.broadcast %div3A : f32 to vector<1000x1xf32>
    %div3A_13 = arith.divf %div3A_12, %add3A_11 : vector<1000x1xf32>
    %get3A_14 = arith.constant 0 : index
    %get3A_15 = arith.constant 0 : index
    %get3A_16 = arith.constant 0 : index
    %get3A_17 = vector.load %arg1[%get3A_14, %get3A_15, %get3A_16] : memref<2x1000x128xf32, #tpu.memory_space<vmem>>, vector<1x1000x128xf32>
    %get3A_18 = vector.shape_cast %get3A_17 : vector<1x1000x128xf32> to vector<1000x128xf32>
    %get3A_19 = arith.constant 1 : index
    %get3A_20 = arith.constant 0 : index
    %get3A_21 = arith.constant 0 : index
    %get3A_22 = vector.load %arg1[%get3A_19, %get3A_20, %get3A_21] : memref<2x1000x128xf32, #tpu.memory_space<vmem>>, vector<1x1000x128xf32>
    %get3A_23 = vector.shape_cast %get3A_22 : vector<1x1000x128xf32> to vector<1000x128xf32>
    %add3A_24 = arith.addf %get3A_18, %get3A_23 : vector<1000x128xf32>
    %get3A_25 = arith.constant 0 : index
    %get3A_26 = arith.constant 0 : index
    %get3A_27 = vector.load %arg2[%get3A_25, %get3A_26] : memref<1000x128xf32, #tpu.memory_space<vmem>>, vector<1000x128xf32>
    %add3A_28 = arith.addf %add3A_24, %get3A_27 : vector<1000x128xf32>
    %mul3A = vector.broadcast %div3A_13 : vector<1000x1xf32> to vector<1000x128xf32>
    %mul3A_29 = arith.mulf %add3A_28, %mul3A : vector<1000x128xf32>
    %get3A_30 = arith.constant 0 : index
    %get3A_31 = arith.constant 0 : index
    %get3A_32 = vector.load %arg4[%get3A_30, %get3A_31] : memref<128x128xf32, #tpu.memory_space<vmem>>, vector<128x128xf32>
    %dot_general3A = arith.constant dense<0.000000e+00> : vector<1000x128xf32>
    %dot_general3A_33 = tpu.matmul %mul3A_29, %get3A_32, %dot_general3A {dimension_numbers = #tpu.dot_dimension_numbers<[1], [0], [0], [1], [0, 0, 1, 1], [], []>, transpose_lhs_hint = false} : vector<1000x128xf32>, vector<128x128xf32>, vector<1000x128xf32> -> vector<1000x128xf32>
    %get3A_34 = arith.constant 0 : index
    %get3A_35 = arith.constant 0 : index
    %get3A_36 = vector.load %arg5[%get3A_34, %get3A_35] : memref<1x128xf32, #tpu.memory_space<vmem>>, vector<1x128xf32>
    %add3A_37 = vector.broadcast %get3A_36 : vector<1x128xf32> to vector<1000x128xf32>
    %add3A_38 = arith.addf %dot_general3A_33, %add3A_37 : vector<1000x128xf32>
    %get3A_39 = arith.constant 0 : index
    %get3A_40 = arith.constant 0 : index
    %get3A_41 = vector.load %arg6[%get3A_39, %get3A_40] : memref<128x128xf32, #tpu.memory_space<vmem>>, vector<128x128xf32>
    %dot_general3A_42 = arith.constant dense<0.000000e+00> : vector<1000x128xf32>
    %dot_general3A_43 = tpu.matmul %add3A_38, %get3A_41, %dot_general3A_42 {dimension_numbers = #tpu.dot_dimension_numbers<[1], [0], [0], [1], [0, 0, 1, 1], [], []>, transpose_lhs_hint = false} : vector<1000x128xf32>, vector<128x128xf32>, vector<1000x128xf32> -> vector<1000x128xf32>
    %get3A_44 = arith.constant 0 : index
    %get3A_45 = arith.constant 0 : index
    %get3A_46 = vector.load %arg7[%get3A_44, %get3A_45] : memref<1x128xf32, #tpu.memory_space<vmem>>, vector<1x128xf32>
    %add3A_47 = vector.broadcast %get3A_46 : vector<1x128xf32> to vector<1000x128xf32>
    %add3A_48 = arith.addf %dot_general3A_43, %add3A_47 : vector<1000x128xf32>
    %max3A = arith.constant 0.000000e+00 : f32
    %max3A_49 = vector.broadcast %max3A : f32 to vector<1000x128xf32>
    %max3A_50 = arith.maximumf %add3A_48, %max3A_49 : vector<1000x128xf32>
    %get3A_51 = arith.constant 0 : index
    %get3A_52 = arith.constant 0 : index
    %get3A_53 = vector.load %arg8[%get3A_51, %get3A_52] : memref<128x1xf32, #tpu.memory_space<vmem>>, vector<128x1xf32>
    %dot_general3A_54 = arith.constant dense<0.000000e+00> : vector<1000x1xf32>
    %dot_general3A_55 = tpu.matmul %max3A_50, %get3A_53, %dot_general3A_54 {dimension_numbers = #tpu.dot_dimension_numbers<[1], [0], [0], [1], [0, 0, 1, 1], [], []>, transpose_lhs_hint = false} : vector<1000x128xf32>, vector<128x1xf32>, vector<1000x1xf32> -> vector<1000x1xf32>
    %get3A_56 = arith.constant 0 : index
    %get3A_57 = arith.constant 0 : index
    %get3A_58 = vector.load %arg9[%get3A_56, %get3A_57] : memref<1x1xf32, #tpu.memory_space<vmem>>, vector<1x1xf32>
    %add3A_59 = vector.broadcast %get3A_58 : vector<1x1xf32> to vector<1000x1xf32>
    %add3A_60 = arith.addf %dot_general3A_55, %add3A_59 : vector<1000x1xf32>
    %swap3A = arith.constant 0 : index
    %swap3A_61 = arith.constant 0 : index
    %swap3A_62 = vector.load %arg10[%swap3A, %swap3A_61] : memref<1000x1xf32, #tpu.memory_space<vmem>>, vector<1000x1xf32>
    tpu.vector_store %arg10[%swap3A, %swap3A_61], %add3A_60 {strides = array<i32>} : memref<1000x1xf32, #tpu.memory_space<vmem>>, vector<1000x1xf32>,
    return
  }
  func.func @transform_0(%arg0: i32) -> (i32, i32, i32) {
    %c0_i32 = arith.constant 0 : i32
    %c0_i32_0 = arith.constant 0 : i32
    %c0_i32_1 = arith.constant 0 : i32
    return %c0_i32, %arg0, %c0_i32_0 : i32, i32, i32
  }
  func.func @transform_1(%arg0: i32) -> (i32, i32) {
    %c0_i32 = arith.constant 0 : i32
    %c0_i32_0 = arith.constant 0 : i32
    return %arg0, %c0_i32 : i32, i32
  }
  func.func @transform_2(%arg0: i32) -> (i32, i32, i32) {
    %c0_i32 = arith.constant 0 : i32
    %c0_i32_0 = arith.constant 0 : i32
    %c0_i32_1 = arith.constant 0 : i32
    return %c0_i32, %arg0, %c0_i32_0 : i32, i32, i32
  }
  func.func @transform_3(%arg0: i32) -> (i32, i32) {
    %c0_i32 = arith.constant 0 : i32
    %c0_i32_0 = arith.constant 0 : i32
    %c0_i32_1 = arith.constant 0 : i32
    return %c0_i32, %c0_i32_0 : i32, i32
  }
  func.func @transform_4(%arg0: i32) -> (i32, i32) {
    %c0_i32 = arith.constant 0 : i32
    %c0_i32_0 = arith.constant 0 : i32
    %c0_i32_1 = arith.constant 0 : i32
    return %c0_i32, %c0_i32_0 : i32, i32
  }
  func.func @transform_5(%arg0: i32) -> (i32, i32) {
    %c0_i32 = arith.constant 0 : i32
    %c0_i32_0 = arith.constant 0 : i32
    %c0_i32_1 = arith.constant 0 : i32
    return %c0_i32, %c0_i32_0 : i32, i32
  }
  func.func @transform_6(%arg0: i32) -> (i32, i32) {
    %c0_i32 = arith.constant 0 : i32
    %c0_i32_0 = arith.constant 0 : i32
    %c0_i32_1 = arith.constant 0 : i32
    return %c0_i32, %c0_i32_0 : i32, i32
  }
  func.func @transform_7(%arg0: i32) -> (i32, i32) {
    %c0_i32 = arith.constant 0 : i32
    %c0_i32_0 = arith.constant 0 : i32
    %c0_i32_1 = arith.constant 0 : i32
    return %c0_i32, %c0_i32_0 : i32, i32
  }
  func.func @transform_8(%arg0: i32) -> (i32, i32) {
    %c0_i32 = arith.constant 0 : i32
    %c0_i32_0 = arith.constant 0 : i32
    %c0_i32_1 = arith.constant 0 : i32
    return %c0_i32, %c0_i32_0 : i32, i32
  }
  func.func @transform_9(%arg0: i32) -> (i32, i32) {
    %c0_i32 = arith.constant 0 : i32
    %c0_i32_0 = arith.constant 0 : i32
    return %arg0, %c0_i32 : i32, i32
  }
}

</mosaic_0001>

<sc_bundles>
// kernel: kernel.6.cloned.1.call-start
scs
__scs_entry_jumppad:
0x0: {  	(pc) =	sbr.rel $0x88, $3  }
0x1: {  	(tag) =	ssettag $0x0;
	lr =	simm.s32 $0x1  }
0x2: {  	[smem:$0x3F97] =	sst lr;
	_ =	strace $0xD0000000  }
0x3: {  	_ = 	snop  }
0x4: {  	_ = 	snop  }
0x5: {  	_ = 	snop  }
0x6: {  	_ = 	snop  }
0x7: {  	_ = 	snop  }
__scs_overlays_trampoline_lowered:
0x8: {  	[smem:$0x3FA6] =	sst s0  }
0x9: {  	[smem:$0x3FA7] =	sst s1  }
0xa: {  	[smem:$0x3FA8] =	sst s2  }
0xb: {  	[smem:$0x3FA9] =	sst s3  }
0xc: {  	[smem:$0x3FAA] =	sst s4  }
0xd: {  	[smem:$0x3FAB] =	sst s5  }
0xe: {  	[smem:$0x3FAC] =	sst s6  }
0xf: {  	[smem:$0x3FAD] =	sst s7  }
0x10: {  	[smem:$0x3FAE] =	sst s8  }
0x11: {  	[smem:$0x3FAF] =	sst s9;
	s0 =	simm.s32 @!p0 $0x0  }
0x12: {  	s1 =	sld [smem:$0x3F95];
	s0 =	simm.s32 @p0 $0x1  }
0x13: {  	[smem:$0x3FB0] =	sst s0;
	s0 =	simm.s32 @!p1 $0x0  }
0x14: {  	s2 =	sld [smem:$0x3F94];
	s0 =	simm.s32 @p1 $0x1  }
0x15: {  	[smem:$0x3FB1] =	sst s0;
	s0 =	simm.s32 @!p2 $0x0  }
0x16: {  	s3 =	sld [smem:$0x3FDB];
	s0 =	simm.s32 @p2 $0x1  }
0x17: {  	s4 =	simm.s32 $0x1BF5;
	[smem:$0x3FB3] =	sst s0  }
0x18: {  	s0 =	sld [smem:$0x3F96];
	_ =	swait.ge [sflag:s4], $0x0  }
0x19: {  	s7 =	sld [smem:$0x3F97]  }
0x1a: {  	s8 =	sadd.s32 $0xFFFFE003, lr  }
0x1b: {  	s9 =	sadd.s32 $0xFFFFFEF7, lr;
	s5 =	simm.s32 $0xFFFFFFFF;
	p2 =	slt.u32 s8, $0xFFFFF086  }
0x1c: {  	p1 =	slt.u32 s9, $0xF7A;
	s5 =	simm.s32 @!p2 $0x0  }
0x1d: {  	s5 =	simm.s32 @p1 $0x1;
	p0 =	seq.s32 s7, s2  }
0x1e: {  	s7 =	smul.u32 @!p0 $0xF7A, s2;
	p2 =	seq.s32 @!p0 s5, $0x0  }
0x1f: {  	s9 =	smul.u32 $0xF7A, s1;
	s8 =	simm.s32 @!p0 $0x1BF5;
	p2 =	por !p2, p0  }
0x20: {  	[sflag:s8] =	ssyncset.s32 @!p0 $0xFFFFF086;
	s6 =	sadd.s32 @!p0 s3, s7;
	s7 =	simm.s32 @!p0 $0x108  }
0x21: {  	s3 =	sadd.s32 s3, s9;
	s6 =	sadd.s32 @!p0 $0x88, s6;
	s7 =	simm.s32 @p2 $0x1082  }
0x22: {  	[simem:s7], [sflag:s8] =	dma.local @!p0 [hbm:s6], $0xF7A  }
0x23: {  	s9 =	sor.u32 $0xD0000000, s2;
	s6 =	simm.s32 $0x108;
	_ =	swait.ge @!p0 [sflag:s8], $0x0  }
0x24: {  	s3 =	sadd.s32 $0x88, s3;
	s6 =	simm.s32 @!p1 $0x1082;
	[sflag:s4] =	ssyncset.s32 $0xFFFFF086  }
0x25: {  	[simem:s6], [sflag:s4] =	dma.local [hbm:s3], $0xF7A  }
0x26: {  	[smem:$0x3F97] =	sst s1;
	(tag) =	ssettag s2;
	_ =	strace s9  }
0x27: {  	s1 =	sld [smem:$0x3FA7]  }
0x28: {  	s2 =	sld [smem:$0x3FA8]  }
0x29: {  	s4 =	sld [smem:$0x3FAA]  }
0x2a: {  	p0 =	seq.s32 s5, $0x0;
	s5 =	sld [smem:$0x3FAB]  }
0x2b: {  	s6 =	sld [smem:$0x3FAC]  }
0x2c: {  	s7 =	sld [smem:$0x3FAD]  }
0x2d: {  	s3 =	simm.s32 $0x108;
	s8 =	sld [smem:$0x3FAE]  }
0x2e: {  	s3 =	simm.s32 @!p0 $0x1082;
	s9 =	sld [smem:$0x3FAF]  }
0x2f: {  	lr =	sadd.s32 s0, s3;
	s0 =	sld [smem:$0x3FA6]  }
0x30: {  	s3 =	sld [smem:$0x3FA9]  }
0x31: {  	[smem:$0x3FB2] =	sst s10  }
0x32: {  	s10 =	sld [smem:$0x3FB0];
	_ =	sdelay $0x3  }
0x33: {  	p0 =	seq.s32 s10, $0x1;
	s10 =	sld [smem:$0x3FB2];
	_ =	sdelay $0x3  }
0x34: {  	[smem:$0x3FB2] =	sst s10  }
0x35: {  	s10 =	sld [smem:$0x3FB1];
	_ =	sdelay $0x3  }
0x36: {  	p1 =	seq.s32 s10, $0x1;
	s10 =	sld [smem:$0x3FB2];
	_ =	sdelay $0x3  }
0x37: {  	[smem:$0x3FB2] =	sst s10  }
0x38: {  	s10 =	sld [smem:$0x3FB3]  }
0x39: {  	_ = 	snop;
	(pc) =	sbr.ind lr, $3  }
0x3a: {  	_ = 	snop  }
0x3b: {  	_ = 	snop  }
0x3c: {  	p2 =	seq.s32 s10, $0x1;
	s10 =	sld [smem:$0x3FB2]  }
0x3d: {  	_ =	shalt  }
0x3e: {  	_ =	shalt  }
0x3f: {  	_ =	shalt  }
0x40: {  	_ =	shalt  }
0x41: {  	_ =	shalt  }
0x42: {  	_ =	shalt  }
0x43: {  	_ =	shalt  }
0x44: {  	_ =	shalt  }
0x45: {  	_ =	shalt  }
0x46: {  	_ =	shalt  }
0x47: {  	_ =	shalt  }
0x48: {  	_ =	shalt  }
0x49: {  	_ =	shalt  }
0x4a: {  	_ =	shalt  }
0x4b: {  	_ =	shalt  }
0x4c: {  	_ =	shalt  }
0x4d: {  	_ =	shalt  }
0x4e: {  	_ =	shalt  }
0x4f: {  	_ =	shalt  }
0x50: {  	_ =	shalt  }
0x51: {  	_ =	shalt  }
0x52: {  	_ =	shalt  }
0x53: {  	_ =	shalt  }
0x54: {  	_ =	shalt  }
0x55: {  	_ =	shalt  }
0x56: {  	_ =	shalt  }
0x57: {  	_ =	shalt  }
0x58: {  	_ =	shalt  }
0x59: {  	_ =	shalt  }
0x5a: {  	_ =	shalt  }
0x5b: {  	_ =	shalt  }
0x5c: {  	_ =	shalt  }
0x5d: {  	_ =	shalt  }
0x5e: {  	_ =	shalt  }
0x5f: {  	_ =	shalt  }
0x60: {  	_ =	shalt  }
0x61: {  	_ =	shalt  }
0x62: {  	_ =	shalt  }
0x63: {  	_ =	shalt  }
0x64: {  	_ =	shalt  }
0x65: {  	_ =	shalt  }
0x66: {  	_ =	shalt  }
0x67: {  	_ =	shalt  }
0x68: {  	_ =	shalt  }
0x69: {  	_ =	shalt  }
0x6a: {  	_ =	shalt  }
0x6b: {  	_ =	shalt  }
0x6c: {  	_ =	shalt  }
0x6d: {  	_ =	shalt  }
0x6e: {  	_ =	shalt  }
0x6f: {  	_ =	shalt  }
0x70: {  	_ =	shalt  }
0x71: {  	_ =	shalt  }
0x72: {  	_ =	shalt  }
0x73: {  	_ =	shalt  }
0x74: {  	_ =	shalt  }
0x75: {  	_ =	shalt  }
0x76: {  	_ =	shalt  }
0x77: {  	_ =	shalt  }
0x78: {  	_ =	shalt  }
0x79: {  	_ =	shalt  }
0x7a: {  	_ =	shalt  }
0x7b: {  	_ =	shalt  }
0x7c: {  	_ =	shalt  }
0x7d: {  	_ =	shalt  }
0x7e: {  	_ =	shalt  }
0x7f: {  	_ =	shalt  }
0x80: {  	_ =	shalt  }
0x81: {  	_ =	shalt  }
0x82: {  	_ =	shalt  }
0x83: {  	_ =	shalt  }
0x84: {  	_ =	shalt  }
0x85: {  	_ =	shalt  }
0x86: {  	_ =	shalt  }
0x87: {  	_ =	shalt  }
.Lfunc_end0:
.L_simem_size_0:
called_computation_lowered:
.L_overlay_start_0:
0x88: {  	s2 =	sld [smem:$0x3FD9]  }
0x89: {  	s3 =	sld [smem:$0x3FFE];
	_ =	sdelay $0x1  }
0x8a: {  	s1 =	srdreg.scid  }
0x8b: {  	s0 =	sand.u32 $0x1, s1  }
0x8c: {  	s17 =	sshll.u32 s0, $0xA;
	s2 =	sadd.s32 s3, s2  }
0x8d: {  	s2 =	sadd.s32 s2, s17  }
0x8e: {  	[smem:$0x3FBE] =	sst s2  }
0x8f: {  	_ = 	snop  }
0x90: {  	s2 =	sld [smem:$0x3FC9];
	(tm) =	ssettm $0x1  }
0x91: {  	s18 =	sld [smem:$0x3FFB];
	_ =	sdelay $0x3  }
0x92: {  	_ =	strace s18  }
0x93: {  	s3 =	sld [smem:$0x3FFC];
	_ =	sdelay $0x3  }
0x94: {  	_ =	strace s3  }
0x95: {  	s3 =	sld [smem:$0x3FFD];
	_ =	sdelay $0x3  }
0x96: {  	_ =	strace s3  }
0x97: {  	_ =	strace $0x8FFFFFFF  }
0x98: {  	s19 =	sld [smem:$0x3FDB];
	_ =	sdelay $0x1  }
0x99: {  	s4 =	simm.s32 $_scs_section_size  }
0x9a: {  	s5 =	simm.s32 $_size__tile_overlayer_lowered;
	s6 =	simm.s32 $_tile_overlayer_lowered  }
0x9b: {  	s22 =	simm.s32 $0x1BFF;
	s21 =	sshll.u32 s6, $0x1;
	s3 =	sadd.s32 s4, s19  }
0x9c: {  	s7 =	simm.s32 $0x0;
	s20 =	sshll.u32 s5, $0x1;
	s5 =	sadd.s32 s21, s3  }
0x9d: {  	[timem:s7], [sflag:s22] =	dma.local [hbm:s5], s20  }
0x9e: {  	_ =	swait.ge [sflag:s22], s20  }
0x9f: {  	s4 =	ssub.s32 $0x0, s20;
	[sflag:s22] =	ssyncset.done $0x0  }
0xa0: {  	[sflag:s22] =	ssyncadd.s32 s4;
	_ =	sdelay $0x1  }
0xa1: {  	s23 =	simm.s32 $0x1B8B  }
0xa2: {  	_ =	swait.ge [sflag:s23], $0x1  }
0xa3: {  	[sflag:s23] =	ssyncset.done $0x0  }
0xa4: {  	s25 =	simm.s32 $0x1B8E;
	s24 =	sld [smem:$0x3FFE];
	[sflag:s23] =	ssyncadd.s32 $0xFFFFFFFF  }
0xa5: {  	s26 =	simm.s32 $execute0_lowered;
	[smem:$0x3FD2] =	sst s25  }
0xa6: {  	s5 =	sshll.u32 s26, $0x1;
	_ =	strace $0x80000046;
	[dreg:$0x1] =	wrdreg $0xFFFFFFFF  }
0xa7: {  	s28 =	simm.s32 $_size_execute0_lowered;
	s3 =	sadd.s32 s3, s5;
	[dreg:$0x0] =	wrdreg $0x0  }
0xa8: {  	s5 =	sshll.u32 s28, $0x1;
	[dreg:$0x2] =	wrdreg s3  }
0xa9: {  	[dreg:$0x3] =	wrdreg s5  }
0xaa: {  	[dreg:$0x4] =	wrdreg $0xC0  }
0xab: {  	_ =	task [dreg:s7], $0x5FFFF  }
0xac: {  	[dreg:$0x1] =	wrdreg $0xFFFFFFFF  }
0xad: {  	[dreg:$0x0] =	wrdreg $0x60  }
0xae: {  	[dreg:$0x2] =	wrdreg s2  }
0xaf: {  	[dreg:$0x3] =	wrdreg s24  }
0xb0: {  	[dreg:$0x4] =	wrdreg $0x91000  }
0xb1: {  	[dreg:$0x5] =	wrdreg $0x1C9800  }
0xb2: {  	[dreg:$0x6] =	wrdreg $0x9  }
0xb3: {  	_ =	task.clear_ibuf [dreg:s7], $0x7FFFF;
	_ =	strace $0x90000046  }
0xb4: {  	s29 =	simm.s32 $0x9;
	_ =	strace $0x80000048  }
0xb5: {  	_ =	swait.ge [sflag:s29], $0x1  }
0xb6: {  	[sflag:s29] =	ssyncadd.s32 $0xFFFFFFFF  }
0xb7: {  	_ =	strace $0x90000048  }
0xb8: {  	_ =	sfence  }
0xb9: {  	s30 =	sld [smem:$0x0];
	_ =	sdelay $0x2  }
0xba: {  	s31 =	sshll.u32 s1, $0xD;
	s1 =	sshrl.u32 s1, $0x2  }
0xbb: {  	s3 =	sand.u32 $0x4000, s31;
	s1 =	sadd.s32 s1, s30  }
0xbc: {  	s0 =	sor.u32 s3, s0;
	s1 =	sshll.u32 s1, $0x11  }
0xbd: {  	s0 =	sor.u32 s1, s0  }
0xbe: {  	s0 =	sadd.s32 $0x8F2B, s0  }
0xbf: {  	[sflag:s0] =	ssyncadd.remote.s32 $0x1  }
0xc0: {  	_ =	sfence.sel $0xFFFF  }
0xc1: {  	[dreg:$0x0] =	wrdreg $0xFFFFFFFF;
	(pc) =	sbr.abs _section_cstart, $3  }
0xc2: {  	[dreg:$0x1] =	wrdreg $0xFFFFFFFF  }
0xc3: {  	_ =	task.clear_ibuf [dreg:s7], $0x2FFFF;
	_ =	strace $0x9FFFFFFF  }
0xc4: {  	(tm) =	ssettm $0x7FFFFFFF  }
0xc5: {  	_ =	shalt  }
tec
execute0_lowered:
.L_overlay_start_1:
0x0: {  	(tag) =	ssettag $0x1  }
0x1: {  	s1 =	rddreg [dreg:$0x0]  }
0x2: {  	s2 =	rddreg [dreg:$0x1]  }
0x3: {  	s0 =	srdreg.scid;
	s3 =	rddreg [dreg:$0x2]  }
0x4: {  	s26 =	stileid.u32;
	s4 =	rddreg [dreg:$0x3]  }
0x5: {  	s5 =	simm.s32 $0x0;
	s30 =	simm.s32 $0x2D00;
	s31 =	simm.s32 $0xB  }
0x6: {  	s10 =	sand.u32 $0x1, s0;
	s17 =	sshll.u32 s26, $0x1;
	s6 =	smul.u32 $0x270, s26  }
0x7: {  	[smem:$0x7FF] =	sst s5;
	s13 =	sadd.s32 $0x2200, s2;
	s8 =	smul.u32 $0x4E000, s26  }
0x8: {  	s14 =	sadd.s32 $0x16800, s2;
	s15 =	sadd.s32 $0x15E00, s2;
	s16 =	smul.u32 $0x138800, s10  }
0x9: {  	s0 =	sor.u32 s10, s17;
	_ =	strace $0x80000047;
	s17 =	smul.u32 $0x13800, s26  }
0xa: {  	s7 =	ssub.s32 $0x2, s10;
	s12 =	smul.u32 $0x2710, s0;
	s8 =	sshrl.u32 s8, $0x2  }
0xb: {  	s18 =	sshrl.u32 s7, $0x1;
	s9 =	sadd.s32 $0x78, s6;
	s28 =	sadd.s32 s8, s3  }
0xc: {  	s8 =	sadd.s32 $0x50, s6;
	s17 =	sadd.s32 s17, s16;
	s21 =	sshrl.u32 s16, $0x3  }
0xd: {  	s0 =	sshrl.u32 s12, $0x3;
	s19 =	sshll.u32 s8, $0x7;
	s17 =	sshrl.u32 s17, $0x3  }
0xe: {  	s22 =	sadd.s32 $0x28, s12;
	s12 =	sadd.s32 $0x78, s12;
	[dreg:$0xe] =	wrdreg s28  }
0xf: {  	s0 =	sadd.s32 s0, s2;
	s2 =	ssub.s32 s7, s18;
	s18 =	sshll.u32 s9, $0x7  }
0x10: {  	s17 =	sadd.s32 s14, s17;
	s23 =	sshrl.u32 s22, $0x3;
	s12 =	sshrl.u32 s12, $0x3  }
0x11: {  	s20 =	sadd.s32 s18, s3;
	s18 =	smul.u32 $0x2710, s10;
	[dreg:$0x12] =	wrdreg s17  }
0x12: {  	s10 =	sadd.s32 s14, s21;
	s14 =	sadd.s32 s13, s23;
	[dreg:$0x11] =	wrdreg s20  }
0x13: {  	s7 =	sadd.s32 $0x28, s6;
	s12 =	sadd.s32 s13, s12;
	[dreg:$0x5] =	wrdreg s14  }
0x14: {  	s11 =	sshll.u32 s7, $0x7;
	s7 =	sadd.s32 s7, s4;
	[dreg:$0x6] =	wrdreg s12  }
0x15: {  	s0 =	sadd.s32 $0xC000, s0;
	s11 =	sadd.s32 s11, s3;
	[smem:$0x7E8] =	sst s7  }
0x16: {  	[dreg:$0xf] =	wrdreg s11;
	s11 =	sadd.s32 s19, s3;
	s19 =	smul.u32 $0x4E20, s26  }
0x17: {  	s29 =	simm.s32 $0x2880;
	s7 =	sadd.s32 s9, s4;
	[smem:$0x7F7] =	sst s0  }
0x18: {  	p0 =	sne.s32 s26, $0xF;
	[smem:$0x7EA] =	sst s7;
	s16 =	sadd.s32 s18, s19  }
0x19: {  	[dreg:$0x10] =	wrdreg s11;
	s11 =	sadd.s32 $0xA0, s6;
	s24 =	sadd.s32 $0xA0, s16  }
0x1a: {  	s23 =	sshll.u32 s11, $0x7;
	s25 =	sadd.s32 $0x78, s16;
	s14 =	sshrl.u32 s24, $0x3  }
0x1b: {  	s20 =	sadd.s32 $0x50, s16;
	s17 =	sshrl.u32 s25, $0x3;
	s14 =	sadd.s32 s14, s13  }
0x1c: {  	s22 =	sadd.s32 $0x28, s16;
	s19 =	sadd.s32 s17, s13;
	[dreg:$0x7] =	wrdreg s14  }
0x1d: {  	s21 =	sshrl.u32 s20, $0x3;
	s17 =	sadd.s32 s23, s3;
	[dreg:$0x8] =	wrdreg s19  }
0x1e: {  	s25 =	sadd.s32 s6, s18;
	s12 =	sadd.s32 s21, s13;
	[dreg:$0x13] =	wrdreg s17  }
0x1f: {  	s20 =	sshrl.u32 s18, $0x3;
	s21 =	simm.s32 $0x4100;
	[dreg:$0x9] =	wrdreg s12  }
0x20: {  	s14 =	sshrl.u32 s22, $0x3;
	[dreg:$0xc] =	wrdreg s21;
	s22 =	simm.s32 $0x6900  }
0x21: {  	s17 =	sshrl.u32 s16, $0x3;
	s24 =	sadd.s32 s14, s13;
	[dreg:$0xd] =	wrdreg s22  }
0x22: {  	s16 =	sadd.s32 $0xC8, s6;
	s12 =	sadd.s32 s17, s13;
	[dreg:$0xa] =	wrdreg s24  }
0x23: {  	s14 =	sshrl.u32 s25, $0x3;
	s9 =	sadd.s32 s16, s4;
	[dreg:$0xb] =	wrdreg s12  }
0x24: {  	s19 =	sshll.u32 s16, $0x7;
	s14 =	sadd.s32 s15, s14;
	[smem:$0x7EC] =	sst s9  }
0x25: {  	s13 =	sadd.s32 s19, s3;
	[dreg:$0x14] =	wrdreg s14;
	s14 =	sadd.s32 s15, s20  }
0x26: {  	s15 =	sadd.s32 $0xF0, s6;
	[dreg:$0x15] =	wrdreg s13;
	s13 =	sadd.s32 $0x140, s6  }
0x27: {  	s23 =	sshll.u32 s15, $0x7;
	s25 =	sshll.u32 s13, $0x7;
	s13 =	sadd.s32 s13, s4  }
0x28: {  	s0 =	simm.s32 $0xC;
	s12 =	sadd.s32 s23, s3;
	[smem:$0x7EF] =	sst s13  }
0x29: {  	s19 =	sadd.s32 $0x168, s6;
	s18 =	sadd.s32 s25, s3;
	[dreg:$0x16] =	wrdreg s12  }
0x2a: {  	s12 =	sadd.s32 $0x118, s6;
	[dreg:$0x18] =	wrdreg s18;
	s18 =	sadd.s32 $0x1B8, s6  }
0x2b: {  	s24 =	sshll.u32 s12, $0x7;
	s21 =	sshll.u32 s18, $0x7;
	s12 =	sadd.s32 s12, s4  }
0x2c: {  	s20 =	sshll.u32 s19, $0x7;
	s21 =	sadd.s32 s21, s3;
	[smem:$0x7EE] =	sst s12  }
0x2d: {  	s17 =	sadd.s32 s24, s3;
	[dreg:$0x1b] =	wrdreg s21;
	s21 =	sadd.s32 $0x230, s6  }
0x2e: {  	[dreg:$0x17] =	wrdreg s17;
	s17 =	sadd.s32 s20, s3;
	s24 =	sshll.u32 s21, $0x7  }
0x2f: {  	[dreg:$0x19] =	wrdreg s17;
	s17 =	sadd.s32 $0x190, s6;
	s24 =	sadd.s32 s24, s3  }
0x30: {  	s22 =	sadd.s32 $0x1E0, s6;
	s16 =	sadd.s32 s17, s4;
	[dreg:$0x1e] =	wrdreg s24  }
0x31: {  	s20 =	sshll.u32 s17, $0x7;
	s17 =	sadd.s32 s18, s4;
	[smem:$0x7F1] =	sst s16  }
0x32: {  	s23 =	sshll.u32 s22, $0x7;
	s20 =	sadd.s32 s20, s3;
	[smem:$0x7F2] =	sst s17  }
0x33: {  	s25 =	sadd.s32 $0x258, s6;
	[dreg:$0x1a] =	wrdreg s20;
	s20 =	sadd.s32 s23, s3  }
0x34: {  	s18 =	sadd.s32 s22, s4;
	[dreg:$0x1c] =	wrdreg s20;
	s20 =	sadd.s32 $0x208, s6  }
0x35: {  	s22 =	sadd.s32 $0x27000, s10;
	[smem:$0x7F3] =	sst s18;
	s23 =	sshll.u32 s20, $0x7  }
0x36: {  	s24 =	sshll.u32 s25, $0x7;
	[smem:$0x7F8] =	sst s22;
	s23 =	sadd.s32 s23, s3  }
0x37: {  	s7 =	simm.s32 $0x2;
	[dreg:$0x1d] =	wrdreg s23;
	s23 =	sadd.s32 s24, s3  }
0x38: {  	s26 =	simm.s32 $0x2900;
	s24 =	sadd.s32 s6, s4;
	[dreg:$0x1f] =	wrdreg s23  }
0x39: {  	s9 =	simm.s32 $0xD;
	s23 =	sadd.s32 s8, s4;
	[smem:$0x7FB] =	sst s24  }
0x3a: {  	s13 =	simm.s32 $0x7D00;
	s8 =	sadd.s32 s11, s4;
	[smem:$0x7E9] =	sst s23  }
0x3b: {  	s12 =	simm.s32 $0x4;
	s11 =	sadd.s32 s15, s4;
	[smem:$0x7EB] =	sst s8  }
0x3c: {  	s10 =	simm.s32 $0x3;
	s15 =	sadd.s32 s19, s4;
	[smem:$0x7ED] =	sst s11  }
0x3d: {  	s22 =	simm.s32 $0x2A00;
	s19 =	sadd.s32 s20, s4;
	[smem:$0x7F0] =	sst s15  }
0x3e: {  	s16 =	simm.s32 $0x0;
	s20 =	sadd.s32 s21, s4;
	[smem:$0x7F4] =	sst s19  }
0x3f: {  	s21 =	sadd.s32 s25, s4;
	s25 =	smax.u32 s2, $0x1;
	[smem:$0x7F5] =	sst s20  }
0x40: {  	s2 =	simm.s32 $0x1;
	[smem:$0x7F6] =	sst s21;
	s23 =	sadd.s32 $0x4E0, s14  }
0x41: {  	[smem:$0x7FA] =	sst s25;
	s19 =	sadd.s32 $0x138000, s3;
	s20 =	sadd.s32 $0x2700, s4  }
0x42: {  	s21 =	simm.s32 $0x15;
	s25 =	simm.s32 $0x28;
	[smem:$0x7F9] =	sst s23  }
0x43: {  	s11 =	simm.s32 $0xE;
	s14 =	simm.s32 $0xF;
	[smem:$0x7FC] =	sst s19  }
0x44: {  	v0 =	vimm.f32 $0.0e+00;
	v1 =	vimm.f32 $1.000000000e+00;
	s15 =	simm.s32 $0x5;
	[smem:$0x7FD] =	sst s20;
	s23 =	simm.s32 $0x0  }
.LBB2_1:
0x45: {  	s6 =	sand.u32 $0x7E00, s5  }
0x46: {  	[smem:$0x7E7] =	sst s16;
	s18 =	sand.u32 $0x70, s5;
	s17 =	sshrl.u32 s6, $0x2  }
0x47: {  	s16 =	simm.s32 $0x0;
	s6 =	simm.s32 $0x40;
	s17 =	sor.u32 s18, s17  }
.LBB2_2:
0x48: {  	p1 =	sne.s32 s6, $0x4FC0  }
0x49: {  	[tilespmem:s17+$0x2D00] =	vst v0;
	s16 =	sadd.s32 $0x10, s16;
	s17 =	smov.u32 s6;
	s6 =	sadd.s32 $0x40, s6  }
.Ltmp0:
0x4a: {  	(pc) =	sbr.rel @p1 .LBB2_2-.Ltmp0, $4  }
0x4b: {  	_ = 	snop  }
0x4c: {  	s17 =	sand.u32 $0x7E00, s17  }
0x4d: {  	s18 =	sand.u32 $0x70, s16;
	s17 =	sshrl.u32 s17, $0x2  }
0x4e: {  	s17 =	sor.u32 s18, s17  }
0x4f: {  	[tilespmem:s17+$0x2D00] =	vst v0  }
0x50: {  	[tilespmem:$0x2A00] =	vst v0  }
0x51: {  	[tilespmem:$0x2A10] =	vst v0  }
0x52: {  	[tilespmem:$0x2A18] =	vst v0  }
0x53: {  	[spmem:s28] =	stream.linear.scatter [tilespmem:s30], [sflag:$0x15], $0x1400, $0x38;
	[tilespmem:$0x1CBF8] =	vst v63  }
0x54: {  	_ =	swait.ge [sflag:s21], $0x1400  }
0x55: {  	[sflag:s21] =	ssyncset.done $0x0  }
0x56: {  	s6 =	rddreg [dreg:$0xf];
	[sflag:s21] =	ssyncadd.s32 $0xFFFFEC00  }
0x57: {  	[spmem:s6] =	stream.linear.scatter [tilespmem:s30], [sflag:$0x15], $0x1400, $0x38;
	[tilespmem:$0x1CBF8] =	vst v63  }
0x58: {  	_ =	swait.ge [sflag:s21], $0x1400  }
0x59: {  	[sflag:s21] =	ssyncset.done $0x0  }
0x5a: {  	s18 =	rddreg [dreg:$0x10];
	[sflag:s21] =	ssyncadd.s32 $0xFFFFEC00  }
0x5b: {  	[spmem:s18] =	stream.linear.scatter [tilespmem:s30], [sflag:$0x15], $0x1400, $0x38;
	[tilespmem:$0x1CBF8] =	vst v63  }
0x5c: {  	_ =	swait.ge [sflag:s21], $0x1400  }
0x5d: {  	[sflag:s21] =	ssyncset.done $0x0  }
0x5e: {  	s28 =	rddreg [dreg:$0x11];
	[sflag:s21] =	ssyncadd.s32 $0xFFFFEC00  }
0x5f: {  	[spmem:s28] =	stream.linear.scatter [tilespmem:s30], [sflag:$0x15], $0x1400, $0x38;
	[tilespmem:$0x1CBF8] =	vst v63  }
0x60: {  	_ =	swait.ge [sflag:s21], $0x1400  }
0x61: {  	[sflag:s21] =	ssyncset.done $0x0  }
0x62: {  	s8 =	rddreg [dreg:$0x13];
	[sflag:s21] =	ssyncadd.s32 $0xFFFFEC00  }
0x63: {  	[spmem:s8] =	stream.linear.scatter [tilespmem:s30], [sflag:$0x15], $0x1400, $0x38;
	[tilespmem:$0x1CBF8] =	vst v63  }
0x64: {  	_ =	swait.ge [sflag:s21], $0x1400  }
0x65: {  	[sflag:s21] =	ssyncset.done $0x0  }
0x66: {  	s16 =	rddreg [dreg:$0x15];
	[sflag:s21] =	ssyncadd.s32 $0xFFFFEC00  }
0x67: {  	[spmem:s16] =	stream.linear.scatter [tilespmem:s30], [sflag:$0x15], $0x1400, $0x38;
	[tilespmem:$0x1CBF8] =	vst v63  }
0x68: {  	_ =	swait.ge [sflag:s21], $0x1400  }
0x69: {  	[sflag:s21] =	ssyncset.done $0x0  }
0x6a: {  	s17 =	rddreg [dreg:$0x16];
	[sflag:s21] =	ssyncadd.s32 $0xFFFFEC00  }
0x6b: {  	[spmem:s17] =	stream.linear.scatter [tilespmem:s30], [sflag:$0x15], $0x1400, $0x38;
	[tilespmem:$0x1CBF8] =	vst v63  }
0x6c: {  	_ =	swait.ge [sflag:s21], $0x1400  }
0x6d: {  	[sflag:s21] =	ssyncset.done $0x0  }
0x6e: {  	s18 =	rddreg [dreg:$0x17];
	[sflag:s21] =	ssyncadd.s32 $0xFFFFEC00  }
0x6f: {  	[spmem:s18] =	stream.linear.scatter [tilespmem:s30], [sflag:$0x15], $0x1400, $0x38;
	[tilespmem:$0x1CBF8] =	vst v63  }
0x70: {  	_ =	swait.ge [sflag:s21], $0x1400  }
0x71: {  	[sflag:s21] =	ssyncset.done $0x0  }
0x72: {  	s28 =	rddreg [dreg:$0x18];
	[sflag:s21] =	ssyncadd.s32 $0xFFFFEC00  }
0x73: {  	[spmem:s28] =	stream.linear.scatter [tilespmem:s30], [sflag:$0x15], $0x1400, $0x38;
	[tilespmem:$0x1CBF8] =	vst v63  }
0x74: {  	_ =	swait.ge [sflag:s21], $0x1400  }
0x75: {  	[sflag:s21] =	ssyncset.done $0x0  }
0x76: {  	s8 =	rddreg [dreg:$0x19];
	[sflag:s21] =	ssyncadd.s32 $0xFFFFEC00  }
0x77: {  	[spmem:s8] =	stream.linear.scatter [tilespmem:s30], [sflag:$0x15], $0x1400, $0x38;
	[tilespmem:$0x1CBF8] =	vst v63  }
0x78: {  	_ =	swait.ge [sflag:s21], $0x1400  }
0x79: {  	[sflag:s21] =	ssyncset.done $0x0  }
0x7a: {  	s16 =	rddreg [dreg:$0x1a];
	[sflag:s21] =	ssyncadd.s32 $0xFFFFEC00  }
0x7b: {  	[spmem:s16] =	stream.linear.scatter [tilespmem:s30], [sflag:$0x15], $0x1400, $0x38;
	[tilespmem:$0x1CBF8] =	vst v63  }
0x7c: {  	_ =	swait.ge [sflag:s21], $0x1400  }
0x7d: {  	[sflag:s21] =	ssyncset.done $0x0  }
0x7e: {  	s17 =	rddreg [dreg:$0x1b];
	[sflag:s21] =	ssyncadd.s32 $0xFFFFEC00  }
0x7f: {  	[spmem:s17] =	stream.linear.scatter [tilespmem:s30], [sflag:$0x15], $0x1400, $0x38;
	[tilespmem:$0x1CBF8] =	vst v63  }
0x80: {  	_ =	swait.ge [sflag:s21], $0x1400  }
0x81: {  	[sflag:s21] =	ssyncset.done $0x0  }
0x82: {  	s18 =	rddreg [dreg:$0x1c];
	[sflag:s21] =	ssyncadd.s32 $0xFFFFEC00  }
0x83: {  	[spmem:s18] =	stream.linear.scatter [tilespmem:s30], [sflag:$0x15], $0x1400, $0x38;
	[tilespmem:$0x1CBF8] =	vst v63  }
0x84: {  	_ =	swait.ge [sflag:s21], $0x1400  }
0x85: {  	[sflag:s21] =	ssyncset.done $0x0  }
0x86: {  	s28 =	rddreg [dreg:$0x1d];
	[sflag:s21] =	ssyncadd.s32 $0xFFFFEC00  }
0x87: {  	[spmem:s28] =	stream.linear.scatter [tilespmem:s30], [sflag:$0x15], $0x1400, $0x38;
	[tilespmem:$0x1CBF8] =	vst v63  }
0x88: {  	_ =	swait.ge [sflag:s21], $0x1400  }
0x89: {  	[sflag:s21] =	ssyncset.done $0x0  }
0x8a: {  	s8 =	rddreg [dreg:$0x1e];
	[sflag:s21] =	ssyncadd.s32 $0xFFFFEC00  }
0x8b: {  	[spmem:s8] =	stream.linear.scatter [tilespmem:s30], [sflag:$0x15], $0x1400, $0x38;
	[tilespmem:$0x1CBF8] =	vst v63  }
0x8c: {  	_ =	swait.ge [sflag:s21], $0x1400  }
0x8d: {  	[sflag:s21] =	ssyncset.done $0x0  }
0x8e: {  	s16 =	rddreg [dreg:$0x1f];
	[sflag:s21] =	ssyncadd.s32 $0xFFFFEC00  }
0x8f: {  	[spmem:s16] =	stream.linear.scatter [tilespmem:s30], [sflag:$0x15], $0xC00, $0x38;
	[tilespmem:$0x1CBF8] =	vst v63  }
0x90: {  	_ =	swait.ge [sflag:s21], $0xC00  }
0x91: {  	[sflag:s21] =	ssyncset.done $0x0  }
0x92: {  	s6 =	simm.s32 @!p0 $0x2D00;
	[sflag:s21] =	ssyncadd.s32 $0xFFFFF400  }
0x93: {  	[spmem:s19] =	stream.linear.scatter @!p0 [tilespmem:s6], [sflag:$0x15], $0x800, $0x38;
	[tilespmem:$0x1CBF8] =	vst v63  }
0x94: {  	s6 =	simm.s32 @!p0 $0x15  }
0x95: {  	_ =	swait.ge @!p0 [sflag:s6], $0x800  }
0x96: {  	[sflag:s6] =	ssyncset.done @!p0 $0x0  }
0x97: {  	[sflag:s6] =	ssyncadd.s32 @!p0 $0xFFFFF800  }
0x98: {  	[spmem:s24] =	stream.linear.scatter [tilespmem:s22], [sflag:$0x15], $0x28, $0x38;
	[tilespmem:$0x1CBF8] =	vst v63  }
0x99: {  	_ =	swait.ge [sflag:s21], $0x28  }
0x9a: {  	s8 =	sld [smem:$0x7E8]  }
0x9b: {  	[sflag:s21] =	ssyncset.done $0x0  }
0x9c: {  	[sflag:s21] =	ssyncadd.s32 $0xFFFFFFD8  }
0x9d: {  	[spmem:s8] =	stream.linear.scatter [tilespmem:s22], [sflag:$0x15], $0x28, $0x38;
	[tilespmem:$0x1CBF8] =	vst v63  }
0x9e: {  	_ =	swait.ge [sflag:s21], $0x28  }
0x9f: {  	s17 =	sld [smem:$0x7E9]  }
0xa0: {  	[sflag:s21] =	ssyncset.done $0x0  }
0xa1: {  	[sflag:s21] =	ssyncadd.s32 $0xFFFFFFD8  }
0xa2: {  	[spmem:s17] =	stream.linear.scatter [tilespmem:s22], [sflag:$0x15], $0x28, $0x38;
	[tilespmem:$0x1CBF8] =	vst v63  }
0xa3: {  	_ =	swait.ge [sflag:s21], $0x28  }
0xa4: {  	s18 =	sld [smem:$0x7EA]  }
0xa5: {  	[sflag:s21] =	ssyncset.done $0x0  }
0xa6: {  	[sflag:s21] =	ssyncadd.s32 $0xFFFFFFD8  }
0xa7: {  	[spmem:s18] =	stream.linear.scatter [tilespmem:s22], [sflag:$0x15], $0x28, $0x38;
	[tilespmem:$0x1CBF8] =	vst v63  }
0xa8: {  	_ =	swait.ge [sflag:s21], $0x28  }
0xa9: {  	s19 =	sld [smem:$0x7EB]  }
0xaa: {  	[sflag:s21] =	ssyncset.done $0x0  }
0xab: {  	[sflag:s21] =	ssyncadd.s32 $0xFFFFFFD8  }
0xac: {  	[spmem:s19] =	stream.linear.scatter [tilespmem:s22], [sflag:$0x15], $0x28, $0x38;
	[tilespmem:$0x1CBF8] =	vst v63  }
0xad: {  	_ =	swait.ge [sflag:s21], $0x28  }
0xae: {  	s24 =	sld [smem:$0x7EC]  }
0xaf: {  	[sflag:s21] =	ssyncset.done $0x0  }
0xb0: {  	[sflag:s21] =	ssyncadd.s32 $0xFFFFFFD8  }
0xb1: {  	[spmem:s24] =	stream.linear.scatter [tilespmem:s22], [sflag:$0x15], $0x28, $0x38;
	[tilespmem:$0x1CBF8] =	vst v63  }
0xb2: {  	_ =	swait.ge [sflag:s21], $0x28  }
0xb3: {  	s28 =	sld [smem:$0x7ED]  }
0xb4: {  	[sflag:s21] =	ssyncset.done $0x0  }
0xb5: {  	[sflag:s21] =	ssyncadd.s32 $0xFFFFFFD8  }
0xb6: {  	[spmem:s28] =	stream.linear.scatter [tilespmem:s22], [sflag:$0x15], $0x28, $0x38;
	[tilespmem:$0x1CBF8] =	vst v63  }
0xb7: {  	_ =	swait.ge [sflag:s21], $0x28  }
0xb8: {  	s16 =	sld [smem:$0x7EE]  }
0xb9: {  	[sflag:s21] =	ssyncset.done $0x0  }
0xba: {  	[sflag:s21] =	ssyncadd.s32 $0xFFFFFFD8  }
0xbb: {  	[spmem:s16] =	stream.linear.scatter [tilespmem:s22], [sflag:$0x15], $0x28, $0x38;
	[tilespmem:$0x1CBF8] =	vst v63  }
0xbc: {  	_ =	swait.ge [sflag:s21], $0x28  }
0xbd: {  	s17 =	sld [smem:$0x7EF]  }
0xbe: {  	[sflag:s21] =	ssyncset.done $0x0  }
0xbf: {  	[sflag:s21] =	ssyncadd.s32 $0xFFFFFFD8  }
0xc0: {  	[spmem:s17] =	stream.linear.scatter [tilespmem:s22], [sflag:$0x15], $0x28, $0x38;
	[tilespmem:$0x1CBF8] =	vst v63  }
0xc1: {  	_ =	swait.ge [sflag:s21], $0x28  }
0xc2: {  	s18 =	sld [smem:$0x7F0]  }
0xc3: {  	[sflag:s21] =	ssyncset.done $0x0  }
0xc4: {  	[sflag:s21] =	ssyncadd.s32 $0xFFFFFFD8  }
0xc5: {  	[spmem:s18] =	stream.linear.scatter [tilespmem:s22], [sflag:$0x15], $0x28, $0x38;
	[tilespmem:$0x1CBF8] =	vst v63  }
0xc6: {  	_ =	swait.ge [sflag:s21], $0x28  }
0xc7: {  	s19 =	sld [smem:$0x7F1]  }
0xc8: {  	[sflag:s21] =	ssyncset.done $0x0  }
0xc9: {  	[sflag:s21] =	ssyncadd.s32 $0xFFFFFFD8  }
0xca: {  	[spmem:s19] =	stream.linear.scatter [tilespmem:s22], [sflag:$0x15], $0x28, $0x38;
	[tilespmem:$0x1CBF8] =	vst v63  }
0xcb: {  	_ =	swait.ge [sflag:s21], $0x28  }
0xcc: {  	s24 =	sld [smem:$0x7F2]  }
0xcd: {  	[sflag:s21] =	ssyncset.done $0x0  }
0xce: {  	[sflag:s21] =	ssyncadd.s32 $0xFFFFFFD8  }
0xcf: {  	[spmem:s24] =	stream.linear.scatter [tilespmem:s22], [sflag:$0x15], $0x28, $0x38;
	[tilespmem:$0x1CBF8] =	vst v63  }
0xd0: {  	_ =	swait.ge [sflag:s21], $0x28  }
0xd1: {  	s28 =	sld [smem:$0x7F3]  }
0xd2: {  	[sflag:s21] =	ssyncset.done $0x0  }
0xd3: {  	[sflag:s21] =	ssyncadd.s32 $0xFFFFFFD8  }
0xd4: {  	[spmem:s28] =	stream.linear.scatter [tilespmem:s22], [sflag:$0x15], $0x28, $0x38;
	[tilespmem:$0x1CBF8] =	vst v63  }
0xd5: {  	_ =	swait.ge [sflag:s21], $0x28  }
0xd6: {  	s16 =	sld [smem:$0x7F4]  }
0xd7: {  	[sflag:s21] =	ssyncset.done $0x0  }
0xd8: {  	[sflag:s21] =	ssyncadd.s32 $0xFFFFFFD8  }
0xd9: {  	[spmem:s16] =	stream.linear.scatter [tilespmem:s22], [sflag:$0x15], $0x28, $0x38;
	[tilespmem:$0x1CBF8] =	vst v63  }
0xda: {  	_ =	swait.ge [sflag:s21], $0x28  }
0xdb: {  	s17 =	sld [smem:$0x7F5]  }
0xdc: {  	[sflag:s21] =	ssyncset.done $0x0  }
0xdd: {  	[sflag:s21] =	ssyncadd.s32 $0xFFFFFFD8  }
0xde: {  	[spmem:s17] =	stream.linear.scatter [tilespmem:s22], [sflag:$0x15], $0x28, $0x38;
	[tilespmem:$0x1CBF8] =	vst v63  }
0xdf: {  	_ =	swait.ge [sflag:s21], $0x28  }
0xe0: {  	s18 =	sld [smem:$0x7F6]  }
0xe1: {  	[sflag:s21] =	ssyncset.done $0x0  }
0xe2: {  	[sflag:s21] =	ssyncadd.s32 $0xFFFFFFD8  }
0xe3: {  	[spmem:s18] =	stream.linear.scatter [tilespmem:s22], [sflag:$0x15], $0x18, $0x38;
	[tilespmem:$0x1CBF8] =	vst v63  }
0xe4: {  	_ =	swait.ge [sflag:s21], $0x18  }
0xe5: {  	[sflag:s21] =	ssyncset.done $0x0  }
0xe6: {  	s16 =	simm.s32 @!p0 $0x2A00;
	[sflag:s21] =	ssyncadd.s32 $0xFFFFFFE8  }
0xe7: {  	[spmem:s20] =	stream.linear.scatter @!p0 [tilespmem:s16], [sflag:$0x15], $0x10, $0x38;
	[tilespmem:$0x1CBF8] =	vst v63  }
0xe8: {  	_ =	swait.ge @!p0 [sflag:s6], $0x10  }
0xe9: {  	[sflag:s6] =	ssyncset.done @!p0 $0x0  }
0xea: {  	[sflag:s6] =	ssyncadd.s32 @!p0 $0xFFFFFFF0  }
0xeb: {  	s20 =	sld [smem:$0x7F7];
	[tilespmem:$0x2A00] =	vst v1  }
0xec: {  	[tilespmem:$0x2A10] =	vst v1  }
0xed: {  	s19 =	simm.s32 $0x0;
	[tilespmem:$0x2A18] =	vst v1  }
0xee: {  	[tilespmem:s19], [sflag:$0x15] =	stream.linear.gather [hbm4b:s20+s19], $0x2710, $0x38;
	[tilespmem:$0x1CBF8] =	vst v63  }
0xef: {  	_ =	swait.ge [sflag:s21], $0x2710  }
0xf0: {  	[sflag:s21] =	ssyncset.done $0x0  }
0xf1: {  	p1 =	por $0x1, $0x1;
	[sflag:s21] =	ssyncadd.s32 $0xFFFFD8F0  }
0xf2: {  	s6 =	simm.s32 @!p1 $0x6;
	[bflag:$0x0] =	sbarrier.arrive $0xFFFF  }
0xf3: {  	_ =	swait.ge @!p1 [sflag:s6], $0x1400  }
0xf4: {  	[sflag:s6] =	ssyncset.done @!p1 $0x0  }
0xf5: {  	[sflag:s6] =	ssyncadd.s32 @!p1 $0xFFFFEC00;
	s6 =	simm.s32 @!p1 $0x10  }
0xf6: {  	_ =	swait.ge @!p1 [sflag:s6], $0x28  }
0xf7: {  	s21 =	rddreg [dreg:$0xb];
	[sflag:s6] =	ssyncset.done @!p1 $0x0  }
0xf8: {  	s20 =	simm.s32 $0x2780;
	[sflag:s6] =	ssyncadd.s32 @!p1 $0xFFFFFFD8;
	s24 =	sadd.s32 $0x0, s21  }
0xf9: {  	[tilespmem:s20], [sflag:$0xB] =	stream.linear.gather [hbm4b:s24+s5], $0x28, $0x38;
	[tilespmem:$0x1CBF8] =	vst v63  }
0xfa: {  	s28 =	simm.s32 $0x0  }
0xfb: {  	[tilespmem:s30], [sflag:$0x1] =	stream.indirect.gather [hbm4b:s1+s25], $0x80, s28, s25, $0xb8;
	[tilespmem:$0x1CBF8] =	vst v63  }
0xfc: {  	s17 =	simm.s32 @p1 $0x2800;
	s16 =	rddreg [dreg:$0x5];
	s6 =	simm.s32 @p1 $0x0  }
0xfd: {  	[tilespmem:s17], [sflag:$0xC] =	stream.linear.gather @p1 [hbm4b:s16+s6], $0x28, $0x38;
	[tilespmem:$0x1CBF8] =	vst v63  }
0xfe: {  	s18 =	simm.s32 @!p1 $0x7;
	s16 =	simm.s32 @p1 $0x28;
	s17 =	simm.s32 @p1 $0x4100  }
0xff: {  	[tilespmem:s17], [sflag:$0x2] =	stream.indirect.gather @p1 [hbm4b:s1+s16], $0x80, s16, s16, $0xb8;
	[tilespmem:$0x1CBF8] =	vst v63  }
0x100: {  	_ =	swait.ge @!p1 [sflag:s18], $0x1400  }
0x101: {  	[sflag:s18] =	ssyncset.done @!p1 $0x0  }
0x102: {  	s17 =	simm.s32 @!p1 $0x11;
	[sflag:s18] =	ssyncadd.s32 @!p1 $0xFFFFEC00  }
0x103: {  	_ =	swait.ge @!p1 [sflag:s17], $0x28  }
0x104: {  	s19 =	simm.s32 @!p1 $0x2800;
	s18 =	rddreg [dreg:$0xa];
	[sflag:s17] =	ssyncset.done @!p1 $0x0  }
0x105: {  	[sflag:s17] =	ssyncadd.s32 @!p1 $0xFFFFFFD8;
	s17 =	sadd.s32 @!p1 $0x0, s18;
	s18 =	simm.s32 @!p1 $0x0  }
0x106: {  	[tilespmem:s19], [sflag:$0xC] =	stream.linear.gather @!p1 [hbm4b:s17+s18], $0x28, $0x38;
	[tilespmem:$0x1CBF8] =	vst v63  }
0x107: {  	s21 =	simm.s32 @!p1 $0x4100;
	s17 =	simm.s32 @!p1 $0x28;
	s19 =	simm.s32 @!p1 $0x28  }
0x108: {  	[tilespmem:s21], [sflag:$0x2] =	stream.indirect.gather @!p1 [hbm4b:s1+s19], $0x80, s17, s19, $0xb8;
	[tilespmem:$0x1CBF8] =	vst v63  }
0x109: {  	s17 =	simm.s32 @!p1 $0x8  }
0x10a: {  	_ =	swait.ge @!p1 [sflag:s17], $0x1400  }
0x10b: {  	[sflag:s17] =	ssyncset.done @!p1 $0x0  }
0x10c: {  	[sflag:s17] =	ssyncadd.s32 @!p1 $0xFFFFEC00;
	s17 =	simm.s32 @!p1 $0x12  }
0x10d: {  	_ =	swait.ge @!p1 [sflag:s17], $0x28  }
0x10e: {  	s8 =	rddreg [dreg:$0x9];
	[sflag:s17] =	ssyncset.done @!p1 $0x0  }
0x10f: {  	[sflag:s17] =	ssyncadd.s32 @!p1 $0xFFFFFFD8;
	s21 =	sadd.s32 $0x0, s8  }
0x110: {  	[tilespmem:s29], [sflag:$0xD] =	stream.linear.gather [hbm4b:s21+s5], $0x28, $0x38;
	[tilespmem:$0x1CBF8] =	vst v63  }
0x111: {  	s24 =	simm.s32 $0x50;
	s28 =	simm.s32 $0x5500  }
0x112: {  	[tilespmem:s28], [sflag:$0x3] =	stream.indirect.gather [hbm4b:s1+s25], $0x80, s24, s25, $0xb8;
	[tilespmem:$0x1CBF8] =	vst v63  }
0x113: {  	s17 =	simm.s32 @p1 $0x2900;
	s21 =	rddreg [dreg:$0x6]  }
0x114: {  	[tilespmem:s17], [sflag:$0xE] =	stream.linear.gather @p1 [hbm4b:s21+s6], $0x28, $0x38;
	[tilespmem:$0x1CBF8] =	vst v63  }
0x115: {  	s6 =	simm.s32 @p1 $0x78;
	s17 =	simm.s32 @p1 $0x6900  }
0x116: {  	[tilespmem:s17], [sflag:$0x4] =	stream.indirect.gather @p1 [hbm4b:s1+s16], $0x80, s6, s16, $0xb8;
	[tilespmem:$0x1CBF8] =	vst v63  }
0x117: {  	s6 =	simm.s32 @!p1 $0x9  }
0x118: {  	_ =	swait.ge @!p1 [sflag:s6], $0x1400  }
0x119: {  	[sflag:s6] =	ssyncset.done @!p1 $0x0  }
0x11a: {  	[sflag:s6] =	ssyncadd.s32 @!p1 $0xFFFFEC00;
	s6 =	simm.s32 @!p1 $0x13  }
0x11b: {  	_ =	swait.ge @!p1 [sflag:s6], $0x28  }
0x11c: {  	s16 =	rddreg [dreg:$0x8];
	[sflag:s6] =	ssyncset.done @!p1 $0x0  }
0x11d: {  	[sflag:s6] =	ssyncadd.s32 @!p1 $0xFFFFFFD8;
	s6 =	sadd.s32 @!p1 $0x0, s16;
	s16 =	simm.s32 @!p1 $0x2900  }
0x11e: {  	[tilespmem:s16], [sflag:$0xE] =	stream.linear.gather @!p1 [hbm4b:s6+s18], $0x28, $0x38;
	[tilespmem:$0x1CBF8] =	vst v63  }
0x11f: {  	s6 =	simm.s32 @!p1 $0x78;
	s16 =	simm.s32 @!p1 $0x6900  }
0x120: {  	[tilespmem:s16], [sflag:$0x4] =	stream.indirect.gather @!p1 [hbm4b:s1+s19], $0x80, s6, s19, $0xb8;
	[tilespmem:$0x1CBF8] =	vst v63  }
0x121: {  	s6 =	simm.s32 @!p1 $0xA  }
0x122: {  	_ =	swait.ge @!p1 [sflag:s6], $0x1400  }
0x123: {  	[sflag:s6] =	ssyncset.done @!p1 $0x0  }
0x124: {  	[sflag:s6] =	ssyncadd.s32 @!p1 $0xFFFFEC00;
	s6 =	simm.s32 @!p1 $0x14  }
0x125: {  	_ =	swait.ge @!p1 [sflag:s6], $0x28  }
0x126: {  	s19 =	rddreg [dreg:$0x7];
	[sflag:s6] =	ssyncset.done @!p1 $0x0  }
0x127: {  	[sflag:s6] =	ssyncadd.s32 @!p1 $0xFFFFFFD8;
	s21 =	sadd.s32 $0x0, s19;
	s19 =	simm.s32 $0x2980  }
0x128: {  	[tilespmem:s19], [sflag:$0xF] =	stream.linear.gather [hbm4b:s21+s5], $0x28, $0x38;
	[tilespmem:$0x1CBF8] =	vst v63  }
0x129: {  	s6 =	simm.s32 $0xA0  }
0x12a: {  	[tilespmem:s13], [sflag:$0x5] =	stream.indirect.gather [hbm4b:s1+s25], $0x80, s6, s25, $0xb8;
	[tilespmem:$0x1CBF8] =	vst v63  }
0x12b: {  	_ =	swait.ge [sflag:s31], $0x28  }
0x12c: {  	[sflag:s31] =	ssyncset.done $0x0  }
0x12d: {  	[sflag:s31] =	ssyncadd.s32 $0xFFFFFFD8  }
0x12e: {  	_ =	swait.ge [sflag:s2], $0x1400  }
0x12f: {  	[sflag:s2] =	ssyncset.done $0x0  }
0x130: {  	[sflag:s2] =	ssyncadd.s32 $0xFFFFEC00  }
0x131: {  	[spmem:s3] =	stream.indirect.scatter.add.f32 [tilespmem:s30], [sflag:$0x6], $0x80, s20, s25, $0xb8;
	[tilespmem:$0x1CBF8] =	vst v63  }
0x132: {  	_ = 	snop  }
0x133: {  	[spmem:s4] =	stream.indirect.scatter.add.f32 [tilespmem:s22], [sflag:$0x10], $0x1, s20, s25, $0xb8;
	[tilespmem:$0x1CBF8] =	vst v63  }
0x134: {  	_ =	swait.ge [sflag:s0], $0x28  }
0x135: {  	[sflag:s0] =	ssyncset.done $0x0  }
0x136: {  	[sflag:s0] =	ssyncadd.s32 $0xFFFFFFD8  }
0x137: {  	_ =	swait.ge [sflag:s7], $0x1400  }
0x138: {  	[sflag:s7] =	ssyncset.done $0x0  }
0x139: {  	s5 =	simm.s32 $0x2800;
	s24 =	rddreg [dreg:$0xc];
	[sflag:s7] =	ssyncadd.s32 $0xFFFFEC00  }
0x13a: {  	[spmem:s3] =	stream.indirect.scatter.add.f32 [tilespmem:s24], [sflag:$0x7], $0x80, s5, s25, $0xb8;
	[tilespmem:$0x1CBF8] =	vst v63  }
0x13b: {  	_ = 	snop  }
0x13c: {  	[spmem:s4] =	stream.indirect.scatter.add.f32 [tilespmem:s22], [sflag:$0x11], $0x1, s5, s25, $0xb8;
	[tilespmem:$0x1CBF8] =	vst v63  }
0x13d: {  	_ =	swait.ge [sflag:s9], $0x28  }
0x13e: {  	[sflag:s9] =	ssyncset.done $0x0  }
0x13f: {  	[sflag:s9] =	ssyncadd.s32 $0xFFFFFFD8  }
0x140: {  	_ =	swait.ge [sflag:s10], $0x1400  }
0x141: {  	[sflag:s10] =	ssyncset.done $0x0  }
0x142: {  	[sflag:s10] =	ssyncadd.s32 $0xFFFFEC00  }
0x143: {  	[spmem:s3] =	stream.indirect.scatter.add.f32 [tilespmem:s28], [sflag:$0x8], $0x80, s29, s25, $0xb8;
	[tilespmem:$0x1CBF8] =	vst v63  }
0x144: {  	_ = 	snop  }
0x145: {  	[spmem:s4] =	stream.indirect.scatter.add.f32 [tilespmem:s22], [sflag:$0x12], $0x1, s29, s25, $0xb8;
	[tilespmem:$0x1CBF8] =	vst v63  }
0x146: {  	_ =	swait.ge [sflag:s11], $0x28  }
0x147: {  	[sflag:s11] =	ssyncset.done $0x0  }
0x148: {  	[sflag:s11] =	ssyncadd.s32 $0xFFFFFFD8  }
0x149: {  	_ =	swait.ge [sflag:s12], $0x1400  }
0x14a: {  	[sflag:s12] =	ssyncset.done $0x0  }
0x14b: {  	s28 =	rddreg [dreg:$0xd];
	[sflag:s12] =	ssyncadd.s32 $0xFFFFEC00  }
0x14c: {  	[spmem:s3] =	stream.indirect.scatter.add.f32 [tilespmem:s28], [sflag:$0x9], $0x80, s26, s25, $0xb8;
	[tilespmem:$0x1CBF8] =	vst v63  }
0x14d: {  	_ = 	snop  }
0x14e: {  	[spmem:s4] =	stream.indirect.scatter.add.f32 [tilespmem:s22], [sflag:$0x13], $0x1, s26, s25, $0xb8;
	[tilespmem:$0x1CBF8] =	vst v63  }
0x14f: {  	_ =	swait.ge [sflag:s14], $0x28  }
0x150: {  	[sflag:s14] =	ssyncset.done $0x0  }
0x151: {  	[sflag:s14] =	ssyncadd.s32 $0xFFFFFFD8  }
0x152: {  	_ =	swait.ge [sflag:s15], $0x1400  }
0x153: {  	s17 =	simm.s32 $0x19;
	[sflag:s15] =	ssyncset.done $0x0  }
0x154: {  	p1 =	por $0x0, $0x0;
	s24 =	simm.s32 $0x32;
	[sflag:s15] =	ssyncadd.s32 $0xFFFFEC00  }
0x155: {  	[spmem:s3] =	stream.indirect.scatter.add.f32 [tilespmem:s13], [sflag:$0xA], $0x80, s19, s25, $0xb8;
	[tilespmem:$0x1CBF8] =	vst v63  }
.LBB2_4:
0x156: {  	s16 =	simm.s32 @!p1 $0x6  }
0x157: {  	[spmem:s4] =	stream.indirect.scatter.add.f32 [tilespmem:s22], [sflag:$0x14], $0x1, s19, s25, $0xb8;
	[tilespmem:$0x1CBF8] =	vst v63  }
0x158: {  	_ =	swait.ge @!p1 [sflag:s16], $0x1400  }
0x159: {  	[sflag:s16] =	ssyncset.done @!p1 $0x0  }
0x15a: {  	[sflag:s16] =	ssyncadd.s32 @!p1 $0xFFFFEC00;
	s16 =	simm.s32 @!p1 $0x10  }
0x15b: {  	_ =	swait.ge @!p1 [sflag:s16], $0x28  }
0x15c: {  	s21 =	rddreg [dreg:$0xb];
	[sflag:s16] =	ssyncset.done @!p1 $0x0  }
0x15d: {  	s6 =	sadd.s32 $0xC8, s6;
	[sflag:s16] =	ssyncadd.s32 @!p1 $0xFFFFFFD8;
	s8 =	sadd.s32 s17, s21  }
0x15e: {  	[tilespmem:s20], [sflag:$0xB] =	stream.linear.gather [hbm4b:s8+s23], $0x28, $0x38;
	[tilespmem:$0x1CBF8] =	vst v63  }
0x15f: {  	s13 =	sadd.s32 $0xFFFFFF60, s6  }
0x160: {  	[tilespmem:s30], [sflag:$0x1] =	stream.indirect.gather [hbm4b:s1+s25], $0x80, s13, s25, $0xb8;
	[tilespmem:$0x1CBF8] =	vst v63  }
0x161: {  	s19 =	rddreg [dreg:$0x5];
	s16 =	simm.s32 @p1 $0x0;
	s21 =	simm.s32 @p1 $0x2800  }
0x162: {  	[tilespmem:s21], [sflag:$0xC] =	stream.linear.gather @p1 [hbm4b:s19+s16], $0x28, $0x38;
	[tilespmem:$0x1CBF8] =	vst v63  }
0x163: {  	s28 =	simm.s32 @!p1 $0x7;
	s19 =	simm.s32 @p1 $0x28;
	s21 =	simm.s32 @p1 $0x4100  }
0x164: {  	[tilespmem:s21], [sflag:$0x2] =	stream.indirect.gather @p1 [hbm4b:s1+s19], $0x80, s19, s19, $0xb8;
	[tilespmem:$0x1CBF8] =	vst v63  }
0x165: {  	_ =	swait.ge @!p1 [sflag:s28], $0x1400  }
0x166: {  	[sflag:s28] =	ssyncset.done @!p1 $0x0  }
0x167: {  	s21 =	simm.s32 @!p1 $0x11;
	[sflag:s28] =	ssyncadd.s32 @!p1 $0xFFFFEC00  }
0x168: {  	s20 =	simm.s32 @!p1 $0x2800;
	_ =	swait.ge @!p1 [sflag:s21], $0x28  }
0x169: {  	s8 =	simm.s32 @!p1 $0x4100;
	s28 =	rddreg [dreg:$0xa];
	[sflag:s21] =	ssyncset.done @!p1 $0x0  }
0x16a: {  	[sflag:s21] =	ssyncadd.s32 @!p1 $0xFFFFFFD8;
	s21 =	sadd.s32 @!p1 s17, s28;
	s28 =	simm.s32 @!p1 $0x0  }
0x16b: {  	[tilespmem:s20], [sflag:$0xC] =	stream.linear.gather @!p1 [hbm4b:s21+s28], $0x28, $0x38;
	[tilespmem:$0x1CBF8] =	vst v63  }
0x16c: {  	s30 =	simm.s32 @!p1 $0x8;
	s20 =	sadd.s32 @!p1 $0xFFFFFF88, s6;
	s21 =	simm.s32 @!p1 $0x28  }
0x16d: {  	[tilespmem:s8], [sflag:$0x2] =	stream.indirect.gather @!p1 [hbm4b:s1+s21], $0x80, s20, s21, $0xb8;
	[tilespmem:$0x1CBF8] =	vst v63  }
0x16e: {  	_ =	swait.ge @!p1 [sflag:s30], $0x1400  }
0x16f: {  	[sflag:s30] =	ssyncset.done @!p1 $0x0  }
0x170: {  	s8 =	simm.s32 @!p1 $0x12;
	[sflag:s30] =	ssyncadd.s32 @!p1 $0xFFFFEC00  }
0x171: {  	_ =	swait.ge @!p1 [sflag:s8], $0x28  }
0x172: {  	s20 =	rddreg [dreg:$0x9];
	[sflag:s8] =	ssyncset.done @!p1 $0x0  }
0x173: {  	[sflag:s8] =	ssyncadd.s32 @!p1 $0xFFFFFFD8;
	s20 =	sadd.s32 s17, s20  }
0x174: {  	[tilespmem:s29], [sflag:$0xD] =	stream.linear.gather [hbm4b:s20+s23], $0x28, $0x38;
	[tilespmem:$0x1CBF8] =	vst v63  }
0x175: {  	s13 =	simm.s32 $0x5500;
	s8 =	sadd.s32 $0xFFFFFFB0, s6  }
0x176: {  	[tilespmem:s13], [sflag:$0x3] =	stream.indirect.gather [hbm4b:s1+s25], $0x80, s8, s25, $0xb8;
	[tilespmem:$0x1CBF8] =	vst v63  }
0x177: {  	s20 =	rddreg [dreg:$0x6];
	s8 =	simm.s32 @p1 $0x2900  }
0x178: {  	[tilespmem:s8], [sflag:$0xE] =	stream.linear.gather @p1 [hbm4b:s20+s16], $0x28, $0x38;
	[tilespmem:$0x1CBF8] =	vst v63  }
0x179: {  	s8 =	simm.s32 @p1 $0x78;
	s16 =	simm.s32 @p1 $0x6900;
	s20 =	simm.s32 @!p1 $0x9  }
0x17a: {  	[tilespmem:s16], [sflag:$0x4] =	stream.indirect.gather @p1 [hbm4b:s1+s19], $0x80, s8, s19, $0xb8;
	[tilespmem:$0x1CBF8] =	vst v63  }
0x17b: {  	_ =	swait.ge @!p1 [sflag:s20], $0x1400  }
0x17c: {  	[sflag:s20] =	ssyncset.done @!p1 $0x0  }
0x17d: {  	s8 =	simm.s32 @!p1 $0x13;
	[sflag:s20] =	ssyncadd.s32 @!p1 $0xFFFFEC00  }
0x17e: {  	_ =	swait.ge @!p1 [sflag:s8], $0x28  }
0x17f: {  	s16 =	rddreg [dreg:$0x8];
	[sflag:s8] =	ssyncset.done @!p1 $0x0  }
0x180: {  	[sflag:s8] =	ssyncadd.s32 @!p1 $0xFFFFFFD8;
	s8 =	sadd.s32 @!p1 s17, s16;
	s16 =	simm.s32 @!p1 $0x2900  }
0x181: {  	[tilespmem:s16], [sflag:$0xE] =	stream.linear.gather @!p1 [hbm4b:s8+s28], $0x28, $0x38;
	[tilespmem:$0x1CBF8] =	vst v63  }
0x182: {  	s19 =	simm.s32 @!p1 $0xA;
	s8 =	sadd.s32 @!p1 $0xFFFFFFD8, s6;
	s16 =	simm.s32 @!p1 $0x6900  }
0x183: {  	[tilespmem:s16], [sflag:$0x4] =	stream.indirect.gather @!p1 [hbm4b:s1+s21], $0x80, s8, s21, $0xb8;
	[tilespmem:$0x1CBF8] =	vst v63  }
0x184: {  	_ =	swait.ge @!p1 [sflag:s19], $0x1400  }
0x185: {  	[sflag:s19] =	ssyncset.done @!p1 $0x0  }
0x186: {  	s8 =	simm.s32 @!p1 $0x14;
	[sflag:s19] =	ssyncadd.s32 @!p1 $0xFFFFEC00  }
0x187: {  	_ =	swait.ge @!p1 [sflag:s8], $0x28  }
0x188: {  	s21 =	rddreg [dreg:$0x7];
	[sflag:s8] =	ssyncset.done @!p1 $0x0  }
0x189: {  	s19 =	simm.s32 $0x2980;
	[sflag:s8] =	ssyncadd.s32 @!p1 $0xFFFFFFD8;
	s16 =	sadd.s32 s17, s21  }
0x18a: {  	[tilespmem:s19], [sflag:$0xF] =	stream.linear.gather [hbm4b:s16+s23], $0x28, $0x38;
	[tilespmem:$0x1CBF8] =	vst v63  }
0x18b: {  	s13 =	simm.s32 $0x7D00  }
0x18c: {  	[tilespmem:s13], [sflag:$0x5] =	stream.indirect.gather [hbm4b:s1+s25], $0x80, s6, s25, $0xb8;
	[tilespmem:$0x1CBF8] =	vst v63  }
0x18d: {  	_ =	swait.ge [sflag:s31], $0x28  }
0x18e: {  	[sflag:s31] =	ssyncset.done $0x0  }
0x18f: {  	[sflag:s31] =	ssyncadd.s32 $0xFFFFFFD8  }
0x190: {  	_ =	swait.ge [sflag:s2], $0x1400  }
0x191: {  	[sflag:s2] =	ssyncset.done $0x0  }
0x192: {  	s30 =	simm.s32 $0x2D00;
	s20 =	simm.s32 $0x2780;
	[sflag:s2] =	ssyncadd.s32 $0xFFFFEC00  }
0x193: {  	[spmem:s3] =	stream.indirect.scatter.add.f32 [tilespmem:s30], [sflag:$0x6], $0x80, s20, s25, $0xb8;
	[tilespmem:$0x1CBF8] =	vst v63  }
0x194: {  	_ = 	snop  }
0x195: {  	[spmem:s4] =	stream.indirect.scatter.add.f32 [tilespmem:s22], [sflag:$0x10], $0x1, s20, s25, $0xb8;
	[tilespmem:$0x1CBF8] =	vst v63  }
0x196: {  	_ =	swait.ge [sflag:s0], $0x28  }
0x197: {  	[sflag:s0] =	ssyncset.done $0x0  }
0x198: {  	[sflag:s0] =	ssyncadd.s32 $0xFFFFFFD8  }
0x199: {  	_ =	swait.ge [sflag:s7], $0x1400  }
0x19a: {  	s18 =	smov.u32 s24;
	[sflag:s7] =	ssyncset.done $0x0  }
0x19b: {  	s17 =	smov.u32 s18;
	s18 =	rddreg [dreg:$0xc];
	[sflag:s7] =	ssyncadd.s32 $0xFFFFEC00  }
0x19c: {  	[spmem:s3] =	stream.indirect.scatter.add.f32 [tilespmem:s18], [sflag:$0x7], $0x80, s5, s25, $0xb8;
	[tilespmem:$0x1CBF8] =	vst v63  }
0x19d: {  	_ = 	snop  }
0x19e: {  	[spmem:s4] =	stream.indirect.scatter.add.f32 [tilespmem:s22], [sflag:$0x11], $0x1, s5, s25, $0xb8;
	[tilespmem:$0x1CBF8] =	vst v63  }
0x19f: {  	_ =	swait.ge [sflag:s9], $0x28  }
0x1a0: {  	[sflag:s9] =	ssyncset.done $0x0  }
0x1a1: {  	[sflag:s9] =	ssyncadd.s32 $0xFFFFFFD8  }
0x1a2: {  	_ =	swait.ge [sflag:s10], $0x1400  }
0x1a3: {  	[sflag:s10] =	ssyncset.done $0x0  }
0x1a4: {  	s28 =	simm.s32 $0x5500;
	[sflag:s10] =	ssyncadd.s32 $0xFFFFEC00  }
0x1a5: {  	[spmem:s3] =	stream.indirect.scatter.add.f32 [tilespmem:s28], [sflag:$0x8], $0x80, s29, s25, $0xb8;
	[tilespmem:$0x1CBF8] =	vst v63  }
0x1a6: {  	_ = 	snop  }
0x1a7: {  	[spmem:s4] =	stream.indirect.scatter.add.f32 [tilespmem:s22], [sflag:$0x12], $0x1, s29, s25, $0xb8;
	[tilespmem:$0x1CBF8] =	vst v63  }
0x1a8: {  	_ =	swait.ge [sflag:s11], $0x28  }
0x1a9: {  	[sflag:s11] =	ssyncset.done $0x0  }
0x1aa: {  	[sflag:s11] =	ssyncadd.s32 $0xFFFFFFD8  }
0x1ab: {  	_ =	swait.ge [sflag:s12], $0x1400  }
0x1ac: {  	[sflag:s12] =	ssyncset.done $0x0  }
0x1ad: {  	s21 =	rddreg [dreg:$0xd];
	[sflag:s12] =	ssyncadd.s32 $0xFFFFEC00  }
0x1ae: {  	[spmem:s3] =	stream.indirect.scatter.add.f32 [tilespmem:s21], [sflag:$0x9], $0x80, s26, s25, $0xb8;
	[tilespmem:$0x1CBF8] =	vst v63  }
0x1af: {  	_ = 	snop  }
0x1b0: {  	[spmem:s4] =	stream.indirect.scatter.add.f32 [tilespmem:s22], [sflag:$0x13], $0x1, s26, s25, $0xb8;
	[tilespmem:$0x1CBF8] =	vst v63  }
0x1b1: {  	s24 =	sadd.s32 $0x19, s24;
	_ =	swait.ge [sflag:s14], $0x28  }
0x1b2: {  	p2 =	sne.s32 s24, $0x4E2;
	[sflag:s14] =	ssyncset.done $0x0  }
.Ltmp1:
0x1b3: {  	[sflag:s14] =	ssyncadd.s32 $0xFFFFFFD8;
	(pc) =	sbr.rel @p2 .LBB2_4-.Ltmp1, $4  }
0x1b4: {  	_ =	swait.ge [sflag:s15], $0x1400  }
0x1b5: {  	[sflag:s15] =	ssyncset.done $0x0  }
0x1b6: {  	p1 =	seq.s32 s17, $0x0;
	[sflag:s15] =	ssyncadd.s32 $0xFFFFEC00  }
0x1b7: {  	[spmem:s3] =	stream.indirect.scatter.add.f32 [tilespmem:s13], [sflag:$0xA], $0x80, s19, s25, $0xb8;
	[tilespmem:$0x1CBF8] =	vst v63  }
0x1b8: {  	s8 =	simm.s32 @!p1 $0x6  }
0x1b9: {  	[spmem:s4] =	stream.indirect.scatter.add.f32 [tilespmem:s22], [sflag:$0x14], $0x1, s19, s25, $0xb8;
	[tilespmem:$0x1CBF8] =	vst v63  }
0x1ba: {  	_ =	swait.ge @!p1 [sflag:s8], $0x1400  }
0x1bb: {  	[sflag:s8] =	ssyncset.done @!p1 $0x0  }
0x1bc: {  	[sflag:s8] =	ssyncadd.s32 @!p1 $0xFFFFEC00;
	s8 =	simm.s32 @!p1 $0x10  }
0x1bd: {  	_ =	swait.ge @!p1 [sflag:s8], $0x28  }
0x1be: {  	s16 =	rddreg [dreg:$0xb];
	[sflag:s8] =	ssyncset.done @!p1 $0x0  }
0x1bf: {  	s6 =	sadd.s32 $0xC8, s6;
	[sflag:s8] =	ssyncadd.s32 @!p1 $0xFFFFFFD8;
	s19 =	sadd.s32 s17, s16  }
0x1c0: {  	[tilespmem:s20], [sflag:$0xB] =	stream.linear.gather [hbm4b:s19+s23], $0x28, $0x38;
	[tilespmem:$0x1CBF8] =	vst v63  }
0x1c1: {  	s20 =	sadd.s32 $0xFFFFFF60, s6  }
0x1c2: {  	[tilespmem:s30], [sflag:$0x1] =	stream.indirect.gather [hbm4b:s1+s25], $0x80, s20, s25, $0xb8;
	[tilespmem:$0x1CBF8] =	vst v63  }
0x1c3: {  	s18 =	simm.s32 @p1 $0x2800;
	s16 =	rddreg [dreg:$0x5];
	s8 =	simm.s32 @p1 $0x0  }
0x1c4: {  	[tilespmem:s18], [sflag:$0xC] =	stream.linear.gather @p1 [hbm4b:s16+s8], $0x28, $0x38;
	[tilespmem:$0x1CBF8] =	vst v63  }
0x1c5: {  	s19 =	simm.s32 @!p1 $0x7;
	s16 =	simm.s32 @p1 $0x28;
	s18 =	simm.s32 @p1 $0x4100  }
0x1c6: {  	[tilespmem:s18], [sflag:$0x2] =	stream.indirect.gather @p1 [hbm4b:s1+s16], $0x80, s16, s16, $0xb8;
	[tilespmem:$0x1CBF8] =	vst v63  }
0x1c7: {  	_ =	swait.ge @!p1 [sflag:s19], $0x1400  }
0x1c8: {  	[sflag:s19] =	ssyncset.done @!p1 $0x0  }
0x1c9: {  	s18 =	simm.s32 @!p1 $0x11;
	[sflag:s19] =	ssyncadd.s32 @!p1 $0xFFFFEC00  }
0x1ca: {  	_ =	swait.ge @!p1 [sflag:s18], $0x28  }
0x1cb: {  	s20 =	simm.s32 @!p1 $0x2800;
	s19 =	rddreg [dreg:$0xa];
	[sflag:s18] =	ssyncset.done @!p1 $0x0  }
0x1cc: {  	[sflag:s18] =	ssyncadd.s32 @!p1 $0xFFFFFFD8;
	s18 =	sadd.s32 @!p1 s17, s19;
	s19 =	simm.s32 @!p1 $0x0  }
0x1cd: {  	[tilespmem:s20], [sflag:$0xC] =	stream.linear.gather @!p1 [hbm4b:s18+s19], $0x28, $0x38;
	[tilespmem:$0x1CBF8] =	vst v63  }
0x1ce: {  	s21 =	simm.s32 @!p1 $0x4100;
	s18 =	sadd.s32 @!p1 $0xFFFFFF88, s6;
	s20 =	simm.s32 @!p1 $0x28  }
0x1cf: {  	[tilespmem:s21], [sflag:$0x2] =	stream.indirect.gather @!p1 [hbm4b:s1+s20], $0x80, s18, s20, $0xb8;
	[tilespmem:$0x1CBF8] =	vst v63  }
0x1d0: {  	s18 =	simm.s32 @!p1 $0x8  }
0x1d1: {  	_ =	swait.ge @!p1 [sflag:s18], $0x1400  }
0x1d2: {  	[sflag:s18] =	ssyncset.done @!p1 $0x0  }
0x1d3: {  	[sflag:s18] =	ssyncadd.s32 @!p1 $0xFFFFEC00;
	s18 =	simm.s32 @!p1 $0x12  }
0x1d4: {  	_ =	swait.ge @!p1 [sflag:s18], $0x28  }
0x1d5: {  	s21 =	rddreg [dreg:$0x9];
	[sflag:s18] =	ssyncset.done @!p1 $0x0  }
0x1d6: {  	[sflag:s18] =	ssyncadd.s32 @!p1 $0xFFFFFFD8;
	s21 =	sadd.s32 s17, s21  }
0x1d7: {  	[tilespmem:s29], [sflag:$0xD] =	stream.linear.gather [hbm4b:s21+s23], $0x28, $0x38;
	[tilespmem:$0x1CBF8] =	vst v63  }
0x1d8: {  	s18 =	sadd.s32 $0xFFFFFFB0, s6  }
0x1d9: {  	[tilespmem:s28], [sflag:$0x3] =	stream.indirect.gather [hbm4b:s1+s25], $0x80, s18, s25, $0xb8;
	[tilespmem:$0x1CBF8] =	vst v63  }
0x1da: {  	s21 =	rddreg [dreg:$0x6];
	s18 =	simm.s32 @p1 $0x2900  }
0x1db: {  	[tilespmem:s18], [sflag:$0xE] =	stream.linear.gather @p1 [hbm4b:s21+s8], $0x28, $0x38;
	[tilespmem:$0x1CBF8] =	vst v63  }
0x1dc: {  	s8 =	simm.s32 @p1 $0x78;
	s18 =	simm.s32 @p1 $0x6900  }
0x1dd: {  	[tilespmem:s18], [sflag:$0x4] =	stream.indirect.gather @p1 [hbm4b:s1+s16], $0x80, s8, s16, $0xb8;
	[tilespmem:$0x1CBF8] =	vst v63  }
0x1de: {  	s8 =	simm.s32 @!p1 $0x9  }
0x1df: {  	_ =	swait.ge @!p1 [sflag:s8], $0x1400  }
0x1e0: {  	[sflag:s8] =	ssyncset.done @!p1 $0x0  }
0x1e1: {  	[sflag:s8] =	ssyncadd.s32 @!p1 $0xFFFFEC00;
	s8 =	simm.s32 @!p1 $0x13  }
0x1e2: {  	_ =	swait.ge @!p1 [sflag:s8], $0x28  }
0x1e3: {  	s16 =	rddreg [dreg:$0x8];
	[sflag:s8] =	ssyncset.done @!p1 $0x0  }
0x1e4: {  	[sflag:s8] =	ssyncadd.s32 @!p1 $0xFFFFFFD8;
	s8 =	sadd.s32 @!p1 s17, s16;
	s16 =	simm.s32 @!p1 $0x2900  }
0x1e5: {  	[tilespmem:s16], [sflag:$0xE] =	stream.linear.gather @!p1 [hbm4b:s8+s19], $0x28, $0x38;
	[tilespmem:$0x1CBF8] =	vst v63  }
0x1e6: {  	s8 =	sadd.s32 @!p1 $0xFFFFFFD8, s6;
	s16 =	simm.s32 @!p1 $0x6900  }
0x1e7: {  	[tilespmem:s16], [sflag:$0x4] =	stream.indirect.gather @!p1 [hbm4b:s1+s20], $0x80, s8, s20, $0xb8;
	[tilespmem:$0x1CBF8] =	vst v63  }
0x1e8: {  	s8 =	simm.s32 @!p1 $0xA  }
0x1e9: {  	_ =	swait.ge @!p1 [sflag:s8], $0x1400  }
0x1ea: {  	[sflag:s8] =	ssyncset.done @!p1 $0x0  }
0x1eb: {  	[sflag:s8] =	ssyncadd.s32 @!p1 $0xFFFFEC00;
	s8 =	simm.s32 @!p1 $0x14  }
0x1ec: {  	_ =	swait.ge @!p1 [sflag:s8], $0x28  }
0x1ed: {  	s19 =	rddreg [dreg:$0x7];
	[sflag:s8] =	ssyncset.done @!p1 $0x0  }
0x1ee: {  	s21 =	simm.s32 $0x2980;
	[sflag:s8] =	ssyncadd.s32 @!p1 $0xFFFFFFD8;
	s20 =	sadd.s32 s17, s19  }
0x1ef: {  	[tilespmem:s21], [sflag:$0xF] =	stream.linear.gather [hbm4b:s20+s23], $0x28, $0x38;
	[tilespmem:$0x1CBF8] =	vst v63  }
0x1f0: {  	_ = 	snop  }
0x1f1: {  	[tilespmem:s13], [sflag:$0x5] =	stream.indirect.gather [hbm4b:s1+s25], $0x80, s6, s25, $0xb8;
	[tilespmem:$0x1CBF8] =	vst v63  }
0x1f2: {  	_ =	swait.ge [sflag:s31], $0x28  }
0x1f3: {  	[sflag:s31] =	ssyncset.done $0x0  }
0x1f4: {  	[sflag:s31] =	ssyncadd.s32 $0xFFFFFFD8  }
0x1f5: {  	_ =	swait.ge [sflag:s2], $0x1400  }
0x1f6: {  	[sflag:s2] =	ssyncset.done $0x0  }
0x1f7: {  	s24 =	simm.s32 $0x2780;
	[sflag:s2] =	ssyncadd.s32 $0xFFFFEC00  }
0x1f8: {  	[spmem:s3] =	stream.indirect.scatter.add.f32 [tilespmem:s30], [sflag:$0x6], $0x80, s24, s25, $0xb8;
	[tilespmem:$0x1CBF8] =	vst v63  }
0x1f9: {  	_ = 	snop  }
0x1fa: {  	[spmem:s4] =	stream.indirect.scatter.add.f32 [tilespmem:s22], [sflag:$0x10], $0x1, s24, s25, $0xb8;
	[tilespmem:$0x1CBF8] =	vst v63  }
0x1fb: {  	_ =	swait.ge [sflag:s0], $0x28  }
0x1fc: {  	[sflag:s0] =	ssyncset.done $0x0  }
0x1fd: {  	[sflag:s0] =	ssyncadd.s32 $0xFFFFFFD8  }
0x1fe: {  	_ =	swait.ge [sflag:s7], $0x1400  }
0x1ff: {  	[sflag:s7] =	ssyncset.done $0x0  }
0x200: {  	s17 =	rddreg [dreg:$0xc];
	[sflag:s7] =	ssyncadd.s32 $0xFFFFEC00  }
0x201: {  	[spmem:s3] =	stream.indirect.scatter.add.f32 [tilespmem:s17], [sflag:$0x7], $0x80, s5, s25, $0xb8;
	[tilespmem:$0x1CBF8] =	vst v63  }
0x202: {  	_ = 	snop  }
0x203: {  	[spmem:s4] =	stream.indirect.scatter.add.f32 [tilespmem:s22], [sflag:$0x11], $0x1, s5, s25, $0xb8;
	[tilespmem:$0x1CBF8] =	vst v63  }
0x204: {  	_ =	swait.ge [sflag:s9], $0x28  }
0x205: {  	[sflag:s9] =	ssyncset.done $0x0  }
0x206: {  	[sflag:s9] =	ssyncadd.s32 $0xFFFFFFD8  }
0x207: {  	_ =	swait.ge [sflag:s10], $0x1400  }
0x208: {  	[sflag:s10] =	ssyncset.done $0x0  }
0x209: {  	[sflag:s10] =	ssyncadd.s32 $0xFFFFEC00  }
0x20a: {  	[spmem:s3] =	stream.indirect.scatter.add.f32 [tilespmem:s28], [sflag:$0x8], $0x80, s29, s25, $0xb8;
	[tilespmem:$0x1CBF8] =	vst v63  }
0x20b: {  	_ = 	snop  }
0x20c: {  	[spmem:s4] =	stream.indirect.scatter.add.f32 [tilespmem:s22], [sflag:$0x12], $0x1, s29, s25, $0xb8;
	[tilespmem:$0x1CBF8] =	vst v63  }
0x20d: {  	_ =	swait.ge [sflag:s11], $0x28  }
0x20e: {  	[sflag:s11] =	ssyncset.done $0x0  }
0x20f: {  	[sflag:s11] =	ssyncadd.s32 $0xFFFFFFD8  }
0x210: {  	_ =	swait.ge [sflag:s12], $0x1400  }
0x211: {  	[sflag:s12] =	ssyncset.done $0x0  }
0x212: {  	s18 =	rddreg [dreg:$0xd];
	[sflag:s12] =	ssyncadd.s32 $0xFFFFEC00  }
0x213: {  	[spmem:s3] =	stream.indirect.scatter.add.f32 [tilespmem:s18], [sflag:$0x9], $0x80, s26, s25, $0xb8;
	[tilespmem:$0x1CBF8] =	vst v63  }
0x214: {  	_ = 	snop  }
0x215: {  	[spmem:s4] =	stream.indirect.scatter.add.f32 [tilespmem:s22], [sflag:$0x13], $0x1, s26, s25, $0xb8;
	[tilespmem:$0x1CBF8] =	vst v63  }
0x216: {  	_ =	swait.ge [sflag:s14], $0x28  }
0x217: {  	[sflag:s14] =	ssyncset.done $0x0  }
0x218: {  	[sflag:s14] =	ssyncadd.s32 $0xFFFFFFD8  }
0x219: {  	_ =	swait.ge [sflag:s15], $0x1400  }
0x21a: {  	[sflag:s15] =	ssyncset.done $0x0  }
0x21b: {  	s19 =	simm.s32 $0x2980;
	[sflag:s15] =	ssyncadd.s32 $0xFFFFEC00  }
0x21c: {  	[spmem:s3] =	stream.indirect.scatter.add.f32 [tilespmem:s13], [sflag:$0xA], $0x80, s19, s25, $0xb8;
	[tilespmem:$0x1CBF8] =	vst v63  }
0x21d: {  	s20 =	simm.s32 $0x6  }
0x21e: {  	[spmem:s4] =	stream.indirect.scatter.add.f32 [tilespmem:s22], [sflag:$0x14], $0x1, s19, s25, $0xb8;
	[tilespmem:$0x1CBF8] =	vst v63  }
0x21f: {  	_ =	swait.ge [sflag:s20], $0x1400  }
0x220: {  	[sflag:s20] =	ssyncset.done $0x0  }
0x221: {  	s21 =	simm.s32 $0x10;
	[sflag:s20] =	ssyncadd.s32 $0xFFFFEC00  }
0x222: {  	_ =	swait.ge [sflag:s21], $0x28  }
0x223: {  	[sflag:s21] =	ssyncset.done $0x0  }
0x224: {  	s24 =	simm.s32 $0x7;
	[sflag:s21] =	ssyncadd.s32 $0xFFFFFFD8  }
0x225: {  	_ =	swait.ge [sflag:s24], $0x1400  }
0x226: {  	[sflag:s24] =	ssyncset.done $0x0  }
0x227: {  	s6 =	simm.s32 $0x11;
	[sflag:s24] =	ssyncadd.s32 $0xFFFFEC00  }
0x228: {  	_ =	swait.ge [sflag:s6], $0x28  }
0x229: {  	[sflag:s6] =	ssyncset.done $0x0  }
0x22a: {  	s8 =	simm.s32 $0x8;
	[sflag:s6] =	ssyncadd.s32 $0xFFFFFFD8  }
0x22b: {  	_ =	swait.ge [sflag:s8], $0x1400  }
0x22c: {  	[sflag:s8] =	ssyncset.done $0x0  }
0x22d: {  	s16 =	simm.s32 $0x12;
	[sflag:s8] =	ssyncadd.s32 $0xFFFFEC00  }
0x22e: {  	_ =	swait.ge [sflag:s16], $0x28  }
0x22f: {  	[sflag:s16] =	ssyncset.done $0x0  }
0x230: {  	s17 =	simm.s32 $0x9;
	[sflag:s16] =	ssyncadd.s32 $0xFFFFFFD8  }
0x231: {  	_ =	swait.ge [sflag:s17], $0x1400  }
0x232: {  	[sflag:s17] =	ssyncset.done $0x0  }
0x233: {  	s18 =	simm.s32 $0x13;
	[sflag:s17] =	ssyncadd.s32 $0xFFFFEC00  }
0x234: {  	_ =	swait.ge [sflag:s18], $0x28  }
0x235: {  	[sflag:s18] =	ssyncset.done $0x0  }
0x236: {  	s19 =	simm.s32 $0xA;
	[sflag:s18] =	ssyncadd.s32 $0xFFFFFFD8  }
0x237: {  	_ =	swait.ge [sflag:s19], $0x1400  }
0x238: {  	[sflag:s19] =	ssyncset.done $0x0  }
0x239: {  	s20 =	simm.s32 $0x14;
	[sflag:s19] =	ssyncadd.s32 $0xFFFFEC00  }
0x23a: {  	_ =	swait.ge [sflag:s20], $0x28  }
0x23b: {  	[sflag:s20] =	ssyncset.done $0x0  }
0x23c: {  	[sflag:s20] =	ssyncadd.s32 $0xFFFFFFD8  }
0x23d: {  	s21 =	stileid.u32;
	[bflag:$0x0] =	sbarrier.arrive $0xFFFF  }
0x23e: {  	s6 =	sshll.u32 s21, $0x6;
	s21 =	simm.s32 $0x15;
	s28 =	rddreg [dreg:$0xe]  }
0x23f: {  	s6 =	sor.u32 $0x1C15, s6;
	s5 =	rddreg [dreg:$0x12];
	s24 =	sshrl.u32 s28, $0x3  }
0x240: {  	[hbm:s5], [sflag:s6] =	dma.local [spmem:s24], $0x2700  }
0x241: {  	_ =	swait.ge [sflag:s21], $0x2700  }
0x242: {  	s19 =	sld [smem:$0x7FC]  }
0x243: {  	s16 =	sld [smem:$0x7F8]  }
0x244: {  	[sflag:s21] =	ssyncset.done $0x0  }
0x245: {  	[sflag:s21] =	ssyncadd.s32 $0xFFFFD900;
	s8 =	sshrl.u32 @!p0 s19, $0x3  }
0x246: {  	[hbm:s16], [sflag:s6] =	dma.local @!p0 [spmem:s8], $0x100  }
0x247: {  	s6 =	simm.s32 @!p0 $0x15  }
0x248: {  	_ =	swait.ge @!p0 [sflag:s6], $0x100  }
0x249: {  	s24 =	sld [smem:$0x7FB]  }
0x24a: {  	[sflag:s6] =	ssyncset.done @!p0 $0x0  }
0x24b: {  	s8 =	simm.s32 $0x2A80;
	[sflag:s6] =	ssyncadd.s32 @!p0 $0xFFFFFF00  }
0x24c: {  	[tilespmem:s8], [sflag:$0x15] =	stream.linear.gather [spmem:s24], $0x270, $0x38;
	[tilespmem:$0x1CBF8] =	vst v63  }
0x24d: {  	_ =	swait.ge [sflag:s21], $0x270  }
0x24e: {  	[sflag:s21] =	ssyncset.done $0x0  }
0x24f: {  	s16 =	rddreg [dreg:$0x14];
	[sflag:s21] =	ssyncadd.s32 $0xFFFFFD90  }
0x250: {  	[hbm4b:s16+s23] =	stream.linear.scatter [tilespmem:s8], [sflag:$0x15], $0x270, $0x38;
	[tilespmem:$0x1CBF8] =	vst v63  }
0x251: {  	_ =	swait.ge [sflag:s21], $0x270  }
0x252: {  	s20 =	sld [smem:$0x7FD]  }
0x253: {  	[sflag:s21] =	ssyncset.done $0x0  }
0x254: {  	s8 =	simm.s32 @!p0 $0x2A80;
	[sflag:s21] =	ssyncadd.s32 $0xFFFFFD90  }
0x255: {  	[tilespmem:s8], [sflag:$0x15] =	stream.linear.gather @!p0 [spmem:s20], $0x10, $0x38;
	[tilespmem:$0x1CBF8] =	vst v63  }
0x256: {  	_ =	swait.ge @!p0 [sflag:s6], $0x10  }
0x257: {  	s17 =	sld [smem:$0x7F9]  }
0x258: {  	[sflag:s6] =	ssyncset.done @!p0 $0x0  }
0x259: {  	s16 =	simm.s32 @!p0 $0x0;
	[sflag:s6] =	ssyncadd.s32 @!p0 $0xFFFFFFF0  }
0x25a: {  	[hbm4b:s17+s16] =	stream.linear.scatter @!p0 [tilespmem:s8], [sflag:$0x15], $0x10, $0x38;
	[tilespmem:$0x1CBF8] =	vst v63  }
0x25b: {  	_ =	swait.ge @!p0 [sflag:s6], $0x10  }
0x25c: {  	s17 =	sld [smem:$0x7E7]  }
0x25d: {  	s18 =	sld [smem:$0x7FA];
	_ =	sdelay $0x1  }
0x25e: {  	s16 =	sadd.s32 $0x1, s17  }
0x25f: {  	p1 =	sne.s32 s16, s18  }
.Ltmp2:
0x260: {  	_ = 	snop;
	(pc) =	sbr.rel @p1 .LBB2_1-.Ltmp2, $3  }
0x261: {  	_ =	sdelay $0x1  }
0x262: {  	[sflag:s6] =	ssyncset.done @!p0 $0x0  }
0x263: {  	s5 =	simm.s32 $0x0;
	[sflag:s6] =	ssyncadd.s32 @!p0 $0xFFFFFFF0  }
0x264: {  	_ =	sfence.sel $0x180000  }
0x265: {  	[bflag:$0x0] =	sbarrier.arrive $0xFFFF  }
0x266: {  	_ =	strace $0x90000047  }
0x267: {  	s0 =	stileid.u32;
	[bflag:$0x2] =	sbarrier.arrive $0xFFFF  }
0x268: {  	p0 =	sne.s32 s0, $0x0;
	s0 =	rddreg [dreg:$0x4]  }
0x269: {  	s0 =	sadd.s32 @!p0 $0x100000, s0  }
0x26a: {  	[sflag:s0] =	ssyncadd.tile.s32 @!p0 $0x1;
	_ =	shalt  }
.Lfunc_end2:
_tile_overlayer_lowered:
.L_overlay_start_2:
0x26b: {  	(tag) =	ssettag $0x2  }
0x26c: {  	s0 =	rddreg [dreg:$0x0];
	s2 =	stileid.u32  }
0x26d: {  	s1 =	rddreg [dreg:$0x1];
	p0 =	sne.s32 s2, $0x0  }
0x26e: {  	s3 =	rddreg [dreg:$0x2];
	[bflag:$0x3] =	sbarrier.arrive $0xFFFF;
	s2 =	simm.s32 @!p0 $0x1C15  }
0x26f: {  	[timem:s3], [sflag:s2] =	dma.local @!p0 [hbm:s0], s1  }
0x270: {  	s0 =	simm.s32 @!p0 $0x15  }
0x271: {  	_ =	swait.ge @!p0 [sflag:s0], s1  }
0x272: {  	s1 =	ssub.s32 @!p0 $0x0, s1;
	[sflag:s0] =	ssyncset.done @!p0 $0x0  }
0x273: {  	[sflag:s0] =	ssyncadd.s32 @!p0 s1  }
0x274: {  	[bflag:$0x3] =	sbarrier.arrive $0xFFFF  }
0x275: {  	_ =	shalt  }

// kernel: kernel.9.cloned.1.call-start
scs
__scs_entry_jumppad:
0x0: {  	(pc) =	sbr.rel $0x88, $3  }
0x1: {  	(tag) =	ssettag $0x0;
	lr =	simm.s32 $0x1  }
0x2: {  	[smem:$0x3F97] =	sst lr;
	_ =	strace $0xD0000000  }
0x3: {  	_ = 	snop  }
0x4: {  	_ = 	snop  }
0x5: {  	_ = 	snop  }
0x6: {  	_ = 	snop  }
0x7: {  	_ = 	snop  }
__scs_overlays_trampoline_lowered:
0x8: {  	[smem:$0x3FA6] =	sst s0  }
0x9: {  	[smem:$0x3FA7] =	sst s1  }
0xa: {  	[smem:$0x3FA8] =	sst s2  }
0xb: {  	[smem:$0x3FA9] =	sst s3  }
0xc: {  	[smem:$0x3FAA] =	sst s4  }
0xd: {  	[smem:$0x3FAB] =	sst s5  }
0xe: {  	[smem:$0x3FAC] =	sst s6  }
0xf: {  	[smem:$0x3FAD] =	sst s7  }
0x10: {  	[smem:$0x3FAE] =	sst s8  }
0x11: {  	[smem:$0x3FAF] =	sst s9;
	s0 =	simm.s32 @!p0 $0x0  }
0x12: {  	s1 =	sld [smem:$0x3F95];
	s0 =	simm.s32 @p0 $0x1  }
0x13: {  	[smem:$0x3FB0] =	sst s0;
	s0 =	simm.s32 @!p1 $0x0  }
0x14: {  	s2 =	sld [smem:$0x3F94];
	s0 =	simm.s32 @p1 $0x1  }
0x15: {  	[smem:$0x3FB1] =	sst s0;
	s0 =	simm.s32 @!p2 $0x0  }
0x16: {  	s3 =	sld [smem:$0x3FDB];
	s0 =	simm.s32 @p2 $0x1  }
0x17: {  	s4 =	simm.s32 $0x1BF5;
	[smem:$0x3FB3] =	sst s0  }
0x18: {  	s0 =	sld [smem:$0x3F96];
	_ =	swait.ge [sflag:s4], $0x0  }
0x19: {  	s7 =	sld [smem:$0x3F97]  }
0x1a: {  	s8 =	sadd.s32 $0xFFFFE003, lr  }
0x1b: {  	s9 =	sadd.s32 $0xFFFFFEF7, lr;
	s5 =	simm.s32 $0xFFFFFFFF;
	p2 =	slt.u32 s8, $0xFFFFF086  }
0x1c: {  	p1 =	slt.u32 s9, $0xF7A;
	s5 =	simm.s32 @!p2 $0x0  }
0x1d: {  	s5 =	simm.s32 @p1 $0x1;
	p0 =	seq.s32 s7, s2  }
0x1e: {  	s7 =	smul.u32 @!p0 $0xF7A, s2;
	p2 =	seq.s32 @!p0 s5, $0x0  }
0x1f: {  	s9 =	smul.u32 $0xF7A, s1;
	s8 =	simm.s32 @!p0 $0x1BF5;
	p2 =	por !p2, p0  }
0x20: {  	[sflag:s8] =	ssyncset.s32 @!p0 $0xFFFFF086;
	s6 =	sadd.s32 @!p0 s3, s7;
	s7 =	simm.s32 @!p0 $0x108  }
0x21: {  	s3 =	sadd.s32 s3, s9;
	s6 =	sadd.s32 @!p0 $0x88, s6;
	s7 =	simm.s32 @p2 $0x1082  }
0x22: {  	[simem:s7], [sflag:s8] =	dma.local @!p0 [hbm:s6], $0xF7A  }
0x23: {  	s9 =	sor.u32 $0xD0000000, s2;
	s6 =	simm.s32 $0x108;
	_ =	swait.ge @!p0 [sflag:s8], $0x0  }
0x24: {  	s3 =	sadd.s32 $0x88, s3;
	s6 =	simm.s32 @!p1 $0x1082;
	[sflag:s4] =	ssyncset.s32 $0xFFFFF086  }
0x25: {  	[simem:s6], [sflag:s4] =	dma.local [hbm:s3], $0xF7A  }
0x26: {  	[smem:$0x3F97] =	sst s1;
	(tag) =	ssettag s2;
	_ =	strace s9  }
0x27: {  	s1 =	sld [smem:$0x3FA7]  }
0x28: {  	s2 =	sld [smem:$0x3FA8]  }
0x29: {  	s4 =	sld [smem:$0x3FAA]  }
0x2a: {  	p0 =	seq.s32 s5, $0x0;
	s5 =	sld [smem:$0x3FAB]  }
0x2b: {  	s6 =	sld [smem:$0x3FAC]  }
0x2c: {  	s7 =	sld [smem:$0x3FAD]  }
0x2d: {  	s3 =	simm.s32 $0x108;
	s8 =	sld [smem:$0x3FAE]  }
0x2e: {  	s3 =	simm.s32 @!p0 $0x1082;
	s9 =	sld [smem:$0x3FAF]  }
0x2f: {  	lr =	sadd.s32 s0, s3;
	s0 =	sld [smem:$0x3FA6]  }
0x30: {  	s3 =	sld [smem:$0x3FA9]  }
0x31: {  	[smem:$0x3FB2] =	sst s10  }
0x32: {  	s10 =	sld [smem:$0x3FB0];
	_ =	sdelay $0x3  }
0x33: {  	p0 =	seq.s32 s10, $0x1;
	s10 =	sld [smem:$0x3FB2];
	_ =	sdelay $0x3  }
0x34: {  	[smem:$0x3FB2] =	sst s10  }
0x35: {  	s10 =	sld [smem:$0x3FB1];
	_ =	sdelay $0x3  }
0x36: {  	p1 =	seq.s32 s10, $0x1;
	s10 =	sld [smem:$0x3FB2];
	_ =	sdelay $0x3  }
0x37: {  	[smem:$0x3FB2] =	sst s10  }
0x38: {  	s10 =	sld [smem:$0x3FB3]  }
0x39: {  	_ = 	snop;
	(pc) =	sbr.ind lr, $3  }
0x3a: {  	_ = 	snop  }
0x3b: {  	_ = 	snop  }
0x3c: {  	p2 =	seq.s32 s10, $0x1;
	s10 =	sld [smem:$0x3FB2]  }
0x3d: {  	_ =	shalt  }
0x3e: {  	_ =	shalt  }
0x3f: {  	_ =	shalt  }
0x40: {  	_ =	shalt  }
0x41: {  	_ =	shalt  }
0x42: {  	_ =	shalt  }
0x43: {  	_ =	shalt  }
0x44: {  	_ =	shalt  }
0x45: {  	_ =	shalt  }
0x46: {  	_ =	shalt  }
0x47: {  	_ =	shalt  }
0x48: {  	_ =	shalt  }
0x49: {  	_ =	shalt  }
0x4a: {  	_ =	shalt  }
0x4b: {  	_ =	shalt  }
0x4c: {  	_ =	shalt  }
0x4d: {  	_ =	shalt  }
0x4e: {  	_ =	shalt  }
0x4f: {  	_ =	shalt  }
0x50: {  	_ =	shalt  }
0x51: {  	_ =	shalt  }
0x52: {  	_ =	shalt  }
0x53: {  	_ =	shalt  }
0x54: {  	_ =	shalt  }
0x55: {  	_ =	shalt  }
0x56: {  	_ =	shalt  }
0x57: {  	_ =	shalt  }
0x58: {  	_ =	shalt  }
0x59: {  	_ =	shalt  }
0x5a: {  	_ =	shalt  }
0x5b: {  	_ =	shalt  }
0x5c: {  	_ =	shalt  }
0x5d: {  	_ =	shalt  }
0x5e: {  	_ =	shalt  }
0x5f: {  	_ =	shalt  }
0x60: {  	_ =	shalt  }
0x61: {  	_ =	shalt  }
0x62: {  	_ =	shalt  }
0x63: {  	_ =	shalt  }
0x64: {  	_ =	shalt  }
0x65: {  	_ =	shalt  }
0x66: {  	_ =	shalt  }
0x67: {  	_ =	shalt  }
0x68: {  	_ =	shalt  }
0x69: {  	_ =	shalt  }
0x6a: {  	_ =	shalt  }
0x6b: {  	_ =	shalt  }
0x6c: {  	_ =	shalt  }
0x6d: {  	_ =	shalt  }
0x6e: {  	_ =	shalt  }
0x6f: {  	_ =	shalt  }
0x70: {  	_ =	shalt  }
0x71: {  	_ =	shalt  }
0x72: {  	_ =	shalt  }
0x73: {  	_ =	shalt  }
0x74: {  	_ =	shalt  }
0x75: {  	_ =	shalt  }
0x76: {  	_ =	shalt  }
0x77: {  	_ =	shalt  }
0x78: {  	_ =	shalt  }
0x79: {  	_ =	shalt  }
0x7a: {  	_ =	shalt  }
0x7b: {  	_ =	shalt  }
0x7c: {  	_ =	shalt  }
0x7d: {  	_ =	shalt  }
0x7e: {  	_ =	shalt  }
0x7f: {  	_ =	shalt  }
0x80: {  	_ =	shalt  }
0x81: {  	_ =	shalt  }
0x82: {  	_ =	shalt  }
0x83: {  	_ =	shalt  }
0x84: {  	_ =	shalt  }
0x85: {  	_ =	shalt  }
0x86: {  	_ =	shalt  }
0x87: {  	_ =	shalt  }
.Lfunc_end0:
.L_simem_size_0:
called_computation.1_lowered:
.L_overlay_start_0:
0x88: {  	s2 =	sld [smem:$0x3FD9]  }
0x89: {  	s3 =	sld [smem:$0x3FFE];
	_ =	sdelay $0x1  }
0x8a: {  	s1 =	srdreg.scid  }
0x8b: {  	s0 =	sand.u32 $0x1, s1  }
0x8c: {  	s16 =	sshll.u32 s0, $0xA;
	s2 =	sadd.s32 s3, s2  }
0x8d: {  	s2 =	sadd.s32 s2, s16  }
0x8e: {  	[smem:$0x3FBE] =	sst s2  }
0x8f: {  	_ = 	snop  }
0x90: {  	(tm) =	ssettm $0x1  }
0x91: {  	s17 =	sld [smem:$0x3FFB];
	_ =	sdelay $0x3  }
0x92: {  	_ =	strace s17  }
0x93: {  	s2 =	sld [smem:$0x3FFC];
	_ =	sdelay $0x3  }
0x94: {  	_ =	strace s2  }
0x95: {  	s2 =	sld [smem:$0x3FFD];
	_ =	sdelay $0x3  }
0x96: {  	_ =	strace s2  }
0x97: {  	_ =	strace $0x8FFFFFFF  }
0x98: {  	s18 =	sld [smem:$0x3FDB];
	_ =	sdelay $0x1  }
0x99: {  	s19 =	simm.s32 $_scs_section_size  }
0x9a: {  	s4 =	simm.s32 $_size__tile_overlayer_lowered;
	s5 =	simm.s32 $_tile_overlayer_lowered  }
0x9b: {  	s22 =	simm.s32 $0x1BFF;
	s21 =	sshll.u32 s5, $0x1;
	s2 =	sadd.s32 s19, s18  }
0x9c: {  	s6 =	simm.s32 $0x0;
	s20 =	sshll.u32 s4, $0x1;
	s4 =	sadd.s32 s21, s2  }
0x9d: {  	[timem:s6], [sflag:s22] =	dma.local [hbm:s4], s20  }
0x9e: {  	_ =	swait.ge [sflag:s22], s20  }
0x9f: {  	s3 =	ssub.s32 $0x0, s20;
	[sflag:s22] =	ssyncset.done $0x0  }
0xa0: {  	[sflag:s22] =	ssyncadd.s32 s3;
	_ =	sdelay $0x1  }
0xa1: {  	s23 =	simm.s32 $0x1B8B  }
0xa2: {  	_ =	swait.ge [sflag:s23], $0x1  }
0xa3: {  	[sflag:s23] =	ssyncset.done $0x0  }
0xa4: {  	s25 =	simm.s32 $0x1B8E;
	s24 =	sld [smem:$0x3FFE];
	[sflag:s23] =	ssyncadd.s32 $0xFFFFFFFF  }
0xa5: {  	s26 =	simm.s32 $execute0_lowered;
	[smem:$0x3FD2] =	sst s25  }
0xa6: {  	s4 =	sshll.u32 s26, $0x1;
	_ =	strace $0x80000049;
	[dreg:$0x1] =	wrdreg $0xFFFFFFFF  }
0xa7: {  	s28 =	simm.s32 $_size_execute0_lowered;
	s2 =	sadd.s32 s2, s4;
	[dreg:$0x0] =	wrdreg $0x0  }
0xa8: {  	s4 =	sshll.u32 s28, $0x1;
	[dreg:$0x2] =	wrdreg s2  }
0xa9: {  	[dreg:$0x3] =	wrdreg s4  }
0xaa: {  	[dreg:$0x4] =	wrdreg $0xC0  }
0xab: {  	_ =	task [dreg:s6], $0x5FFFF  }
0xac: {  	[dreg:$0x1] =	wrdreg $0xFFFFFFFF  }
0xad: {  	[dreg:$0x0] =	wrdreg $0x60  }
0xae: {  	[dreg:$0x2] =	wrdreg s24  }
0xaf: {  	[dreg:$0x3] =	wrdreg $0x8E000  }
0xb0: {  	[dreg:$0x4] =	wrdreg $0x9  }
0xb1: {  	_ =	task.clear_ibuf [dreg:s6], $0x5FFFF;
	_ =	strace $0x90000049  }
0xb2: {  	s29 =	simm.s32 $0x9;
	_ =	strace $0x8000004B  }
0xb3: {  	_ =	swait.ge [sflag:s29], $0x1  }
0xb4: {  	[sflag:s29] =	ssyncadd.s32 $0xFFFFFFFF  }
0xb5: {  	_ =	strace $0x9000004B  }
0xb6: {  	_ =	sfence  }
0xb7: {  	s30 =	sld [smem:$0x0];
	_ =	sdelay $0x2  }
0xb8: {  	s31 =	sshll.u32 s1, $0xD;
	s1 =	sshrl.u32 s1, $0x2  }
0xb9: {  	s3 =	sand.u32 $0x4000, s31;
	s1 =	sadd.s32 s1, s30  }
0xba: {  	s0 =	sor.u32 s3, s0;
	s1 =	sshll.u32 s1, $0x11  }
0xbb: {  	s0 =	sor.u32 s1, s0  }
0xbc: {  	s0 =	sadd.s32 $0x8F2B, s0  }
0xbd: {  	[sflag:s0] =	ssyncadd.remote.s32 $0x1  }
0xbe: {  	_ =	sfence.sel $0xFFFF  }
0xbf: {  	[dreg:$0x0] =	wrdreg $0xFFFFFFFF;
	(pc) =	sbr.abs _section_cstart, $3  }
0xc0: {  	[dreg:$0x1] =	wrdreg $0xFFFFFFFF  }
0xc1: {  	_ =	task.clear_ibuf [dreg:s6], $0x2FFFF;
	_ =	strace $0x9FFFFFFF  }
0xc2: {  	(tm) =	ssettm $0x7FFFFFFF  }
0xc3: {  	_ =	shalt  }
tec
execute0_lowered:
.L_overlay_start_1:
0x0: {  	(tag) =	ssettag $0x1  }
0x1: {  	s0 =	srdreg.scid;
	s1 =	rddreg [dreg:$0x0]  }
0x2: {  	s13 =	stileid.u32;
	s2 =	rddreg [dreg:$0x1]  }
0x3: {  	s3 =	simm.s32 $0x0;
	s28 =	simm.s32 $0x10;
	s29 =	simm.s32 $0x2780  }
0x4: {  	s30 =	simm.s32 $0x28;
	s31 =	simm.s32 $0x2880;
	s5 =	smul.u32 $0x4E000, s13  }
0x5: {  	s6 =	sand.u32 $0x1, s0;
	s16 =	sshll.u32 s13, $0x1;
	[smem:$0x7FF] =	sst s3  }
0x6: {  	s4 =	sadd.s32 $0x15E00, s1;
	s8 =	sadd.s32 $0x2200, s1;
	s5 =	sshrl.u32 s5, $0x2  }
0x7: {  	s10 =	sadd.s32 $0xB2C00, s1;
	s25 =	smul.u32 $0x4E20, s13;
	s19 =	sadd.s32 s5, s2  }
0x8: {  	_ =	strace $0x8000004A;
	s5 =	sadd.s32 $0x1400, s19;
	[dreg:$0xe] =	wrdreg s19  }
0x9: {  	p0 =	sne.s32 s13, $0xF;
	s18 =	sadd.s32 $0x2800, s19;
	[dreg:$0xf] =	wrdreg s5  }
0xa: {  	s0 =	sor.u32 s6, s16;
	s20 =	sadd.s32 $0x3C00, s19;
	[dreg:$0x10] =	wrdreg s18  }
0xb: {  	s9 =	ssub.s32 $0x2, s6;
	s21 =	sadd.s32 $0x5000, s19;
	[dreg:$0x11] =	wrdreg s20  }
0xc: {  	s7 =	smul.u32 $0x2710, s0;
	s22 =	sadd.s32 $0x6400, s19;
	[dreg:$0x12] =	wrdreg s21  }
0xd: {  	s17 =	sshrl.u32 s9, $0x1;
	s23 =	sadd.s32 $0x7800, s19;
	[dreg:$0x13] =	wrdreg s22  }
0xe: {  	s0 =	sshrl.u32 s7, $0x3;
	s24 =	sadd.s32 $0x8C00, s19;
	[dreg:$0x14] =	wrdreg s23  }
0xf: {  	s26 =	sadd.s32 $0xA000, s19;
	s11 =	sadd.s32 $0xB400, s19;
	[dreg:$0x15] =	wrdreg s24  }
0x10: {  	s12 =	sadd.s32 $0xC800, s19;
	s0 =	sadd.s32 s0, s1;
	[dreg:$0x16] =	wrdreg s26  }
0x11: {  	s1 =	ssub.s32 s9, s17;
	[dreg:$0x17] =	wrdreg s11;
	s11 =	smul.u32 $0x2710, s6  }
0x12: {  	[dreg:$0x18] =	wrdreg s12;
	s12 =	sadd.s32 $0x28, s7;
	s7 =	sadd.s32 $0x78, s7  }
0x13: {  	s6 =	smul.u32 $0x138800, s6;
	s12 =	sshrl.u32 s12, $0x3;
	s7 =	sshrl.u32 s7, $0x3  }
0x14: {  	s0 =	sadd.s32 $0xC000, s0;
	s9 =	sadd.s32 s11, s25;
	s14 =	sadd.s32 s8, s12  }
0x15: {  	s7 =	sadd.s32 s8, s7;
	s25 =	smul.u32 $0x13800, s13;
	[smem:$0x7FB] =	sst s0  }
0x16: {  	s0 =	simm.s32 $0x2980;
	s12 =	simm.s32 $0x3;
	[dreg:$0x3] =	wrdreg s14  }
0x17: {  	s13 =	simm.s32 $0xE;
	s15 =	sadd.s32 $0xA0, s9;
	[dreg:$0x4] =	wrdreg s7  }
0x18: {  	s18 =	sadd.s32 $0x78, s9;
	s21 =	sadd.s32 $0x50, s9;
	s22 =	sadd.s32 $0x28, s9  }
0x19: {  	s14 =	sadd.s32 $0xF000, s19;
	s9 =	sshrl.u32 s9, $0x3;
	s16 =	sshrl.u32 s15, $0x3  }
0x1a: {  	s20 =	sshrl.u32 s18, $0x3;
	[dreg:$0x1a] =	wrdreg s14;
	s15 =	sadd.s32 $0x10400, s19  }
0x1b: {  	s11 =	sshrl.u32 s21, $0x3;
	s21 =	simm.s32 $0x3E00;
	[dreg:$0x1b] =	wrdreg s15  }
0x1c: {  	s24 =	sshrl.u32 s22, $0x3;
	s22 =	simm.s32 $0x2900;
	[dreg:$0xb] =	wrdreg s21  }
0x1d: {  	s14 =	simm.s32 $0x4;
	s17 =	sadd.s32 s16, s8;
	[dreg:$0xc] =	wrdreg s22  }
0x1e: {  	s7 =	sadd.s32 s20, s8;
	s23 =	sadd.s32 s11, s8;
	[dreg:$0x5] =	wrdreg s17  }
0x1f: {  	s26 =	sadd.s32 s24, s8;
	s11 =	sadd.s32 $0xDC00, s19;
	[dreg:$0x6] =	wrdreg s7  }
0x20: {  	s16 =	sadd.s32 s25, s6;
	s8 =	sadd.s32 s9, s8;
	[dreg:$0x7] =	wrdreg s23  }
0x21: {  	s20 =	simm.s32 $0x2800;
	s6 =	sshrl.u32 s6, $0x3;
	[dreg:$0x19] =	wrdreg s11  }
0x22: {  	s24 =	simm.s32 $0x6600;
	s9 =	simm.s32 $0xC;
	[dreg:$0x8] =	wrdreg s26  }
0x23: {  	s15 =	simm.s32 $0xF;
	s17 =	sadd.s32 $0x11800, s19;
	[dreg:$0x9] =	wrdreg s8  }
0x24: {  	s7 =	sshrl.u32 s16, $0x3;
	[dreg:$0xa] =	wrdreg s20;
	s6 =	sadd.s32 s10, s6  }
0x25: {  	s23 =	sadd.s32 $0x12C00, s19;
	[dreg:$0xd] =	wrdreg s24;
	s20 =	sadd.s32 $0x138000, s2  }
0x26: {  	s26 =	smax.u32 s1, $0x1;
	s1 =	simm.s32 $0x5200;
	[dreg:$0x1c] =	wrdreg s17  }
0x27: {  	s8 =	simm.s32 $0x1;
	s11 =	simm.s32 $0xD;
	[dreg:$0x1e] =	wrdreg s23  }
0x28: {  	s16 =	simm.s32 $0x5;
	s18 =	sadd.s32 s10, s7;
	[smem:$0x7FD] =	sst s26  }
0x29: {  	s25 =	sadd.s32 $0x27000, s6;
	s26 =	simm.s32 $0x2A00;
	[dreg:$0x1f] =	wrdreg s20  }
0x2a: {  	s6 =	simm.s32 $0x7A00;
	s7 =	simm.s32 $0xB;
	[dreg:$0x1d] =	wrdreg s18  }
0x2b: {  	v0 =	vimm.f32 $0.0e+00;
	s10 =	simm.s32 $0x2;
	[smem:$0x7FC] =	sst s25;
	s18 =	simm.s32 $0x0  }
.LBB2_1:
0x2c: {  	s17 =	sand.u32 $0x7E00, s3  }
0x2d: {  	[smem:$0x7FA] =	sst s18;
	s24 =	sand.u32 $0x70, s3;
	s25 =	sshrl.u32 s17, $0x2  }
0x2e: {  	s17 =	simm.s32 $0x40;
	s25 =	sor.u32 s24, s25;
	s24 =	simm.s32 $0x0  }
.LBB2_2:
0x2f: {  	p1 =	sne.s32 s17, $0x4FC0  }
0x30: {  	[tilespmem:s25+$0x2A00] =	vst v0;
	s24 =	sadd.s32 $0x10, s24;
	s25 =	smov.u32 s17;
	s17 =	sadd.s32 $0x40, s17  }
.Ltmp0:
0x31: {  	(pc) =	sbr.rel @p1 .LBB2_2-.Ltmp0, $4  }
0x32: {  	_ = 	snop  }
0x33: {  	s25 =	sand.u32 $0x7E00, s25  }
0x34: {  	s18 =	sand.u32 $0x70, s24;
	s25 =	sshrl.u32 s25, $0x2  }
0x35: {  	s25 =	sor.u32 s18, s25  }
0x36: {  	[tilespmem:s25+$0x2A00] =	vst v0  }
0x37: {  	[spmem:s19] =	stream.linear.scatter [tilespmem:s26], [sflag:$0x10], $0x1400, $0x38;
	[tilespmem:$0x1C680] =	vst v63  }
0x38: {  	_ =	swait.ge [sflag:s28], $0x1400  }
0x39: {  	[sflag:s28] =	ssyncset.done $0x0  }
0x3a: {  	s5 =	rddreg [dreg:$0xf];
	[sflag:s28] =	ssyncadd.s32 $0xFFFFEC00  }
0x3b: {  	[spmem:s5] =	stream.linear.scatter [tilespmem:s26], [sflag:$0x10], $0x1400, $0x38;
	[tilespmem:$0x1C680] =	vst v63  }
0x3c: {  	_ =	swait.ge [sflag:s28], $0x1400  }
0x3d: {  	[sflag:s28] =	ssyncset.done $0x0  }
0x3e: {  	s21 =	rddreg [dreg:$0x10];
	[sflag:s28] =	ssyncadd.s32 $0xFFFFEC00  }
0x3f: {  	[spmem:s21] =	stream.linear.scatter [tilespmem:s26], [sflag:$0x10], $0x1400, $0x38;
	[tilespmem:$0x1C680] =	vst v63  }
0x40: {  	_ =	swait.ge [sflag:s28], $0x1400  }
0x41: {  	[sflag:s28] =	ssyncset.done $0x0  }
0x42: {  	s22 =	rddreg [dreg:$0x11];
	[sflag:s28] =	ssyncadd.s32 $0xFFFFEC00  }
0x43: {  	[spmem:s22] =	stream.linear.scatter [tilespmem:s26], [sflag:$0x10], $0x1400, $0x38;
	[tilespmem:$0x1C680] =	vst v63  }
0x44: {  	_ =	swait.ge [sflag:s28], $0x1400  }
0x45: {  	[sflag:s28] =	ssyncset.done $0x0  }
0x46: {  	s23 =	rddreg [dreg:$0x12];
	[sflag:s28] =	ssyncadd.s32 $0xFFFFEC00  }
0x47: {  	[spmem:s23] =	stream.linear.scatter [tilespmem:s26], [sflag:$0x10], $0x1400, $0x38;
	[tilespmem:$0x1C680] =	vst v63  }
0x48: {  	_ =	swait.ge [sflag:s28], $0x1400  }
0x49: {  	[sflag:s28] =	ssyncset.done $0x0  }
0x4a: {  	s24 =	rddreg [dreg:$0x13];
	[sflag:s28] =	ssyncadd.s32 $0xFFFFEC00  }
0x4b: {  	[spmem:s24] =	stream.linear.scatter [tilespmem:s26], [sflag:$0x10], $0x1400, $0x38;
	[tilespmem:$0x1C680] =	vst v63  }
0x4c: {  	_ =	swait.ge [sflag:s28], $0x1400  }
0x4d: {  	[sflag:s28] =	ssyncset.done $0x0  }
0x4e: {  	s25 =	rddreg [dreg:$0x14];
	[sflag:s28] =	ssyncadd.s32 $0xFFFFEC00  }
0x4f: {  	[spmem:s25] =	stream.linear.scatter [tilespmem:s26], [sflag:$0x10], $0x1400, $0x38;
	[tilespmem:$0x1C680] =	vst v63  }
0x50: {  	_ =	swait.ge [sflag:s28], $0x1400  }
0x51: {  	[sflag:s28] =	ssyncset.done $0x0  }
0x52: {  	s17 =	rddreg [dreg:$0x15];
	[sflag:s28] =	ssyncadd.s32 $0xFFFFEC00  }
0x53: {  	[spmem:s17] =	stream.linear.scatter [tilespmem:s26], [sflag:$0x10], $0x1400, $0x38;
	[tilespmem:$0x1C680] =	vst v63  }
0x54: {  	_ =	swait.ge [sflag:s28], $0x1400  }
0x55: {  	[sflag:s28] =	ssyncset.done $0x0  }
0x56: {  	s18 =	rddreg [dreg:$0x16];
	[sflag:s28] =	ssyncadd.s32 $0xFFFFEC00  }
0x57: {  	[spmem:s18] =	stream.linear.scatter [tilespmem:s26], [sflag:$0x10], $0x1400, $0x38;
	[tilespmem:$0x1C680] =	vst v63  }
0x58: {  	_ =	swait.ge [sflag:s28], $0x1400  }
0x59: {  	[sflag:s28] =	ssyncset.done $0x0  }
0x5a: {  	s19 =	rddreg [dreg:$0x17];
	[sflag:s28] =	ssyncadd.s32 $0xFFFFEC00  }
0x5b: {  	[spmem:s19] =	stream.linear.scatter [tilespmem:s26], [sflag:$0x10], $0x1400, $0x38;
	[tilespmem:$0x1C680] =	vst v63  }
0x5c: {  	_ =	swait.ge [sflag:s28], $0x1400  }
0x5d: {  	[sflag:s28] =	ssyncset.done $0x0  }
0x5e: {  	s21 =	rddreg [dreg:$0x18];
	[sflag:s28] =	ssyncadd.s32 $0xFFFFEC00  }
0x5f: {  	[spmem:s21] =	stream.linear.scatter [tilespmem:s26], [sflag:$0x10], $0x1400, $0x38;
	[tilespmem:$0x1C680] =	vst v63  }
0x60: {  	_ =	swait.ge [sflag:s28], $0x1400  }
0x61: {  	[sflag:s28] =	ssyncset.done $0x0  }
0x62: {  	s22 =	rddreg [dreg:$0x19];
	[sflag:s28] =	ssyncadd.s32 $0xFFFFEC00  }
0x63: {  	[spmem:s22] =	stream.linear.scatter [tilespmem:s26], [sflag:$0x10], $0x1400, $0x38;
	[tilespmem:$0x1C680] =	vst v63  }
0x64: {  	_ =	swait.ge [sflag:s28], $0x1400  }
0x65: {  	[sflag:s28] =	ssyncset.done $0x0  }
0x66: {  	s23 =	rddreg [dreg:$0x1a];
	[sflag:s28] =	ssyncadd.s32 $0xFFFFEC00  }
0x67: {  	[spmem:s23] =	stream.linear.scatter [tilespmem:s26], [sflag:$0x10], $0x1400, $0x38;
	[tilespmem:$0x1C680] =	vst v63  }
0x68: {  	_ =	swait.ge [sflag:s28], $0x1400  }
0x69: {  	[sflag:s28] =	ssyncset.done $0x0  }
0x6a: {  	s24 =	rddreg [dreg:$0x1b];
	[sflag:s28] =	ssyncadd.s32 $0xFFFFEC00  }
0x6b: {  	[spmem:s24] =	stream.linear.scatter [tilespmem:s26], [sflag:$0x10], $0x1400, $0x38;
	[tilespmem:$0x1C680] =	vst v63  }
0x6c: {  	_ =	swait.ge [sflag:s28], $0x1400  }
0x6d: {  	[sflag:s28] =	ssyncset.done $0x0  }
0x6e: {  	s25 =	rddreg [dreg:$0x1c];
	[sflag:s28] =	ssyncadd.s32 $0xFFFFEC00  }
0x6f: {  	[spmem:s25] =	stream.linear.scatter [tilespmem:s26], [sflag:$0x10], $0x1400, $0x38;
	[tilespmem:$0x1C680] =	vst v63  }
0x70: {  	_ =	swait.ge [sflag:s28], $0x1400  }
0x71: {  	[sflag:s28] =	ssyncset.done $0x0  }
0x72: {  	s17 =	rddreg [dreg:$0x1e];
	[sflag:s28] =	ssyncadd.s32 $0xFFFFEC00  }
0x73: {  	[spmem:s17] =	stream.linear.scatter [tilespmem:s26], [sflag:$0x10], $0xC00, $0x38;
	[tilespmem:$0x1C680] =	vst v63  }
0x74: {  	_ =	swait.ge [sflag:s28], $0xC00  }
0x75: {  	[sflag:s28] =	ssyncset.done $0x0  }
0x76: {  	s17 =	simm.s32 @!p0 $0x2A00;
	[sflag:s28] =	ssyncadd.s32 $0xFFFFF400  }
0x77: {  	[spmem:s20] =	stream.linear.scatter @!p0 [tilespmem:s17], [sflag:$0x10], $0x800, $0x38;
	[tilespmem:$0x1C680] =	vst v63  }
0x78: {  	s17 =	simm.s32 @!p0 $0x10  }
0x79: {  	_ =	swait.ge @!p0 [sflag:s17], $0x800  }
0x7a: {  	s19 =	sld [smem:$0x7FB]  }
0x7b: {  	[sflag:s17] =	ssyncset.done @!p0 $0x0  }
0x7c: {  	s18 =	simm.s32 $0x0;
	[sflag:s17] =	ssyncadd.s32 @!p0 $0xFFFFF800  }
0x7d: {  	[tilespmem:s18], [sflag:$0x10] =	stream.linear.gather [hbm4b:s19+s18], $0x2710, $0x38;
	[tilespmem:$0x1C680] =	vst v63  }
0x7e: {  	_ =	swait.ge [sflag:s28], $0x2710  }
0x7f: {  	[sflag:s28] =	ssyncset.done $0x0  }
0x80: {  	p1 =	por $0x1, $0x1;
	[sflag:s28] =	ssyncadd.s32 $0xFFFFD8F0  }
0x81: {  	s17 =	simm.s32 @!p1 $0x6;
	[bflag:$0x0] =	sbarrier.arrive $0xFFFF  }
0x82: {  	_ =	swait.ge @!p1 [sflag:s17], $0x1400  }
0x83: {  	s18 =	rddreg [dreg:$0x9];
	[sflag:s17] =	ssyncset.done @!p1 $0x0  }
0x84: {  	[sflag:s17] =	ssyncadd.s32 @!p1 $0xFFFFEC00;
	s20 =	sadd.s32 $0x0, s18  }
0x85: {  	[tilespmem:s29], [sflag:$0xB] =	stream.linear.gather [hbm4b:s20+s3], $0x28, $0x38;
	[tilespmem:$0x1C680] =	vst v63  }
0x86: {  	s21 =	simm.s32 $0x0  }
0x87: {  	[tilespmem:s26], [sflag:$0x1] =	stream.indirect.gather [hbm4b:s4+s30], $0x80, s21, s30, $0xb8;
	[tilespmem:$0x1C680] =	vst v63  }
0x88: {  	s24 =	simm.s32 @p1 $0x2800;
	s18 =	rddreg [dreg:$0x3];
	s17 =	simm.s32 @p1 $0x0  }
0x89: {  	[tilespmem:s24], [sflag:$0xC] =	stream.linear.gather @p1 [hbm4b:s18+s17], $0x28, $0x38;
	[tilespmem:$0x1C680] =	vst v63  }
0x8a: {  	s25 =	simm.s32 @!p1 $0x7;
	s18 =	simm.s32 @p1 $0x28;
	s24 =	simm.s32 @p1 $0x3E00  }
0x8b: {  	[tilespmem:s24], [sflag:$0x2] =	stream.indirect.gather @p1 [hbm4b:s4+s18], $0x80, s18, s18, $0xb8;
	[tilespmem:$0x1C680] =	vst v63  }
0x8c: {  	_ =	swait.ge @!p1 [sflag:s25], $0x1400  }
0x8d: {  	s19 =	simm.s32 @!p1 $0x2800;
	s24 =	rddreg [dreg:$0x8];
	[sflag:s25] =	ssyncset.done @!p1 $0x0  }
0x8e: {  	[sflag:s25] =	ssyncadd.s32 @!p1 $0xFFFFEC00;
	s24 =	sadd.s32 @!p1 $0x0, s24;
	s25 =	simm.s32 @!p1 $0x0  }
0x8f: {  	[tilespmem:s19], [sflag:$0xC] =	stream.linear.gather @!p1 [hbm4b:s24+s25], $0x28, $0x38;
	[tilespmem:$0x1C680] =	vst v63  }
0x90: {  	s20 =	simm.s32 @!p1 $0x3E00;
	s19 =	simm.s32 @!p1 $0x28;
	s24 =	simm.s32 @!p1 $0x28  }
0x91: {  	[tilespmem:s20], [sflag:$0x2] =	stream.indirect.gather @!p1 [hbm4b:s4+s24], $0x80, s19, s24, $0xb8;
	[tilespmem:$0x1C680] =	vst v63  }
0x92: {  	s19 =	simm.s32 @!p1 $0x8  }
0x93: {  	_ =	swait.ge @!p1 [sflag:s19], $0x1400  }
0x94: {  	s22 =	rddreg [dreg:$0x7];
	[sflag:s19] =	ssyncset.done @!p1 $0x0  }
0x95: {  	[sflag:s19] =	ssyncadd.s32 @!p1 $0xFFFFEC00;
	s23 =	sadd.s32 $0x0, s22  }
0x96: {  	[tilespmem:s31], [sflag:$0xD] =	stream.linear.gather [hbm4b:s23+s3], $0x28, $0x38;
	[tilespmem:$0x1C680] =	vst v63  }
0x97: {  	s5 =	simm.s32 $0x50  }
0x98: {  	[tilespmem:s1], [sflag:$0x3] =	stream.indirect.gather [hbm4b:s4+s30], $0x80, s5, s30, $0xb8;
	[tilespmem:$0x1C680] =	vst v63  }
0x99: {  	s20 =	rddreg [dreg:$0x4];
	s19 =	simm.s32 @p1 $0x2900  }
0x9a: {  	[tilespmem:s19], [sflag:$0xE] =	stream.linear.gather @p1 [hbm4b:s20+s17], $0x28, $0x38;
	[tilespmem:$0x1C680] =	vst v63  }
0x9b: {  	s17 =	simm.s32 @p1 $0x78;
	s19 =	simm.s32 @p1 $0x6600  }
0x9c: {  	[tilespmem:s19], [sflag:$0x4] =	stream.indirect.gather @p1 [hbm4b:s4+s18], $0x80, s17, s18, $0xb8;
	[tilespmem:$0x1C680] =	vst v63  }
0x9d: {  	s17 =	simm.s32 @!p1 $0x9  }
0x9e: {  	_ =	swait.ge @!p1 [sflag:s17], $0x1400  }
0x9f: {  	s18 =	rddreg [dreg:$0x6];
	[sflag:s17] =	ssyncset.done @!p1 $0x0  }
0xa0: {  	[sflag:s17] =	ssyncadd.s32 @!p1 $0xFFFFEC00;
	s17 =	sadd.s32 @!p1 $0x0, s18;
	s18 =	simm.s32 @!p1 $0x2900  }
0xa1: {  	[tilespmem:s18], [sflag:$0xE] =	stream.linear.gather @!p1 [hbm4b:s17+s25], $0x28, $0x38;
	[tilespmem:$0x1C680] =	vst v63  }
0xa2: {  	s17 =	simm.s32 @!p1 $0x78;
	s18 =	simm.s32 @!p1 $0x6600  }
0xa3: {  	[tilespmem:s18], [sflag:$0x4] =	stream.indirect.gather @!p1 [hbm4b:s4+s24], $0x80, s17, s24, $0xb8;
	[tilespmem:$0x1C680] =	vst v63  }
0xa4: {  	s17 =	simm.s32 @!p1 $0xA  }
0xa5: {  	_ =	swait.ge @!p1 [sflag:s17], $0x1400  }
0xa6: {  	s19 =	rddreg [dreg:$0x5];
	[sflag:s17] =	ssyncset.done @!p1 $0x0  }
0xa7: {  	[sflag:s17] =	ssyncadd.s32 @!p1 $0xFFFFEC00;
	s20 =	sadd.s32 $0x0, s19  }
0xa8: {  	[tilespmem:s0], [sflag:$0xF] =	stream.linear.gather [hbm4b:s20+s3], $0x28, $0x38;
	[tilespmem:$0x1C680] =	vst v63  }
0xa9: {  	s24 =	simm.s32 $0xA0  }
0xaa: {  	[tilespmem:s6], [sflag:$0x5] =	stream.indirect.gather [hbm4b:s4+s30], $0x80, s24, s30, $0xb8;
	[tilespmem:$0x1C680] =	vst v63  }
0xab: {  	_ =	swait.ge [sflag:s7], $0x28  }
0xac: {  	[sflag:s7] =	ssyncset.done $0x0  }
0xad: {  	[sflag:s7] =	ssyncadd.s32 $0xFFFFFFD8  }
0xae: {  	_ =	swait.ge [sflag:s8], $0x1400  }
0xaf: {  	[sflag:s8] =	ssyncset.done $0x0  }
0xb0: {  	[sflag:s8] =	ssyncadd.s32 $0xFFFFEC00  }
0xb1: {  	[spmem:s2] =	stream.indirect.scatter.add.f32 [tilespmem:s26], [sflag:$0x6], $0x80, s29, s30, $0xb8;
	[tilespmem:$0x1C680] =	vst v63  }
0xb2: {  	_ =	swait.ge [sflag:s9], $0x28  }
0xb3: {  	[sflag:s9] =	ssyncset.done $0x0  }
0xb4: {  	[sflag:s9] =	ssyncadd.s32 $0xFFFFFFD8  }
0xb5: {  	_ =	swait.ge [sflag:s10], $0x1400  }
0xb6: {  	s21 =	rddreg [dreg:$0xa];
	[sflag:s10] =	ssyncset.done $0x0  }
0xb7: {  	s22 =	rddreg [dreg:$0xb];
	[sflag:s10] =	ssyncadd.s32 $0xFFFFEC00  }
0xb8: {  	[spmem:s2] =	stream.indirect.scatter.add.f32 [tilespmem:s22], [sflag:$0x7], $0x80, s21, s30, $0xb8;
	[tilespmem:$0x1C680] =	vst v63  }
0xb9: {  	_ =	swait.ge [sflag:s11], $0x28  }
0xba: {  	[sflag:s11] =	ssyncset.done $0x0  }
0xbb: {  	[sflag:s11] =	ssyncadd.s32 $0xFFFFFFD8  }
0xbc: {  	_ =	swait.ge [sflag:s12], $0x1400  }
0xbd: {  	[sflag:s12] =	ssyncset.done $0x0  }
0xbe: {  	[sflag:s12] =	ssyncadd.s32 $0xFFFFEC00  }
0xbf: {  	[spmem:s2] =	stream.indirect.scatter.add.f32 [tilespmem:s1], [sflag:$0x8], $0x80, s31, s30, $0xb8;
	[tilespmem:$0x1C680] =	vst v63  }
0xc0: {  	_ =	swait.ge [sflag:s13], $0x28  }
0xc1: {  	[sflag:s13] =	ssyncset.done $0x0  }
0xc2: {  	[sflag:s13] =	ssyncadd.s32 $0xFFFFFFD8  }
0xc3: {  	_ =	swait.ge [sflag:s14], $0x1400  }
0xc4: {  	s23 =	rddreg [dreg:$0xc];
	[sflag:s14] =	ssyncset.done $0x0  }
0xc5: {  	s25 =	rddreg [dreg:$0xd];
	[sflag:s14] =	ssyncadd.s32 $0xFFFFEC00  }
0xc6: {  	[spmem:s2] =	stream.indirect.scatter.add.f32 [tilespmem:s25], [sflag:$0x9], $0x80, s23, s30, $0xb8;
	[tilespmem:$0x1C680] =	vst v63  }
0xc7: {  	_ =	swait.ge [sflag:s15], $0x28  }
0xc8: {  	[sflag:s15] =	ssyncset.done $0x0  }
0xc9: {  	s25 =	simm.s32 $0x19;
	[sflag:s15] =	ssyncadd.s32 $0xFFFFFFD8  }
.LBB2_4:
0xca: {  	_ =	swait.ge [sflag:s16], $0x1400;
	s17 =	smov.u32 s25  }
0xcb: {  	p2 =	seq.s32 s17, $0x0;
	[sflag:s16] =	ssyncset.done $0x0  }
0xcc: {  	s18 =	simm.s32 @!p2 $0x6;
	[sflag:s16] =	ssyncadd.s32 $0xFFFFEC00  }
0xcd: {  	[spmem:s2] =	stream.indirect.scatter.add.f32 [tilespmem:s6], [sflag:$0xA], $0x80, s0, s30, $0xb8;
	[tilespmem:$0x1C680] =	vst v63  }
0xce: {  	_ =	swait.ge @!p2 [sflag:s18], $0x1400  }
0xcf: {  	s19 =	rddreg [dreg:$0x9];
	[sflag:s18] =	ssyncset.done @!p2 $0x0  }
0xd0: {  	s24 =	sadd.s32 $0xC8, s24;
	[sflag:s18] =	ssyncadd.s32 @!p2 $0xFFFFEC00;
	s21 =	sadd.s32 s17, s19  }
0xd1: {  	[tilespmem:s29], [sflag:$0xB] =	stream.linear.gather [hbm4b:s21+s3], $0x28, $0x38;
	[tilespmem:$0x1C680] =	vst v63  }
0xd2: {  	s22 =	sadd.s32 $0xFFFFFF60, s24  }
0xd3: {  	[tilespmem:s26], [sflag:$0x1] =	stream.indirect.gather [hbm4b:s4+s30], $0x80, s22, s30, $0xb8;
	[tilespmem:$0x1C680] =	vst v63  }
0xd4: {  	s20 =	simm.s32 @p2 $0x2800;
	s19 =	rddreg [dreg:$0x3];
	s18 =	simm.s32 @p2 $0x0  }
0xd5: {  	[tilespmem:s20], [sflag:$0xC] =	stream.linear.gather @p2 [hbm4b:s19+s18], $0x28, $0x38;
	[tilespmem:$0x1C680] =	vst v63  }
0xd6: {  	s21 =	simm.s32 @!p2 $0x7;
	s19 =	simm.s32 @p2 $0x28;
	s20 =	simm.s32 @p2 $0x3E00  }
0xd7: {  	[tilespmem:s20], [sflag:$0x2] =	stream.indirect.gather @p2 [hbm4b:s4+s19], $0x80, s19, s19, $0xb8;
	[tilespmem:$0x1C680] =	vst v63  }
0xd8: {  	s5 =	simm.s32 @!p2 $0x8;
	_ =	swait.ge @!p2 [sflag:s21], $0x1400  }
0xd9: {  	s22 =	simm.s32 @!p2 $0x2800;
	s20 =	rddreg [dreg:$0x8];
	[sflag:s21] =	ssyncset.done @!p2 $0x0  }
0xda: {  	[sflag:s21] =	ssyncadd.s32 @!p2 $0xFFFFEC00;
	s20 =	sadd.s32 @!p2 s17, s20;
	s21 =	simm.s32 @!p2 $0x0  }
0xdb: {  	[tilespmem:s22], [sflag:$0xC] =	stream.linear.gather @!p2 [hbm4b:s20+s21], $0x28, $0x38;
	[tilespmem:$0x1C680] =	vst v63  }
0xdc: {  	s23 =	simm.s32 @!p2 $0x3E00;
	s20 =	sadd.s32 @!p2 $0xFFFFFF88, s24;
	s22 =	simm.s32 @!p2 $0x28  }
0xdd: {  	[tilespmem:s23], [sflag:$0x2] =	stream.indirect.gather @!p2 [hbm4b:s4+s22], $0x80, s20, s22, $0xb8;
	[tilespmem:$0x1C680] =	vst v63  }
0xde: {  	_ =	swait.ge @!p2 [sflag:s5], $0x1400  }
0xdf: {  	s23 =	rddreg [dreg:$0x7];
	[sflag:s5] =	ssyncset.done @!p2 $0x0  }
0xe0: {  	[sflag:s5] =	ssyncadd.s32 @!p2 $0xFFFFEC00;
	s20 =	sadd.s32 s17, s23  }
0xe1: {  	[tilespmem:s31], [sflag:$0xD] =	stream.linear.gather [hbm4b:s20+s3], $0x28, $0x38;
	[tilespmem:$0x1C680] =	vst v63  }
0xe2: {  	s23 =	sadd.s32 $0xFFFFFFB0, s24  }
0xe3: {  	[tilespmem:s1], [sflag:$0x3] =	stream.indirect.gather [hbm4b:s4+s30], $0x80, s23, s30, $0xb8;
	[tilespmem:$0x1C680] =	vst v63  }
0xe4: {  	s5 =	simm.s32 @p2 $0x2900;
	s20 =	rddreg [dreg:$0x4]  }
0xe5: {  	[tilespmem:s5], [sflag:$0xE] =	stream.linear.gather @p2 [hbm4b:s20+s18], $0x28, $0x38;
	[tilespmem:$0x1C680] =	vst v63  }
0xe6: {  	s5 =	simm.s32 @p2 $0x78;
	s18 =	simm.s32 @p2 $0x6600;
	s20 =	simm.s32 @!p2 $0x9  }
0xe7: {  	[tilespmem:s18], [sflag:$0x4] =	stream.indirect.gather @p2 [hbm4b:s4+s19], $0x80, s5, s19, $0xb8;
	[tilespmem:$0x1C680] =	vst v63  }
0xe8: {  	_ =	swait.ge @!p2 [sflag:s20], $0x1400  }
0xe9: {  	s5 =	rddreg [dreg:$0x6];
	[sflag:s20] =	ssyncset.done @!p2 $0x0  }
0xea: {  	s18 =	simm.s32 @!p2 $0x2900;
	[sflag:s20] =	ssyncadd.s32 @!p2 $0xFFFFEC00;
	s5 =	sadd.s32 @!p2 s17, s5  }
0xeb: {  	[tilespmem:s18], [sflag:$0xE] =	stream.linear.gather @!p2 [hbm4b:s5+s21], $0x28, $0x38;
	[tilespmem:$0x1C680] =	vst v63  }
0xec: {  	s19 =	simm.s32 @!p2 $0xA;
	s5 =	sadd.s32 @!p2 $0xFFFFFFD8, s24;
	s18 =	simm.s32 @!p2 $0x6600  }
0xed: {  	[tilespmem:s18], [sflag:$0x4] =	stream.indirect.gather @!p2 [hbm4b:s4+s22], $0x80, s5, s22, $0xb8;
	[tilespmem:$0x1C680] =	vst v63  }
0xee: {  	_ =	swait.ge @!p2 [sflag:s19], $0x1400  }
0xef: {  	s18 =	rddreg [dreg:$0x5];
	[sflag:s19] =	ssyncset.done @!p2 $0x0  }
0xf0: {  	[sflag:s19] =	ssyncadd.s32 @!p2 $0xFFFFEC00;
	s5 =	sadd.s32 s17, s18  }
0xf1: {  	[tilespmem:s0], [sflag:$0xF] =	stream.linear.gather [hbm4b:s5+s3], $0x28, $0x38;
	[tilespmem:$0x1C680] =	vst v63  }
0xf2: {  	_ = 	snop  }
0xf3: {  	[tilespmem:s6], [sflag:$0x5] =	stream.indirect.gather [hbm4b:s4+s30], $0x80, s24, s30, $0xb8;
	[tilespmem:$0x1C680] =	vst v63  }
0xf4: {  	_ =	swait.ge [sflag:s7], $0x28  }
0xf5: {  	[sflag:s7] =	ssyncset.done $0x0  }
0xf6: {  	[sflag:s7] =	ssyncadd.s32 $0xFFFFFFD8  }
0xf7: {  	_ =	swait.ge [sflag:s8], $0x1400  }
0xf8: {  	[sflag:s8] =	ssyncset.done $0x0  }
0xf9: {  	[sflag:s8] =	ssyncadd.s32 $0xFFFFEC00  }
0xfa: {  	[spmem:s2] =	stream.indirect.scatter.add.f32 [tilespmem:s26], [sflag:$0x6], $0x80, s29, s30, $0xb8;
	[tilespmem:$0x1C680] =	vst v63  }
0xfb: {  	_ =	swait.ge [sflag:s9], $0x28  }
0xfc: {  	[sflag:s9] =	ssyncset.done $0x0  }
0xfd: {  	[sflag:s9] =	ssyncadd.s32 $0xFFFFFFD8  }
0xfe: {  	_ =	swait.ge [sflag:s10], $0x1400  }
0xff: {  	[sflag:s10] =	ssyncset.done $0x0;
	s20 =	rddreg [dreg:$0xa]  }
0x100: {  	s21 =	rddreg [dreg:$0xb];
	[sflag:s10] =	ssyncadd.s32 $0xFFFFEC00  }
0x101: {  	[spmem:s2] =	stream.indirect.scatter.add.f32 [tilespmem:s21], [sflag:$0x7], $0x80, s20, s30, $0xb8;
	[tilespmem:$0x1C680] =	vst v63  }
0x102: {  	_ =	swait.ge [sflag:s11], $0x28  }
0x103: {  	[sflag:s11] =	ssyncset.done $0x0  }
0x104: {  	[sflag:s11] =	ssyncadd.s32 $0xFFFFFFD8  }
0x105: {  	_ =	swait.ge [sflag:s12], $0x1400  }
0x106: {  	[sflag:s12] =	ssyncset.done $0x0  }
0x107: {  	[sflag:s12] =	ssyncadd.s32 $0xFFFFEC00  }
0x108: {  	[spmem:s2] =	stream.indirect.scatter.add.f32 [tilespmem:s1], [sflag:$0x8], $0x80, s31, s30, $0xb8;
	[tilespmem:$0x1C680] =	vst v63  }
0x109: {  	_ =	swait.ge [sflag:s13], $0x28  }
0x10a: {  	[sflag:s13] =	ssyncset.done $0x0  }
0x10b: {  	[sflag:s13] =	ssyncadd.s32 $0xFFFFFFD8  }
0x10c: {  	s25 =	sadd.s32 $0x19, s25;
	_ =	swait.ge [sflag:s14], $0x1400  }
0x10d: {  	p1 =	sne.s32 s25, $0x4E2;
	s22 =	rddreg [dreg:$0xc];
	[sflag:s14] =	ssyncset.done $0x0  }
.Ltmp1:
0x10e: {  	s23 =	rddreg [dreg:$0xd];
	[sflag:s14] =	ssyncadd.s32 $0xFFFFEC00;
	(pc) =	sbr.rel @p1 .LBB2_4-.Ltmp1, $4  }
0x10f: {  	[spmem:s2] =	stream.indirect.scatter.add.f32 [tilespmem:s23], [sflag:$0x9], $0x80, s22, s30, $0xb8;
	[tilespmem:$0x1C680] =	vst v63  }
0x110: {  	_ =	swait.ge [sflag:s15], $0x28  }
0x111: {  	[sflag:s15] =	ssyncset.done $0x0  }
0x112: {  	[sflag:s15] =	ssyncadd.s32 $0xFFFFFFD8  }
0x113: {  	_ =	swait.ge [sflag:s16], $0x1400  }
0x114: {  	[sflag:s16] =	ssyncset.done $0x0  }
0x115: {  	s5 =	simm.s32 $0x6;
	[sflag:s16] =	ssyncadd.s32 $0xFFFFEC00  }
0x116: {  	[spmem:s2] =	stream.indirect.scatter.add.f32 [tilespmem:s6], [sflag:$0xA], $0x80, s0, s30, $0xb8;
	[tilespmem:$0x1C680] =	vst v63  }
0x117: {  	_ =	swait.ge [sflag:s5], $0x1400  }
0x118: {  	[sflag:s5] =	ssyncset.done $0x0  }
0x119: {  	s19 =	simm.s32 $0x7;
	[sflag:s5] =	ssyncadd.s32 $0xFFFFEC00  }
0x11a: {  	_ =	swait.ge [sflag:s19], $0x1400  }
0x11b: {  	[sflag:s19] =	ssyncset.done $0x0  }
0x11c: {  	s20 =	simm.s32 $0x8;
	[sflag:s19] =	ssyncadd.s32 $0xFFFFEC00  }
0x11d: {  	_ =	swait.ge [sflag:s20], $0x1400  }
0x11e: {  	[sflag:s20] =	ssyncset.done $0x0  }
0x11f: {  	s21 =	simm.s32 $0x9;
	[sflag:s20] =	ssyncadd.s32 $0xFFFFEC00  }
0x120: {  	_ =	swait.ge [sflag:s21], $0x1400  }
0x121: {  	[sflag:s21] =	ssyncset.done $0x0  }
0x122: {  	s22 =	simm.s32 $0xA;
	[sflag:s21] =	ssyncadd.s32 $0xFFFFEC00  }
0x123: {  	_ =	swait.ge [sflag:s22], $0x1400  }
0x124: {  	[sflag:s22] =	ssyncset.done $0x0  }
0x125: {  	[sflag:s22] =	ssyncadd.s32 $0xFFFFEC00  }
0x126: {  	s23 =	stileid.u32;
	[bflag:$0x0] =	sbarrier.arrive $0xFFFF  }
0x127: {  	s5 =	sshll.u32 s23, $0x6;
	s19 =	rddreg [dreg:$0xe]  }
0x128: {  	s5 =	sor.u32 $0x1C10, s5;
	s18 =	rddreg [dreg:$0x1d];
	s17 =	sshrl.u32 s19, $0x3  }
0x129: {  	[hbm:s18], [sflag:s5] =	dma.local [spmem:s17], $0x2700  }
0x12a: {  	_ =	swait.ge [sflag:s28], $0x2700  }
0x12b: {  	s18 =	sld [smem:$0x7FC]  }
0x12c: {  	[sflag:s28] =	ssyncset.done $0x0;
	s20 =	rddreg [dreg:$0x1f]  }
0x12d: {  	[sflag:s28] =	ssyncadd.s32 $0xFFFFD900;
	s17 =	sshrl.u32 @!p0 s20, $0x3  }
0x12e: {  	[hbm:s18], [sflag:s5] =	dma.local @!p0 [spmem:s17], $0x100  }
0x12f: {  	s5 =	simm.s32 @!p0 $0x10  }
0x130: {  	_ =	swait.ge @!p0 [sflag:s5], $0x100  }
0x131: {  	s24 =	sld [smem:$0x7FA]  }
0x132: {  	s25 =	sld [smem:$0x7FD];
	_ =	sdelay $0x1  }
0x133: {  	s18 =	sadd.s32 $0x1, s24  }
0x134: {  	p1 =	sne.s32 s18, s25  }
.Ltmp2:
0x135: {  	_ = 	snop;
	(pc) =	sbr.rel @p1 .LBB2_1-.Ltmp2, $3  }
0x136: {  	_ =	sdelay $0x1  }
0x137: {  	[sflag:s5] =	ssyncset.done @!p0 $0x0  }
0x138: {  	[sflag:s5] =	ssyncadd.s32 @!p0 $0xFFFFFF00  }
0x139: {  	_ =	sfence.sel $0x180000  }
0x13a: {  	[bflag:$0x0] =	sbarrier.arrive $0xFFFF  }
0x13b: {  	_ =	strace $0x9000004A  }
0x13c: {  	s0 =	stileid.u32;
	[bflag:$0x2] =	sbarrier.arrive $0xFFFF  }
0x13d: {  	p0 =	sne.s32 s0, $0x0;
	s0 =	rddreg [dreg:$0x2]  }
0x13e: {  	s0 =	sadd.s32 @!p0 $0x100000, s0  }
0x13f: {  	[sflag:s0] =	ssyncadd.tile.s32 @!p0 $0x1;
	_ =	shalt  }
.Lfunc_end2:
_tile_overlayer_lowered:
.L_overlay_start_2:
0x140: {  	(tag) =	ssettag $0x2  }
0x141: {  	s0 =	rddreg [dreg:$0x0];
	s2 =	stileid.u32  }
0x142: {  	s1 =	rddreg [dreg:$0x1];
	p0 =	sne.s32 s2, $0x0  }
0x143: {  	s3 =	rddreg [dreg:$0x2];
	[bflag:$0x3] =	sbarrier.arrive $0xFFFF;
	s2 =	simm.s32 @!p0 $0x1C10  }
0x144: {  	[timem:s3], [sflag:s2] =	dma.local @!p0 [hbm:s0], s1  }
0x145: {  	s0 =	simm.s32 @!p0 $0x10  }
0x146: {  	_ =	swait.ge @!p0 [sflag:s0], s1  }
0x147: {  	s1 =	ssub.s32 @!p0 $0x0, s1;
	[sflag:s0] =	ssyncset.done @!p0 $0x0  }
0x148: {  	[sflag:s0] =	ssyncadd.s32 @!p0 s1  }
0x149: {  	[bflag:$0x3] =	sbarrier.arrive $0xFFFF  }
0x14a: {  	_ =	shalt  }

</sc_bundles>
